<compile_context>
chip_gen: v7x
topology: tpu7x:2x2x1
jax: 0.10.2.dev20260603
libtpu: 0.0.44.dev20260713+nightly
codegen_flags: <defaults>
</compile_context>

<pallas_src>
import functools

import jax
import jax.numpy as jnp
from jax import lax
from jax.experimental import pallas as pl
from jax.experimental.pallas import tpu as pltpu
from jax.experimental.pallas import tpu_sc as plsc

NUM_EMB = 1000000
DIM = 32
BATCH = 16384
SEQ = 50
BB = 128

NUM_WORKERS = 32
IBLK = BATCH // NUM_WORKERS
NSUB = IBLK // BB
NBUF = 4


def _make_lookup():
    mesh = plsc.VectorSubcoreMesh(core_axis_name="c", subcore_axis_name="s")

    @functools.partial(
        pl.kernel,
        out_type=jax.ShapeDtypeStruct(
            (SEQ, DIM // 8, BATCH // BB, 8, BB), jnp.float32
        ),
        mesh=mesh,
        scratch_types=[
            pltpu.VMEM((IBLK, SEQ), jnp.int32),
            pltpu.VMEM((SEQ * IBLK,), jnp.int32),
            [pltpu.VMEM((BB, DIM), jnp.float32) for _ in range(NBUF)],
            [pltpu.VMEM((DIM, BB), jnp.float32) for _ in range(NBUF)],
            [pltpu.SemaphoreType.DMA for _ in range(NBUF)],
            [pltpu.SemaphoreType.DMA for _ in range(NBUF)],
        ],
        compiler_params=pltpu.CompilerParams(
            use_tc_tiling_on_sc=False, needs_layout_passes=False
        ),
    )
    def lookup(table_hbm, idx_hbm, out_hbm, idxb, idxT, rowbuf, colbuf, gsem, ssem):
        wid = lax.axis_index("s") * 2 + lax.axis_index("c")
        i0 = wid * IBLK
        pltpu.sync_copy(idx_hbm.at[pl.ds(i0, IBLK), :], idxb)

        lanes = lax.iota(jnp.int32, 16)
        rowiv = [g * 16 + lanes for g in range(BB // 16)]

        @plsc.parallel_loop(0, SEQ * IBLK // 16, unroll=4)
        def _t(v):
            f = v * 16 + lanes
            j = jnp.right_shift(f, 9)
            i = jnp.bitwise_and(f, IBLK - 1)
            idxT[pl.ds(v * 16, 16)] = plsc.load_gather(idxb, [i, j])

        def start_gather(j, b):
            pltpu.async_copy(
                table_hbm.at[idxT.at[pl.ds(j * IBLK + b * BB, BB)]],
                rowbuf[b],
                gsem[b],
            )

        def extract(b):
            @plsc.parallel_loop(0, DIM, unroll=8)
            def _d(d):
                for g in range(BB // 16):
                    colbuf[b][d, pl.ds(g * 16, 16)] = plsc.load_gather(
                        rowbuf[b], [rowiv[g], lanes * 0 + d]
                    )

        def start_store(j, b):
            it = wid * NSUB + b
            for dt in range(DIM // 8):
                pltpu.async_copy(
                    colbuf[b].at[pl.ds(dt * 8, 8), :],
                    out_hbm.at[j, dt, it, :, :],
                    ssem[b],
                )

        def wait_gather(b):
            pltpu.make_async_copy(
                table_hbm.at[pl.ds(0, BB), :], rowbuf[b], gsem[b]
            ).wait()

        def wait_store(b):
            for dt in range(DIM // 8):
                pltpu.make_async_copy(
                    out_hbm.at[0, dt, 0, :, :],
                    colbuf[b].at[pl.ds(dt * 8, 8), :],
                    ssem[b],
                ).wait()

        for b in range(NBUF):
            start_gather(0, b)

        @pl.loop(0, SEQ)
        def _ring(g):
            for b in range(NBUF):
                wait_gather(b)

                @pl.when(g >= 1)
                def _():
                    wait_store(b)

                extract(b)
                start_store(g, b)

                @pl.when(g < SEQ - 1)
                def _():
                    start_gather(g + 1, b)

        for b in range(NBUF):
            wait_store(b)

    return lookup


_lookup = _make_lookup()


def kernel(weight, indices):
    out5d = _lookup(weight, indices.astype(jnp.int32))
    return out5d.transpose(2, 4, 0, 1, 3).reshape(BATCH, SEQ, DIM)

# --- scband reference (transcript-rebuilt; emitter-appended) ---
"""Pipeline reference for scband-liger-embedding-47253230191440 (READ-ONLY COPY).

The authoritative reference and input builder live on the scoring server;
editing this copy changes nothing except your own understanding.
"""

import jax, jax.numpy as jnp
import numpy as np

NUM_EMBEDDINGS = 1000000
EMBEDDING_DIM = 32

def setup_inputs(seed: int = 0) -> dict:
    key = jax.random.key(seed)
    k1, k2 = jax.random.split(key)
    indices = jax.random.randint(k1, (16384, 50), 0, NUM_EMBEDDINGS, dtype=jnp.int64 if jax.config.jax_enable_x64 else jnp.int32)
    weight = jax.random.normal(k2, (NUM_EMBEDDINGS, EMBEDDING_DIM), dtype=jnp.float32)
    return {"weight": weight, "indices": indices}

def reference(weight, indices):
    # Faithful translation of LigerEmbedding.forward with padding_idx=None:
    # a plain embedding gather.
    embedded = jnp.take(weight, indices, axis=0)
    return embedded

if __name__ == "__main__":
    import jax
    _d = setup_inputs()
    print(jax.jit(kernel)(*tuple(_d.values())))

</pallas_src>

<mosaic_0001>
#map = affine_map<(d0, d1) -> (0, 0)>
#map1 = affine_map<(d0, d1) -> (0, 0, 0, 0, 0)>
module attributes {stable_mosaic.version = 14 : i64} {
  func.func @lookup(%arg0: i32, %arg1: i32, %arg2: memref<1000000x32xf32, #tpu.memory_space<hbm>>, %arg3: memref<16384x50xi32, #tpu.memory_space<hbm>>, %arg4: memref<50x4x128x8x128xf32, #tpu.memory_space<hbm>>, %arg5: memref<512x50xi32, #tpu.memory_space<vmem>>, %arg6: memref<25600xi32, #tpu.memory_space<vmem>>, %arg7: memref<128x32xf32, #tpu.memory_space<vmem>>, %arg8: memref<128x32xf32, #tpu.memory_space<vmem>>, %arg9: memref<128x32xf32, #tpu.memory_space<vmem>>, %arg10: memref<128x32xf32, #tpu.memory_space<vmem>>, %arg11: memref<32x128xf32, #tpu.memory_space<vmem>>, %arg12: memref<32x128xf32, #tpu.memory_space<vmem>>, %arg13: memref<32x128xf32, #tpu.memory_space<vmem>>, %arg14: memref<32x128xf32, #tpu.memory_space<vmem>>, %arg15: memref<!tpu.dma_semaphore, #tpu.memory_space<semaphore_mem>>, %arg16: memref<!tpu.dma_semaphore, #tpu.memory_space<semaphore_mem>>, %arg17: memref<!tpu.dma_semaphore, #tpu.memory_space<semaphore_mem>>, %arg18: memref<!tpu.dma_semaphore, #tpu.memory_space<semaphore_mem>>, %arg19: memref<!tpu.dma_semaphore, #tpu.memory_space<semaphore_mem>>, %arg20: memref<!tpu.dma_semaphore, #tpu.memory_space<semaphore_mem>>, %arg21: memref<!tpu.dma_semaphore, #tpu.memory_space<semaphore_mem>>, %arg22: memref<!tpu.dma_semaphore, #tpu.memory_space<semaphore_mem>>) attributes {dimension_semantics = [#tpu.dimension_semantics<core_parallel>, #tpu.dimension_semantics<subcore_parallel>], iteration_bounds = array<i64: 2, 16>, scalar_prefetch = 0 : i64, scratch_operands = 18 : i64, tpu.core_type = #tpu.core_type<sc_vector_subcore>, window_params = [{transform_indices = #map}, {transform_indices = #map}, {transform_indices = #map1}]} {
    %mul3A = arith.constant 2 : i32
    %mul3A_0 = arith.muli %arg1, %mul3A : i32
    %add3A = arith.addi %mul3A_0, %arg0 : i32
    %mul3A_1 = arith.constant 512 : i32
    %mul3A_2 = arith.muli %add3A, %mul3A_1 : i32
    "tpu.region"() ({
      %run_scoped3A = tpu.sem_alloc : memref<!tpu.dma_semaphore, #tpu.memory_space<semaphore_mem>>
      %dma_start3A_323 = arith.constant 0 : i32
      %dma_start3A_324 = tpu.memref_slice %arg3[%mul3A_2, %dma_start3A_323] : memref<16384x50xi32, #tpu.memory_space<hbm>> -> memref<512x50xi32, #tpu.memory_space<hbm>>
      %dma_start3A_325 = arith.constant 0 : i32
      %dma_start3A_326 = tpu.memref_slice %arg3[%mul3A_2, %dma_start3A_325] : memref<16384x50xi32, #tpu.memory_space<hbm>> -> memref<512x50xi32, #tpu.memory_space<hbm>>
      tpu.enqueue_dma source(%dma_start3A_326 : memref<512x50xi32, #tpu.memory_space<hbm>>) target(%arg5 : memref<512x50xi32, #tpu.memory_space<vmem>>) target_semaphore(%run_scoped3A : memref<!tpu.dma_semaphore, #tpu.memory_space<semaphore_mem>>)
      %dma_wait3A_327 = arith.constant 0 : i32
      %dma_wait3A_328 = tpu.memref_slice %arg3[%mul3A_2, %dma_wait3A_327] : memref<16384x50xi32, #tpu.memory_space<hbm>> -> memref<512x50xi32, #tpu.memory_space<hbm>>
      %dma_wait3A_329 = arith.constant 0 : i32
      %dma_wait3A_330 = tpu.memref_slice %arg3[%mul3A_2, %dma_wait3A_329] : memref<16384x50xi32, #tpu.memory_space<hbm>> -> memref<512x50xi32, #tpu.memory_space<hbm>>
      tpu.wait_dma2 semaphore(%run_scoped3A : memref<!tpu.dma_semaphore, #tpu.memory_space<semaphore_mem>>) src(%dma_wait3A_330 : memref<512x50xi32, #tpu.memory_space<hbm>>) dst(%arg5 : memref<512x50xi32, #tpu.memory_space<vmem>>)
      tpu.yield
    }) : () -> ()
    %iota3A = tpu.iota {dimensions = array<i32: 0>} : vector<16xi32>
    %add3A_3 = arith.constant 0 : i32
    %add3A_4 = vector.broadcast %add3A_3 : i32 to vector<16xi32>
    %add3A_5 = arith.addi %add3A_4, %iota3A : vector<16xi32>
    %add3A_6 = arith.constant 16 : i32
    %add3A_7 = vector.broadcast %add3A_6 : i32 to vector<16xi32>
    %add3A_8 = arith.addi %add3A_7, %iota3A : vector<16xi32>
    %add3A_9 = arith.constant 32 : i32
    %add3A_10 = vector.broadcast %add3A_9 : i32 to vector<16xi32>
    %add3A_11 = arith.addi %add3A_10, %iota3A : vector<16xi32>
    %add3A_12 = arith.constant 48 : i32
    %add3A_13 = vector.broadcast %add3A_12 : i32 to vector<16xi32>
    %add3A_14 = arith.addi %add3A_13, %iota3A : vector<16xi32>
    %add3A_15 = arith.constant 64 : i32
    %add3A_16 = vector.broadcast %add3A_15 : i32 to vector<16xi32>
    %add3A_17 = arith.addi %add3A_16, %iota3A : vector<16xi32>
    %add3A_18 = arith.constant 80 : i32
    %add3A_19 = vector.broadcast %add3A_18 : i32 to vector<16xi32>
    %add3A_20 = arith.addi %add3A_19, %iota3A : vector<16xi32>
    %add3A_21 = arith.constant 96 : i32
    %add3A_22 = vector.broadcast %add3A_21 : i32 to vector<16xi32>
    %add3A_23 = arith.addi %add3A_22, %iota3A : vector<16xi32>
    %add3A_24 = arith.constant 112 : i32
    %add3A_25 = vector.broadcast %add3A_24 : i32 to vector<16xi32>
    %add3A_26 = arith.addi %add3A_25, %iota3A : vector<16xi32>
    %parallel_loop3A = arith.constant 0 : i32
    %parallel_loop3A_27 = arith.constant 1600 : i32
    %parallel_loop3A_28 = arith.constant 1 : i32
    scf.for %parallel_loop3A_323 = %parallel_loop3A to %parallel_loop3A_27 step %parallel_loop3A_28  : i32 {
      %parallel_loop3A_324 = arith.constant 16 : i32
      %parallel_loop3A_325 = arith.muli %parallel_loop3A_323, %parallel_loop3A_324 : i32
      %parallel_loop3A_326 = vector.broadcast %parallel_loop3A_325 : i32 to vector<16xi32>
      %parallel_loop3A_327 = arith.addi %parallel_loop3A_326, %iota3A : vector<16xi32>
      %parallel_loop3A_328 = arith.constant 9 : i32
      %parallel_loop3A_329 = vector.broadcast %parallel_loop3A_328 : i32 to vector<16xi32>
      %parallel_loop3A_330 = arith.shrsi %parallel_loop3A_327, %parallel_loop3A_329 : vector<16xi32>
      %parallel_loop3A_331 = arith.constant 511 : i32
      %parallel_loop3A_332 = vector.broadcast %parallel_loop3A_331 : i32 to vector<16xi32>
      %parallel_loop3A_333 = arith.andi %parallel_loop3A_327, %parallel_loop3A_332 : vector<16xi32>
      %parallel_loop3A_334 = tpu.vector_load_idx %arg5[%parallel_loop3A_333, %parallel_loop3A_330] : memref<512x50xi32, #tpu.memory_space<vmem>>[vector<16xi32>, vector<16xi32>], vector<16xi32>,
      %parallel_loop3A_335 = arith.constant 16 : i32
      %parallel_loop3A_336 = arith.muli %parallel_loop3A_323, %parallel_loop3A_335 : i32
      %parallel_loop3A_337 = arith.index_cast %parallel_loop3A_336 : i32 to index
      %parallel_loop3A_338 = tpu.vector_load %arg6[%parallel_loop3A_337] {strides = array<i32>} : memref<25600xi32, #tpu.memory_space<vmem>>, vector<16xi32>,
      tpu.vector_store %arg6[%parallel_loop3A_337], %parallel_loop3A_334 {strides = array<i32>} : memref<25600xi32, #tpu.memory_space<vmem>>, vector<16xi32>,
    } {sc.loop_unroll_factor = 4 : i64, sc.parallel_access}
    %dma_start3A = arith.constant 0 : i32
    %dma_start3A_29 = tpu.memref_slice %arg6[%dma_start3A] : memref<25600xi32, #tpu.memory_space<vmem>> -> memref<128xi32, #tpu.memory_space<vmem>>
    %dma_start3A_30 = arith.constant 0 : i32
    %dma_start3A_31 = arith.constant 0 : i32
    %dma_start3A_32 = tpu.memref_slice %arg2[%dma_start3A_30, %dma_start3A_31] : memref<1000000x32xf32, #tpu.memory_space<hbm>> -> memref<1000000x32xf32, #tpu.memory_space<hbm>>
    tpu.enqueue_indirect_dma source(%dma_start3A_32 : memref<1000000x32xf32, #tpu.memory_space<hbm>>) target(%arg7 : memref<128x32xf32, #tpu.memory_space<vmem>>) offsets(%dma_start3A_29 : memref<128xi32, #tpu.memory_space<vmem>>) semaphore(%arg15 : memref<!tpu.dma_semaphore, #tpu.memory_space<semaphore_mem>>)
    %dma_start3A_33 = arith.constant 128 : i32
    %dma_start3A_34 = tpu.memref_slice %arg6[%dma_start3A_33] : memref<25600xi32, #tpu.memory_space<vmem>> -> memref<128xi32, #tpu.memory_space<vmem>>
    %dma_start3A_35 = arith.constant 0 : i32
    %dma_start3A_36 = arith.constant 0 : i32
    %dma_start3A_37 = tpu.memref_slice %arg2[%dma_start3A_35, %dma_start3A_36] : memref<1000000x32xf32, #tpu.memory_space<hbm>> -> memref<1000000x32xf32, #tpu.memory_space<hbm>>
    tpu.enqueue_indirect_dma source(%dma_start3A_37 : memref<1000000x32xf32, #tpu.memory_space<hbm>>) target(%arg8 : memref<128x32xf32, #tpu.memory_space<vmem>>) offsets(%dma_start3A_34 : memref<128xi32, #tpu.memory_space<vmem>>) semaphore(%arg16 : memref<!tpu.dma_semaphore, #tpu.memory_space<semaphore_mem>>)
    %dma_start3A_38 = arith.constant 256 : i32
    %dma_start3A_39 = tpu.memref_slice %arg6[%dma_start3A_38] : memref<25600xi32, #tpu.memory_space<vmem>> -> memref<128xi32, #tpu.memory_space<vmem>>
    %dma_start3A_40 = arith.constant 0 : i32
    %dma_start3A_41 = arith.constant 0 : i32
    %dma_start3A_42 = tpu.memref_slice %arg2[%dma_start3A_40, %dma_start3A_41] : memref<1000000x32xf32, #tpu.memory_space<hbm>> -> memref<1000000x32xf32, #tpu.memory_space<hbm>>
    tpu.enqueue_indirect_dma source(%dma_start3A_42 : memref<1000000x32xf32, #tpu.memory_space<hbm>>) target(%arg9 : memref<128x32xf32, #tpu.memory_space<vmem>>) offsets(%dma_start3A_39 : memref<128xi32, #tpu.memory_space<vmem>>) semaphore(%arg17 : memref<!tpu.dma_semaphore, #tpu.memory_space<semaphore_mem>>)
    %dma_start3A_43 = arith.constant 384 : i32
    %dma_start3A_44 = tpu.memref_slice %arg6[%dma_start3A_43] : memref<25600xi32, #tpu.memory_space<vmem>> -> memref<128xi32, #tpu.memory_space<vmem>>
    %dma_start3A_45 = arith.constant 0 : i32
    %dma_start3A_46 = arith.constant 0 : i32
    %dma_start3A_47 = tpu.memref_slice %arg2[%dma_start3A_45, %dma_start3A_46] : memref<1000000x32xf32, #tpu.memory_space<hbm>> -> memref<1000000x32xf32, #tpu.memory_space<hbm>>
    tpu.enqueue_indirect_dma source(%dma_start3A_47 : memref<1000000x32xf32, #tpu.memory_space<hbm>>) target(%arg10 : memref<128x32xf32, #tpu.memory_space<vmem>>) offsets(%dma_start3A_44 : memref<128xi32, #tpu.memory_space<vmem>>) semaphore(%arg18 : memref<!tpu.dma_semaphore, #tpu.memory_space<semaphore_mem>>)
    %scan3A = arith.constant 0 : i32
    %scan3A_48 = arith.constant 50 : i32
    %scan3A_49 = arith.addi %scan3A, %scan3A_48 : i32
    %scan3A_50 = arith.constant 1 : i32
    scf.for %scan3A_323 = %scan3A to %scan3A_49 step %scan3A_50  : i32 {
      %mul3A_324 = arith.constant 1 : i32
      %mul3A_325 = arith.muli %scan3A_323, %mul3A_324 : i32
      %add3A_326 = arith.constant 0 : i32
      %add3A_327 = arith.addi %add3A_326, %mul3A_325 : i32
      %dma_wait3A_328 = arith.constant 0 : i32
      %dma_wait3A_329 = arith.constant 0 : i32
      %dma_wait3A_330 = tpu.memref_slice %arg2[%dma_wait3A_328, %dma_wait3A_329] : memref<1000000x32xf32, #tpu.memory_space<hbm>> -> memref<128x32xf32, #tpu.memory_space<hbm>>
      %dma_wait3A_331 = arith.constant 0 : i32
      %dma_wait3A_332 = arith.constant 0 : i32
      %dma_wait3A_333 = tpu.memref_slice %arg2[%dma_wait3A_331, %dma_wait3A_332] : memref<1000000x32xf32, #tpu.memory_space<hbm>> -> memref<128x32xf32, #tpu.memory_space<hbm>>
      tpu.wait_dma2 semaphore(%arg15 : memref<!tpu.dma_semaphore, #tpu.memory_space<semaphore_mem>>) src(%dma_wait3A_333 : memref<128x32xf32, #tpu.memory_space<hbm>>) dst(%arg7 : memref<128x32xf32, #tpu.memory_space<vmem>>)
      %ge3A = arith.constant 1 : i32
      %ge3A_334 = arith.cmpi sge, %add3A_327, %ge3A : i32
      %convert_element_type3A = arith.extui %ge3A_334 : i1 to i32
      %cond3A = arith.constant 0 : i32
      %cond3A_335 = arith.cmpi ne, %convert_element_type3A, %cond3A : i32
      scf.if %cond3A_335 {
        %dma_wait3A_656 = arith.constant 0 : i32
        %dma_wait3A_657 = arith.constant 0 : i32
        %dma_wait3A_658 = arith.constant 0 : i32
        %dma_wait3A_659 = arith.constant 0 : i32
        %dma_wait3A_660 = arith.constant 0 : i32
        %dma_wait3A_661 = tpu.memref_slice %arg11[%dma_wait3A_659, %dma_wait3A_660] : memref<32x128xf32, #tpu.memory_space<vmem>> -> memref<8x128xf32, #tpu.memory_space<vmem>>
        %dma_wait3A_662 = arith.constant 0 : i32
        %dma_wait3A_663 = arith.constant 0 : i32
        %dma_wait3A_664 = tpu.memref_slice %arg4[%dma_wait3A_656, %dma_wait3A_657, %dma_wait3A_658, %dma_wait3A_662, %dma_wait3A_663] : memref<50x4x128x8x128xf32, #tpu.memory_space<hbm>> -> memref<1x1x1x8x128xf32, #tpu.memory_space<hbm>>
        %dma_wait3A_665 = tpu.memref_squeeze %dma_wait3A_664 : memref<1x1x1x8x128xf32, #tpu.memory_space<hbm>> -> memref<8x128xf32, #tpu.memory_space<hbm>>
        %dma_wait3A_666 = arith.constant 0 : i32
        %dma_wait3A_667 = arith.constant 0 : i32
        %dma_wait3A_668 = tpu.memref_slice %arg11[%dma_wait3A_666, %dma_wait3A_667] : memref<32x128xf32, #tpu.memory_space<vmem>> -> memref<8x128xf32, #tpu.memory_space<vmem>>
        %dma_wait3A_669 = arith.constant 0 : i32
        %dma_wait3A_670 = arith.constant 0 : i32
        %dma_wait3A_671 = tpu.memref_slice %arg4[%dma_wait3A_656, %dma_wait3A_657, %dma_wait3A_658, %dma_wait3A_669, %dma_wait3A_670] : memref<50x4x128x8x128xf32, #tpu.memory_space<hbm>> -> memref<1x1x1x8x128xf32, #tpu.memory_space<hbm>>
        %dma_wait3A_672 = tpu.memref_squeeze %dma_wait3A_671 : memref<1x1x1x8x128xf32, #tpu.memory_space<hbm>> -> memref<8x128xf32, #tpu.memory_space<hbm>>
        tpu.wait_dma2 semaphore(%arg19 : memref<!tpu.dma_semaphore, #tpu.memory_space<semaphore_mem>>) src(%dma_wait3A_672 : memref<8x128xf32, #tpu.memory_space<hbm>>) dst(%dma_wait3A_668 : memref<8x128xf32, #tpu.memory_space<vmem>>)
        %dma_wait3A_673 = arith.constant 0 : i32
        %dma_wait3A_674 = arith.constant 1 : i32
        %dma_wait3A_675 = arith.constant 0 : i32
        %dma_wait3A_676 = arith.constant 8 : i32
        %dma_wait3A_677 = arith.constant 0 : i32
        %dma_wait3A_678 = tpu.memref_slice %arg11[%dma_wait3A_676, %dma_wait3A_677] : memref<32x128xf32, #tpu.memory_space<vmem>> -> memref<8x128xf32, #tpu.memory_space<vmem>>
        %dma_wait3A_679 = arith.constant 0 : i32
        %dma_wait3A_680 = arith.constant 0 : i32
        %dma_wait3A_681 = tpu.memref_slice %arg4[%dma_wait3A_673, %dma_wait3A_674, %dma_wait3A_675, %dma_wait3A_679, %dma_wait3A_680] : memref<50x4x128x8x128xf32, #tpu.memory_space<hbm>> -> memref<1x1x1x8x128xf32, #tpu.memory_space<hbm>>
        %dma_wait3A_682 = tpu.memref_squeeze %dma_wait3A_681 : memref<1x1x1x8x128xf32, #tpu.memory_space<hbm>> -> memref<8x128xf32, #tpu.memory_space<hbm>>
        %dma_wait3A_683 = arith.constant 8 : i32
        %dma_wait3A_684 = arith.constant 0 : i32
        %dma_wait3A_685 = tpu.memref_slice %arg11[%dma_wait3A_683, %dma_wait3A_684] : memref<32x128xf32, #tpu.memory_space<vmem>> -> memref<8x128xf32, #tpu.memory_space<vmem>>
        %dma_wait3A_686 = arith.constant 0 : i32
        %dma_wait3A_687 = arith.constant 0 : i32
        %dma_wait3A_688 = tpu.memref_slice %arg4[%dma_wait3A_673, %dma_wait3A_674, %dma_wait3A_675, %dma_wait3A_686, %dma_wait3A_687] : memref<50x4x128x8x128xf32, #tpu.memory_space<hbm>> -> memref<1x1x1x8x128xf32, #tpu.memory_space<hbm>>
        %dma_wait3A_689 = tpu.memref_squeeze %dma_wait3A_688 : memref<1x1x1x8x128xf32, #tpu.memory_space<hbm>> -> memref<8x128xf32, #tpu.memory_space<hbm>>
        tpu.wait_dma2 semaphore(%arg19 : memref<!tpu.dma_semaphore, #tpu.memory_space<semaphore_mem>>) src(%dma_wait3A_689 : memref<8x128xf32, #tpu.memory_space<hbm>>) dst(%dma_wait3A_685 : memref<8x128xf32, #tpu.memory_space<vmem>>)
        %dma_wait3A_690 = arith.constant 0 : i32
        %dma_wait3A_691 = arith.constant 2 : i32
        %dma_wait3A_692 = arith.constant 0 : i32
        %dma_wait3A_693 = arith.constant 16 : i32
        %dma_wait3A_694 = arith.constant 0 : i32
        %dma_wait3A_695 = tpu.memref_slice %arg11[%dma_wait3A_693, %dma_wait3A_694] : memref<32x128xf32, #tpu.memory_space<vmem>> -> memref<8x128xf32, #tpu.memory_space<vmem>>
        %dma_wait3A_696 = arith.constant 0 : i32
        %dma_wait3A_697 = arith.constant 0 : i32
        %dma_wait3A_698 = tpu.memref_slice %arg4[%dma_wait3A_690, %dma_wait3A_691, %dma_wait3A_692, %dma_wait3A_696, %dma_wait3A_697] : memref<50x4x128x8x128xf32, #tpu.memory_space<hbm>> -> memref<1x1x1x8x128xf32, #tpu.memory_space<hbm>>
        %dma_wait3A_699 = tpu.memref_squeeze %dma_wait3A_698 : memref<1x1x1x8x128xf32, #tpu.memory_space<hbm>> -> memref<8x128xf32, #tpu.memory_space<hbm>>
        %dma_wait3A_700 = arith.constant 16 : i32
        %dma_wait3A_701 = arith.constant 0 : i32
        %dma_wait3A_702 = tpu.memref_slice %arg11[%dma_wait3A_700, %dma_wait3A_701] : memref<32x128xf32, #tpu.memory_space<vmem>> -> memref<8x128xf32, #tpu.memory_space<vmem>>
        %dma_wait3A_703 = arith.constant 0 : i32
        %dma_wait3A_704 = arith.constant 0 : i32
        %dma_wait3A_705 = tpu.memref_slice %arg4[%dma_wait3A_690, %dma_wait3A_691, %dma_wait3A_692, %dma_wait3A_703, %dma_wait3A_704] : memref<50x4x128x8x128xf32, #tpu.memory_space<hbm>> -> memref<1x1x1x8x128xf32, #tpu.memory_space<hbm>>
        %dma_wait3A_706 = tpu.memref_squeeze %dma_wait3A_705 : memref<1x1x1x8x128xf32, #tpu.memory_space<hbm>> -> memref<8x128xf32, #tpu.memory_space<hbm>>
        tpu.wait_dma2 semaphore(%arg19 : memref<!tpu.dma_semaphore, #tpu.memory_space<semaphore_mem>>) src(%dma_wait3A_706 : memref<8x128xf32, #tpu.memory_space<hbm>>) dst(%dma_wait3A_702 : memref<8x128xf32, #tpu.memory_space<vmem>>)
        %dma_wait3A_707 = arith.constant 0 : i32
        %dma_wait3A_708 = arith.constant 3 : i32
        %dma_wait3A_709 = arith.constant 0 : i32
        %dma_wait3A_710 = arith.constant 24 : i32
        %dma_wait3A_711 = arith.constant 0 : i32
        %dma_wait3A_712 = tpu.memref_slice %arg11[%dma_wait3A_710, %dma_wait3A_711] : memref<32x128xf32, #tpu.memory_space<vmem>> -> memref<8x128xf32, #tpu.memory_space<vmem>>
        %dma_wait3A_713 = arith.constant 0 : i32
        %dma_wait3A_714 = arith.constant 0 : i32
        %dma_wait3A_715 = tpu.memref_slice %arg4[%dma_wait3A_707, %dma_wait3A_708, %dma_wait3A_709, %dma_wait3A_713, %dma_wait3A_714] : memref<50x4x128x8x128xf32, #tpu.memory_space<hbm>> -> memref<1x1x1x8x128xf32, #tpu.memory_space<hbm>>
        %dma_wait3A_716 = tpu.memref_squeeze %dma_wait3A_715 : memref<1x1x1x8x128xf32, #tpu.memory_space<hbm>> -> memref<8x128xf32, #tpu.memory_space<hbm>>
        %dma_wait3A_717 = arith.constant 24 : i32
        %dma_wait3A_718 = arith.constant 0 : i32
        %dma_wait3A_719 = tpu.memref_slice %arg11[%dma_wait3A_717, %dma_wait3A_718] : memref<32x128xf32, #tpu.memory_space<vmem>> -> memref<8x128xf32, #tpu.memory_space<vmem>>
        %dma_wait3A_720 = arith.constant 0 : i32
        %dma_wait3A_721 = arith.constant 0 : i32
        %dma_wait3A_722 = tpu.memref_slice %arg4[%dma_wait3A_707, %dma_wait3A_708, %dma_wait3A_709, %dma_wait3A_720, %dma_wait3A_721] : memref<50x4x128x8x128xf32, #tpu.memory_space<hbm>> -> memref<1x1x1x8x128xf32, #tpu.memory_space<hbm>>
        %dma_wait3A_723 = tpu.memref_squeeze %dma_wait3A_722 : memref<1x1x1x8x128xf32, #tpu.memory_space<hbm>> -> memref<8x128xf32, #tpu.memory_space<hbm>>
        tpu.wait_dma2 semaphore(%arg19 : memref<!tpu.dma_semaphore, #tpu.memory_space<semaphore_mem>>) src(%dma_wait3A_723 : memref<8x128xf32, #tpu.memory_space<hbm>>) dst(%dma_wait3A_719 : memref<8x128xf32, #tpu.memory_space<vmem>>)
      } else {
      }
      %parallel_loop3A_336 = arith.constant 0 : i32
      %parallel_loop3A_337 = arith.constant 32 : i32
      %parallel_loop3A_338 = arith.constant 1 : i32
      scf.for %parallel_loop3A_656 = %parallel_loop3A_336 to %parallel_loop3A_337 step %parallel_loop3A_338  : i32 {
        %parallel_loop3A_657 = arith.constant 0 : i32
        %parallel_loop3A_658 = vector.broadcast %parallel_loop3A_657 : i32 to vector<16xi32>
        %parallel_loop3A_659 = arith.muli %iota3A, %parallel_loop3A_658 : vector<16xi32>
        %parallel_loop3A_660 = vector.broadcast %parallel_loop3A_656 : i32 to vector<16xi32>
        %parallel_loop3A_661 = arith.addi %parallel_loop3A_659, %parallel_loop3A_660 : vector<16xi32>
        %parallel_loop3A_662 = tpu.vector_load_idx %arg7[%add3A_5, %parallel_loop3A_661] : memref<128x32xf32, #tpu.memory_space<vmem>>[vector<16xi32>, vector<16xi32>], vector<16xf32>,
        %parallel_loop3A_663 = arith.index_cast %parallel_loop3A_656 : i32 to index
        %parallel_loop3A_664 = arith.constant 0 : index
        %parallel_loop3A_665 = tpu.vector_load %arg11[%parallel_loop3A_663, %parallel_loop3A_664] {strides = array<i32>} : memref<32x128xf32, #tpu.memory_space<vmem>>, vector<16xf32>,
        tpu.vector_store %arg11[%parallel_loop3A_663, %parallel_loop3A_664], %parallel_loop3A_662 {strides = array<i32>} : memref<32x128xf32, #tpu.memory_space<vmem>>, vector<16xf32>,
        %parallel_loop3A_666 = arith.constant 0 : i32
        %parallel_loop3A_667 = vector.broadcast %parallel_loop3A_666 : i32 to vector<16xi32>
        %parallel_loop3A_668 = arith.muli %iota3A, %parallel_loop3A_667 : vector<16xi32>
        %parallel_loop3A_669 = vector.broadcast %parallel_loop3A_656 : i32 to vector<16xi32>
        %parallel_loop3A_670 = arith.addi %parallel_loop3A_668, %parallel_loop3A_669 : vector<16xi32>
        %parallel_loop3A_671 = tpu.vector_load_idx %arg7[%add3A_8, %parallel_loop3A_670] : memref<128x32xf32, #tpu.memory_space<vmem>>[vector<16xi32>, vector<16xi32>], vector<16xf32>,
        %parallel_loop3A_672 = arith.index_cast %parallel_loop3A_656 : i32 to index
        %parallel_loop3A_673 = arith.constant 16 : index
        %parallel_loop3A_674 = tpu.vector_load %arg11[%parallel_loop3A_672, %parallel_loop3A_673] {strides = array<i32>} : memref<32x128xf32, #tpu.memory_space<vmem>>, vector<16xf32>,
        tpu.vector_store %arg11[%parallel_loop3A_672, %parallel_loop3A_673], %parallel_loop3A_671 {strides = array<i32>} : memref<32x128xf32, #tpu.memory_space<vmem>>, vector<16xf32>,
        %parallel_loop3A_675 = arith.constant 0 : i32
        %parallel_loop3A_676 = vector.broadcast %parallel_loop3A_675 : i32 to vector<16xi32>
        %parallel_loop3A_677 = arith.muli %iota3A, %parallel_loop3A_676 : vector<16xi32>
        %parallel_loop3A_678 = vector.broadcast %parallel_loop3A_656 : i32 to vector<16xi32>
        %parallel_loop3A_679 = arith.addi %parallel_loop3A_677, %parallel_loop3A_678 : vector<16xi32>
        %parallel_loop3A_680 = tpu.vector_load_idx %arg7[%add3A_11, %parallel_loop3A_679] : memref<128x32xf32, #tpu.memory_space<vmem>>[vector<16xi32>, vector<16xi32>], vector<16xf32>,
        %parallel_loop3A_681 = arith.index_cast %parallel_loop3A_656 : i32 to index
        %parallel_loop3A_682 = arith.constant 32 : index
        %parallel_loop3A_683 = tpu.vector_load %arg11[%parallel_loop3A_681, %parallel_loop3A_682] {strides = array<i32>} : memref<32x128xf32, #tpu.memory_space<vmem>>, vector<16xf32>,
        tpu.vector_store %arg11[%parallel_loop3A_681, %parallel_loop3A_682], %parallel_loop3A_680 {strides = array<i32>} : memref<32x128xf32, #tpu.memory_space<vmem>>, vector<16xf32>,
        %parallel_loop3A_684 = arith.constant 0 : i32
        %parallel_loop3A_685 = vector.broadcast %parallel_loop3A_684 : i32 to vector<16xi32>
        %parallel_loop3A_686 = arith.muli %iota3A, %parallel_loop3A_685 : vector<16xi32>
        %parallel_loop3A_687 = vector.broadcast %parallel_loop3A_656 : i32 to vector<16xi32>
        %parallel_loop3A_688 = arith.addi %parallel_loop3A_686, %parallel_loop3A_687 : vector<16xi32>
        %parallel_loop3A_689 = tpu.vector_load_idx %arg7[%add3A_14, %parallel_loop3A_688] : memref<128x32xf32, #tpu.memory_space<vmem>>[vector<16xi32>, vector<16xi32>], vector<16xf32>,
        %parallel_loop3A_690 = arith.index_cast %parallel_loop3A_656 : i32 to index
        %parallel_loop3A_691 = arith.constant 48 : index
        %parallel_loop3A_692 = tpu.vector_load %arg11[%parallel_loop3A_690, %parallel_loop3A_691] {strides = array<i32>} : memref<32x128xf32, #tpu.memory_space<vmem>>, vector<16xf32>,
        tpu.vector_store %arg11[%parallel_loop3A_690, %parallel_loop3A_691], %parallel_loop3A_689 {strides = array<i32>} : memref<32x128xf32, #tpu.memory_space<vmem>>, vector<16xf32>,
        %parallel_loop3A_693 = arith.constant 0 : i32
        %parallel_loop3A_694 = vector.broadcast %parallel_loop3A_693 : i32 to vector<16xi32>
        %parallel_loop3A_695 = arith.muli %iota3A, %parallel_loop3A_694 : vector<16xi32>
        %parallel_loop3A_696 = vector.broadcast %parallel_loop3A_656 : i32 to vector<16xi32>
        %parallel_loop3A_697 = arith.addi %parallel_loop3A_695, %parallel_loop3A_696 : vector<16xi32>
        %parallel_loop3A_698 = tpu.vector_load_idx %arg7[%add3A_17, %parallel_loop3A_697] : memref<128x32xf32, #tpu.memory_space<vmem>>[vector<16xi32>, vector<16xi32>], vector<16xf32>,
        %parallel_loop3A_699 = arith.index_cast %parallel_loop3A_656 : i32 to index
        %parallel_loop3A_700 = arith.constant 64 : index
        %parallel_loop3A_701 = tpu.vector_load %arg11[%parallel_loop3A_699, %parallel_loop3A_700] {strides = array<i32>} : memref<32x128xf32, #tpu.memory_space<vmem>>, vector<16xf32>,
        tpu.vector_store %arg11[%parallel_loop3A_699, %parallel_loop3A_700], %parallel_loop3A_698 {strides = array<i32>} : memref<32x128xf32, #tpu.memory_space<vmem>>, vector<16xf32>,
        %parallel_loop3A_702 = arith.constant 0 : i32
        %parallel_loop3A_703 = vector.broadcast %parallel_loop3A_702 : i32 to vector<16xi32>
        %parallel_loop3A_704 = arith.muli %iota3A, %parallel_loop3A_703 : vector<16xi32>
        %parallel_loop3A_705 = vector.broadcast %parallel_loop3A_656 : i32 to vector<16xi32>
        %parallel_loop3A_706 = arith.addi %parallel_loop3A_704, %parallel_loop3A_705 : vector<16xi32>
        %parallel_loop3A_707 = tpu.vector_load_idx %arg7[%add3A_20, %parallel_loop3A_706] : memref<128x32xf32, #tpu.memory_space<vmem>>[vector<16xi32>, vector<16xi32>], vector<16xf32>,
        %parallel_loop3A_708 = arith.index_cast %parallel_loop3A_656 : i32 to index
        %parallel_loop3A_709 = arith.constant 80 : index
        %parallel_loop3A_710 = tpu.vector_load %arg11[%parallel_loop3A_708, %parallel_loop3A_709] {strides = array<i32>} : memref<32x128xf32, #tpu.memory_space<vmem>>, vector<16xf32>,
        tpu.vector_store %arg11[%parallel_loop3A_708, %parallel_loop3A_709], %parallel_loop3A_707 {strides = array<i32>} : memref<32x128xf32, #tpu.memory_space<vmem>>, vector<16xf32>,
        %parallel_loop3A_711 = arith.constant 0 : i32
        %parallel_loop3A_712 = vector.broadcast %parallel_loop3A_711 : i32 to vector<16xi32>
        %parallel_loop3A_713 = arith.muli %iota3A, %parallel_loop3A_712 : vector<16xi32>
        %parallel_loop3A_714 = vector.broadcast %parallel_loop3A_656 : i32 to vector<16xi32>
        %parallel_loop3A_715 = arith.addi %parallel_loop3A_713, %parallel_loop3A_714 : vector<16xi32>
        %parallel_loop3A_716 = tpu.vector_load_idx %arg7[%add3A_23, %parallel_loop3A_715] : memref<128x32xf32, #tpu.memory_space<vmem>>[vector<16xi32>, vector<16xi32>], vector<16xf32>,
        %parallel_loop3A_717 = arith.index_cast %parallel_loop3A_656 : i32 to index
        %parallel_loop3A_718 = arith.constant 96 : index
        %parallel_loop3A_719 = tpu.vector_load %arg11[%parallel_loop3A_717, %parallel_loop3A_718] {strides = array<i32>} : memref<32x128xf32, #tpu.memory_space<vmem>>, vector<16xf32>,
        tpu.vector_store %arg11[%parallel_loop3A_717, %parallel_loop3A_718], %parallel_loop3A_716 {strides = array<i32>} : memref<32x128xf32, #tpu.memory_space<vmem>>, vector<16xf32>,
        %parallel_loop3A_720 = arith.constant 0 : i32
        %parallel_loop3A_721 = vector.broadcast %parallel_loop3A_720 : i32 to vector<16xi32>
        %parallel_loop3A_722 = arith.muli %iota3A, %parallel_loop3A_721 : vector<16xi32>
        %parallel_loop3A_723 = vector.broadcast %parallel_loop3A_656 : i32 to vector<16xi32>
        %parallel_loop3A_724 = arith.addi %parallel_loop3A_722, %parallel_loop3A_723 : vector<16xi32>
        %parallel_loop3A_725 = tpu.vector_load_idx %arg7[%add3A_26, %parallel_loop3A_724] : memref<128x32xf32, #tpu.memory_space<vmem>>[vector<16xi32>, vector<16xi32>], vector<16xf32>,
        %parallel_loop3A_726 = arith.index_cast %parallel_loop3A_656 : i32 to index
        %parallel_loop3A_727 = arith.constant 112 : index
        %parallel_loop3A_728 = tpu.vector_load %arg11[%parallel_loop3A_726, %parallel_loop3A_727] {strides = array<i32>} : memref<32x128xf32, #tpu.memory_space<vmem>>, vector<16xf32>,
        tpu.vector_store %arg11[%parallel_loop3A_726, %parallel_loop3A_727], %parallel_loop3A_725 {strides = array<i32>} : memref<32x128xf32, #tpu.memory_space<vmem>>, vector<16xf32>,
      } {sc.loop_unroll_factor = 8 : i64, sc.parallel_access}
      %mul3A_339 = arith.constant 4 : i32
      %mul3A_340 = arith.muli %add3A, %mul3A_339 : i32
      %add3A_341 = arith.constant 0 : i32
      %add3A_342 = arith.addi %mul3A_340, %add3A_341 : i32
      %dma_start3A_343 = arith.constant 0 : i32
      %dma_start3A_344 = arith.constant 0 : i32
      %dma_start3A_345 = arith.constant 0 : i32
      %dma_start3A_346 = tpu.memref_slice %arg11[%dma_start3A_344, %dma_start3A_345] : memref<32x128xf32, #tpu.memory_space<vmem>> -> memref<8x128xf32, #tpu.memory_space<vmem>>
      %dma_start3A_347 = arith.constant 0 : i32
      %dma_start3A_348 = arith.constant 0 : i32
      %dma_start3A_349 = tpu.memref_slice %arg4[%add3A_327, %dma_start3A_343, %add3A_342, %dma_start3A_347, %dma_start3A_348] : memref<50x4x128x8x128xf32, #tpu.memory_space<hbm>> -> memref<1x1x1x8x128xf32, #tpu.memory_space<hbm>>
      %dma_start3A_350 = tpu.memref_squeeze %dma_start3A_349 : memref<1x1x1x8x128xf32, #tpu.memory_space<hbm>> -> memref<8x128xf32, #tpu.memory_space<hbm>>
      %dma_start3A_351 = arith.constant 0 : i32
      %dma_start3A_352 = arith.constant 0 : i32
      %dma_start3A_353 = tpu.memref_slice %arg4[%add3A_327, %dma_start3A_343, %add3A_342, %dma_start3A_351, %dma_start3A_352] : memref<50x4x128x8x128xf32, #tpu.memory_space<hbm>> -> memref<1x1x1x8x128xf32, #tpu.memory_space<hbm>>
      %dma_start3A_354 = tpu.memref_squeeze %dma_start3A_353 : memref<1x1x1x8x128xf32, #tpu.memory_space<hbm>> -> memref<8x128xf32, #tpu.memory_space<hbm>>
      %dma_start3A_355 = arith.constant 0 : i32
      %dma_start3A_356 = arith.constant 0 : i32
      %dma_start3A_357 = tpu.memref_slice %arg11[%dma_start3A_355, %dma_start3A_356] : memref<32x128xf32, #tpu.memory_space<vmem>> -> memref<8x128xf32, #tpu.memory_space<vmem>>
      tpu.enqueue_dma source(%dma_start3A_357 : memref<8x128xf32, #tpu.memory_space<vmem>>) target(%dma_start3A_354 : memref<8x128xf32, #tpu.memory_space<hbm>>) target_semaphore(%arg19 : memref<!tpu.dma_semaphore, #tpu.memory_space<semaphore_mem>>)
      %dma_start3A_358 = arith.constant 1 : i32
      %dma_start3A_359 = arith.constant 8 : i32
      %dma_start3A_360 = arith.constant 0 : i32
      %dma_start3A_361 = tpu.memref_slice %arg11[%dma_start3A_359, %dma_start3A_360] : memref<32x128xf32, #tpu.memory_space<vmem>> -> memref<8x128xf32, #tpu.memory_space<vmem>>
      %dma_start3A_362 = arith.constant 0 : i32
      %dma_start3A_363 = arith.constant 0 : i32
      %dma_start3A_364 = tpu.memref_slice %arg4[%add3A_327, %dma_start3A_358, %add3A_342, %dma_start3A_362, %dma_start3A_363] : memref<50x4x128x8x128xf32, #tpu.memory_space<hbm>> -> memref<1x1x1x8x128xf32, #tpu.memory_space<hbm>>
      %dma_start3A_365 = tpu.memref_squeeze %dma_start3A_364 : memref<1x1x1x8x128xf32, #tpu.memory_space<hbm>> -> memref<8x128xf32, #tpu.memory_space<hbm>>
      %dma_start3A_366 = arith.constant 0 : i32
      %dma_start3A_367 = arith.constant 0 : i32
      %dma_start3A_368 = tpu.memref_slice %arg4[%add3A_327, %dma_start3A_358, %add3A_342, %dma_start3A_366, %dma_start3A_367] : memref<50x4x128x8x128xf32, #tpu.memory_space<hbm>> -> memref<1x1x1x8x128xf32, #tpu.memory_space<hbm>>
      %dma_start3A_369 = tpu.memref_squeeze %dma_start3A_368 : memref<1x1x1x8x128xf32, #tpu.memory_space<hbm>> -> memref<8x128xf32, #tpu.memory_space<hbm>>
      %dma_start3A_370 = arith.constant 8 : i32
      %dma_start3A_371 = arith.constant 0 : i32
      %dma_start3A_372 = tpu.memref_slice %arg11[%dma_start3A_370, %dma_start3A_371] : memref<32x128xf32, #tpu.memory_space<vmem>> -> memref<8x128xf32, #tpu.memory_space<vmem>>
      tpu.enqueue_dma source(%dma_start3A_372 : memref<8x128xf32, #tpu.memory_space<vmem>>) target(%dma_start3A_369 : memref<8x128xf32, #tpu.memory_space<hbm>>) target_semaphore(%arg19 : memref<!tpu.dma_semaphore, #tpu.memory_space<semaphore_mem>>)
      %dma_start3A_373 = arith.constant 2 : i32
      %dma_start3A_374 = arith.constant 16 : i32
      %dma_start3A_375 = arith.constant 0 : i32
      %dma_start3A_376 = tpu.memref_slice %arg11[%dma_start3A_374, %dma_start3A_375] : memref<32x128xf32, #tpu.memory_space<vmem>> -> memref<8x128xf32, #tpu.memory_space<vmem>>
      %dma_start3A_377 = arith.constant 0 : i32
      %dma_start3A_378 = arith.constant 0 : i32
      %dma_start3A_379 = tpu.memref_slice %arg4[%add3A_327, %dma_start3A_373, %add3A_342, %dma_start3A_377, %dma_start3A_378] : memref<50x4x128x8x128xf32, #tpu.memory_space<hbm>> -> memref<1x1x1x8x128xf32, #tpu.memory_space<hbm>>
      %dma_start3A_380 = tpu.memref_squeeze %dma_start3A_379 : memref<1x1x1x8x128xf32, #tpu.memory_space<hbm>> -> memref<8x128xf32, #tpu.memory_space<hbm>>
      %dma_start3A_381 = arith.constant 0 : i32
      %dma_start3A_382 = arith.constant 0 : i32
      %dma_start3A_383 = tpu.memref_slice %arg4[%add3A_327, %dma_start3A_373, %add3A_342, %dma_start3A_381, %dma_start3A_382] : memref<50x4x128x8x128xf32, #tpu.memory_space<hbm>> -> memref<1x1x1x8x128xf32, #tpu.memory_space<hbm>>
      %dma_start3A_384 = tpu.memref_squeeze %dma_start3A_383 : memref<1x1x1x8x128xf32, #tpu.memory_space<hbm>> -> memref<8x128xf32, #tpu.memory_space<hbm>>
      %dma_start3A_385 = arith.constant 16 : i32
      %dma_start3A_386 = arith.constant 0 : i32
      %dma_start3A_387 = tpu.memref_slice %arg11[%dma_start3A_385, %dma_start3A_386] : memref<32x128xf32, #tpu.memory_space<vmem>> -> memref<8x128xf32, #tpu.memory_space<vmem>>
      tpu.enqueue_dma source(%dma_start3A_387 : memref<8x128xf32, #tpu.memory_space<vmem>>) target(%dma_start3A_384 : memref<8x128xf32, #tpu.memory_space<hbm>>) target_semaphore(%arg19 : memref<!tpu.dma_semaphore, #tpu.memory_space<semaphore_mem>>)
      %dma_start3A_388 = arith.constant 3 : i32
      %dma_start3A_389 = arith.constant 24 : i32
      %dma_start3A_390 = arith.constant 0 : i32
      %dma_start3A_391 = tpu.memref_slice %arg11[%dma_start3A_389, %dma_start3A_390] : memref<32x128xf32, #tpu.memory_space<vmem>> -> memref<8x128xf32, #tpu.memory_space<vmem>>
      %dma_start3A_392 = arith.constant 0 : i32
      %dma_start3A_393 = arith.constant 0 : i32
      %dma_start3A_394 = tpu.memref_slice %arg4[%add3A_327, %dma_start3A_388, %add3A_342, %dma_start3A_392, %dma_start3A_393] : memref<50x4x128x8x128xf32, #tpu.memory_space<hbm>> -> memref<1x1x1x8x128xf32, #tpu.memory_space<hbm>>
      %dma_start3A_395 = tpu.memref_squeeze %dma_start3A_394 : memref<1x1x1x8x128xf32, #tpu.memory_space<hbm>> -> memref<8x128xf32, #tpu.memory_space<hbm>>
      %dma_start3A_396 = arith.constant 0 : i32
      %dma_start3A_397 = arith.constant 0 : i32
      %dma_start3A_398 = tpu.memref_slice %arg4[%add3A_327, %dma_start3A_388, %add3A_342, %dma_start3A_396, %dma_start3A_397] : memref<50x4x128x8x128xf32, #tpu.memory_space<hbm>> -> memref<1x1x1x8x128xf32, #tpu.memory_space<hbm>>
      %dma_start3A_399 = tpu.memref_squeeze %dma_start3A_398 : memref<1x1x1x8x128xf32, #tpu.memory_space<hbm>> -> memref<8x128xf32, #tpu.memory_space<hbm>>
      %dma_start3A_400 = arith.constant 24 : i32
      %dma_start3A_401 = arith.constant 0 : i32
      %dma_start3A_402 = tpu.memref_slice %arg11[%dma_start3A_400, %dma_start3A_401] : memref<32x128xf32, #tpu.memory_space<vmem>> -> memref<8x128xf32, #tpu.memory_space<vmem>>
      tpu.enqueue_dma source(%dma_start3A_402 : memref<8x128xf32, #tpu.memory_space<vmem>>) target(%dma_start3A_399 : memref<8x128xf32, #tpu.memory_space<hbm>>) target_semaphore(%arg19 : memref<!tpu.dma_semaphore, #tpu.memory_space<semaphore_mem>>)
      %lt3A = arith.constant 49 : i32
      %lt3A_403 = arith.cmpi slt, %add3A_327, %lt3A : i32
      %convert_element_type3A_404 = arith.extui %lt3A_403 : i1 to i32
      %cond3A_405 = arith.constant 0 : i32
      %cond3A_406 = arith.cmpi ne, %convert_element_type3A_404, %cond3A_405 : i32
      scf.if %cond3A_406 {
        %add3A_656 = arith.constant 1 : i32
        %add3A_657 = arith.addi %add3A_327, %add3A_656 : i32
        %mul3A_658 = arith.constant 512 : i32
        %mul3A_659 = arith.muli %add3A_657, %mul3A_658 : i32
        %add3A_660 = arith.constant 0 : i32
        %add3A_661 = arith.addi %mul3A_659, %add3A_660 : i32
        %dma_start3A_662 = tpu.memref_slice %arg6[%add3A_661] : memref<25600xi32, #tpu.memory_space<vmem>> -> memref<128xi32, #tpu.memory_space<vmem>>
        %dma_start3A_663 = arith.constant 0 : i32
        %dma_start3A_664 = arith.constant 0 : i32
        %dma_start3A_665 = tpu.memref_slice %arg2[%dma_start3A_663, %dma_start3A_664] : memref<1000000x32xf32, #tpu.memory_space<hbm>> -> memref<1000000x32xf32, #tpu.memory_space<hbm>>
        tpu.enqueue_indirect_dma source(%dma_start3A_665 : memref<1000000x32xf32, #tpu.memory_space<hbm>>) target(%arg7 : memref<128x32xf32, #tpu.memory_space<vmem>>) offsets(%dma_start3A_662 : memref<128xi32, #tpu.memory_space<vmem>>) semaphore(%arg15 : memref<!tpu.dma_semaphore, #tpu.memory_space<semaphore_mem>>)
      } else {
      }
      %dma_wait3A_407 = arith.constant 0 : i32
      %dma_wait3A_408 = arith.constant 0 : i32
      %dma_wait3A_409 = tpu.memref_slice %arg2[%dma_wait3A_407, %dma_wait3A_408] : memref<1000000x32xf32, #tpu.memory_space<hbm>> -> memref<128x32xf32, #tpu.memory_space<hbm>>
      %dma_wait3A_410 = arith.constant 0 : i32
      %dma_wait3A_411 = arith.constant 0 : i32
      %dma_wait3A_412 = tpu.memref_slice %arg2[%dma_wait3A_410, %dma_wait3A_411] : memref<1000000x32xf32, #tpu.memory_space<hbm>> -> memref<128x32xf32, #tpu.memory_space<hbm>>
      tpu.wait_dma2 semaphore(%arg16 : memref<!tpu.dma_semaphore, #tpu.memory_space<semaphore_mem>>) src(%dma_wait3A_412 : memref<128x32xf32, #tpu.memory_space<hbm>>) dst(%arg8 : memref<128x32xf32, #tpu.memory_space<vmem>>)
      %ge3A_413 = arith.constant 1 : i32
      %ge3A_414 = arith.cmpi sge, %add3A_327, %ge3A_413 : i32
      %convert_element_type3A_415 = arith.extui %ge3A_414 : i1 to i32
      %cond3A_416 = arith.constant 0 : i32
      %cond3A_417 = arith.cmpi ne, %convert_element_type3A_415, %cond3A_416 : i32
      scf.if %cond3A_417 {
        %dma_wait3A_656 = arith.constant 0 : i32
        %dma_wait3A_657 = arith.constant 0 : i32
        %dma_wait3A_658 = arith.constant 0 : i32
        %dma_wait3A_659 = arith.constant 0 : i32
        %dma_wait3A_660 = arith.constant 0 : i32
        %dma_wait3A_661 = tpu.memref_slice %arg12[%dma_wait3A_659, %dma_wait3A_660] : memref<32x128xf32, #tpu.memory_space<vmem>> -> memref<8x128xf32, #tpu.memory_space<vmem>>
        %dma_wait3A_662 = arith.constant 0 : i32
        %dma_wait3A_663 = arith.constant 0 : i32
        %dma_wait3A_664 = tpu.memref_slice %arg4[%dma_wait3A_656, %dma_wait3A_657, %dma_wait3A_658, %dma_wait3A_662, %dma_wait3A_663] : memref<50x4x128x8x128xf32, #tpu.memory_space<hbm>> -> memref<1x1x1x8x128xf32, #tpu.memory_space<hbm>>
        %dma_wait3A_665 = tpu.memref_squeeze %dma_wait3A_664 : memref<1x1x1x8x128xf32, #tpu.memory_space<hbm>> -> memref<8x128xf32, #tpu.memory_space<hbm>>
        %dma_wait3A_666 = arith.constant 0 : i32
        %dma_wait3A_667 = arith.constant 0 : i32
        %dma_wait3A_668 = tpu.memref_slice %arg12[%dma_wait3A_666, %dma_wait3A_667] : memref<32x128xf32, #tpu.memory_space<vmem>> -> memref<8x128xf32, #tpu.memory_space<vmem>>
        %dma_wait3A_669 = arith.constant 0 : i32
        %dma_wait3A_670 = arith.constant 0 : i32
        %dma_wait3A_671 = tpu.memref_slice %arg4[%dma_wait3A_656, %dma_wait3A_657, %dma_wait3A_658, %dma_wait3A_669, %dma_wait3A_670] : memref<50x4x128x8x128xf32, #tpu.memory_space<hbm>> -> memref<1x1x1x8x128xf32, #tpu.memory_space<hbm>>
        %dma_wait3A_672 = tpu.memref_squeeze %dma_wait3A_671 : memref<1x1x1x8x128xf32, #tpu.memory_space<hbm>> -> memref<8x128xf32, #tpu.memory_space<hbm>>
        tpu.wait_dma2 semaphore(%arg20 : memref<!tpu.dma_semaphore, #tpu.memory_space<semaphore_mem>>) src(%dma_wait3A_672 : memref<8x128xf32, #tpu.memory_space<hbm>>) dst(%dma_wait3A_668 : memref<8x128xf32, #tpu.memory_space<vmem>>)
        %dma_wait3A_673 = arith.constant 0 : i32
        %dma_wait3A_674 = arith.constant 1 : i32
        %dma_wait3A_675 = arith.constant 0 : i32
        %dma_wait3A_676 = arith.constant 8 : i32
        %dma_wait3A_677 = arith.constant 0 : i32
        %dma_wait3A_678 = tpu.memref_slice %arg12[%dma_wait3A_676, %dma_wait3A_677] : memref<32x128xf32, #tpu.memory_space<vmem>> -> memref<8x128xf32, #tpu.memory_space<vmem>>
        %dma_wait3A_679 = arith.constant 0 : i32
        %dma_wait3A_680 = arith.constant 0 : i32
        %dma_wait3A_681 = tpu.memref_slice %arg4[%dma_wait3A_673, %dma_wait3A_674, %dma_wait3A_675, %dma_wait3A_679, %dma_wait3A_680] : memref<50x4x128x8x128xf32, #tpu.memory_space<hbm>> -> memref<1x1x1x8x128xf32, #tpu.memory_space<hbm>>
        %dma_wait3A_682 = tpu.memref_squeeze %dma_wait3A_681 : memref<1x1x1x8x128xf32, #tpu.memory_space<hbm>> -> memref<8x128xf32, #tpu.memory_space<hbm>>
        %dma_wait3A_683 = arith.constant 8 : i32
        %dma_wait3A_684 = arith.constant 0 : i32
        %dma_wait3A_685 = tpu.memref_slice %arg12[%dma_wait3A_683, %dma_wait3A_684] : memref<32x128xf32, #tpu.memory_space<vmem>> -> memref<8x128xf32, #tpu.memory_space<vmem>>
        %dma_wait3A_686 = arith.constant 0 : i32
        %dma_wait3A_687 = arith.constant 0 : i32
        %dma_wait3A_688 = tpu.memref_slice %arg4[%dma_wait3A_673, %dma_wait3A_674, %dma_wait3A_675, %dma_wait3A_686, %dma_wait3A_687] : memref<50x4x128x8x128xf32, #tpu.memory_space<hbm>> -> memref<1x1x1x8x128xf32, #tpu.memory_space<hbm>>
        %dma_wait3A_689 = tpu.memref_squeeze %dma_wait3A_688 : memref<1x1x1x8x128xf32, #tpu.memory_space<hbm>> -> memref<8x128xf32, #tpu.memory_space<hbm>>
        tpu.wait_dma2 semaphore(%arg20 : memref<!tpu.dma_semaphore, #tpu.memory_space<semaphore_mem>>) src(%dma_wait3A_689 : memref<8x128xf32, #tpu.memory_space<hbm>>) dst(%dma_wait3A_685 : memref<8x128xf32, #tpu.memory_space<vmem>>)
        %dma_wait3A_690 = arith.constant 0 : i32
        %dma_wait3A_691 = arith.constant 2 : i32
        %dma_wait3A_692 = arith.constant 0 : i32
        %dma_wait3A_693 = arith.constant 16 : i32
        %dma_wait3A_694 = arith.constant 0 : i32
        %dma_wait3A_695 = tpu.memref_slice %arg12[%dma_wait3A_693, %dma_wait3A_694] : memref<32x128xf32, #tpu.memory_space<vmem>> -> memref<8x128xf32, #tpu.memory_space<vmem>>
        %dma_wait3A_696 = arith.constant 0 : i32
        %dma_wait3A_697 = arith.constant 0 : i32
        %dma_wait3A_698 = tpu.memref_slice %arg4[%dma_wait3A_690, %dma_wait3A_691, %dma_wait3A_692, %dma_wait3A_696, %dma_wait3A_697] : memref<50x4x128x8x128xf32, #tpu.memory_space<hbm>> -> memref<1x1x1x8x128xf32, #tpu.memory_space<hbm>>
        %dma_wait3A_699 = tpu.memref_squeeze %dma_wait3A_698 : memref<1x1x1x8x128xf32, #tpu.memory_space<hbm>> -> memref<8x128xf32, #tpu.memory_space<hbm>>
        %dma_wait3A_700 = arith.constant 16 : i32
        %dma_wait3A_701 = arith.constant 0 : i32
        %dma_wait3A_702 = tpu.memref_slice %arg12[%dma_wait3A_700, %dma_wait3A_701] : memref<32x128xf32, #tpu.memory_space<vmem>> -> memref<8x128xf32, #tpu.memory_space<vmem>>
        %dma_wait3A_703 = arith.constant 0 : i32
        %dma_wait3A_704 = arith.constant 0 : i32
        %dma_wait3A_705 = tpu.memref_slice %arg4[%dma_wait3A_690, %dma_wait3A_691, %dma_wait3A_692, %dma_wait3A_703, %dma_wait3A_704] : memref<50x4x128x8x128xf32, #tpu.memory_space<hbm>> -> memref<1x1x1x8x128xf32, #tpu.memory_space<hbm>>
        %dma_wait3A_706 = tpu.memref_squeeze %dma_wait3A_705 : memref<1x1x1x8x128xf32, #tpu.memory_space<hbm>> -> memref<8x128xf32, #tpu.memory_space<hbm>>
        tpu.wait_dma2 semaphore(%arg20 : memref<!tpu.dma_semaphore, #tpu.memory_space<semaphore_mem>>) src(%dma_wait3A_706 : memref<8x128xf32, #tpu.memory_space<hbm>>) dst(%dma_wait3A_702 : memref<8x128xf32, #tpu.memory_space<vmem>>)
        %dma_wait3A_707 = arith.constant 0 : i32
        %dma_wait3A_708 = arith.constant 3 : i32
        %dma_wait3A_709 = arith.constant 0 : i32
        %dma_wait3A_710 = arith.constant 24 : i32
        %dma_wait3A_711 = arith.constant 0 : i32
        %dma_wait3A_712 = tpu.memref_slice %arg12[%dma_wait3A_710, %dma_wait3A_711] : memref<32x128xf32, #tpu.memory_space<vmem>> -> memref<8x128xf32, #tpu.memory_space<vmem>>
        %dma_wait3A_713 = arith.constant 0 : i32
        %dma_wait3A_714 = arith.constant 0 : i32
        %dma_wait3A_715 = tpu.memref_slice %arg4[%dma_wait3A_707, %dma_wait3A_708, %dma_wait3A_709, %dma_wait3A_713, %dma_wait3A_714] : memref<50x4x128x8x128xf32, #tpu.memory_space<hbm>> -> memref<1x1x1x8x128xf32, #tpu.memory_space<hbm>>
        %dma_wait3A_716 = tpu.memref_squeeze %dma_wait3A_715 : memref<1x1x1x8x128xf32, #tpu.memory_space<hbm>> -> memref<8x128xf32, #tpu.memory_space<hbm>>
        %dma_wait3A_717 = arith.constant 24 : i32
        %dma_wait3A_718 = arith.constant 0 : i32
        %dma_wait3A_719 = tpu.memref_slice %arg12[%dma_wait3A_717, %dma_wait3A_718] : memref<32x128xf32, #tpu.memory_space<vmem>> -> memref<8x128xf32, #tpu.memory_space<vmem>>
        %dma_wait3A_720 = arith.constant 0 : i32
        %dma_wait3A_721 = arith.constant 0 : i32
        %dma_wait3A_722 = tpu.memref_slice %arg4[%dma_wait3A_707, %dma_wait3A_708, %dma_wait3A_709, %dma_wait3A_720, %dma_wait3A_721] : memref<50x4x128x8x128xf32, #tpu.memory_space<hbm>> -> memref<1x1x1x8x128xf32, #tpu.memory_space<hbm>>
        %dma_wait3A_723 = tpu.memref_squeeze %dma_wait3A_722 : memref<1x1x1x8x128xf32, #tpu.memory_space<hbm>> -> memref<8x128xf32, #tpu.memory_space<hbm>>
        tpu.wait_dma2 semaphore(%arg20 : memref<!tpu.dma_semaphore, #tpu.memory_space<semaphore_mem>>) src(%dma_wait3A_723 : memref<8x128xf32, #tpu.memory_space<hbm>>) dst(%dma_wait3A_719 : memref<8x128xf32, #tpu.memory_space<vmem>>)
      } else {
      }
      %parallel_loop3A_418 = arith.constant 0 : i32
      %parallel_loop3A_419 = arith.constant 32 : i32
      %parallel_loop3A_420 = arith.constant 1 : i32
      scf.for %parallel_loop3A_656 = %parallel_loop3A_418 to %parallel_loop3A_419 step %parallel_loop3A_420  : i32 {
        %parallel_loop3A_657 = arith.constant 0 : i32
        %parallel_loop3A_658 = vector.broadcast %parallel_loop3A_657 : i32 to vector<16xi32>
        %parallel_loop3A_659 = arith.muli %iota3A, %parallel_loop3A_658 : vector<16xi32>
        %parallel_loop3A_660 = vector.broadcast %parallel_loop3A_656 : i32 to vector<16xi32>
        %parallel_loop3A_661 = arith.addi %parallel_loop3A_659, %parallel_loop3A_660 : vector<16xi32>
        %parallel_loop3A_662 = tpu.vector_load_idx %arg8[%add3A_5, %parallel_loop3A_661] : memref<128x32xf32, #tpu.memory_space<vmem>>[vector<16xi32>, vector<16xi32>], vector<16xf32>,
        %parallel_loop3A_663 = arith.index_cast %parallel_loop3A_656 : i32 to index
        %parallel_loop3A_664 = arith.constant 0 : index
        %parallel_loop3A_665 = tpu.vector_load %arg12[%parallel_loop3A_663, %parallel_loop3A_664] {strides = array<i32>} : memref<32x128xf32, #tpu.memory_space<vmem>>, vector<16xf32>,
        tpu.vector_store %arg12[%parallel_loop3A_663, %parallel_loop3A_664], %parallel_loop3A_662 {strides = array<i32>} : memref<32x128xf32, #tpu.memory_space<vmem>>, vector<16xf32>,
        %parallel_loop3A_666 = arith.constant 0 : i32
        %parallel_loop3A_667 = vector.broadcast %parallel_loop3A_666 : i32 to vector<16xi32>
        %parallel_loop3A_668 = arith.muli %iota3A, %parallel_loop3A_667 : vector<16xi32>
        %parallel_loop3A_669 = vector.broadcast %parallel_loop3A_656 : i32 to vector<16xi32>
        %parallel_loop3A_670 = arith.addi %parallel_loop3A_668, %parallel_loop3A_669 : vector<16xi32>
        %parallel_loop3A_671 = tpu.vector_load_idx %arg8[%add3A_8, %parallel_loop3A_670] : memref<128x32xf32, #tpu.memory_space<vmem>>[vector<16xi32>, vector<16xi32>], vector<16xf32>,
        %parallel_loop3A_672 = arith.index_cast %parallel_loop3A_656 : i32 to index
        %parallel_loop3A_673 = arith.constant 16 : index
        %parallel_loop3A_674 = tpu.vector_load %arg12[%parallel_loop3A_672, %parallel_loop3A_673] {strides = array<i32>} : memref<32x128xf32, #tpu.memory_space<vmem>>, vector<16xf32>,
        tpu.vector_store %arg12[%parallel_loop3A_672, %parallel_loop3A_673], %parallel_loop3A_671 {strides = array<i32>} : memref<32x128xf32, #tpu.memory_space<vmem>>, vector<16xf32>,
        %parallel_loop3A_675 = arith.constant 0 : i32
        %parallel_loop3A_676 = vector.broadcast %parallel_loop3A_675 : i32 to vector<16xi32>
        %parallel_loop3A_677 = arith.muli %iota3A, %parallel_loop3A_676 : vector<16xi32>
        %parallel_loop3A_678 = vector.broadcast %parallel_loop3A_656 : i32 to vector<16xi32>
        %parallel_loop3A_679 = arith.addi %parallel_loop3A_677, %parallel_loop3A_678 : vector<16xi32>
        %parallel_loop3A_680 = tpu.vector_load_idx %arg8[%add3A_11, %parallel_loop3A_679] : memref<128x32xf32, #tpu.memory_space<vmem>>[vector<16xi32>, vector<16xi32>], vector<16xf32>,
        %parallel_loop3A_681 = arith.index_cast %parallel_loop3A_656 : i32 to index
        %parallel_loop3A_682 = arith.constant 32 : index
        %parallel_loop3A_683 = tpu.vector_load %arg12[%parallel_loop3A_681, %parallel_loop3A_682] {strides = array<i32>} : memref<32x128xf32, #tpu.memory_space<vmem>>, vector<16xf32>,
        tpu.vector_store %arg12[%parallel_loop3A_681, %parallel_loop3A_682], %parallel_loop3A_680 {strides = array<i32>} : memref<32x128xf32, #tpu.memory_space<vmem>>, vector<16xf32>,
        %parallel_loop3A_684 = arith.constant 0 : i32
        %parallel_loop3A_685 = vector.broadcast %parallel_loop3A_684 : i32 to vector<16xi32>
        %parallel_loop3A_686 = arith.muli %iota3A, %parallel_loop3A_685 : vector<16xi32>
        %parallel_loop3A_687 = vector.broadcast %parallel_loop3A_656 : i32 to vector<16xi32>
        %parallel_loop3A_688 = arith.addi %parallel_loop3A_686, %parallel_loop3A_687 : vector<16xi32>
        %parallel_loop3A_689 = tpu.vector_load_idx %arg8[%add3A_14, %parallel_loop3A_688] : memref<128x32xf32, #tpu.memory_space<vmem>>[vector<16xi32>, vector<16xi32>], vector<16xf32>,
        %parallel_loop3A_690 = arith.index_cast %parallel_loop3A_656 : i32 to index
        %parallel_loop3A_691 = arith.constant 48 : index
        %parallel_loop3A_692 = tpu.vector_load %arg12[%parallel_loop3A_690, %parallel_loop3A_691] {strides = array<i32>} : memref<32x128xf32, #tpu.memory_space<vmem>>, vector<16xf32>,
        tpu.vector_store %arg12[%parallel_loop3A_690, %parallel_loop3A_691], %parallel_loop3A_689 {strides = array<i32>} : memref<32x128xf32, #tpu.memory_space<vmem>>, vector<16xf32>,
        %parallel_loop3A_693 = arith.constant 0 : i32
        %parallel_loop3A_694 = vector.broadcast %parallel_loop3A_693 : i32 to vector<16xi32>
        %parallel_loop3A_695 = arith.muli %iota3A, %parallel_loop3A_694 : vector<16xi32>
        %parallel_loop3A_696 = vector.broadcast %parallel_loop3A_656 : i32 to vector<16xi32>
        %parallel_loop3A_697 = arith.addi %parallel_loop3A_695, %parallel_loop3A_696 : vector<16xi32>
        %parallel_loop3A_698 = tpu.vector_load_idx %arg8[%add3A_17, %parallel_loop3A_697] : memref<128x32xf32, #tpu.memory_space<vmem>>[vector<16xi32>, vector<16xi32>], vector<16xf32>,
        %parallel_loop3A_699 = arith.index_cast %parallel_loop3A_656 : i32 to index
        %parallel_loop3A_700 = arith.constant 64 : index
        %parallel_loop3A_701 = tpu.vector_load %arg12[%parallel_loop3A_699, %parallel_loop3A_700] {strides = array<i32>} : memref<32x128xf32, #tpu.memory_space<vmem>>, vector<16xf32>,
        tpu.vector_store %arg12[%parallel_loop3A_699, %parallel_loop3A_700], %parallel_loop3A_698 {strides = array<i32>} : memref<32x128xf32, #tpu.memory_space<vmem>>, vector<16xf32>,
        %parallel_loop3A_702 = arith.constant 0 : i32
        %parallel_loop3A_703 = vector.broadcast %parallel_loop3A_702 : i32 to vector<16xi32>
        %parallel_loop3A_704 = arith.muli %iota3A, %parallel_loop3A_703 : vector<16xi32>
        %parallel_loop3A_705 = vector.broadcast %parallel_loop3A_656 : i32 to vector<16xi32>
        %parallel_loop3A_706 = arith.addi %parallel_loop3A_704, %parallel_loop3A_705 : vector<16xi32>
        %parallel_loop3A_707 = tpu.vector_load_idx %arg8[%add3A_20, %parallel_loop3A_706] : memref<128x32xf32, #tpu.memory_space<vmem>>[vector<16xi32>, vector<16xi32>], vector<16xf32>,
        %parallel_loop3A_708 = arith.index_cast %parallel_loop3A_656 : i32 to index
        %parallel_loop3A_709 = arith.constant 80 : index
        %parallel_loop3A_710 = tpu.vector_load %arg12[%parallel_loop3A_708, %parallel_loop3A_709] {strides = array<i32>} : memref<32x128xf32, #tpu.memory_space<vmem>>, vector<16xf32>,
        tpu.vector_store %arg12[%parallel_loop3A_708, %parallel_loop3A_709], %parallel_loop3A_707 {strides = array<i32>} : memref<32x128xf32, #tpu.memory_space<vmem>>, vector<16xf32>,
        %parallel_loop3A_711 = arith.constant 0 : i32
        %parallel_loop3A_712 = vector.broadcast %parallel_loop3A_711 : i32 to vector<16xi32>
        %parallel_loop3A_713 = arith.muli %iota3A, %parallel_loop3A_712 : vector<16xi32>
        %parallel_loop3A_714 = vector.broadcast %parallel_loop3A_656 : i32 to vector<16xi32>
        %parallel_loop3A_715 = arith.addi %parallel_loop3A_713, %parallel_loop3A_714 : vector<16xi32>
        %parallel_loop3A_716 = tpu.vector_load_idx %arg8[%add3A_23, %parallel_loop3A_715] : memref<128x32xf32, #tpu.memory_space<vmem>>[vector<16xi32>, vector<16xi32>], vector<16xf32>,
        %parallel_loop3A_717 = arith.index_cast %parallel_loop3A_656 : i32 to index
        %parallel_loop3A_718 = arith.constant 96 : index
        %parallel_loop3A_719 = tpu.vector_load %arg12[%parallel_loop3A_717, %parallel_loop3A_718] {strides = array<i32>} : memref<32x128xf32, #tpu.memory_space<vmem>>, vector<16xf32>,
        tpu.vector_store %arg12[%parallel_loop3A_717, %parallel_loop3A_718], %parallel_loop3A_716 {strides = array<i32>} : memref<32x128xf32, #tpu.memory_space<vmem>>, vector<16xf32>,
        %parallel_loop3A_720 = arith.constant 0 : i32
        %parallel_loop3A_721 = vector.broadcast %parallel_loop3A_720 : i32 to vector<16xi32>
        %parallel_loop3A_722 = arith.muli %iota3A, %parallel_loop3A_721 : vector<16xi32>
        %parallel_loop3A_723 = vector.broadcast %parallel_loop3A_656 : i32 to vector<16xi32>
        %parallel_loop3A_724 = arith.addi %parallel_loop3A_722, %parallel_loop3A_723 : vector<16xi32>
        %parallel_loop3A_725 = tpu.vector_load_idx %arg8[%add3A_26, %parallel_loop3A_724] : memref<128x32xf32, #tpu.memory_space<vmem>>[vector<16xi32>, vector<16xi32>], vector<16xf32>,
        %parallel_loop3A_726 = arith.index_cast %parallel_loop3A_656 : i32 to index
        %parallel_loop3A_727 = arith.constant 112 : index
        %parallel_loop3A_728 = tpu.vector_load %arg12[%parallel_loop3A_726, %parallel_loop3A_727] {strides = array<i32>} : memref<32x128xf32, #tpu.memory_space<vmem>>, vector<16xf32>,
        tpu.vector_store %arg12[%parallel_loop3A_726, %parallel_loop3A_727], %parallel_loop3A_725 {strides = array<i32>} : memref<32x128xf32, #tpu.memory_space<vmem>>, vector<16xf32>,
      } {sc.loop_unroll_factor = 8 : i64, sc.parallel_access}
      %mul3A_421 = arith.constant 4 : i32
      %mul3A_422 = arith.muli %add3A, %mul3A_421 : i32
      %add3A_423 = arith.constant 1 : i32
      %add3A_424 = arith.addi %mul3A_422, %add3A_423 : i32
      %dma_start3A_425 = arith.constant 0 : i32
      %dma_start3A_426 = arith.constant 0 : i32
      %dma_start3A_427 = arith.constant 0 : i32
      %dma_start3A_428 = tpu.memref_slice %arg12[%dma_start3A_426, %dma_start3A_427] : memref<32x128xf32, #tpu.memory_space<vmem>> -> memref<8x128xf32, #tpu.memory_space<vmem>>
      %dma_start3A_429 = arith.constant 0 : i32
      %dma_start3A_430 = arith.constant 0 : i32
      %dma_start3A_431 = tpu.memref_slice %arg4[%add3A_327, %dma_start3A_425, %add3A_424, %dma_start3A_429, %dma_start3A_430] : memref<50x4x128x8x128xf32, #tpu.memory_space<hbm>> -> memref<1x1x1x8x128xf32, #tpu.memory_space<hbm>>
      %dma_start3A_432 = tpu.memref_squeeze %dma_start3A_431 : memref<1x1x1x8x128xf32, #tpu.memory_space<hbm>> -> memref<8x128xf32, #tpu.memory_space<hbm>>
      %dma_start3A_433 = arith.constant 0 : i32
      %dma_start3A_434 = arith.constant 0 : i32
      %dma_start3A_435 = tpu.memref_slice %arg4[%add3A_327, %dma_start3A_425, %add3A_424, %dma_start3A_433, %dma_start3A_434] : memref<50x4x128x8x128xf32, #tpu.memory_space<hbm>> -> memref<1x1x1x8x128xf32, #tpu.memory_space<hbm>>
      %dma_start3A_436 = tpu.memref_squeeze %dma_start3A_435 : memref<1x1x1x8x128xf32, #tpu.memory_space<hbm>> -> memref<8x128xf32, #tpu.memory_space<hbm>>
      %dma_start3A_437 = arith.constant 0 : i32
      %dma_start3A_438 = arith.constant 0 : i32
      %dma_start3A_439 = tpu.memref_slice %arg12[%dma_start3A_437, %dma_start3A_438] : memref<32x128xf32, #tpu.memory_space<vmem>> -> memref<8x128xf32, #tpu.memory_space<vmem>>
      tpu.enqueue_dma source(%dma_start3A_439 : memref<8x128xf32, #tpu.memory_space<vmem>>) target(%dma_start3A_436 : memref<8x128xf32, #tpu.memory_space<hbm>>) target_semaphore(%arg20 : memref<!tpu.dma_semaphore, #tpu.memory_space<semaphore_mem>>)
      %dma_start3A_440 = arith.constant 1 : i32
      %dma_start3A_441 = arith.constant 8 : i32
      %dma_start3A_442 = arith.constant 0 : i32
      %dma_start3A_443 = tpu.memref_slice %arg12[%dma_start3A_441, %dma_start3A_442] : memref<32x128xf32, #tpu.memory_space<vmem>> -> memref<8x128xf32, #tpu.memory_space<vmem>>
      %dma_start3A_444 = arith.constant 0 : i32
      %dma_start3A_445 = arith.constant 0 : i32
      %dma_start3A_446 = tpu.memref_slice %arg4[%add3A_327, %dma_start3A_440, %add3A_424, %dma_start3A_444, %dma_start3A_445] : memref<50x4x128x8x128xf32, #tpu.memory_space<hbm>> -> memref<1x1x1x8x128xf32, #tpu.memory_space<hbm>>
      %dma_start3A_447 = tpu.memref_squeeze %dma_start3A_446 : memref<1x1x1x8x128xf32, #tpu.memory_space<hbm>> -> memref<8x128xf32, #tpu.memory_space<hbm>>
      %dma_start3A_448 = arith.constant 0 : i32
      %dma_start3A_449 = arith.constant 0 : i32
      %dma_start3A_450 = tpu.memref_slice %arg4[%add3A_327, %dma_start3A_440, %add3A_424, %dma_start3A_448, %dma_start3A_449] : memref<50x4x128x8x128xf32, #tpu.memory_space<hbm>> -> memref<1x1x1x8x128xf32, #tpu.memory_space<hbm>>
      %dma_start3A_451 = tpu.memref_squeeze %dma_start3A_450 : memref<1x1x1x8x128xf32, #tpu.memory_space<hbm>> -> memref<8x128xf32, #tpu.memory_space<hbm>>
      %dma_start3A_452 = arith.constant 8 : i32
      %dma_start3A_453 = arith.constant 0 : i32
      %dma_start3A_454 = tpu.memref_slice %arg12[%dma_start3A_452, %dma_start3A_453] : memref<32x128xf32, #tpu.memory_space<vmem>> -> memref<8x128xf32, #tpu.memory_space<vmem>>
      tpu.enqueue_dma source(%dma_start3A_454 : memref<8x128xf32, #tpu.memory_space<vmem>>) target(%dma_start3A_451 : memref<8x128xf32, #tpu.memory_space<hbm>>) target_semaphore(%arg20 : memref<!tpu.dma_semaphore, #tpu.memory_space<semaphore_mem>>)
      %dma_start3A_455 = arith.constant 2 : i32
      %dma_start3A_456 = arith.constant 16 : i32
      %dma_start3A_457 = arith.constant 0 : i32
      %dma_start3A_458 = tpu.memref_slice %arg12[%dma_start3A_456, %dma_start3A_457] : memref<32x128xf32, #tpu.memory_space<vmem>> -> memref<8x128xf32, #tpu.memory_space<vmem>>
      %dma_start3A_459 = arith.constant 0 : i32
      %dma_start3A_460 = arith.constant 0 : i32
      %dma_start3A_461 = tpu.memref_slice %arg4[%add3A_327, %dma_start3A_455, %add3A_424, %dma_start3A_459, %dma_start3A_460] : memref<50x4x128x8x128xf32, #tpu.memory_space<hbm>> -> memref<1x1x1x8x128xf32, #tpu.memory_space<hbm>>
      %dma_start3A_462 = tpu.memref_squeeze %dma_start3A_461 : memref<1x1x1x8x128xf32, #tpu.memory_space<hbm>> -> memref<8x128xf32, #tpu.memory_space<hbm>>
      %dma_start3A_463 = arith.constant 0 : i32
      %dma_start3A_464 = arith.constant 0 : i32
      %dma_start3A_465 = tpu.memref_slice %arg4[%add3A_327, %dma_start3A_455, %add3A_424, %dma_start3A_463, %dma_start3A_464] : memref<50x4x128x8x128xf32, #tpu.memory_space<hbm>> -> memref<1x1x1x8x128xf32, #tpu.memory_space<hbm>>
      %dma_start3A_466 = tpu.memref_squeeze %dma_start3A_465 : memref<1x1x1x8x128xf32, #tpu.memory_space<hbm>> -> memref<8x128xf32, #tpu.memory_space<hbm>>
      %dma_start3A_467 = arith.constant 16 : i32
      %dma_start3A_468 = arith.constant 0 : i32
      %dma_start3A_469 = tpu.memref_slice %arg12[%dma_start3A_467, %dma_start3A_468] : memref<32x128xf32, #tpu.memory_space<vmem>> -> memref<8x128xf32, #tpu.memory_space<vmem>>
      tpu.enqueue_dma source(%dma_start3A_469 : memref<8x128xf32, #tpu.memory_space<vmem>>) target(%dma_start3A_466 : memref<8x128xf32, #tpu.memory_space<hbm>>) target_semaphore(%arg20 : memref<!tpu.dma_semaphore, #tpu.memory_space<semaphore_mem>>)
      %dma_start3A_470 = arith.constant 3 : i32
      %dma_start3A_471 = arith.constant 24 : i32
      %dma_start3A_472 = arith.constant 0 : i32
      %dma_start3A_473 = tpu.memref_slice %arg12[%dma_start3A_471, %dma_start3A_472] : memref<32x128xf32, #tpu.memory_space<vmem>> -> memref<8x128xf32, #tpu.memory_space<vmem>>
      %dma_start3A_474 = arith.constant 0 : i32
      %dma_start3A_475 = arith.constant 0 : i32
      %dma_start3A_476 = tpu.memref_slice %arg4[%add3A_327, %dma_start3A_470, %add3A_424, %dma_start3A_474, %dma_start3A_475] : memref<50x4x128x8x128xf32, #tpu.memory_space<hbm>> -> memref<1x1x1x8x128xf32, #tpu.memory_space<hbm>>
      %dma_start3A_477 = tpu.memref_squeeze %dma_start3A_476 : memref<1x1x1x8x128xf32, #tpu.memory_space<hbm>> -> memref<8x128xf32, #tpu.memory_space<hbm>>
      %dma_start3A_478 = arith.constant 0 : i32
      %dma_start3A_479 = arith.constant 0 : i32
      %dma_start3A_480 = tpu.memref_slice %arg4[%add3A_327, %dma_start3A_470, %add3A_424, %dma_start3A_478, %dma_start3A_479] : memref<50x4x128x8x128xf32, #tpu.memory_space<hbm>> -> memref<1x1x1x8x128xf32, #tpu.memory_space<hbm>>
      %dma_start3A_481 = tpu.memref_squeeze %dma_start3A_480 : memref<1x1x1x8x128xf32, #tpu.memory_space<hbm>> -> memref<8x128xf32, #tpu.memory_space<hbm>>
      %dma_start3A_482 = arith.constant 24 : i32
      %dma_start3A_483 = arith.constant 0 : i32
      %dma_start3A_484 = tpu.memref_slice %arg12[%dma_start3A_482, %dma_start3A_483] : memref<32x128xf32, #tpu.memory_space<vmem>> -> memref<8x128xf32, #tpu.memory_space<vmem>>
      tpu.enqueue_dma source(%dma_start3A_484 : memref<8x128xf32, #tpu.memory_space<vmem>>) target(%dma_start3A_481 : memref<8x128xf32, #tpu.memory_space<hbm>>) target_semaphore(%arg20 : memref<!tpu.dma_semaphore, #tpu.memory_space<semaphore_mem>>)
      %lt3A_485 = arith.constant 49 : i32
      %lt3A_486 = arith.cmpi slt, %add3A_327, %lt3A_485 : i32
      %convert_element_type3A_487 = arith.extui %lt3A_486 : i1 to i32
      %cond3A_488 = arith.constant 0 : i32
      %cond3A_489 = arith.cmpi ne, %convert_element_type3A_487, %cond3A_488 : i32
      scf.if %cond3A_489 {
        %add3A_656 = arith.constant 1 : i32
        %add3A_657 = arith.addi %add3A_327, %add3A_656 : i32
        %mul3A_658 = arith.constant 512 : i32
        %mul3A_659 = arith.muli %add3A_657, %mul3A_658 : i32
        %add3A_660 = arith.constant 128 : i32
        %add3A_661 = arith.addi %mul3A_659, %add3A_660 : i32
        %dma_start3A_662 = tpu.memref_slice %arg6[%add3A_661] : memref<25600xi32, #tpu.memory_space<vmem>> -> memref<128xi32, #tpu.memory_space<vmem>>
        %dma_start3A_663 = arith.constant 0 : i32
        %dma_start3A_664 = arith.constant 0 : i32
        %dma_start3A_665 = tpu.memref_slice %arg2[%dma_start3A_663, %dma_start3A_664] : memref<1000000x32xf32, #tpu.memory_space<hbm>> -> memref<1000000x32xf32, #tpu.memory_space<hbm>>
        tpu.enqueue_indirect_dma source(%dma_start3A_665 : memref<1000000x32xf32, #tpu.memory_space<hbm>>) target(%arg8 : memref<128x32xf32, #tpu.memory_space<vmem>>) offsets(%dma_start3A_662 : memref<128xi32, #tpu.memory_space<vmem>>) semaphore(%arg16 : memref<!tpu.dma_semaphore, #tpu.memory_space<semaphore_mem>>)
      } else {
      }
      %dma_wait3A_490 = arith.constant 0 : i32
      %dma_wait3A_491 = arith.constant 0 : i32
      %dma_wait3A_492 = tpu.memref_slice %arg2[%dma_wait3A_490, %dma_wait3A_491] : memref<1000000x32xf32, #tpu.memory_space<hbm>> -> memref<128x32xf32, #tpu.memory_space<hbm>>
      %dma_wait3A_493 = arith.constant 0 : i32
      %dma_wait3A_494 = arith.constant 0 : i32
      %dma_wait3A_495 = tpu.memref_slice %arg2[%dma_wait3A_493, %dma_wait3A_494] : memref<1000000x32xf32, #tpu.memory_space<hbm>> -> memref<128x32xf32, #tpu.memory_space<hbm>>
      tpu.wait_dma2 semaphore(%arg17 : memref<!tpu.dma_semaphore, #tpu.memory_space<semaphore_mem>>) src(%dma_wait3A_495 : memref<128x32xf32, #tpu.memory_space<hbm>>) dst(%arg9 : memref<128x32xf32, #tpu.memory_space<vmem>>)
      %ge3A_496 = arith.constant 1 : i32
      %ge3A_497 = arith.cmpi sge, %add3A_327, %ge3A_496 : i32
      %convert_element_type3A_498 = arith.extui %ge3A_497 : i1 to i32
      %cond3A_499 = arith.constant 0 : i32
      %cond3A_500 = arith.cmpi ne, %convert_element_type3A_498, %cond3A_499 : i32
      scf.if %cond3A_500 {
        %dma_wait3A_656 = arith.constant 0 : i32
        %dma_wait3A_657 = arith.constant 0 : i32
        %dma_wait3A_658 = arith.constant 0 : i32
        %dma_wait3A_659 = arith.constant 0 : i32
        %dma_wait3A_660 = arith.constant 0 : i32
        %dma_wait3A_661 = tpu.memref_slice %arg13[%dma_wait3A_659, %dma_wait3A_660] : memref<32x128xf32, #tpu.memory_space<vmem>> -> memref<8x128xf32, #tpu.memory_space<vmem>>
        %dma_wait3A_662 = arith.constant 0 : i32
        %dma_wait3A_663 = arith.constant 0 : i32
        %dma_wait3A_664 = tpu.memref_slice %arg4[%dma_wait3A_656, %dma_wait3A_657, %dma_wait3A_658, %dma_wait3A_662, %dma_wait3A_663] : memref<50x4x128x8x128xf32, #tpu.memory_space<hbm>> -> memref<1x1x1x8x128xf32, #tpu.memory_space<hbm>>
        %dma_wait3A_665 = tpu.memref_squeeze %dma_wait3A_664 : memref<1x1x1x8x128xf32, #tpu.memory_space<hbm>> -> memref<8x128xf32, #tpu.memory_space<hbm>>
        %dma_wait3A_666 = arith.constant 0 : i32
        %dma_wait3A_667 = arith.constant 0 : i32
        %dma_wait3A_668 = tpu.memref_slice %arg13[%dma_wait3A_666, %dma_wait3A_667] : memref<32x128xf32, #tpu.memory_space<vmem>> -> memref<8x128xf32, #tpu.memory_space<vmem>>
        %dma_wait3A_669 = arith.constant 0 : i32
        %dma_wait3A_670 = arith.constant 0 : i32
        %dma_wait3A_671 = tpu.memref_slice %arg4[%dma_wait3A_656, %dma_wait3A_657, %dma_wait3A_658, %dma_wait3A_669, %dma_wait3A_670] : memref<50x4x128x8x128xf32, #tpu.memory_space<hbm>> -> memref<1x1x1x8x128xf32, #tpu.memory_space<hbm>>
        %dma_wait3A_672 = tpu.memref_squeeze %dma_wait3A_671 : memref<1x1x1x8x128xf32, #tpu.memory_space<hbm>> -> memref<8x128xf32, #tpu.memory_space<hbm>>
        tpu.wait_dma2 semaphore(%arg21 : memref<!tpu.dma_semaphore, #tpu.memory_space<semaphore_mem>>) src(%dma_wait3A_672 : memref<8x128xf32, #tpu.memory_space<hbm>>) dst(%dma_wait3A_668 : memref<8x128xf32, #tpu.memory_space<vmem>>)
        %dma_wait3A_673 = arith.constant 0 : i32
        %dma_wait3A_674 = arith.constant 1 : i32
        %dma_wait3A_675 = arith.constant 0 : i32
        %dma_wait3A_676 = arith.constant 8 : i32
        %dma_wait3A_677 = arith.constant 0 : i32
        %dma_wait3A_678 = tpu.memref_slice %arg13[%dma_wait3A_676, %dma_wait3A_677] : memref<32x128xf32, #tpu.memory_space<vmem>> -> memref<8x128xf32, #tpu.memory_space<vmem>>
        %dma_wait3A_679 = arith.constant 0 : i32
        %dma_wait3A_680 = arith.constant 0 : i32
        %dma_wait3A_681 = tpu.memref_slice %arg4[%dma_wait3A_673, %dma_wait3A_674, %dma_wait3A_675, %dma_wait3A_679, %dma_wait3A_680] : memref<50x4x128x8x128xf32, #tpu.memory_space<hbm>> -> memref<1x1x1x8x128xf32, #tpu.memory_space<hbm>>
        %dma_wait3A_682 = tpu.memref_squeeze %dma_wait3A_681 : memref<1x1x1x8x128xf32, #tpu.memory_space<hbm>> -> memref<8x128xf32, #tpu.memory_space<hbm>>
        %dma_wait3A_683 = arith.constant 8 : i32
        %dma_wait3A_684 = arith.constant 0 : i32
        %dma_wait3A_685 = tpu.memref_slice %arg13[%dma_wait3A_683, %dma_wait3A_684] : memref<32x128xf32, #tpu.memory_space<vmem>> -> memref<8x128xf32, #tpu.memory_space<vmem>>
        %dma_wait3A_686 = arith.constant 0 : i32
        %dma_wait3A_687 = arith.constant 0 : i32
        %dma_wait3A_688 = tpu.memref_slice %arg4[%dma_wait3A_673, %dma_wait3A_674, %dma_wait3A_675, %dma_wait3A_686, %dma_wait3A_687] : memref<50x4x128x8x128xf32, #tpu.memory_space<hbm>> -> memref<1x1x1x8x128xf32, #tpu.memory_space<hbm>>
        %dma_wait3A_689 = tpu.memref_squeeze %dma_wait3A_688 : memref<1x1x1x8x128xf32, #tpu.memory_space<hbm>> -> memref<8x128xf32, #tpu.memory_space<hbm>>
        tpu.wait_dma2 semaphore(%arg21 : memref<!tpu.dma_semaphore, #tpu.memory_space<semaphore_mem>>) src(%dma_wait3A_689 : memref<8x128xf32, #tpu.memory_space<hbm>>) dst(%dma_wait3A_685 : memref<8x128xf32, #tpu.memory_space<vmem>>)
        %dma_wait3A_690 = arith.constant 0 : i32
        %dma_wait3A_691 = arith.constant 2 : i32
        %dma_wait3A_692 = arith.constant 0 : i32
        %dma_wait3A_693 = arith.constant 16 : i32
        %dma_wait3A_694 = arith.constant 0 : i32
        %dma_wait3A_695 = tpu.memref_slice %arg13[%dma_wait3A_693, %dma_wait3A_694] : memref<32x128xf32, #tpu.memory_space<vmem>> -> memref<8x128xf32, #tpu.memory_space<vmem>>
        %dma_wait3A_696 = arith.constant 0 : i32
        %dma_wait3A_697 = arith.constant 0 : i32
        %dma_wait3A_698 = tpu.memref_slice %arg4[%dma_wait3A_690, %dma_wait3A_691, %dma_wait3A_692, %dma_wait3A_696, %dma_wait3A_697] : memref<50x4x128x8x128xf32, #tpu.memory_space<hbm>> -> memref<1x1x1x8x128xf32, #tpu.memory_space<hbm>>
        %dma_wait3A_699 = tpu.memref_squeeze %dma_wait3A_698 : memref<1x1x1x8x128xf32, #tpu.memory_space<hbm>> -> memref<8x128xf32, #tpu.memory_space<hbm>>
        %dma_wait3A_700 = arith.constant 16 : i32
        %dma_wait3A_701 = arith.constant 0 : i32
        %dma_wait3A_702 = tpu.memref_slice %arg13[%dma_wait3A_700, %dma_wait3A_701] : memref<32x128xf32, #tpu.memory_space<vmem>> -> memref<8x128xf32, #tpu.memory_space<vmem>>
        %dma_wait3A_703 = arith.constant 0 : i32
        %dma_wait3A_704 = arith.constant 0 : i32
        %dma_wait3A_705 = tpu.memref_slice %arg4[%dma_wait3A_690, %dma_wait3A_691, %dma_wait3A_692, %dma_wait3A_703, %dma_wait3A_704] : memref<50x4x128x8x128xf32, #tpu.memory_space<hbm>> -> memref<1x1x1x8x128xf32, #tpu.memory_space<hbm>>
        %dma_wait3A_706 = tpu.memref_squeeze %dma_wait3A_705 : memref<1x1x1x8x128xf32, #tpu.memory_space<hbm>> -> memref<8x128xf32, #tpu.memory_space<hbm>>
        tpu.wait_dma2 semaphore(%arg21 : memref<!tpu.dma_semaphore, #tpu.memory_space<semaphore_mem>>) src(%dma_wait3A_706 : memref<8x128xf32, #tpu.memory_space<hbm>>) dst(%dma_wait3A_702 : memref<8x128xf32, #tpu.memory_space<vmem>>)
        %dma_wait3A_707 = arith.constant 0 : i32
        %dma_wait3A_708 = arith.constant 3 : i32
        %dma_wait3A_709 = arith.constant 0 : i32
        %dma_wait3A_710 = arith.constant 24 : i32
        %dma_wait3A_711 = arith.constant 0 : i32
        %dma_wait3A_712 = tpu.memref_slice %arg13[%dma_wait3A_710, %dma_wait3A_711] : memref<32x128xf32, #tpu.memory_space<vmem>> -> memref<8x128xf32, #tpu.memory_space<vmem>>
        %dma_wait3A_713 = arith.constant 0 : i32
        %dma_wait3A_714 = arith.constant 0 : i32
        %dma_wait3A_715 = tpu.memref_slice %arg4[%dma_wait3A_707, %dma_wait3A_708, %dma_wait3A_709, %dma_wait3A_713, %dma_wait3A_714] : memref<50x4x128x8x128xf32, #tpu.memory_space<hbm>> -> memref<1x1x1x8x128xf32, #tpu.memory_space<hbm>>
        %dma_wait3A_716 = tpu.memref_squeeze %dma_wait3A_715 : memref<1x1x1x8x128xf32, #tpu.memory_space<hbm>> -> memref<8x128xf32, #tpu.memory_space<hbm>>
        %dma_wait3A_717 = arith.constant 24 : i32
        %dma_wait3A_718 = arith.constant 0 : i32
        %dma_wait3A_719 = tpu.memref_slice %arg13[%dma_wait3A_717, %dma_wait3A_718] : memref<32x128xf32, #tpu.memory_space<vmem>> -> memref<8x128xf32, #tpu.memory_space<vmem>>
        %dma_wait3A_720 = arith.constant 0 : i32
        %dma_wait3A_721 = arith.constant 0 : i32
        %dma_wait3A_722 = tpu.memref_slice %arg4[%dma_wait3A_707, %dma_wait3A_708, %dma_wait3A_709, %dma_wait3A_720, %dma_wait3A_721] : memref<50x4x128x8x128xf32, #tpu.memory_space<hbm>> -> memref<1x1x1x8x128xf32, #tpu.memory_space<hbm>>
        %dma_wait3A_723 = tpu.memref_squeeze %dma_wait3A_722 : memref<1x1x1x8x128xf32, #tpu.memory_space<hbm>> -> memref<8x128xf32, #tpu.memory_space<hbm>>
        tpu.wait_dma2 semaphore(%arg21 : memref<!tpu.dma_semaphore, #tpu.memory_space<semaphore_mem>>) src(%dma_wait3A_723 : memref<8x128xf32, #tpu.memory_space<hbm>>) dst(%dma_wait3A_719 : memref<8x128xf32, #tpu.memory_space<vmem>>)
      } else {
      }
      %parallel_loop3A_501 = arith.constant 0 : i32
      %parallel_loop3A_502 = arith.constant 32 : i32
      %parallel_loop3A_503 = arith.constant 1 : i32
      scf.for %parallel_loop3A_656 = %parallel_loop3A_501 to %parallel_loop3A_502 step %parallel_loop3A_503  : i32 {
        %parallel_loop3A_657 = arith.constant 0 : i32
        %parallel_loop3A_658 = vector.broadcast %parallel_loop3A_657 : i32 to vector<16xi32>
        %parallel_loop3A_659 = arith.muli %iota3A, %parallel_loop3A_658 : vector<16xi32>
        %parallel_loop3A_660 = vector.broadcast %parallel_loop3A_656 : i32 to vector<16xi32>
        %parallel_loop3A_661 = arith.addi %parallel_loop3A_659, %parallel_loop3A_660 : vector<16xi32>
        %parallel_loop3A_662 = tpu.vector_load_idx %arg9[%add3A_5, %parallel_loop3A_661] : memref<128x32xf32, #tpu.memory_space<vmem>>[vector<16xi32>, vector<16xi32>], vector<16xf32>,
        %parallel_loop3A_663 = arith.index_cast %parallel_loop3A_656 : i32 to index
        %parallel_loop3A_664 = arith.constant 0 : index
        %parallel_loop3A_665 = tpu.vector_load %arg13[%parallel_loop3A_663, %parallel_loop3A_664] {strides = array<i32>} : memref<32x128xf32, #tpu.memory_space<vmem>>, vector<16xf32>,
        tpu.vector_store %arg13[%parallel_loop3A_663, %parallel_loop3A_664], %parallel_loop3A_662 {strides = array<i32>} : memref<32x128xf32, #tpu.memory_space<vmem>>, vector<16xf32>,
        %parallel_loop3A_666 = arith.constant 0 : i32
        %parallel_loop3A_667 = vector.broadcast %parallel_loop3A_666 : i32 to vector<16xi32>
        %parallel_loop3A_668 = arith.muli %iota3A, %parallel_loop3A_667 : vector<16xi32>
        %parallel_loop3A_669 = vector.broadcast %parallel_loop3A_656 : i32 to vector<16xi32>
        %parallel_loop3A_670 = arith.addi %parallel_loop3A_668, %parallel_loop3A_669 : vector<16xi32>
        %parallel_loop3A_671 = tpu.vector_load_idx %arg9[%add3A_8, %parallel_loop3A_670] : memref<128x32xf32, #tpu.memory_space<vmem>>[vector<16xi32>, vector<16xi32>], vector<16xf32>,
        %parallel_loop3A_672 = arith.index_cast %parallel_loop3A_656 : i32 to index
        %parallel_loop3A_673 = arith.constant 16 : index
        %parallel_loop3A_674 = tpu.vector_load %arg13[%parallel_loop3A_672, %parallel_loop3A_673] {strides = array<i32>} : memref<32x128xf32, #tpu.memory_space<vmem>>, vector<16xf32>,
        tpu.vector_store %arg13[%parallel_loop3A_672, %parallel_loop3A_673], %parallel_loop3A_671 {strides = array<i32>} : memref<32x128xf32, #tpu.memory_space<vmem>>, vector<16xf32>,
        %parallel_loop3A_675 = arith.constant 0 : i32
        %parallel_loop3A_676 = vector.broadcast %parallel_loop3A_675 : i32 to vector<16xi32>
        %parallel_loop3A_677 = arith.muli %iota3A, %parallel_loop3A_676 : vector<16xi32>
        %parallel_loop3A_678 = vector.broadcast %parallel_loop3A_656 : i32 to vector<16xi32>
        %parallel_loop3A_679 = arith.addi %parallel_loop3A_677, %parallel_loop3A_678 : vector<16xi32>
        %parallel_loop3A_680 = tpu.vector_load_idx %arg9[%add3A_11, %parallel_loop3A_679] : memref<128x32xf32, #tpu.memory_space<vmem>>[vector<16xi32>, vector<16xi32>], vector<16xf32>,
        %parallel_loop3A_681 = arith.index_cast %parallel_loop3A_656 : i32 to index
        %parallel_loop3A_682 = arith.constant 32 : index
        %parallel_loop3A_683 = tpu.vector_load %arg13[%parallel_loop3A_681, %parallel_loop3A_682] {strides = array<i32>} : memref<32x128xf32, #tpu.memory_space<vmem>>, vector<16xf32>,
        tpu.vector_store %arg13[%parallel_loop3A_681, %parallel_loop3A_682], %parallel_loop3A_680 {strides = array<i32>} : memref<32x128xf32, #tpu.memory_space<vmem>>, vector<16xf32>,
        %parallel_loop3A_684 = arith.constant 0 : i32
        %parallel_loop3A_685 = vector.broadcast %parallel_loop3A_684 : i32 to vector<16xi32>
        %parallel_loop3A_686 = arith.muli %iota3A, %parallel_loop3A_685 : vector<16xi32>
        %parallel_loop3A_687 = vector.broadcast %parallel_loop3A_656 : i32 to vector<16xi32>
        %parallel_loop3A_688 = arith.addi %parallel_loop3A_686, %parallel_loop3A_687 : vector<16xi32>
        %parallel_loop3A_689 = tpu.vector_load_idx %arg9[%add3A_14, %parallel_loop3A_688] : memref<128x32xf32, #tpu.memory_space<vmem>>[vector<16xi32>, vector<16xi32>], vector<16xf32>,
        %parallel_loop3A_690 = arith.index_cast %parallel_loop3A_656 : i32 to index
        %parallel_loop3A_691 = arith.constant 48 : index
        %parallel_loop3A_692 = tpu.vector_load %arg13[%parallel_loop3A_690, %parallel_loop3A_691] {strides = array<i32>} : memref<32x128xf32, #tpu.memory_space<vmem>>, vector<16xf32>,
        tpu.vector_store %arg13[%parallel_loop3A_690, %parallel_loop3A_691], %parallel_loop3A_689 {strides = array<i32>} : memref<32x128xf32, #tpu.memory_space<vmem>>, vector<16xf32>,
        %parallel_loop3A_693 = arith.constant 0 : i32
        %parallel_loop3A_694 = vector.broadcast %parallel_loop3A_693 : i32 to vector<16xi32>
        %parallel_loop3A_695 = arith.muli %iota3A, %parallel_loop3A_694 : vector<16xi32>
        %parallel_loop3A_696 = vector.broadcast %parallel_loop3A_656 : i32 to vector<16xi32>
        %parallel_loop3A_697 = arith.addi %parallel_loop3A_695, %parallel_loop3A_696 : vector<16xi32>
        %parallel_loop3A_698 = tpu.vector_load_idx %arg9[%add3A_17, %parallel_loop3A_697] : memref<128x32xf32, #tpu.memory_space<vmem>>[vector<16xi32>, vector<16xi32>], vector<16xf32>,
        %parallel_loop3A_699 = arith.index_cast %parallel_loop3A_656 : i32 to index
        %parallel_loop3A_700 = arith.constant 64 : index
        %parallel_loop3A_701 = tpu.vector_load %arg13[%parallel_loop3A_699, %parallel_loop3A_700] {strides = array<i32>} : memref<32x128xf32, #tpu.memory_space<vmem>>, vector<16xf32>,
        tpu.vector_store %arg13[%parallel_loop3A_699, %parallel_loop3A_700], %parallel_loop3A_698 {strides = array<i32>} : memref<32x128xf32, #tpu.memory_space<vmem>>, vector<16xf32>,
        %parallel_loop3A_702 = arith.constant 0 : i32
        %parallel_loop3A_703 = vector.broadcast %parallel_loop3A_702 : i32 to vector<16xi32>
        %parallel_loop3A_704 = arith.muli %iota3A, %parallel_loop3A_703 : vector<16xi32>
        %parallel_loop3A_705 = vector.broadcast %parallel_loop3A_656 : i32 to vector<16xi32>
        %parallel_loop3A_706 = arith.addi %parallel_loop3A_704, %parallel_loop3A_705 : vector<16xi32>
        %parallel_loop3A_707 = tpu.vector_load_idx %arg9[%add3A_20, %parallel_loop3A_706] : memref<128x32xf32, #tpu.memory_space<vmem>>[vector<16xi32>, vector<16xi32>], vector<16xf32>,
        %parallel_loop3A_708 = arith.index_cast %parallel_loop3A_656 : i32 to index
        %parallel_loop3A_709 = arith.constant 80 : index
        %parallel_loop3A_710 = tpu.vector_load %arg13[%parallel_loop3A_708, %parallel_loop3A_709] {strides = array<i32>} : memref<32x128xf32, #tpu.memory_space<vmem>>, vector<16xf32>,
        tpu.vector_store %arg13[%parallel_loop3A_708, %parallel_loop3A_709], %parallel_loop3A_707 {strides = array<i32>} : memref<32x128xf32, #tpu.memory_space<vmem>>, vector<16xf32>,
        %parallel_loop3A_711 = arith.constant 0 : i32
        %parallel_loop3A_712 = vector.broadcast %parallel_loop3A_711 : i32 to vector<16xi32>
        %parallel_loop3A_713 = arith.muli %iota3A, %parallel_loop3A_712 : vector<16xi32>
        %parallel_loop3A_714 = vector.broadcast %parallel_loop3A_656 : i32 to vector<16xi32>
        %parallel_loop3A_715 = arith.addi %parallel_loop3A_713, %parallel_loop3A_714 : vector<16xi32>
        %parallel_loop3A_716 = tpu.vector_load_idx %arg9[%add3A_23, %parallel_loop3A_715] : memref<128x32xf32, #tpu.memory_space<vmem>>[vector<16xi32>, vector<16xi32>], vector<16xf32>,
        %parallel_loop3A_717 = arith.index_cast %parallel_loop3A_656 : i32 to index
        %parallel_loop3A_718 = arith.constant 96 : index
        %parallel_loop3A_719 = tpu.vector_load %arg13[%parallel_loop3A_717, %parallel_loop3A_718] {strides = array<i32>} : memref<32x128xf32, #tpu.memory_space<vmem>>, vector<16xf32>,
        tpu.vector_store %arg13[%parallel_loop3A_717, %parallel_loop3A_718], %parallel_loop3A_716 {strides = array<i32>} : memref<32x128xf32, #tpu.memory_space<vmem>>, vector<16xf32>,
        %parallel_loop3A_720 = arith.constant 0 : i32
        %parallel_loop3A_721 = vector.broadcast %parallel_loop3A_720 : i32 to vector<16xi32>
        %parallel_loop3A_722 = arith.muli %iota3A, %parallel_loop3A_721 : vector<16xi32>
        %parallel_loop3A_723 = vector.broadcast %parallel_loop3A_656 : i32 to vector<16xi32>
        %parallel_loop3A_724 = arith.addi %parallel_loop3A_722, %parallel_loop3A_723 : vector<16xi32>
        %parallel_loop3A_725 = tpu.vector_load_idx %arg9[%add3A_26, %parallel_loop3A_724] : memref<128x32xf32, #tpu.memory_space<vmem>>[vector<16xi32>, vector<16xi32>], vector<16xf32>,
        %parallel_loop3A_726 = arith.index_cast %parallel_loop3A_656 : i32 to index
        %parallel_loop3A_727 = arith.constant 112 : index
        %parallel_loop3A_728 = tpu.vector_load %arg13[%parallel_loop3A_726, %parallel_loop3A_727] {strides = array<i32>} : memref<32x128xf32, #tpu.memory_space<vmem>>, vector<16xf32>,
        tpu.vector_store %arg13[%parallel_loop3A_726, %parallel_loop3A_727], %parallel_loop3A_725 {strides = array<i32>} : memref<32x128xf32, #tpu.memory_space<vmem>>, vector<16xf32>,
      } {sc.loop_unroll_factor = 8 : i64, sc.parallel_access}
      %mul3A_504 = arith.constant 4 : i32
      %mul3A_505 = arith.muli %add3A, %mul3A_504 : i32
      %add3A_506 = arith.constant 2 : i32
      %add3A_507 = arith.addi %mul3A_505, %add3A_506 : i32
      %dma_start3A_508 = arith.constant 0 : i32
      %dma_start3A_509 = arith.constant 0 : i32
      %dma_start3A_510 = arith.constant 0 : i32
      %dma_start3A_511 = tpu.memref_slice %arg13[%dma_start3A_509, %dma_start3A_510] : memref<32x128xf32, #tpu.memory_space<vmem>> -> memref<8x128xf32, #tpu.memory_space<vmem>>
      %dma_start3A_512 = arith.constant 0 : i32
      %dma_start3A_513 = arith.constant 0 : i32
      %dma_start3A_514 = tpu.memref_slice %arg4[%add3A_327, %dma_start3A_508, %add3A_507, %dma_start3A_512, %dma_start3A_513] : memref<50x4x128x8x128xf32, #tpu.memory_space<hbm>> -> memref<1x1x1x8x128xf32, #tpu.memory_space<hbm>>
      %dma_start3A_515 = tpu.memref_squeeze %dma_start3A_514 : memref<1x1x1x8x128xf32, #tpu.memory_space<hbm>> -> memref<8x128xf32, #tpu.memory_space<hbm>>
      %dma_start3A_516 = arith.constant 0 : i32
      %dma_start3A_517 = arith.constant 0 : i32
      %dma_start3A_518 = tpu.memref_slice %arg4[%add3A_327, %dma_start3A_508, %add3A_507, %dma_start3A_516, %dma_start3A_517] : memref<50x4x128x8x128xf32, #tpu.memory_space<hbm>> -> memref<1x1x1x8x128xf32, #tpu.memory_space<hbm>>
      %dma_start3A_519 = tpu.memref_squeeze %dma_start3A_518 : memref<1x1x1x8x128xf32, #tpu.memory_space<hbm>> -> memref<8x128xf32, #tpu.memory_space<hbm>>
      %dma_start3A_520 = arith.constant 0 : i32
      %dma_start3A_521 = arith.constant 0 : i32
      %dma_start3A_522 = tpu.memref_slice %arg13[%dma_start3A_520, %dma_start3A_521] : memref<32x128xf32, #tpu.memory_space<vmem>> -> memref<8x128xf32, #tpu.memory_space<vmem>>
      tpu.enqueue_dma source(%dma_start3A_522 : memref<8x128xf32, #tpu.memory_space<vmem>>) target(%dma_start3A_519 : memref<8x128xf32, #tpu.memory_space<hbm>>) target_semaphore(%arg21 : memref<!tpu.dma_semaphore, #tpu.memory_space<semaphore_mem>>)
      %dma_start3A_523 = arith.constant 1 : i32
      %dma_start3A_524 = arith.constant 8 : i32
      %dma_start3A_525 = arith.constant 0 : i32
      %dma_start3A_526 = tpu.memref_slice %arg13[%dma_start3A_524, %dma_start3A_525] : memref<32x128xf32, #tpu.memory_space<vmem>> -> memref<8x128xf32, #tpu.memory_space<vmem>>
      %dma_start3A_527 = arith.constant 0 : i32
      %dma_start3A_528 = arith.constant 0 : i32
      %dma_start3A_529 = tpu.memref_slice %arg4[%add3A_327, %dma_start3A_523, %add3A_507, %dma_start3A_527, %dma_start3A_528] : memref<50x4x128x8x128xf32, #tpu.memory_space<hbm>> -> memref<1x1x1x8x128xf32, #tpu.memory_space<hbm>>
      %dma_start3A_530 = tpu.memref_squeeze %dma_start3A_529 : memref<1x1x1x8x128xf32, #tpu.memory_space<hbm>> -> memref<8x128xf32, #tpu.memory_space<hbm>>
      %dma_start3A_531 = arith.constant 0 : i32
      %dma_start3A_532 = arith.constant 0 : i32
      %dma_start3A_533 = tpu.memref_slice %arg4[%add3A_327, %dma_start3A_523, %add3A_507, %dma_start3A_531, %dma_start3A_532] : memref<50x4x128x8x128xf32, #tpu.memory_space<hbm>> -> memref<1x1x1x8x128xf32, #tpu.memory_space<hbm>>
      %dma_start3A_534 = tpu.memref_squeeze %dma_start3A_533 : memref<1x1x1x8x128xf32, #tpu.memory_space<hbm>> -> memref<8x128xf32, #tpu.memory_space<hbm>>
      %dma_start3A_535 = arith.constant 8 : i32
      %dma_start3A_536 = arith.constant 0 : i32
      %dma_start3A_537 = tpu.memref_slice %arg13[%dma_start3A_535, %dma_start3A_536] : memref<32x128xf32, #tpu.memory_space<vmem>> -> memref<8x128xf32, #tpu.memory_space<vmem>>
      tpu.enqueue_dma source(%dma_start3A_537 : memref<8x128xf32, #tpu.memory_space<vmem>>) target(%dma_start3A_534 : memref<8x128xf32, #tpu.memory_space<hbm>>) target_semaphore(%arg21 : memref<!tpu.dma_semaphore, #tpu.memory_space<semaphore_mem>>)
      %dma_start3A_538 = arith.constant 2 : i32
      %dma_start3A_539 = arith.constant 16 : i32
      %dma_start3A_540 = arith.constant 0 : i32
      %dma_start3A_541 = tpu.memref_slice %arg13[%dma_start3A_539, %dma_start3A_540] : memref<32x128xf32, #tpu.memory_space<vmem>> -> memref<8x128xf32, #tpu.memory_space<vmem>>
      %dma_start3A_542 = arith.constant 0 : i32
      %dma_start3A_543 = arith.constant 0 : i32
      %dma_start3A_544 = tpu.memref_slice %arg4[%add3A_327, %dma_start3A_538, %add3A_507, %dma_start3A_542, %dma_start3A_543] : memref<50x4x128x8x128xf32, #tpu.memory_space<hbm>> -> memref<1x1x1x8x128xf32, #tpu.memory_space<hbm>>
      %dma_start3A_545 = tpu.memref_squeeze %dma_start3A_544 : memref<1x1x1x8x128xf32, #tpu.memory_space<hbm>> -> memref<8x128xf32, #tpu.memory_space<hbm>>
      %dma_start3A_546 = arith.constant 0 : i32
      %dma_start3A_547 = arith.constant 0 : i32
      %dma_start3A_548 = tpu.memref_slice %arg4[%add3A_327, %dma_start3A_538, %add3A_507, %dma_start3A_546, %dma_start3A_547] : memref<50x4x128x8x128xf32, #tpu.memory_space<hbm>> -> memref<1x1x1x8x128xf32, #tpu.memory_space<hbm>>
      %dma_start3A_549 = tpu.memref_squeeze %dma_start3A_548 : memref<1x1x1x8x128xf32, #tpu.memory_space<hbm>> -> memref<8x128xf32, #tpu.memory_space<hbm>>
      %dma_start3A_550 = arith.constant 16 : i32
      %dma_start3A_551 = arith.constant 0 : i32
      %dma_start3A_552 = tpu.memref_slice %arg13[%dma_start3A_550, %dma_start3A_551] : memref<32x128xf32, #tpu.memory_space<vmem>> -> memref<8x128xf32, #tpu.memory_space<vmem>>
      tpu.enqueue_dma source(%dma_start3A_552 : memref<8x128xf32, #tpu.memory_space<vmem>>) target(%dma_start3A_549 : memref<8x128xf32, #tpu.memory_space<hbm>>) target_semaphore(%arg21 : memref<!tpu.dma_semaphore, #tpu.memory_space<semaphore_mem>>)
      %dma_start3A_553 = arith.constant 3 : i32
      %dma_start3A_554 = arith.constant 24 : i32
      %dma_start3A_555 = arith.constant 0 : i32
      %dma_start3A_556 = tpu.memref_slice %arg13[%dma_start3A_554, %dma_start3A_555] : memref<32x128xf32, #tpu.memory_space<vmem>> -> memref<8x128xf32, #tpu.memory_space<vmem>>
      %dma_start3A_557 = arith.constant 0 : i32
      %dma_start3A_558 = arith.constant 0 : i32
      %dma_start3A_559 = tpu.memref_slice %arg4[%add3A_327, %dma_start3A_553, %add3A_507, %dma_start3A_557, %dma_start3A_558] : memref<50x4x128x8x128xf32, #tpu.memory_space<hbm>> -> memref<1x1x1x8x128xf32, #tpu.memory_space<hbm>>
      %dma_start3A_560 = tpu.memref_squeeze %dma_start3A_559 : memref<1x1x1x8x128xf32, #tpu.memory_space<hbm>> -> memref<8x128xf32, #tpu.memory_space<hbm>>
      %dma_start3A_561 = arith.constant 0 : i32
      %dma_start3A_562 = arith.constant 0 : i32
      %dma_start3A_563 = tpu.memref_slice %arg4[%add3A_327, %dma_start3A_553, %add3A_507, %dma_start3A_561, %dma_start3A_562] : memref<50x4x128x8x128xf32, #tpu.memory_space<hbm>> -> memref<1x1x1x8x128xf32, #tpu.memory_space<hbm>>
      %dma_start3A_564 = tpu.memref_squeeze %dma_start3A_563 : memref<1x1x1x8x128xf32, #tpu.memory_space<hbm>> -> memref<8x128xf32, #tpu.memory_space<hbm>>
      %dma_start3A_565 = arith.constant 24 : i32
      %dma_start3A_566 = arith.constant 0 : i32
      %dma_start3A_567 = tpu.memref_slice %arg13[%dma_start3A_565, %dma_start3A_566] : memref<32x128xf32, #tpu.memory_space<vmem>> -> memref<8x128xf32, #tpu.memory_space<vmem>>
      tpu.enqueue_dma source(%dma_start3A_567 : memref<8x128xf32, #tpu.memory_space<vmem>>) target(%dma_start3A_564 : memref<8x128xf32, #tpu.memory_space<hbm>>) target_semaphore(%arg21 : memref<!tpu.dma_semaphore, #tpu.memory_space<semaphore_mem>>)
      %lt3A_568 = arith.constant 49 : i32
      %lt3A_569 = arith.cmpi slt, %add3A_327, %lt3A_568 : i32
      %convert_element_type3A_570 = arith.extui %lt3A_569 : i1 to i32
      %cond3A_571 = arith.constant 0 : i32
      %cond3A_572 = arith.cmpi ne, %convert_element_type3A_570, %cond3A_571 : i32
      scf.if %cond3A_572 {
        %add3A_656 = arith.constant 1 : i32
        %add3A_657 = arith.addi %add3A_327, %add3A_656 : i32
        %mul3A_658 = arith.constant 512 : i32
        %mul3A_659 = arith.muli %add3A_657, %mul3A_658 : i32
        %add3A_660 = arith.constant 256 : i32
        %add3A_661 = arith.addi %mul3A_659, %add3A_660 : i32
        %dma_start3A_662 = tpu.memref_slice %arg6[%add3A_661] : memref<25600xi32, #tpu.memory_space<vmem>> -> memref<128xi32, #tpu.memory_space<vmem>>
        %dma_start3A_663 = arith.constant 0 : i32
        %dma_start3A_664 = arith.constant 0 : i32
        %dma_start3A_665 = tpu.memref_slice %arg2[%dma_start3A_663, %dma_start3A_664] : memref<1000000x32xf32, #tpu.memory_space<hbm>> -> memref<1000000x32xf32, #tpu.memory_space<hbm>>
        tpu.enqueue_indirect_dma source(%dma_start3A_665 : memref<1000000x32xf32, #tpu.memory_space<hbm>>) target(%arg9 : memref<128x32xf32, #tpu.memory_space<vmem>>) offsets(%dma_start3A_662 : memref<128xi32, #tpu.memory_space<vmem>>) semaphore(%arg17 : memref<!tpu.dma_semaphore, #tpu.memory_space<semaphore_mem>>)
      } else {
      }
      %dma_wait3A_573 = arith.constant 0 : i32
      %dma_wait3A_574 = arith.constant 0 : i32
      %dma_wait3A_575 = tpu.memref_slice %arg2[%dma_wait3A_573, %dma_wait3A_574] : memref<1000000x32xf32, #tpu.memory_space<hbm>> -> memref<128x32xf32, #tpu.memory_space<hbm>>
      %dma_wait3A_576 = arith.constant 0 : i32
      %dma_wait3A_577 = arith.constant 0 : i32
      %dma_wait3A_578 = tpu.memref_slice %arg2[%dma_wait3A_576, %dma_wait3A_577] : memref<1000000x32xf32, #tpu.memory_space<hbm>> -> memref<128x32xf32, #tpu.memory_space<hbm>>
      tpu.wait_dma2 semaphore(%arg18 : memref<!tpu.dma_semaphore, #tpu.memory_space<semaphore_mem>>) src(%dma_wait3A_578 : memref<128x32xf32, #tpu.memory_space<hbm>>) dst(%arg10 : memref<128x32xf32, #tpu.memory_space<vmem>>)
      %ge3A_579 = arith.constant 1 : i32
      %ge3A_580 = arith.cmpi sge, %add3A_327, %ge3A_579 : i32
      %convert_element_type3A_581 = arith.extui %ge3A_580 : i1 to i32
      %cond3A_582 = arith.constant 0 : i32
      %cond3A_583 = arith.cmpi ne, %convert_element_type3A_581, %cond3A_582 : i32
      scf.if %cond3A_583 {
        %dma_wait3A_656 = arith.constant 0 : i32
        %dma_wait3A_657 = arith.constant 0 : i32
        %dma_wait3A_658 = arith.constant 0 : i32
        %dma_wait3A_659 = arith.constant 0 : i32
        %dma_wait3A_660 = arith.constant 0 : i32
        %dma_wait3A_661 = tpu.memref_slice %arg14[%dma_wait3A_659, %dma_wait3A_660] : memref<32x128xf32, #tpu.memory_space<vmem>> -> memref<8x128xf32, #tpu.memory_space<vmem>>
        %dma_wait3A_662 = arith.constant 0 : i32
        %dma_wait3A_663 = arith.constant 0 : i32
        %dma_wait3A_664 = tpu.memref_slice %arg4[%dma_wait3A_656, %dma_wait3A_657, %dma_wait3A_658, %dma_wait3A_662, %dma_wait3A_663] : memref<50x4x128x8x128xf32, #tpu.memory_space<hbm>> -> memref<1x1x1x8x128xf32, #tpu.memory_space<hbm>>
        %dma_wait3A_665 = tpu.memref_squeeze %dma_wait3A_664 : memref<1x1x1x8x128xf32, #tpu.memory_space<hbm>> -> memref<8x128xf32, #tpu.memory_space<hbm>>
        %dma_wait3A_666 = arith.constant 0 : i32
        %dma_wait3A_667 = arith.constant 0 : i32
        %dma_wait3A_668 = tpu.memref_slice %arg14[%dma_wait3A_666, %dma_wait3A_667] : memref<32x128xf32, #tpu.memory_space<vmem>> -> memref<8x128xf32, #tpu.memory_space<vmem>>
        %dma_wait3A_669 = arith.constant 0 : i32
        %dma_wait3A_670 = arith.constant 0 : i32
        %dma_wait3A_671 = tpu.memref_slice %arg4[%dma_wait3A_656, %dma_wait3A_657, %dma_wait3A_658, %dma_wait3A_669, %dma_wait3A_670] : memref<50x4x128x8x128xf32, #tpu.memory_space<hbm>> -> memref<1x1x1x8x128xf32, #tpu.memory_space<hbm>>
        %dma_wait3A_672 = tpu.memref_squeeze %dma_wait3A_671 : memref<1x1x1x8x128xf32, #tpu.memory_space<hbm>> -> memref<8x128xf32, #tpu.memory_space<hbm>>
        tpu.wait_dma2 semaphore(%arg22 : memref<!tpu.dma_semaphore, #tpu.memory_space<semaphore_mem>>) src(%dma_wait3A_672 : memref<8x128xf32, #tpu.memory_space<hbm>>) dst(%dma_wait3A_668 : memref<8x128xf32, #tpu.memory_space<vmem>>)
        %dma_wait3A_673 = arith.constant 0 : i32
        %dma_wait3A_674 = arith.constant 1 : i32
        %dma_wait3A_675 = arith.constant 0 : i32
        %dma_wait3A_676 = arith.constant 8 : i32
        %dma_wait3A_677 = arith.constant 0 : i32
        %dma_wait3A_678 = tpu.memref_slice %arg14[%dma_wait3A_676, %dma_wait3A_677] : memref<32x128xf32, #tpu.memory_space<vmem>> -> memref<8x128xf32, #tpu.memory_space<vmem>>
        %dma_wait3A_679 = arith.constant 0 : i32
        %dma_wait3A_680 = arith.constant 0 : i32
        %dma_wait3A_681 = tpu.memref_slice %arg4[%dma_wait3A_673, %dma_wait3A_674, %dma_wait3A_675, %dma_wait3A_679, %dma_wait3A_680] : memref<50x4x128x8x128xf32, #tpu.memory_space<hbm>> -> memref<1x1x1x8x128xf32, #tpu.memory_space<hbm>>
        %dma_wait3A_682 = tpu.memref_squeeze %dma_wait3A_681 : memref<1x1x1x8x128xf32, #tpu.memory_space<hbm>> -> memref<8x128xf32, #tpu.memory_space<hbm>>
        %dma_wait3A_683 = arith.constant 8 : i32
        %dma_wait3A_684 = arith.constant 0 : i32
        %dma_wait3A_685 = tpu.memref_slice %arg14[%dma_wait3A_683, %dma_wait3A_684] : memref<32x128xf32, #tpu.memory_space<vmem>> -> memref<8x128xf32, #tpu.memory_space<vmem>>
        %dma_wait3A_686 = arith.constant 0 : i32
        %dma_wait3A_687 = arith.constant 0 : i32
        %dma_wait3A_688 = tpu.memref_slice %arg4[%dma_wait3A_673, %dma_wait3A_674, %dma_wait3A_675, %dma_wait3A_686, %dma_wait3A_687] : memref<50x4x128x8x128xf32, #tpu.memory_space<hbm>> -> memref<1x1x1x8x128xf32, #tpu.memory_space<hbm>>
        %dma_wait3A_689 = tpu.memref_squeeze %dma_wait3A_688 : memref<1x1x1x8x128xf32, #tpu.memory_space<hbm>> -> memref<8x128xf32, #tpu.memory_space<hbm>>
        tpu.wait_dma2 semaphore(%arg22 : memref<!tpu.dma_semaphore, #tpu.memory_space<semaphore_mem>>) src(%dma_wait3A_689 : memref<8x128xf32, #tpu.memory_space<hbm>>) dst(%dma_wait3A_685 : memref<8x128xf32, #tpu.memory_space<vmem>>)
        %dma_wait3A_690 = arith.constant 0 : i32
        %dma_wait3A_691 = arith.constant 2 : i32
        %dma_wait3A_692 = arith.constant 0 : i32
        %dma_wait3A_693 = arith.constant 16 : i32
        %dma_wait3A_694 = arith.constant 0 : i32
        %dma_wait3A_695 = tpu.memref_slice %arg14[%dma_wait3A_693, %dma_wait3A_694] : memref<32x128xf32, #tpu.memory_space<vmem>> -> memref<8x128xf32, #tpu.memory_space<vmem>>
        %dma_wait3A_696 = arith.constant 0 : i32
        %dma_wait3A_697 = arith.constant 0 : i32
        %dma_wait3A_698 = tpu.memref_slice %arg4[%dma_wait3A_690, %dma_wait3A_691, %dma_wait3A_692, %dma_wait3A_696, %dma_wait3A_697] : memref<50x4x128x8x128xf32, #tpu.memory_space<hbm>> -> memref<1x1x1x8x128xf32, #tpu.memory_space<hbm>>
        %dma_wait3A_699 = tpu.memref_squeeze %dma_wait3A_698 : memref<1x1x1x8x128xf32, #tpu.memory_space<hbm>> -> memref<8x128xf32, #tpu.memory_space<hbm>>
        %dma_wait3A_700 = arith.constant 16 : i32
        %dma_wait3A_701 = arith.constant 0 : i32
        %dma_wait3A_702 = tpu.memref_slice %arg14[%dma_wait3A_700, %dma_wait3A_701] : memref<32x128xf32, #tpu.memory_space<vmem>> -> memref<8x128xf32, #tpu.memory_space<vmem>>
        %dma_wait3A_703 = arith.constant 0 : i32
        %dma_wait3A_704 = arith.constant 0 : i32
        %dma_wait3A_705 = tpu.memref_slice %arg4[%dma_wait3A_690, %dma_wait3A_691, %dma_wait3A_692, %dma_wait3A_703, %dma_wait3A_704] : memref<50x4x128x8x128xf32, #tpu.memory_space<hbm>> -> memref<1x1x1x8x128xf32, #tpu.memory_space<hbm>>
        %dma_wait3A_706 = tpu.memref_squeeze %dma_wait3A_705 : memref<1x1x1x8x128xf32, #tpu.memory_space<hbm>> -> memref<8x128xf32, #tpu.memory_space<hbm>>
        tpu.wait_dma2 semaphore(%arg22 : memref<!tpu.dma_semaphore, #tpu.memory_space<semaphore_mem>>) src(%dma_wait3A_706 : memref<8x128xf32, #tpu.memory_space<hbm>>) dst(%dma_wait3A_702 : memref<8x128xf32, #tpu.memory_space<vmem>>)
        %dma_wait3A_707 = arith.constant 0 : i32
        %dma_wait3A_708 = arith.constant 3 : i32
        %dma_wait3A_709 = arith.constant 0 : i32
        %dma_wait3A_710 = arith.constant 24 : i32
        %dma_wait3A_711 = arith.constant 0 : i32
        %dma_wait3A_712 = tpu.memref_slice %arg14[%dma_wait3A_710, %dma_wait3A_711] : memref<32x128xf32, #tpu.memory_space<vmem>> -> memref<8x128xf32, #tpu.memory_space<vmem>>
        %dma_wait3A_713 = arith.constant 0 : i32
        %dma_wait3A_714 = arith.constant 0 : i32
        %dma_wait3A_715 = tpu.memref_slice %arg4[%dma_wait3A_707, %dma_wait3A_708, %dma_wait3A_709, %dma_wait3A_713, %dma_wait3A_714] : memref<50x4x128x8x128xf32, #tpu.memory_space<hbm>> -> memref<1x1x1x8x128xf32, #tpu.memory_space<hbm>>
        %dma_wait3A_716 = tpu.memref_squeeze %dma_wait3A_715 : memref<1x1x1x8x128xf32, #tpu.memory_space<hbm>> -> memref<8x128xf32, #tpu.memory_space<hbm>>
        %dma_wait3A_717 = arith.constant 24 : i32
        %dma_wait3A_718 = arith.constant 0 : i32
        %dma_wait3A_719 = tpu.memref_slice %arg14[%dma_wait3A_717, %dma_wait3A_718] : memref<32x128xf32, #tpu.memory_space<vmem>> -> memref<8x128xf32, #tpu.memory_space<vmem>>
        %dma_wait3A_720 = arith.constant 0 : i32
        %dma_wait3A_721 = arith.constant 0 : i32
        %dma_wait3A_722 = tpu.memref_slice %arg4[%dma_wait3A_707, %dma_wait3A_708, %dma_wait3A_709, %dma_wait3A_720, %dma_wait3A_721] : memref<50x4x128x8x128xf32, #tpu.memory_space<hbm>> -> memref<1x1x1x8x128xf32, #tpu.memory_space<hbm>>
        %dma_wait3A_723 = tpu.memref_squeeze %dma_wait3A_722 : memref<1x1x1x8x128xf32, #tpu.memory_space<hbm>> -> memref<8x128xf32, #tpu.memory_space<hbm>>
        tpu.wait_dma2 semaphore(%arg22 : memref<!tpu.dma_semaphore, #tpu.memory_space<semaphore_mem>>) src(%dma_wait3A_723 : memref<8x128xf32, #tpu.memory_space<hbm>>) dst(%dma_wait3A_719 : memref<8x128xf32, #tpu.memory_space<vmem>>)
      } else {
      }
      %parallel_loop3A_584 = arith.constant 0 : i32
      %parallel_loop3A_585 = arith.constant 32 : i32
      %parallel_loop3A_586 = arith.constant 1 : i32
      scf.for %parallel_loop3A_656 = %parallel_loop3A_584 to %parallel_loop3A_585 step %parallel_loop3A_586  : i32 {
        %parallel_loop3A_657 = arith.constant 0 : i32
        %parallel_loop3A_658 = vector.broadcast %parallel_loop3A_657 : i32 to vector<16xi32>
        %parallel_loop3A_659 = arith.muli %iota3A, %parallel_loop3A_658 : vector<16xi32>
        %parallel_loop3A_660 = vector.broadcast %parallel_loop3A_656 : i32 to vector<16xi32>
        %parallel_loop3A_661 = arith.addi %parallel_loop3A_659, %parallel_loop3A_660 : vector<16xi32>
        %parallel_loop3A_662 = tpu.vector_load_idx %arg10[%add3A_5, %parallel_loop3A_661] : memref<128x32xf32, #tpu.memory_space<vmem>>[vector<16xi32>, vector<16xi32>], vector<16xf32>,
        %parallel_loop3A_663 = arith.index_cast %parallel_loop3A_656 : i32 to index
        %parallel_loop3A_664 = arith.constant 0 : index
        %parallel_loop3A_665 = tpu.vector_load %arg14[%parallel_loop3A_663, %parallel_loop3A_664] {strides = array<i32>} : memref<32x128xf32, #tpu.memory_space<vmem>>, vector<16xf32>,
        tpu.vector_store %arg14[%parallel_loop3A_663, %parallel_loop3A_664], %parallel_loop3A_662 {strides = array<i32>} : memref<32x128xf32, #tpu.memory_space<vmem>>, vector<16xf32>,
        %parallel_loop3A_666 = arith.constant 0 : i32
        %parallel_loop3A_667 = vector.broadcast %parallel_loop3A_666 : i32 to vector<16xi32>
        %parallel_loop3A_668 = arith.muli %iota3A, %parallel_loop3A_667 : vector<16xi32>
        %parallel_loop3A_669 = vector.broadcast %parallel_loop3A_656 : i32 to vector<16xi32>
        %parallel_loop3A_670 = arith.addi %parallel_loop3A_668, %parallel_loop3A_669 : vector<16xi32>
        %parallel_loop3A_671 = tpu.vector_load_idx %arg10[%add3A_8, %parallel_loop3A_670] : memref<128x32xf32, #tpu.memory_space<vmem>>[vector<16xi32>, vector<16xi32>], vector<16xf32>,
        %parallel_loop3A_672 = arith.index_cast %parallel_loop3A_656 : i32 to index
        %parallel_loop3A_673 = arith.constant 16 : index
        %parallel_loop3A_674 = tpu.vector_load %arg14[%parallel_loop3A_672, %parallel_loop3A_673] {strides = array<i32>} : memref<32x128xf32, #tpu.memory_space<vmem>>, vector<16xf32>,
        tpu.vector_store %arg14[%parallel_loop3A_672, %parallel_loop3A_673], %parallel_loop3A_671 {strides = array<i32>} : memref<32x128xf32, #tpu.memory_space<vmem>>, vector<16xf32>,
        %parallel_loop3A_675 = arith.constant 0 : i32
        %parallel_loop3A_676 = vector.broadcast %parallel_loop3A_675 : i32 to vector<16xi32>
        %parallel_loop3A_677 = arith.muli %iota3A, %parallel_loop3A_676 : vector<16xi32>
        %parallel_loop3A_678 = vector.broadcast %parallel_loop3A_656 : i32 to vector<16xi32>
        %parallel_loop3A_679 = arith.addi %parallel_loop3A_677, %parallel_loop3A_678 : vector<16xi32>
        %parallel_loop3A_680 = tpu.vector_load_idx %arg10[%add3A_11, %parallel_loop3A_679] : memref<128x32xf32, #tpu.memory_space<vmem>>[vector<16xi32>, vector<16xi32>], vector<16xf32>,
        %parallel_loop3A_681 = arith.index_cast %parallel_loop3A_656 : i32 to index
        %parallel_loop3A_682 = arith.constant 32 : index
        %parallel_loop3A_683 = tpu.vector_load %arg14[%parallel_loop3A_681, %parallel_loop3A_682] {strides = array<i32>} : memref<32x128xf32, #tpu.memory_space<vmem>>, vector<16xf32>,
        tpu.vector_store %arg14[%parallel_loop3A_681, %parallel_loop3A_682], %parallel_loop3A_680 {strides = array<i32>} : memref<32x128xf32, #tpu.memory_space<vmem>>, vector<16xf32>,
        %parallel_loop3A_684 = arith.constant 0 : i32
        %parallel_loop3A_685 = vector.broadcast %parallel_loop3A_684 : i32 to vector<16xi32>
        %parallel_loop3A_686 = arith.muli %iota3A, %parallel_loop3A_685 : vector<16xi32>
        %parallel_loop3A_687 = vector.broadcast %parallel_loop3A_656 : i32 to vector<16xi32>
        %parallel_loop3A_688 = arith.addi %parallel_loop3A_686, %parallel_loop3A_687 : vector<16xi32>
        %parallel_loop3A_689 = tpu.vector_load_idx %arg10[%add3A_14, %parallel_loop3A_688] : memref<128x32xf32, #tpu.memory_space<vmem>>[vector<16xi32>, vector<16xi32>], vector<16xf32>,
        %parallel_loop3A_690 = arith.index_cast %parallel_loop3A_656 : i32 to index
        %parallel_loop3A_691 = arith.constant 48 : index
        %parallel_loop3A_692 = tpu.vector_load %arg14[%parallel_loop3A_690, %parallel_loop3A_691] {strides = array<i32>} : memref<32x128xf32, #tpu.memory_space<vmem>>, vector<16xf32>,
        tpu.vector_store %arg14[%parallel_loop3A_690, %parallel_loop3A_691], %parallel_loop3A_689 {strides = array<i32>} : memref<32x128xf32, #tpu.memory_space<vmem>>, vector<16xf32>,
        %parallel_loop3A_693 = arith.constant 0 : i32
        %parallel_loop3A_694 = vector.broadcast %parallel_loop3A_693 : i32 to vector<16xi32>
        %parallel_loop3A_695 = arith.muli %iota3A, %parallel_loop3A_694 : vector<16xi32>
        %parallel_loop3A_696 = vector.broadcast %parallel_loop3A_656 : i32 to vector<16xi32>
        %parallel_loop3A_697 = arith.addi %parallel_loop3A_695, %parallel_loop3A_696 : vector<16xi32>
        %parallel_loop3A_698 = tpu.vector_load_idx %arg10[%add3A_17, %parallel_loop3A_697] : memref<128x32xf32, #tpu.memory_space<vmem>>[vector<16xi32>, vector<16xi32>], vector<16xf32>,
        %parallel_loop3A_699 = arith.index_cast %parallel_loop3A_656 : i32 to index
        %parallel_loop3A_700 = arith.constant 64 : index
        %parallel_loop3A_701 = tpu.vector_load %arg14[%parallel_loop3A_699, %parallel_loop3A_700] {strides = array<i32>} : memref<32x128xf32, #tpu.memory_space<vmem>>, vector<16xf32>,
        tpu.vector_store %arg14[%parallel_loop3A_699, %parallel_loop3A_700], %parallel_loop3A_698 {strides = array<i32>} : memref<32x128xf32, #tpu.memory_space<vmem>>, vector<16xf32>,
        %parallel_loop3A_702 = arith.constant 0 : i32
        %parallel_loop3A_703 = vector.broadcast %parallel_loop3A_702 : i32 to vector<16xi32>
        %parallel_loop3A_704 = arith.muli %iota3A, %parallel_loop3A_703 : vector<16xi32>
        %parallel_loop3A_705 = vector.broadcast %parallel_loop3A_656 : i32 to vector<16xi32>
        %parallel_loop3A_706 = arith.addi %parallel_loop3A_704, %parallel_loop3A_705 : vector<16xi32>
        %parallel_loop3A_707 = tpu.vector_load_idx %arg10[%add3A_20, %parallel_loop3A_706] : memref<128x32xf32, #tpu.memory_space<vmem>>[vector<16xi32>, vector<16xi32>], vector<16xf32>,
        %parallel_loop3A_708 = arith.index_cast %parallel_loop3A_656 : i32 to index
        %parallel_loop3A_709 = arith.constant 80 : index
        %parallel_loop3A_710 = tpu.vector_load %arg14[%parallel_loop3A_708, %parallel_loop3A_709] {strides = array<i32>} : memref<32x128xf32, #tpu.memory_space<vmem>>, vector<16xf32>,
        tpu.vector_store %arg14[%parallel_loop3A_708, %parallel_loop3A_709], %parallel_loop3A_707 {strides = array<i32>} : memref<32x128xf32, #tpu.memory_space<vmem>>, vector<16xf32>,
        %parallel_loop3A_711 = arith.constant 0 : i32
        %parallel_loop3A_712 = vector.broadcast %parallel_loop3A_711 : i32 to vector<16xi32>
        %parallel_loop3A_713 = arith.muli %iota3A, %parallel_loop3A_712 : vector<16xi32>
        %parallel_loop3A_714 = vector.broadcast %parallel_loop3A_656 : i32 to vector<16xi32>
        %parallel_loop3A_715 = arith.addi %parallel_loop3A_713, %parallel_loop3A_714 : vector<16xi32>
        %parallel_loop3A_716 = tpu.vector_load_idx %arg10[%add3A_23, %parallel_loop3A_715] : memref<128x32xf32, #tpu.memory_space<vmem>>[vector<16xi32>, vector<16xi32>], vector<16xf32>,
        %parallel_loop3A_717 = arith.index_cast %parallel_loop3A_656 : i32 to index
        %parallel_loop3A_718 = arith.constant 96 : index
        %parallel_loop3A_719 = tpu.vector_load %arg14[%parallel_loop3A_717, %parallel_loop3A_718] {strides = array<i32>} : memref<32x128xf32, #tpu.memory_space<vmem>>, vector<16xf32>,
        tpu.vector_store %arg14[%parallel_loop3A_717, %parallel_loop3A_718], %parallel_loop3A_716 {strides = array<i32>} : memref<32x128xf32, #tpu.memory_space<vmem>>, vector<16xf32>,
        %parallel_loop3A_720 = arith.constant 0 : i32
        %parallel_loop3A_721 = vector.broadcast %parallel_loop3A_720 : i32 to vector<16xi32>
        %parallel_loop3A_722 = arith.muli %iota3A, %parallel_loop3A_721 : vector<16xi32>
        %parallel_loop3A_723 = vector.broadcast %parallel_loop3A_656 : i32 to vector<16xi32>
        %parallel_loop3A_724 = arith.addi %parallel_loop3A_722, %parallel_loop3A_723 : vector<16xi32>
        %parallel_loop3A_725 = tpu.vector_load_idx %arg10[%add3A_26, %parallel_loop3A_724] : memref<128x32xf32, #tpu.memory_space<vmem>>[vector<16xi32>, vector<16xi32>], vector<16xf32>,
        %parallel_loop3A_726 = arith.index_cast %parallel_loop3A_656 : i32 to index
        %parallel_loop3A_727 = arith.constant 112 : index
        %parallel_loop3A_728 = tpu.vector_load %arg14[%parallel_loop3A_726, %parallel_loop3A_727] {strides = array<i32>} : memref<32x128xf32, #tpu.memory_space<vmem>>, vector<16xf32>,
        tpu.vector_store %arg14[%parallel_loop3A_726, %parallel_loop3A_727], %parallel_loop3A_725 {strides = array<i32>} : memref<32x128xf32, #tpu.memory_space<vmem>>, vector<16xf32>,
      } {sc.loop_unroll_factor = 8 : i64, sc.parallel_access}
      %mul3A_587 = arith.constant 4 : i32
      %mul3A_588 = arith.muli %add3A, %mul3A_587 : i32
      %add3A_589 = arith.constant 3 : i32
      %add3A_590 = arith.addi %mul3A_588, %add3A_589 : i32
      %dma_start3A_591 = arith.constant 0 : i32
      %dma_start3A_592 = arith.constant 0 : i32
      %dma_start3A_593 = arith.constant 0 : i32
      %dma_start3A_594 = tpu.memref_slice %arg14[%dma_start3A_592, %dma_start3A_593] : memref<32x128xf32, #tpu.memory_space<vmem>> -> memref<8x128xf32, #tpu.memory_space<vmem>>
      %dma_start3A_595 = arith.constant 0 : i32
      %dma_start3A_596 = arith.constant 0 : i32
      %dma_start3A_597 = tpu.memref_slice %arg4[%add3A_327, %dma_start3A_591, %add3A_590, %dma_start3A_595, %dma_start3A_596] : memref<50x4x128x8x128xf32, #tpu.memory_space<hbm>> -> memref<1x1x1x8x128xf32, #tpu.memory_space<hbm>>
      %dma_start3A_598 = tpu.memref_squeeze %dma_start3A_597 : memref<1x1x1x8x128xf32, #tpu.memory_space<hbm>> -> memref<8x128xf32, #tpu.memory_space<hbm>>
      %dma_start3A_599 = arith.constant 0 : i32
      %dma_start3A_600 = arith.constant 0 : i32
      %dma_start3A_601 = tpu.memref_slice %arg4[%add3A_327, %dma_start3A_591, %add3A_590, %dma_start3A_599, %dma_start3A_600] : memref<50x4x128x8x128xf32, #tpu.memory_space<hbm>> -> memref<1x1x1x8x128xf32, #tpu.memory_space<hbm>>
      %dma_start3A_602 = tpu.memref_squeeze %dma_start3A_601 : memref<1x1x1x8x128xf32, #tpu.memory_space<hbm>> -> memref<8x128xf32, #tpu.memory_space<hbm>>
      %dma_start3A_603 = arith.constant 0 : i32
      %dma_start3A_604 = arith.constant 0 : i32
      %dma_start3A_605 = tpu.memref_slice %arg14[%dma_start3A_603, %dma_start3A_604] : memref<32x128xf32, #tpu.memory_space<vmem>> -> memref<8x128xf32, #tpu.memory_space<vmem>>
      tpu.enqueue_dma source(%dma_start3A_605 : memref<8x128xf32, #tpu.memory_space<vmem>>) target(%dma_start3A_602 : memref<8x128xf32, #tpu.memory_space<hbm>>) target_semaphore(%arg22 : memref<!tpu.dma_semaphore, #tpu.memory_space<semaphore_mem>>)
      %dma_start3A_606 = arith.constant 1 : i32
      %dma_start3A_607 = arith.constant 8 : i32
      %dma_start3A_608 = arith.constant 0 : i32
      %dma_start3A_609 = tpu.memref_slice %arg14[%dma_start3A_607, %dma_start3A_608] : memref<32x128xf32, #tpu.memory_space<vmem>> -> memref<8x128xf32, #tpu.memory_space<vmem>>
      %dma_start3A_610 = arith.constant 0 : i32
      %dma_start3A_611 = arith.constant 0 : i32
      %dma_start3A_612 = tpu.memref_slice %arg4[%add3A_327, %dma_start3A_606, %add3A_590, %dma_start3A_610, %dma_start3A_611] : memref<50x4x128x8x128xf32, #tpu.memory_space<hbm>> -> memref<1x1x1x8x128xf32, #tpu.memory_space<hbm>>
      %dma_start3A_613 = tpu.memref_squeeze %dma_start3A_612 : memref<1x1x1x8x128xf32, #tpu.memory_space<hbm>> -> memref<8x128xf32, #tpu.memory_space<hbm>>
      %dma_start3A_614 = arith.constant 0 : i32
      %dma_start3A_615 = arith.constant 0 : i32
      %dma_start3A_616 = tpu.memref_slice %arg4[%add3A_327, %dma_start3A_606, %add3A_590, %dma_start3A_614, %dma_start3A_615] : memref<50x4x128x8x128xf32, #tpu.memory_space<hbm>> -> memref<1x1x1x8x128xf32, #tpu.memory_space<hbm>>
      %dma_start3A_617 = tpu.memref_squeeze %dma_start3A_616 : memref<1x1x1x8x128xf32, #tpu.memory_space<hbm>> -> memref<8x128xf32, #tpu.memory_space<hbm>>
      %dma_start3A_618 = arith.constant 8 : i32
      %dma_start3A_619 = arith.constant 0 : i32
      %dma_start3A_620 = tpu.memref_slice %arg14[%dma_start3A_618, %dma_start3A_619] : memref<32x128xf32, #tpu.memory_space<vmem>> -> memref<8x128xf32, #tpu.memory_space<vmem>>
      tpu.enqueue_dma source(%dma_start3A_620 : memref<8x128xf32, #tpu.memory_space<vmem>>) target(%dma_start3A_617 : memref<8x128xf32, #tpu.memory_space<hbm>>) target_semaphore(%arg22 : memref<!tpu.dma_semaphore, #tpu.memory_space<semaphore_mem>>)
      %dma_start3A_621 = arith.constant 2 : i32
      %dma_start3A_622 = arith.constant 16 : i32
      %dma_start3A_623 = arith.constant 0 : i32
      %dma_start3A_624 = tpu.memref_slice %arg14[%dma_start3A_622, %dma_start3A_623] : memref<32x128xf32, #tpu.memory_space<vmem>> -> memref<8x128xf32, #tpu.memory_space<vmem>>
      %dma_start3A_625 = arith.constant 0 : i32
      %dma_start3A_626 = arith.constant 0 : i32
      %dma_start3A_627 = tpu.memref_slice %arg4[%add3A_327, %dma_start3A_621, %add3A_590, %dma_start3A_625, %dma_start3A_626] : memref<50x4x128x8x128xf32, #tpu.memory_space<hbm>> -> memref<1x1x1x8x128xf32, #tpu.memory_space<hbm>>
      %dma_start3A_628 = tpu.memref_squeeze %dma_start3A_627 : memref<1x1x1x8x128xf32, #tpu.memory_space<hbm>> -> memref<8x128xf32, #tpu.memory_space<hbm>>
      %dma_start3A_629 = arith.constant 0 : i32
      %dma_start3A_630 = arith.constant 0 : i32
      %dma_start3A_631 = tpu.memref_slice %arg4[%add3A_327, %dma_start3A_621, %add3A_590, %dma_start3A_629, %dma_start3A_630] : memref<50x4x128x8x128xf32, #tpu.memory_space<hbm>> -> memref<1x1x1x8x128xf32, #tpu.memory_space<hbm>>
      %dma_start3A_632 = tpu.memref_squeeze %dma_start3A_631 : memref<1x1x1x8x128xf32, #tpu.memory_space<hbm>> -> memref<8x128xf32, #tpu.memory_space<hbm>>
      %dma_start3A_633 = arith.constant 16 : i32
      %dma_start3A_634 = arith.constant 0 : i32
      %dma_start3A_635 = tpu.memref_slice %arg14[%dma_start3A_633, %dma_start3A_634] : memref<32x128xf32, #tpu.memory_space<vmem>> -> memref<8x128xf32, #tpu.memory_space<vmem>>
      tpu.enqueue_dma source(%dma_start3A_635 : memref<8x128xf32, #tpu.memory_space<vmem>>) target(%dma_start3A_632 : memref<8x128xf32, #tpu.memory_space<hbm>>) target_semaphore(%arg22 : memref<!tpu.dma_semaphore, #tpu.memory_space<semaphore_mem>>)
      %dma_start3A_636 = arith.constant 3 : i32
      %dma_start3A_637 = arith.constant 24 : i32
      %dma_start3A_638 = arith.constant 0 : i32
      %dma_start3A_639 = tpu.memref_slice %arg14[%dma_start3A_637, %dma_start3A_638] : memref<32x128xf32, #tpu.memory_space<vmem>> -> memref<8x128xf32, #tpu.memory_space<vmem>>
      %dma_start3A_640 = arith.constant 0 : i32
      %dma_start3A_641 = arith.constant 0 : i32
      %dma_start3A_642 = tpu.memref_slice %arg4[%add3A_327, %dma_start3A_636, %add3A_590, %dma_start3A_640, %dma_start3A_641] : memref<50x4x128x8x128xf32, #tpu.memory_space<hbm>> -> memref<1x1x1x8x128xf32, #tpu.memory_space<hbm>>
      %dma_start3A_643 = tpu.memref_squeeze %dma_start3A_642 : memref<1x1x1x8x128xf32, #tpu.memory_space<hbm>> -> memref<8x128xf32, #tpu.memory_space<hbm>>
      %dma_start3A_644 = arith.constant 0 : i32
      %dma_start3A_645 = arith.constant 0 : i32
      %dma_start3A_646 = tpu.memref_slice %arg4[%add3A_327, %dma_start3A_636, %add3A_590, %dma_start3A_644, %dma_start3A_645] : memref<50x4x128x8x128xf32, #tpu.memory_space<hbm>> -> memref<1x1x1x8x128xf32, #tpu.memory_space<hbm>>
      %dma_start3A_647 = tpu.memref_squeeze %dma_start3A_646 : memref<1x1x1x8x128xf32, #tpu.memory_space<hbm>> -> memref<8x128xf32, #tpu.memory_space<hbm>>
      %dma_start3A_648 = arith.constant 24 : i32
      %dma_start3A_649 = arith.constant 0 : i32
      %dma_start3A_650 = tpu.memref_slice %arg14[%dma_start3A_648, %dma_start3A_649] : memref<32x128xf32, #tpu.memory_space<vmem>> -> memref<8x128xf32, #tpu.memory_space<vmem>>
      tpu.enqueue_dma source(%dma_start3A_650 : memref<8x128xf32, #tpu.memory_space<vmem>>) target(%dma_start3A_647 : memref<8x128xf32, #tpu.memory_space<hbm>>) target_semaphore(%arg22 : memref<!tpu.dma_semaphore, #tpu.memory_space<semaphore_mem>>)
      %lt3A_651 = arith.constant 49 : i32
      %lt3A_652 = arith.cmpi slt, %add3A_327, %lt3A_651 : i32
      %convert_element_type3A_653 = arith.extui %lt3A_652 : i1 to i32
      %cond3A_654 = arith.constant 0 : i32
      %cond3A_655 = arith.cmpi ne, %convert_element_type3A_653, %cond3A_654 : i32
      scf.if %cond3A_655 {
        %add3A_656 = arith.constant 1 : i32
        %add3A_657 = arith.addi %add3A_327, %add3A_656 : i32
        %mul3A_658 = arith.constant 512 : i32
        %mul3A_659 = arith.muli %add3A_657, %mul3A_658 : i32
        %add3A_660 = arith.constant 384 : i32
        %add3A_661 = arith.addi %mul3A_659, %add3A_660 : i32
        %dma_start3A_662 = tpu.memref_slice %arg6[%add3A_661] : memref<25600xi32, #tpu.memory_space<vmem>> -> memref<128xi32, #tpu.memory_space<vmem>>
        %dma_start3A_663 = arith.constant 0 : i32
        %dma_start3A_664 = arith.constant 0 : i32
        %dma_start3A_665 = tpu.memref_slice %arg2[%dma_start3A_663, %dma_start3A_664] : memref<1000000x32xf32, #tpu.memory_space<hbm>> -> memref<1000000x32xf32, #tpu.memory_space<hbm>>
        tpu.enqueue_indirect_dma source(%dma_start3A_665 : memref<1000000x32xf32, #tpu.memory_space<hbm>>) target(%arg10 : memref<128x32xf32, #tpu.memory_space<vmem>>) offsets(%dma_start3A_662 : memref<128xi32, #tpu.memory_space<vmem>>) semaphore(%arg18 : memref<!tpu.dma_semaphore, #tpu.memory_space<semaphore_mem>>)
      } else {
      }
    }
    %scan3A_51 = arith.constant 50 : i32
    %dma_wait3A = arith.constant 0 : i32
    %dma_wait3A_52 = arith.constant 0 : i32
    %dma_wait3A_53 = arith.constant 0 : i32
    %dma_wait3A_54 = arith.constant 0 : i32
    %dma_wait3A_55 = arith.constant 0 : i32
    %dma_wait3A_56 = tpu.memref_slice %arg11[%dma_wait3A_54, %dma_wait3A_55] : memref<32x128xf32, #tpu.memory_space<vmem>> -> memref<8x128xf32, #tpu.memory_space<vmem>>
    %dma_wait3A_57 = arith.constant 0 : i32
    %dma_wait3A_58 = arith.constant 0 : i32
    %dma_wait3A_59 = tpu.memref_slice %arg4[%dma_wait3A, %dma_wait3A_52, %dma_wait3A_53, %dma_wait3A_57, %dma_wait3A_58] : memref<50x4x128x8x128xf32, #tpu.memory_space<hbm>> -> memref<1x1x1x8x128xf32, #tpu.memory_space<hbm>>
    %dma_wait3A_60 = tpu.memref_squeeze %dma_wait3A_59 : memref<1x1x1x8x128xf32, #tpu.memory_space<hbm>> -> memref<8x128xf32, #tpu.memory_space<hbm>>
    %dma_wait3A_61 = arith.constant 0 : i32
    %dma_wait3A_62 = arith.constant 0 : i32
    %dma_wait3A_63 = tpu.memref_slice %arg11[%dma_wait3A_61, %dma_wait3A_62] : memref<32x128xf32, #tpu.memory_space<vmem>> -> memref<8x128xf32, #tpu.memory_space<vmem>>
    %dma_wait3A_64 = arith.constant 0 : i32
    %dma_wait3A_65 = arith.constant 0 : i32
    %dma_wait3A_66 = tpu.memref_slice %arg4[%dma_wait3A, %dma_wait3A_52, %dma_wait3A_53, %dma_wait3A_64, %dma_wait3A_65] : memref<50x4x128x8x128xf32, #tpu.memory_space<hbm>> -> memref<1x1x1x8x128xf32, #tpu.memory_space<hbm>>
    %dma_wait3A_67 = tpu.memref_squeeze %dma_wait3A_66 : memref<1x1x1x8x128xf32, #tpu.memory_space<hbm>> -> memref<8x128xf32, #tpu.memory_space<hbm>>
    tpu.wait_dma2 semaphore(%arg19 : memref<!tpu.dma_semaphore, #tpu.memory_space<semaphore_mem>>) src(%dma_wait3A_67 : memref<8x128xf32, #tpu.memory_space<hbm>>) dst(%dma_wait3A_63 : memref<8x128xf32, #tpu.memory_space<vmem>>)
    %dma_wait3A_68 = arith.constant 0 : i32
    %dma_wait3A_69 = arith.constant 1 : i32
    %dma_wait3A_70 = arith.constant 0 : i32
    %dma_wait3A_71 = arith.constant 8 : i32
    %dma_wait3A_72 = arith.constant 0 : i32
    %dma_wait3A_73 = tpu.memref_slice %arg11[%dma_wait3A_71, %dma_wait3A_72] : memref<32x128xf32, #tpu.memory_space<vmem>> -> memref<8x128xf32, #tpu.memory_space<vmem>>
    %dma_wait3A_74 = arith.constant 0 : i32
    %dma_wait3A_75 = arith.constant 0 : i32
    %dma_wait3A_76 = tpu.memref_slice %arg4[%dma_wait3A_68, %dma_wait3A_69, %dma_wait3A_70, %dma_wait3A_74, %dma_wait3A_75] : memref<50x4x128x8x128xf32, #tpu.memory_space<hbm>> -> memref<1x1x1x8x128xf32, #tpu.memory_space<hbm>>
    %dma_wait3A_77 = tpu.memref_squeeze %dma_wait3A_76 : memref<1x1x1x8x128xf32, #tpu.memory_space<hbm>> -> memref<8x128xf32, #tpu.memory_space<hbm>>
    %dma_wait3A_78 = arith.constant 8 : i32
    %dma_wait3A_79 = arith.constant 0 : i32
    %dma_wait3A_80 = tpu.memref_slice %arg11[%dma_wait3A_78, %dma_wait3A_79] : memref<32x128xf32, #tpu.memory_space<vmem>> -> memref<8x128xf32, #tpu.memory_space<vmem>>
    %dma_wait3A_81 = arith.constant 0 : i32
    %dma_wait3A_82 = arith.constant 0 : i32
    %dma_wait3A_83 = tpu.memref_slice %arg4[%dma_wait3A_68, %dma_wait3A_69, %dma_wait3A_70, %dma_wait3A_81, %dma_wait3A_82] : memref<50x4x128x8x128xf32, #tpu.memory_space<hbm>> -> memref<1x1x1x8x128xf32, #tpu.memory_space<hbm>>
    %dma_wait3A_84 = tpu.memref_squeeze %dma_wait3A_83 : memref<1x1x1x8x128xf32, #tpu.memory_space<hbm>> -> memref<8x128xf32, #tpu.memory_space<hbm>>
    tpu.wait_dma2 semaphore(%arg19 : memref<!tpu.dma_semaphore, #tpu.memory_space<semaphore_mem>>) src(%dma_wait3A_84 : memref<8x128xf32, #tpu.memory_space<hbm>>) dst(%dma_wait3A_80 : memref<8x128xf32, #tpu.memory_space<vmem>>)
    %dma_wait3A_85 = arith.constant 0 : i32
    %dma_wait3A_86 = arith.constant 2 : i32
    %dma_wait3A_87 = arith.constant 0 : i32
    %dma_wait3A_88 = arith.constant 16 : i32
    %dma_wait3A_89 = arith.constant 0 : i32
    %dma_wait3A_90 = tpu.memref_slice %arg11[%dma_wait3A_88, %dma_wait3A_89] : memref<32x128xf32, #tpu.memory_space<vmem>> -> memref<8x128xf32, #tpu.memory_space<vmem>>
    %dma_wait3A_91 = arith.constant 0 : i32
    %dma_wait3A_92 = arith.constant 0 : i32
    %dma_wait3A_93 = tpu.memref_slice %arg4[%dma_wait3A_85, %dma_wait3A_86, %dma_wait3A_87, %dma_wait3A_91, %dma_wait3A_92] : memref<50x4x128x8x128xf32, #tpu.memory_space<hbm>> -> memref<1x1x1x8x128xf32, #tpu.memory_space<hbm>>
    %dma_wait3A_94 = tpu.memref_squeeze %dma_wait3A_93 : memref<1x1x1x8x128xf32, #tpu.memory_space<hbm>> -> memref<8x128xf32, #tpu.memory_space<hbm>>
    %dma_wait3A_95 = arith.constant 16 : i32
    %dma_wait3A_96 = arith.constant 0 : i32
    %dma_wait3A_97 = tpu.memref_slice %arg11[%dma_wait3A_95, %dma_wait3A_96] : memref<32x128xf32, #tpu.memory_space<vmem>> -> memref<8x128xf32, #tpu.memory_space<vmem>>
    %dma_wait3A_98 = arith.constant 0 : i32
    %dma_wait3A_99 = arith.constant 0 : i32
    %dma_wait3A_100 = tpu.memref_slice %arg4[%dma_wait3A_85, %dma_wait3A_86, %dma_wait3A_87, %dma_wait3A_98, %dma_wait3A_99] : memref<50x4x128x8x128xf32, #tpu.memory_space<hbm>> -> memref<1x1x1x8x128xf32, #tpu.memory_space<hbm>>
    %dma_wait3A_101 = tpu.memref_squeeze %dma_wait3A_100 : memref<1x1x1x8x128xf32, #tpu.memory_space<hbm>> -> memref<8x128xf32, #tpu.memory_space<hbm>>
    tpu.wait_dma2 semaphore(%arg19 : memref<!tpu.dma_semaphore, #tpu.memory_space<semaphore_mem>>) src(%dma_wait3A_101 : memref<8x128xf32, #tpu.memory_space<hbm>>) dst(%dma_wait3A_97 : memref<8x128xf32, #tpu.memory_space<vmem>>)
    %dma_wait3A_102 = arith.constant 0 : i32
    %dma_wait3A_103 = arith.constant 3 : i32
    %dma_wait3A_104 = arith.constant 0 : i32
    %dma_wait3A_105 = arith.constant 24 : i32
    %dma_wait3A_106 = arith.constant 0 : i32
    %dma_wait3A_107 = tpu.memref_slice %arg11[%dma_wait3A_105, %dma_wait3A_106] : memref<32x128xf32, #tpu.memory_space<vmem>> -> memref<8x128xf32, #tpu.memory_space<vmem>>
    %dma_wait3A_108 = arith.constant 0 : i32
    %dma_wait3A_109 = arith.constant 0 : i32
    %dma_wait3A_110 = tpu.memref_slice %arg4[%dma_wait3A_102, %dma_wait3A_103, %dma_wait3A_104, %dma_wait3A_108, %dma_wait3A_109] : memref<50x4x128x8x128xf32, #tpu.memory_space<hbm>> -> memref<1x1x1x8x128xf32, #tpu.memory_space<hbm>>
    %dma_wait3A_111 = tpu.memref_squeeze %dma_wait3A_110 : memref<1x1x1x8x128xf32, #tpu.memory_space<hbm>> -> memref<8x128xf32, #tpu.memory_space<hbm>>
    %dma_wait3A_112 = arith.constant 24 : i32
    %dma_wait3A_113 = arith.constant 0 : i32
    %dma_wait3A_114 = tpu.memref_slice %arg11[%dma_wait3A_112, %dma_wait3A_113] : memref<32x128xf32, #tpu.memory_space<vmem>> -> memref<8x128xf32, #tpu.memory_space<vmem>>
    %dma_wait3A_115 = arith.constant 0 : i32
    %dma_wait3A_116 = arith.constant 0 : i32
    %dma_wait3A_117 = tpu.memref_slice %arg4[%dma_wait3A_102, %dma_wait3A_103, %dma_wait3A_104, %dma_wait3A_115, %dma_wait3A_116] : memref<50x4x128x8x128xf32, #tpu.memory_space<hbm>> -> memref<1x1x1x8x128xf32, #tpu.memory_space<hbm>>
    %dma_wait3A_118 = tpu.memref_squeeze %dma_wait3A_117 : memref<1x1x1x8x128xf32, #tpu.memory_space<hbm>> -> memref<8x128xf32, #tpu.memory_space<hbm>>
    tpu.wait_dma2 semaphore(%arg19 : memref<!tpu.dma_semaphore, #tpu.memory_space<semaphore_mem>>) src(%dma_wait3A_118 : memref<8x128xf32, #tpu.memory_space<hbm>>) dst(%dma_wait3A_114 : memref<8x128xf32, #tpu.memory_space<vmem>>)
    %dma_wait3A_119 = arith.constant 0 : i32
    %dma_wait3A_120 = arith.constant 0 : i32
    %dma_wait3A_121 = arith.constant 0 : i32
    %dma_wait3A_122 = arith.constant 0 : i32
    %dma_wait3A_123 = arith.constant 0 : i32
    %dma_wait3A_124 = tpu.memref_slice %arg12[%dma_wait3A_122, %dma_wait3A_123] : memref<32x128xf32, #tpu.memory_space<vmem>> -> memref<8x128xf32, #tpu.memory_space<vmem>>
    %dma_wait3A_125 = arith.constant 0 : i32
    %dma_wait3A_126 = arith.constant 0 : i32
    %dma_wait3A_127 = tpu.memref_slice %arg4[%dma_wait3A_119, %dma_wait3A_120, %dma_wait3A_121, %dma_wait3A_125, %dma_wait3A_126] : memref<50x4x128x8x128xf32, #tpu.memory_space<hbm>> -> memref<1x1x1x8x128xf32, #tpu.memory_space<hbm>>
    %dma_wait3A_128 = tpu.memref_squeeze %dma_wait3A_127 : memref<1x1x1x8x128xf32, #tpu.memory_space<hbm>> -> memref<8x128xf32, #tpu.memory_space<hbm>>
    %dma_wait3A_129 = arith.constant 0 : i32
    %dma_wait3A_130 = arith.constant 0 : i32
    %dma_wait3A_131 = tpu.memref_slice %arg12[%dma_wait3A_129, %dma_wait3A_130] : memref<32x128xf32, #tpu.memory_space<vmem>> -> memref<8x128xf32, #tpu.memory_space<vmem>>
    %dma_wait3A_132 = arith.constant 0 : i32
    %dma_wait3A_133 = arith.constant 0 : i32
    %dma_wait3A_134 = tpu.memref_slice %arg4[%dma_wait3A_119, %dma_wait3A_120, %dma_wait3A_121, %dma_wait3A_132, %dma_wait3A_133] : memref<50x4x128x8x128xf32, #tpu.memory_space<hbm>> -> memref<1x1x1x8x128xf32, #tpu.memory_space<hbm>>
    %dma_wait3A_135 = tpu.memref_squeeze %dma_wait3A_134 : memref<1x1x1x8x128xf32, #tpu.memory_space<hbm>> -> memref<8x128xf32, #tpu.memory_space<hbm>>
    tpu.wait_dma2 semaphore(%arg20 : memref<!tpu.dma_semaphore, #tpu.memory_space<semaphore_mem>>) src(%dma_wait3A_135 : memref<8x128xf32, #tpu.memory_space<hbm>>) dst(%dma_wait3A_131 : memref<8x128xf32, #tpu.memory_space<vmem>>)
    %dma_wait3A_136 = arith.constant 0 : i32
    %dma_wait3A_137 = arith.constant 1 : i32
    %dma_wait3A_138 = arith.constant 0 : i32
    %dma_wait3A_139 = arith.constant 8 : i32
    %dma_wait3A_140 = arith.constant 0 : i32
    %dma_wait3A_141 = tpu.memref_slice %arg12[%dma_wait3A_139, %dma_wait3A_140] : memref<32x128xf32, #tpu.memory_space<vmem>> -> memref<8x128xf32, #tpu.memory_space<vmem>>
    %dma_wait3A_142 = arith.constant 0 : i32
    %dma_wait3A_143 = arith.constant 0 : i32
    %dma_wait3A_144 = tpu.memref_slice %arg4[%dma_wait3A_136, %dma_wait3A_137, %dma_wait3A_138, %dma_wait3A_142, %dma_wait3A_143] : memref<50x4x128x8x128xf32, #tpu.memory_space<hbm>> -> memref<1x1x1x8x128xf32, #tpu.memory_space<hbm>>
    %dma_wait3A_145 = tpu.memref_squeeze %dma_wait3A_144 : memref<1x1x1x8x128xf32, #tpu.memory_space<hbm>> -> memref<8x128xf32, #tpu.memory_space<hbm>>
    %dma_wait3A_146 = arith.constant 8 : i32
    %dma_wait3A_147 = arith.constant 0 : i32
    %dma_wait3A_148 = tpu.memref_slice %arg12[%dma_wait3A_146, %dma_wait3A_147] : memref<32x128xf32, #tpu.memory_space<vmem>> -> memref<8x128xf32, #tpu.memory_space<vmem>>
    %dma_wait3A_149 = arith.constant 0 : i32
    %dma_wait3A_150 = arith.constant 0 : i32
    %dma_wait3A_151 = tpu.memref_slice %arg4[%dma_wait3A_136, %dma_wait3A_137, %dma_wait3A_138, %dma_wait3A_149, %dma_wait3A_150] : memref<50x4x128x8x128xf32, #tpu.memory_space<hbm>> -> memref<1x1x1x8x128xf32, #tpu.memory_space<hbm>>
    %dma_wait3A_152 = tpu.memref_squeeze %dma_wait3A_151 : memref<1x1x1x8x128xf32, #tpu.memory_space<hbm>> -> memref<8x128xf32, #tpu.memory_space<hbm>>
    tpu.wait_dma2 semaphore(%arg20 : memref<!tpu.dma_semaphore, #tpu.memory_space<semaphore_mem>>) src(%dma_wait3A_152 : memref<8x128xf32, #tpu.memory_space<hbm>>) dst(%dma_wait3A_148 : memref<8x128xf32, #tpu.memory_space<vmem>>)
    %dma_wait3A_153 = arith.constant 0 : i32
    %dma_wait3A_154 = arith.constant 2 : i32
    %dma_wait3A_155 = arith.constant 0 : i32
    %dma_wait3A_156 = arith.constant 16 : i32
    %dma_wait3A_157 = arith.constant 0 : i32
    %dma_wait3A_158 = tpu.memref_slice %arg12[%dma_wait3A_156, %dma_wait3A_157] : memref<32x128xf32, #tpu.memory_space<vmem>> -> memref<8x128xf32, #tpu.memory_space<vmem>>
    %dma_wait3A_159 = arith.constant 0 : i32
    %dma_wait3A_160 = arith.constant 0 : i32
    %dma_wait3A_161 = tpu.memref_slice %arg4[%dma_wait3A_153, %dma_wait3A_154, %dma_wait3A_155, %dma_wait3A_159, %dma_wait3A_160] : memref<50x4x128x8x128xf32, #tpu.memory_space<hbm>> -> memref<1x1x1x8x128xf32, #tpu.memory_space<hbm>>
    %dma_wait3A_162 = tpu.memref_squeeze %dma_wait3A_161 : memref<1x1x1x8x128xf32, #tpu.memory_space<hbm>> -> memref<8x128xf32, #tpu.memory_space<hbm>>
    %dma_wait3A_163 = arith.constant 16 : i32
    %dma_wait3A_164 = arith.constant 0 : i32
    %dma_wait3A_165 = tpu.memref_slice %arg12[%dma_wait3A_163, %dma_wait3A_164] : memref<32x128xf32, #tpu.memory_space<vmem>> -> memref<8x128xf32, #tpu.memory_space<vmem>>
    %dma_wait3A_166 = arith.constant 0 : i32
    %dma_wait3A_167 = arith.constant 0 : i32
    %dma_wait3A_168 = tpu.memref_slice %arg4[%dma_wait3A_153, %dma_wait3A_154, %dma_wait3A_155, %dma_wait3A_166, %dma_wait3A_167] : memref<50x4x128x8x128xf32, #tpu.memory_space<hbm>> -> memref<1x1x1x8x128xf32, #tpu.memory_space<hbm>>
    %dma_wait3A_169 = tpu.memref_squeeze %dma_wait3A_168 : memref<1x1x1x8x128xf32, #tpu.memory_space<hbm>> -> memref<8x128xf32, #tpu.memory_space<hbm>>
    tpu.wait_dma2 semaphore(%arg20 : memref<!tpu.dma_semaphore, #tpu.memory_space<semaphore_mem>>) src(%dma_wait3A_169 : memref<8x128xf32, #tpu.memory_space<hbm>>) dst(%dma_wait3A_165 : memref<8x128xf32, #tpu.memory_space<vmem>>)
    %dma_wait3A_170 = arith.constant 0 : i32
    %dma_wait3A_171 = arith.constant 3 : i32
    %dma_wait3A_172 = arith.constant 0 : i32
    %dma_wait3A_173 = arith.constant 24 : i32
    %dma_wait3A_174 = arith.constant 0 : i32
    %dma_wait3A_175 = tpu.memref_slice %arg12[%dma_wait3A_173, %dma_wait3A_174] : memref<32x128xf32, #tpu.memory_space<vmem>> -> memref<8x128xf32, #tpu.memory_space<vmem>>
    %dma_wait3A_176 = arith.constant 0 : i32
    %dma_wait3A_177 = arith.constant 0 : i32
    %dma_wait3A_178 = tpu.memref_slice %arg4[%dma_wait3A_170, %dma_wait3A_171, %dma_wait3A_172, %dma_wait3A_176, %dma_wait3A_177] : memref<50x4x128x8x128xf32, #tpu.memory_space<hbm>> -> memref<1x1x1x8x128xf32, #tpu.memory_space<hbm>>
    %dma_wait3A_179 = tpu.memref_squeeze %dma_wait3A_178 : memref<1x1x1x8x128xf32, #tpu.memory_space<hbm>> -> memref<8x128xf32, #tpu.memory_space<hbm>>
    %dma_wait3A_180 = arith.constant 24 : i32
    %dma_wait3A_181 = arith.constant 0 : i32
    %dma_wait3A_182 = tpu.memref_slice %arg12[%dma_wait3A_180, %dma_wait3A_181] : memref<32x128xf32, #tpu.memory_space<vmem>> -> memref<8x128xf32, #tpu.memory_space<vmem>>
    %dma_wait3A_183 = arith.constant 0 : i32
    %dma_wait3A_184 = arith.constant 0 : i32
    %dma_wait3A_185 = tpu.memref_slice %arg4[%dma_wait3A_170, %dma_wait3A_171, %dma_wait3A_172, %dma_wait3A_183, %dma_wait3A_184] : memref<50x4x128x8x128xf32, #tpu.memory_space<hbm>> -> memref<1x1x1x8x128xf32, #tpu.memory_space<hbm>>
    %dma_wait3A_186 = tpu.memref_squeeze %dma_wait3A_185 : memref<1x1x1x8x128xf32, #tpu.memory_space<hbm>> -> memref<8x128xf32, #tpu.memory_space<hbm>>
    tpu.wait_dma2 semaphore(%arg20 : memref<!tpu.dma_semaphore, #tpu.memory_space<semaphore_mem>>) src(%dma_wait3A_186 : memref<8x128xf32, #tpu.memory_space<hbm>>) dst(%dma_wait3A_182 : memref<8x128xf32, #tpu.memory_space<vmem>>)
    %dma_wait3A_187 = arith.constant 0 : i32
    %dma_wait3A_188 = arith.constant 0 : i32
    %dma_wait3A_189 = arith.constant 0 : i32
    %dma_wait3A_190 = arith.constant 0 : i32
    %dma_wait3A_191 = arith.constant 0 : i32
    %dma_wait3A_192 = tpu.memref_slice %arg13[%dma_wait3A_190, %dma_wait3A_191] : memref<32x128xf32, #tpu.memory_space<vmem>> -> memref<8x128xf32, #tpu.memory_space<vmem>>
    %dma_wait3A_193 = arith.constant 0 : i32
    %dma_wait3A_194 = arith.constant 0 : i32
    %dma_wait3A_195 = tpu.memref_slice %arg4[%dma_wait3A_187, %dma_wait3A_188, %dma_wait3A_189, %dma_wait3A_193, %dma_wait3A_194] : memref<50x4x128x8x128xf32, #tpu.memory_space<hbm>> -> memref<1x1x1x8x128xf32, #tpu.memory_space<hbm>>
    %dma_wait3A_196 = tpu.memref_squeeze %dma_wait3A_195 : memref<1x1x1x8x128xf32, #tpu.memory_space<hbm>> -> memref<8x128xf32, #tpu.memory_space<hbm>>
    %dma_wait3A_197 = arith.constant 0 : i32
    %dma_wait3A_198 = arith.constant 0 : i32
    %dma_wait3A_199 = tpu.memref_slice %arg13[%dma_wait3A_197, %dma_wait3A_198] : memref<32x128xf32, #tpu.memory_space<vmem>> -> memref<8x128xf32, #tpu.memory_space<vmem>>
    %dma_wait3A_200 = arith.constant 0 : i32
    %dma_wait3A_201 = arith.constant 0 : i32
    %dma_wait3A_202 = tpu.memref_slice %arg4[%dma_wait3A_187, %dma_wait3A_188, %dma_wait3A_189, %dma_wait3A_200, %dma_wait3A_201] : memref<50x4x128x8x128xf32, #tpu.memory_space<hbm>> -> memref<1x1x1x8x128xf32, #tpu.memory_space<hbm>>
    %dma_wait3A_203 = tpu.memref_squeeze %dma_wait3A_202 : memref<1x1x1x8x128xf32, #tpu.memory_space<hbm>> -> memref<8x128xf32, #tpu.memory_space<hbm>>
    tpu.wait_dma2 semaphore(%arg21 : memref<!tpu.dma_semaphore, #tpu.memory_space<semaphore_mem>>) src(%dma_wait3A_203 : memref<8x128xf32, #tpu.memory_space<hbm>>) dst(%dma_wait3A_199 : memref<8x128xf32, #tpu.memory_space<vmem>>)
    %dma_wait3A_204 = arith.constant 0 : i32
    %dma_wait3A_205 = arith.constant 1 : i32
    %dma_wait3A_206 = arith.constant 0 : i32
    %dma_wait3A_207 = arith.constant 8 : i32
    %dma_wait3A_208 = arith.constant 0 : i32
    %dma_wait3A_209 = tpu.memref_slice %arg13[%dma_wait3A_207, %dma_wait3A_208] : memref<32x128xf32, #tpu.memory_space<vmem>> -> memref<8x128xf32, #tpu.memory_space<vmem>>
    %dma_wait3A_210 = arith.constant 0 : i32
    %dma_wait3A_211 = arith.constant 0 : i32
    %dma_wait3A_212 = tpu.memref_slice %arg4[%dma_wait3A_204, %dma_wait3A_205, %dma_wait3A_206, %dma_wait3A_210, %dma_wait3A_211] : memref<50x4x128x8x128xf32, #tpu.memory_space<hbm>> -> memref<1x1x1x8x128xf32, #tpu.memory_space<hbm>>
    %dma_wait3A_213 = tpu.memref_squeeze %dma_wait3A_212 : memref<1x1x1x8x128xf32, #tpu.memory_space<hbm>> -> memref<8x128xf32, #tpu.memory_space<hbm>>
    %dma_wait3A_214 = arith.constant 8 : i32
    %dma_wait3A_215 = arith.constant 0 : i32
    %dma_wait3A_216 = tpu.memref_slice %arg13[%dma_wait3A_214, %dma_wait3A_215] : memref<32x128xf32, #tpu.memory_space<vmem>> -> memref<8x128xf32, #tpu.memory_space<vmem>>
    %dma_wait3A_217 = arith.constant 0 : i32
    %dma_wait3A_218 = arith.constant 0 : i32
    %dma_wait3A_219 = tpu.memref_slice %arg4[%dma_wait3A_204, %dma_wait3A_205, %dma_wait3A_206, %dma_wait3A_217, %dma_wait3A_218] : memref<50x4x128x8x128xf32, #tpu.memory_space<hbm>> -> memref<1x1x1x8x128xf32, #tpu.memory_space<hbm>>
    %dma_wait3A_220 = tpu.memref_squeeze %dma_wait3A_219 : memref<1x1x1x8x128xf32, #tpu.memory_space<hbm>> -> memref<8x128xf32, #tpu.memory_space<hbm>>
    tpu.wait_dma2 semaphore(%arg21 : memref<!tpu.dma_semaphore, #tpu.memory_space<semaphore_mem>>) src(%dma_wait3A_220 : memref<8x128xf32, #tpu.memory_space<hbm>>) dst(%dma_wait3A_216 : memref<8x128xf32, #tpu.memory_space<vmem>>)
    %dma_wait3A_221 = arith.constant 0 : i32
    %dma_wait3A_222 = arith.constant 2 : i32
    %dma_wait3A_223 = arith.constant 0 : i32
    %dma_wait3A_224 = arith.constant 16 : i32
    %dma_wait3A_225 = arith.constant 0 : i32
    %dma_wait3A_226 = tpu.memref_slice %arg13[%dma_wait3A_224, %dma_wait3A_225] : memref<32x128xf32, #tpu.memory_space<vmem>> -> memref<8x128xf32, #tpu.memory_space<vmem>>
    %dma_wait3A_227 = arith.constant 0 : i32
    %dma_wait3A_228 = arith.constant 0 : i32
    %dma_wait3A_229 = tpu.memref_slice %arg4[%dma_wait3A_221, %dma_wait3A_222, %dma_wait3A_223, %dma_wait3A_227, %dma_wait3A_228] : memref<50x4x128x8x128xf32, #tpu.memory_space<hbm>> -> memref<1x1x1x8x128xf32, #tpu.memory_space<hbm>>
    %dma_wait3A_230 = tpu.memref_squeeze %dma_wait3A_229 : memref<1x1x1x8x128xf32, #tpu.memory_space<hbm>> -> memref<8x128xf32, #tpu.memory_space<hbm>>
    %dma_wait3A_231 = arith.constant 16 : i32
    %dma_wait3A_232 = arith.constant 0 : i32
    %dma_wait3A_233 = tpu.memref_slice %arg13[%dma_wait3A_231, %dma_wait3A_232] : memref<32x128xf32, #tpu.memory_space<vmem>> -> memref<8x128xf32, #tpu.memory_space<vmem>>
    %dma_wait3A_234 = arith.constant 0 : i32
    %dma_wait3A_235 = arith.constant 0 : i32
    %dma_wait3A_236 = tpu.memref_slice %arg4[%dma_wait3A_221, %dma_wait3A_222, %dma_wait3A_223, %dma_wait3A_234, %dma_wait3A_235] : memref<50x4x128x8x128xf32, #tpu.memory_space<hbm>> -> memref<1x1x1x8x128xf32, #tpu.memory_space<hbm>>
    %dma_wait3A_237 = tpu.memref_squeeze %dma_wait3A_236 : memref<1x1x1x8x128xf32, #tpu.memory_space<hbm>> -> memref<8x128xf32, #tpu.memory_space<hbm>>
    tpu.wait_dma2 semaphore(%arg21 : memref<!tpu.dma_semaphore, #tpu.memory_space<semaphore_mem>>) src(%dma_wait3A_237 : memref<8x128xf32, #tpu.memory_space<hbm>>) dst(%dma_wait3A_233 : memref<8x128xf32, #tpu.memory_space<vmem>>)
    %dma_wait3A_238 = arith.constant 0 : i32
    %dma_wait3A_239 = arith.constant 3 : i32
    %dma_wait3A_240 = arith.constant 0 : i32
    %dma_wait3A_241 = arith.constant 24 : i32
    %dma_wait3A_242 = arith.constant 0 : i32
    %dma_wait3A_243 = tpu.memref_slice %arg13[%dma_wait3A_241, %dma_wait3A_242] : memref<32x128xf32, #tpu.memory_space<vmem>> -> memref<8x128xf32, #tpu.memory_space<vmem>>
    %dma_wait3A_244 = arith.constant 0 : i32
    %dma_wait3A_245 = arith.constant 0 : i32
    %dma_wait3A_246 = tpu.memref_slice %arg4[%dma_wait3A_238, %dma_wait3A_239, %dma_wait3A_240, %dma_wait3A_244, %dma_wait3A_245] : memref<50x4x128x8x128xf32, #tpu.memory_space<hbm>> -> memref<1x1x1x8x128xf32, #tpu.memory_space<hbm>>
    %dma_wait3A_247 = tpu.memref_squeeze %dma_wait3A_246 : memref<1x1x1x8x128xf32, #tpu.memory_space<hbm>> -> memref<8x128xf32, #tpu.memory_space<hbm>>
    %dma_wait3A_248 = arith.constant 24 : i32
    %dma_wait3A_249 = arith.constant 0 : i32
    %dma_wait3A_250 = tpu.memref_slice %arg13[%dma_wait3A_248, %dma_wait3A_249] : memref<32x128xf32, #tpu.memory_space<vmem>> -> memref<8x128xf32, #tpu.memory_space<vmem>>
    %dma_wait3A_251 = arith.constant 0 : i32
    %dma_wait3A_252 = arith.constant 0 : i32
    %dma_wait3A_253 = tpu.memref_slice %arg4[%dma_wait3A_238, %dma_wait3A_239, %dma_wait3A_240, %dma_wait3A_251, %dma_wait3A_252] : memref<50x4x128x8x128xf32, #tpu.memory_space<hbm>> -> memref<1x1x1x8x128xf32, #tpu.memory_space<hbm>>
    %dma_wait3A_254 = tpu.memref_squeeze %dma_wait3A_253 : memref<1x1x1x8x128xf32, #tpu.memory_space<hbm>> -> memref<8x128xf32, #tpu.memory_space<hbm>>
    tpu.wait_dma2 semaphore(%arg21 : memref<!tpu.dma_semaphore, #tpu.memory_space<semaphore_mem>>) src(%dma_wait3A_254 : memref<8x128xf32, #tpu.memory_space<hbm>>) dst(%dma_wait3A_250 : memref<8x128xf32, #tpu.memory_space<vmem>>)
    %dma_wait3A_255 = arith.constant 0 : i32
    %dma_wait3A_256 = arith.constant 0 : i32
    %dma_wait3A_257 = arith.constant 0 : i32
    %dma_wait3A_258 = arith.constant 0 : i32
    %dma_wait3A_259 = arith.constant 0 : i32
    %dma_wait3A_260 = tpu.memref_slice %arg14[%dma_wait3A_258, %dma_wait3A_259] : memref<32x128xf32, #tpu.memory_space<vmem>> -> memref<8x128xf32, #tpu.memory_space<vmem>>
    %dma_wait3A_261 = arith.constant 0 : i32
    %dma_wait3A_262 = arith.constant 0 : i32
    %dma_wait3A_263 = tpu.memref_slice %arg4[%dma_wait3A_255, %dma_wait3A_256, %dma_wait3A_257, %dma_wait3A_261, %dma_wait3A_262] : memref<50x4x128x8x128xf32, #tpu.memory_space<hbm>> -> memref<1x1x1x8x128xf32, #tpu.memory_space<hbm>>
    %dma_wait3A_264 = tpu.memref_squeeze %dma_wait3A_263 : memref<1x1x1x8x128xf32, #tpu.memory_space<hbm>> -> memref<8x128xf32, #tpu.memory_space<hbm>>
    %dma_wait3A_265 = arith.constant 0 : i32
    %dma_wait3A_266 = arith.constant 0 : i32
    %dma_wait3A_267 = tpu.memref_slice %arg14[%dma_wait3A_265, %dma_wait3A_266] : memref<32x128xf32, #tpu.memory_space<vmem>> -> memref<8x128xf32, #tpu.memory_space<vmem>>
    %dma_wait3A_268 = arith.constant 0 : i32
    %dma_wait3A_269 = arith.constant 0 : i32
    %dma_wait3A_270 = tpu.memref_slice %arg4[%dma_wait3A_255, %dma_wait3A_256, %dma_wait3A_257, %dma_wait3A_268, %dma_wait3A_269] : memref<50x4x128x8x128xf32, #tpu.memory_space<hbm>> -> memref<1x1x1x8x128xf32, #tpu.memory_space<hbm>>
    %dma_wait3A_271 = tpu.memref_squeeze %dma_wait3A_270 : memref<1x1x1x8x128xf32, #tpu.memory_space<hbm>> -> memref<8x128xf32, #tpu.memory_space<hbm>>
    tpu.wait_dma2 semaphore(%arg22 : memref<!tpu.dma_semaphore, #tpu.memory_space<semaphore_mem>>) src(%dma_wait3A_271 : memref<8x128xf32, #tpu.memory_space<hbm>>) dst(%dma_wait3A_267 : memref<8x128xf32, #tpu.memory_space<vmem>>)
    %dma_wait3A_272 = arith.constant 0 : i32
    %dma_wait3A_273 = arith.constant 1 : i32
    %dma_wait3A_274 = arith.constant 0 : i32
    %dma_wait3A_275 = arith.constant 8 : i32
    %dma_wait3A_276 = arith.constant 0 : i32
    %dma_wait3A_277 = tpu.memref_slice %arg14[%dma_wait3A_275, %dma_wait3A_276] : memref<32x128xf32, #tpu.memory_space<vmem>> -> memref<8x128xf32, #tpu.memory_space<vmem>>
    %dma_wait3A_278 = arith.constant 0 : i32
    %dma_wait3A_279 = arith.constant 0 : i32
    %dma_wait3A_280 = tpu.memref_slice %arg4[%dma_wait3A_272, %dma_wait3A_273, %dma_wait3A_274, %dma_wait3A_278, %dma_wait3A_279] : memref<50x4x128x8x128xf32, #tpu.memory_space<hbm>> -> memref<1x1x1x8x128xf32, #tpu.memory_space<hbm>>
    %dma_wait3A_281 = tpu.memref_squeeze %dma_wait3A_280 : memref<1x1x1x8x128xf32, #tpu.memory_space<hbm>> -> memref<8x128xf32, #tpu.memory_space<hbm>>
    %dma_wait3A_282 = arith.constant 8 : i32
    %dma_wait3A_283 = arith.constant 0 : i32
    %dma_wait3A_284 = tpu.memref_slice %arg14[%dma_wait3A_282, %dma_wait3A_283] : memref<32x128xf32, #tpu.memory_space<vmem>> -> memref<8x128xf32, #tpu.memory_space<vmem>>
    %dma_wait3A_285 = arith.constant 0 : i32
    %dma_wait3A_286 = arith.constant 0 : i32
    %dma_wait3A_287 = tpu.memref_slice %arg4[%dma_wait3A_272, %dma_wait3A_273, %dma_wait3A_274, %dma_wait3A_285, %dma_wait3A_286] : memref<50x4x128x8x128xf32, #tpu.memory_space<hbm>> -> memref<1x1x1x8x128xf32, #tpu.memory_space<hbm>>
    %dma_wait3A_288 = tpu.memref_squeeze %dma_wait3A_287 : memref<1x1x1x8x128xf32, #tpu.memory_space<hbm>> -> memref<8x128xf32, #tpu.memory_space<hbm>>
    tpu.wait_dma2 semaphore(%arg22 : memref<!tpu.dma_semaphore, #tpu.memory_space<semaphore_mem>>) src(%dma_wait3A_288 : memref<8x128xf32, #tpu.memory_space<hbm>>) dst(%dma_wait3A_284 : memref<8x128xf32, #tpu.memory_space<vmem>>)
    %dma_wait3A_289 = arith.constant 0 : i32
    %dma_wait3A_290 = arith.constant 2 : i32
    %dma_wait3A_291 = arith.constant 0 : i32
    %dma_wait3A_292 = arith.constant 16 : i32
    %dma_wait3A_293 = arith.constant 0 : i32
    %dma_wait3A_294 = tpu.memref_slice %arg14[%dma_wait3A_292, %dma_wait3A_293] : memref<32x128xf32, #tpu.memory_space<vmem>> -> memref<8x128xf32, #tpu.memory_space<vmem>>
    %dma_wait3A_295 = arith.constant 0 : i32
    %dma_wait3A_296 = arith.constant 0 : i32
    %dma_wait3A_297 = tpu.memref_slice %arg4[%dma_wait3A_289, %dma_wait3A_290, %dma_wait3A_291, %dma_wait3A_295, %dma_wait3A_296] : memref<50x4x128x8x128xf32, #tpu.memory_space<hbm>> -> memref<1x1x1x8x128xf32, #tpu.memory_space<hbm>>
    %dma_wait3A_298 = tpu.memref_squeeze %dma_wait3A_297 : memref<1x1x1x8x128xf32, #tpu.memory_space<hbm>> -> memref<8x128xf32, #tpu.memory_space<hbm>>
    %dma_wait3A_299 = arith.constant 16 : i32
    %dma_wait3A_300 = arith.constant 0 : i32
    %dma_wait3A_301 = tpu.memref_slice %arg14[%dma_wait3A_299, %dma_wait3A_300] : memref<32x128xf32, #tpu.memory_space<vmem>> -> memref<8x128xf32, #tpu.memory_space<vmem>>
    %dma_wait3A_302 = arith.constant 0 : i32
    %dma_wait3A_303 = arith.constant 0 : i32
    %dma_wait3A_304 = tpu.memref_slice %arg4[%dma_wait3A_289, %dma_wait3A_290, %dma_wait3A_291, %dma_wait3A_302, %dma_wait3A_303] : memref<50x4x128x8x128xf32, #tpu.memory_space<hbm>> -> memref<1x1x1x8x128xf32, #tpu.memory_space<hbm>>
    %dma_wait3A_305 = tpu.memref_squeeze %dma_wait3A_304 : memref<1x1x1x8x128xf32, #tpu.memory_space<hbm>> -> memref<8x128xf32, #tpu.memory_space<hbm>>
    tpu.wait_dma2 semaphore(%arg22 : memref<!tpu.dma_semaphore, #tpu.memory_space<semaphore_mem>>) src(%dma_wait3A_305 : memref<8x128xf32, #tpu.memory_space<hbm>>) dst(%dma_wait3A_301 : memref<8x128xf32, #tpu.memory_space<vmem>>)
    %dma_wait3A_306 = arith.constant 0 : i32
    %dma_wait3A_307 = arith.constant 3 : i32
    %dma_wait3A_308 = arith.constant 0 : i32
    %dma_wait3A_309 = arith.constant 24 : i32
    %dma_wait3A_310 = arith.constant 0 : i32
    %dma_wait3A_311 = tpu.memref_slice %arg14[%dma_wait3A_309, %dma_wait3A_310] : memref<32x128xf32, #tpu.memory_space<vmem>> -> memref<8x128xf32, #tpu.memory_space<vmem>>
    %dma_wait3A_312 = arith.constant 0 : i32
    %dma_wait3A_313 = arith.constant 0 : i32
    %dma_wait3A_314 = tpu.memref_slice %arg4[%dma_wait3A_306, %dma_wait3A_307, %dma_wait3A_308, %dma_wait3A_312, %dma_wait3A_313] : memref<50x4x128x8x128xf32, #tpu.memory_space<hbm>> -> memref<1x1x1x8x128xf32, #tpu.memory_space<hbm>>
    %dma_wait3A_315 = tpu.memref_squeeze %dma_wait3A_314 : memref<1x1x1x8x128xf32, #tpu.memory_space<hbm>> -> memref<8x128xf32, #tpu.memory_space<hbm>>
    %dma_wait3A_316 = arith.constant 24 : i32
    %dma_wait3A_317 = arith.constant 0 : i32
    %dma_wait3A_318 = tpu.memref_slice %arg14[%dma_wait3A_316, %dma_wait3A_317] : memref<32x128xf32, #tpu.memory_space<vmem>> -> memref<8x128xf32, #tpu.memory_space<vmem>>
    %dma_wait3A_319 = arith.constant 0 : i32
    %dma_wait3A_320 = arith.constant 0 : i32
    %dma_wait3A_321 = tpu.memref_slice %arg4[%dma_wait3A_306, %dma_wait3A_307, %dma_wait3A_308, %dma_wait3A_319, %dma_wait3A_320] : memref<50x4x128x8x128xf32, #tpu.memory_space<hbm>> -> memref<1x1x1x8x128xf32, #tpu.memory_space<hbm>>
    %dma_wait3A_322 = tpu.memref_squeeze %dma_wait3A_321 : memref<1x1x1x8x128xf32, #tpu.memory_space<hbm>> -> memref<8x128xf32, #tpu.memory_space<hbm>>
    tpu.wait_dma2 semaphore(%arg22 : memref<!tpu.dma_semaphore, #tpu.memory_space<semaphore_mem>>) src(%dma_wait3A_322 : memref<8x128xf32, #tpu.memory_space<hbm>>) dst(%dma_wait3A_318 : memref<8x128xf32, #tpu.memory_space<vmem>>)
    return
  }
}

</mosaic_0001>

<sc_bundles>
// kernel: kernel.3.cloned.1.call-start
scs
__scs_entry_jumppad:
0x0: {  	(pc) =	sbr.rel $0x88, $3  }
0x1: {  	(tag) =	ssettag $0x0;
	lr =	simm.s32 $0x1  }
0x2: {  	[smem:$0x3F9F] =	sst lr;
	_ =	strace $0xD0000000  }
0x3: {  	_ = 	snop  }
0x4: {  	_ = 	snop  }
0x5: {  	_ = 	snop  }
0x6: {  	_ = 	snop  }
0x7: {  	_ = 	snop  }
__scs_overlays_trampoline_lowered:
0x8: {  	[smem:$0x3FAE] =	sst s0  }
0x9: {  	[smem:$0x3FAF] =	sst s1  }
0xa: {  	[smem:$0x3FB0] =	sst s2  }
0xb: {  	[smem:$0x3FB1] =	sst s3  }
0xc: {  	[smem:$0x3FB2] =	sst s4  }
0xd: {  	[smem:$0x3FB3] =	sst s5  }
0xe: {  	[smem:$0x3FB4] =	sst s6  }
0xf: {  	[smem:$0x3FB5] =	sst s7  }
0x10: {  	[smem:$0x3FB6] =	sst s8  }
0x11: {  	[smem:$0x3FB7] =	sst s9;
	s0 =	simm.s32 @!p0 $0x0  }
0x12: {  	s1 =	sld [smem:$0x3F9D];
	s0 =	simm.s32 @p0 $0x1  }
0x13: {  	[smem:$0x3FB8] =	sst s0;
	s0 =	simm.s32 @!p1 $0x0  }
0x14: {  	s2 =	sld [smem:$0x3F9C];
	s0 =	simm.s32 @p1 $0x1  }
0x15: {  	[smem:$0x3FB9] =	sst s0;
	s0 =	simm.s32 @!p2 $0x0  }
0x16: {  	s3 =	sld [smem:$0x3FDB];
	s0 =	simm.s32 @p2 $0x1  }
0x17: {  	s4 =	simm.s32 $0x1BF5;
	[smem:$0x3FBB] =	sst s0  }
0x18: {  	s0 =	sld [smem:$0x3F9E];
	_ =	swait.ge [sflag:s4], $0x0  }
0x19: {  	s7 =	sld [smem:$0x3F9F]  }
0x1a: {  	s8 =	sadd.s32 $0xFFFFE003, lr  }
0x1b: {  	s9 =	sadd.s32 $0xFFFFFEF7, lr;
	s5 =	simm.s32 $0xFFFFFFFF;
	p2 =	slt.u32 s8, $0xFFFFF086  }
0x1c: {  	p1 =	slt.u32 s9, $0xF7A;
	s5 =	simm.s32 @!p2 $0x0  }
0x1d: {  	s5 =	simm.s32 @p1 $0x1;
	p0 =	seq.s32 s7, s2  }
0x1e: {  	s7 =	smul.u32 @!p0 $0xF7A, s2;
	p2 =	seq.s32 @!p0 s5, $0x0  }
0x1f: {  	s9 =	smul.u32 $0xF7A, s1;
	s8 =	simm.s32 @!p0 $0x1BF5;
	p2 =	por !p2, p0  }
0x20: {  	[sflag:s8] =	ssyncset.s32 @!p0 $0xFFFFF086;
	s6 =	sadd.s32 @!p0 s3, s7;
	s7 =	simm.s32 @!p0 $0x108  }
0x21: {  	s3 =	sadd.s32 s3, s9;
	s6 =	sadd.s32 @!p0 $0x88, s6;
	s7 =	simm.s32 @p2 $0x1082  }
0x22: {  	[simem:s7], [sflag:s8] =	dma.local @!p0 [hbm:s6], $0xF7A  }
0x23: {  	s9 =	sor.u32 $0xD0000000, s2;
	s6 =	simm.s32 $0x108;
	_ =	swait.ge @!p0 [sflag:s8], $0x0  }
0x24: {  	s3 =	sadd.s32 $0x88, s3;
	s6 =	simm.s32 @!p1 $0x1082;
	[sflag:s4] =	ssyncset.s32 $0xFFFFF086  }
0x25: {  	[simem:s6], [sflag:s4] =	dma.local [hbm:s3], $0xF7A  }
0x26: {  	[smem:$0x3F9F] =	sst s1;
	(tag) =	ssettag s2;
	_ =	strace s9  }
0x27: {  	s1 =	sld [smem:$0x3FAF]  }
0x28: {  	s2 =	sld [smem:$0x3FB0]  }
0x29: {  	s4 =	sld [smem:$0x3FB2]  }
0x2a: {  	p0 =	seq.s32 s5, $0x0;
	s5 =	sld [smem:$0x3FB3]  }
0x2b: {  	s6 =	sld [smem:$0x3FB4]  }
0x2c: {  	s7 =	sld [smem:$0x3FB5]  }
0x2d: {  	s3 =	simm.s32 $0x108;
	s8 =	sld [smem:$0x3FB6]  }
0x2e: {  	s3 =	simm.s32 @!p0 $0x1082;
	s9 =	sld [smem:$0x3FB7]  }
0x2f: {  	lr =	sadd.s32 s0, s3;
	s0 =	sld [smem:$0x3FAE]  }
0x30: {  	s3 =	sld [smem:$0x3FB1]  }
0x31: {  	[smem:$0x3FBA] =	sst s10  }
0x32: {  	s10 =	sld [smem:$0x3FB8];
	_ =	sdelay $0x3  }
0x33: {  	p0 =	seq.s32 s10, $0x1;
	s10 =	sld [smem:$0x3FBA];
	_ =	sdelay $0x3  }
0x34: {  	[smem:$0x3FBA] =	sst s10  }
0x35: {  	s10 =	sld [smem:$0x3FB9];
	_ =	sdelay $0x3  }
0x36: {  	p1 =	seq.s32 s10, $0x1;
	s10 =	sld [smem:$0x3FBA];
	_ =	sdelay $0x3  }
0x37: {  	[smem:$0x3FBA] =	sst s10  }
0x38: {  	s10 =	sld [smem:$0x3FBB]  }
0x39: {  	_ = 	snop;
	(pc) =	sbr.ind lr, $3  }
0x3a: {  	_ = 	snop  }
0x3b: {  	_ = 	snop  }
0x3c: {  	p2 =	seq.s32 s10, $0x1;
	s10 =	sld [smem:$0x3FBA]  }
0x3d: {  	_ =	shalt  }
0x3e: {  	_ =	shalt  }
0x3f: {  	_ =	shalt  }
0x40: {  	_ =	shalt  }
0x41: {  	_ =	shalt  }
0x42: {  	_ =	shalt  }
0x43: {  	_ =	shalt  }
0x44: {  	_ =	shalt  }
0x45: {  	_ =	shalt  }
0x46: {  	_ =	shalt  }
0x47: {  	_ =	shalt  }
0x48: {  	_ =	shalt  }
0x49: {  	_ =	shalt  }
0x4a: {  	_ =	shalt  }
0x4b: {  	_ =	shalt  }
0x4c: {  	_ =	shalt  }
0x4d: {  	_ =	shalt  }
0x4e: {  	_ =	shalt  }
0x4f: {  	_ =	shalt  }
0x50: {  	_ =	shalt  }
0x51: {  	_ =	shalt  }
0x52: {  	_ =	shalt  }
0x53: {  	_ =	shalt  }
0x54: {  	_ =	shalt  }
0x55: {  	_ =	shalt  }
0x56: {  	_ =	shalt  }
0x57: {  	_ =	shalt  }
0x58: {  	_ =	shalt  }
0x59: {  	_ =	shalt  }
0x5a: {  	_ =	shalt  }
0x5b: {  	_ =	shalt  }
0x5c: {  	_ =	shalt  }
0x5d: {  	_ =	shalt  }
0x5e: {  	_ =	shalt  }
0x5f: {  	_ =	shalt  }
0x60: {  	_ =	shalt  }
0x61: {  	_ =	shalt  }
0x62: {  	_ =	shalt  }
0x63: {  	_ =	shalt  }
0x64: {  	_ =	shalt  }
0x65: {  	_ =	shalt  }
0x66: {  	_ =	shalt  }
0x67: {  	_ =	shalt  }
0x68: {  	_ =	shalt  }
0x69: {  	_ =	shalt  }
0x6a: {  	_ =	shalt  }
0x6b: {  	_ =	shalt  }
0x6c: {  	_ =	shalt  }
0x6d: {  	_ =	shalt  }
0x6e: {  	_ =	shalt  }
0x6f: {  	_ =	shalt  }
0x70: {  	_ =	shalt  }
0x71: {  	_ =	shalt  }
0x72: {  	_ =	shalt  }
0x73: {  	_ =	shalt  }
0x74: {  	_ =	shalt  }
0x75: {  	_ =	shalt  }
0x76: {  	_ =	shalt  }
0x77: {  	_ =	shalt  }
0x78: {  	_ =	shalt  }
0x79: {  	_ =	shalt  }
0x7a: {  	_ =	shalt  }
0x7b: {  	_ =	shalt  }
0x7c: {  	_ =	shalt  }
0x7d: {  	_ =	shalt  }
0x7e: {  	_ =	shalt  }
0x7f: {  	_ =	shalt  }
0x80: {  	_ =	shalt  }
0x81: {  	_ =	shalt  }
0x82: {  	_ =	shalt  }
0x83: {  	_ =	shalt  }
0x84: {  	_ =	shalt  }
0x85: {  	_ =	shalt  }
0x86: {  	_ =	shalt  }
0x87: {  	_ =	shalt  }
.Lfunc_end0:
.L_simem_size_0:
called_computation_lowered:
.L_overlay_start_0:
0x88: {  	s2 =	sld [smem:$0x3FD9]  }
0x89: {  	s3 =	sld [smem:$0x3FFE];
	_ =	sdelay $0x1  }
0x8a: {  	s1 =	srdreg.scid  }
0x8b: {  	s0 =	sand.u32 $0x1, s1  }
0x8c: {  	s17 =	sshll.u32 s0, $0xA;
	s2 =	sadd.s32 s3, s2  }
0x8d: {  	s2 =	sadd.s32 s2, s17  }
0x8e: {  	[smem:$0x3FC6] =	sst s2  }
0x8f: {  	_ = 	snop  }
0x90: {  	s2 =	sld [smem:$0x3FD0];
	(tm) =	ssettm $0x1  }
0x91: {  	s18 =	sld [smem:$0x3FFB];
	_ =	sdelay $0x3  }
0x92: {  	_ =	strace s18  }
0x93: {  	s3 =	sld [smem:$0x3FFC];
	_ =	sdelay $0x3  }
0x94: {  	_ =	strace s3  }
0x95: {  	s3 =	sld [smem:$0x3FFD];
	_ =	sdelay $0x3  }
0x96: {  	_ =	strace s3  }
0x97: {  	_ =	strace $0x8FFFFFFF  }
0x98: {  	s19 =	sld [smem:$0x3FDB];
	_ =	sdelay $0x1  }
0x99: {  	s4 =	simm.s32 $_scs_section_size  }
0x9a: {  	s5 =	simm.s32 $_size__tile_overlayer_lowered;
	s6 =	simm.s32 $_tile_overlayer_lowered  }
0x9b: {  	s22 =	simm.s32 $0x1BFF;
	s21 =	sshll.u32 s6, $0x1;
	s3 =	sadd.s32 s4, s19  }
0x9c: {  	s7 =	simm.s32 $0x0;
	s20 =	sshll.u32 s5, $0x1;
	s5 =	sadd.s32 s21, s3  }
0x9d: {  	[timem:s7], [sflag:s22] =	dma.local [hbm:s5], s20  }
0x9e: {  	_ =	swait.ge [sflag:s22], s20  }
0x9f: {  	s4 =	ssub.s32 $0x0, s20;
	[sflag:s22] =	ssyncset.done $0x0  }
0xa0: {  	[sflag:s22] =	ssyncadd.s32 s4;
	_ =	sdelay $0x1  }
0xa1: {  	s23 =	simm.s32 $0x1B8B  }
0xa2: {  	_ =	swait.ge [sflag:s23], $0x1  }
0xa3: {  	[sflag:s23] =	ssyncset.done $0x0  }
0xa4: {  	s25 =	simm.s32 $0x1B8E;
	s24 =	sld [smem:$0x3FFE];
	[sflag:s23] =	ssyncadd.s32 $0xFFFFFFFF  }
0xa5: {  	s26 =	simm.s32 $execute0_lowered;
	[smem:$0x3FD2] =	sst s25  }
0xa6: {  	s5 =	sshll.u32 s26, $0x1;
	_ =	strace $0x80000046;
	[dreg:$0x1] =	wrdreg $0xFFFFFFFF  }
0xa7: {  	s28 =	simm.s32 $_size_execute0_lowered;
	s3 =	sadd.s32 s3, s5;
	[dreg:$0x0] =	wrdreg $0x0  }
0xa8: {  	s5 =	sshll.u32 s28, $0x1;
	[dreg:$0x2] =	wrdreg s3  }
0xa9: {  	[dreg:$0x3] =	wrdreg s5  }
0xaa: {  	[dreg:$0x4] =	wrdreg $0xC0  }
0xab: {  	_ =	task [dreg:s7], $0x5FFFF  }
0xac: {  	[dreg:$0x1] =	wrdreg $0xFFFFFFFF  }
0xad: {  	[dreg:$0x0] =	wrdreg $0x60  }
0xae: {  	[dreg:$0x2] =	wrdreg s24  }
0xaf: {  	[dreg:$0x3] =	wrdreg s2  }
0xb0: {  	[dreg:$0x4] =	wrdreg $0x9  }
0xb1: {  	_ =	task.clear_ibuf [dreg:s7], $0x5FFFF;
	_ =	strace $0x90000046  }
0xb2: {  	s29 =	simm.s32 $0x9;
	_ =	strace $0x80000048  }
0xb3: {  	_ =	swait.ge [sflag:s29], $0x1  }
0xb4: {  	[sflag:s29] =	ssyncadd.s32 $0xFFFFFFFF  }
0xb5: {  	_ =	strace $0x90000048  }
0xb6: {  	_ =	sfence  }
0xb7: {  	s30 =	sld [smem:$0x0];
	_ =	sdelay $0x2  }
0xb8: {  	s31 =	sshll.u32 s1, $0xD;
	s1 =	sshrl.u32 s1, $0x2  }
0xb9: {  	s3 =	sand.u32 $0x4000, s31;
	s1 =	sadd.s32 s1, s30  }
0xba: {  	s0 =	sor.u32 s3, s0;
	s1 =	sshll.u32 s1, $0x11  }
0xbb: {  	s0 =	sor.u32 s1, s0  }
0xbc: {  	s0 =	sadd.s32 $0x8F2B, s0  }
0xbd: {  	[sflag:s0] =	ssyncadd.remote.s32 $0x1  }
0xbe: {  	_ =	sfence.sel $0xFFFF  }
0xbf: {  	[dreg:$0x0] =	wrdreg $0xFFFFFFFF;
	(pc) =	sbr.abs _section_cstart, $3  }
0xc0: {  	[dreg:$0x1] =	wrdreg $0xFFFFFFFF  }
0xc1: {  	_ =	task.clear_ibuf [dreg:s7], $0x2FFFF;
	_ =	strace $0x9FFFFFFF  }
0xc2: {  	(tm) =	ssettm $0x7FFFFFFF  }
0xc3: {  	_ =	shalt  }
tec
execute0_lowered:
.L_overlay_start_1:
0x0: {  	(tag) =	ssettag $0x1  }
0x1: {  	v14 =	vlaneseq.u32;
	s3 =	stileid.u32  }
0x2: {  	s0 =	rddreg [dreg:$0x0];
	v24 =	vmul.u32 $0x20, v14;
	s4 =	sshll.u32 s3, $0x1;
	s3 =	simm.s32 $0x0  }
0x3: {  	v0 =	vimm.s32 $0x0;
	vm0 =	vcmask $0x300;
	[smem:$0x7FF] =	sst s3  }
0x4: {  	s2 =	rddreg [dreg:$0x1];
	v2 =	vsel vm0, $0x3, v0;
	_ =	strace $0x80000047;
	v0 =	vor.u32 $0xE02, v24;
	[tilespmem:$0x1FE10] =	vst v24  }
0x5: {  	v17 =	vor.u32 $0xC00, v24;
	[tilespmem:$0x1FD00] =	vst v0  }
0x6: {  	v56 =	vor.u32 $0xE00, v24;
	[tilespmem:$0x1FE20] =	vst v17  }
0x7: {  	v47 =	vor.u32 $0xE03, v24;
	[tilespmem:$0x1FE30] =	vst v56  }
0x8: {  	v57 =	vor.u32 $0xC04, v24;
	[tilespmem:$0x1FE40] =	vst v47  }
0x9: {  	v32 =	vor.u32 $0xE04, v24;
	[tilespmem:$0x1FE50] =	vst v57  }
0xa: {  	v37 =	vor.u32 $0x3, v24;
	[tilespmem:$0x1FE60] =	vst v32  }
0xb: {  	v35 =	vor.u32 $0x4, v24;
	[tilespmem:$0x1FE70] =	vst v37  }
0xc: {  	v59 =	vor.u32 $0xE05, v24;
	[tilespmem:$0x1FE80] =	vst v35  }
0xd: {  	v46 =	vor.u32 $0xE06, v24;
	[tilespmem:$0x1FE90] =	vst v59  }
0xe: {  	v16 =	vor.u32 $0x203, v24;
	[tilespmem:$0x1FEA0] =	vst v46  }
0xf: {  	v63 =	vor.u32 $0x804, v24;
	[tilespmem:$0x1FEB0] =	vst v16  }
0x10: {  	v39 =	vor.u32 $0x805, v24;
	[tilespmem:$0x1FEC0] =	vst v63  }
0x11: {  	v26 =	vor.u32 $0xA05, v24;
	[tilespmem:$0x1FED0] =	vst v39  }
0x12: {  	v53 =	vor.u32 $0xA04, v24;
	[tilespmem:$0x1FEE0] =	vst v26  }
0x13: {  	v19 =	vor.u32 $0x202, v24;
	[tilespmem:$0x1FEF0] =	vst v53  }
0x14: {  	v18 =	vor.u32 $0x201, v24;
	[tilespmem:$0x1FF00] =	vst v19  }
0x15: {  	v61 =	vor.u32 $0x405, v24;
	[tilespmem:$0x1FF10] =	vst v18  }
0x16: {  	v55 =	vor.u32 $0x604, v24;
	[tilespmem:$0x1FF20] =	vst v61  }
0x17: {  	v62 =	vor.u32 $0x605, v24;
	[tilespmem:$0x1FF30] =	vst v55  }
0x18: {  	v60 =	vor.u32 $0x205, v24;
	[tilespmem:$0x1FF40] =	vst v62  }
0x19: {  	v38 =	vor.u32 $0xC01, v24;
	[tilespmem:$0x1FF50] =	vst v60  }
0x1a: {  	v21 =	vor.u32 $0xA00, v24;
	[tilespmem:$0x1FF60] =	vst v38  }
0x1b: {  	v1 =	vor.u32 $0xC02, v24;
	[tilespmem:$0x1FF70] =	vst v21  }
0x1c: {  	v34 =	vor.u32 $0x207, v24;
	[tilespmem:$0x1FF80] =	vst v1  }
0x1d: {  	v23 =	vor.u32 $0x5, v24;
	[tilespmem:$0x1FF90] =	vst v34  }
0x1e: {  	v48 =	vor.u32 $0x2, v24;
	[tilespmem:$0x1FFA0] =	vst v23  }
0x1f: {  	v40 =	vor.u32 $0x1, v24;
	[tilespmem:$0x1FFB0] =	vst v48  }
0x20: {  	v44 =	vor.u32 $0xA02, v24;
	[tilespmem:$0x1FFC0] =	vst v40  }
0x21: {  	v45 =	vor.u32 $0xA01, v24;
	[tilespmem:$0x1FFD0] =	vst v44  }
0x22: {  	v54 =	vor.u32 $0x801, v24;
	[tilespmem:$0x1FFE0] =	vst v45  }
0x23: {  	v0 =	vor.u32 $0x403, v24;
	[tilespmem:$0x1FFF0] =	vst v54  }
0x24: {  	[tilespmem:$0x1FD10] =	vst v0;
	v0 =	vor.u32 $0x603, v24  }
0x25: {  	[tilespmem:$0x1FD20] =	vst v0;
	v0 =	vor.u32 $0x803, v24  }
0x26: {  	[tilespmem:$0x1FD30] =	vst v0;
	v0 =	vor.u32 $0xA03, v24  }
0x27: {  	[tilespmem:$0x1FD40] =	vst v0;
	v0 =	vor.u32 $0xC03, v24  }
0x28: {  	s1 =	srdreg.scid;
	s15 =	simm.s32 $0x80;
	s17 =	simm.s32 $0xD400;
	[tilespmem:$0x1FD50] =	vst v0;
	v0 =	vor.u32 $0x204, v24  }
0x29: {  	s19 =	simm.s32 $0xE400;
	s21 =	simm.s32 $0xF400;
	s23 =	simm.s32 $0x10400;
	[tilespmem:$0x1FD60] =	vst v0;
	v0 =	vor.u32 $0x404, v24  }
0x2a: {  	s24 =	simm.s32 $0x1;
	s30 =	simm.s32 $0x2;
	s31 =	simm.s32 $0x6;
	[tilespmem:$0x1FD70] =	vst v0;
	v0 =	vor.u32 $0xC05, v24  }
0x2b: {  	s20 =	simm.s32 $0x3;
	s22 =	simm.s32 $0x7;
	s28 =	simm.s32 $0x8;
	[tilespmem:$0x1FD80] =	vst v0;
	v0 =	vor.u32 $0x6, v24  }
0x2c: {  	s16 =	simm.s32 $0x15000;
	s1 =	sand.u32 $0x1, s1;
	s7 =	sadd.s32 $0x4000, s2;
	[tilespmem:$0x1FD90] =	vst v0;
	v0 =	vor.u32 $0x206, v24  }
0x2d: {  	s8 =	sadd.s32 $0x8000, s2;
	s5 =	sor.u32 s1, s4;
	s1 =	ssub.s32 $0x2, s1;
	[tilespmem:$0x1FDA0] =	vst v0;
	v0 =	vor.u32 $0x406, v24  }
0x2e: {  	s9 =	sadd.s32 $0xC000, s2;
	s6 =	smul.u32 $0xE00, s5;
	s26 =	sshrl.u32 s1, $0x1;
	[tilespmem:$0x1FDB0] =	vst v0;
	v0 =	vor.u32 $0x606, v24  }
.Ltmp0:
0x2f: {  	s4 =	sadd.s32 $0xF42A00, s0;
	v28 =	vor.u32 $0x200, v24;
	s1 =	ssub.s32 s1, s26;
	[tilespmem:$0x1FDC0] =	vst v0;
	v0 =	vor.u32 $0x806, v24;
	(pc) =	sbr.rel .LBB2_1-.Ltmp0, $4  }
0x30: {  	v29 =	vor.u32 $0x400, v24;
	v30 =	vor.u32 $0x600, v24;
	s26 =	simm.s32 $0x4;
	s0 =	sadd.s32 s6, s0;
	s6 =	sshll.u32 s5, $0xC;
	[tilespmem:$0x1FDD0] =	vst v0;
	v0 =	vor.u32 $0xA06, v24  }
0x31: {  	v31 =	vor.u32 $0x800, v24;
	v36 =	vor.u32 $0x401, v24;
	s29 =	smax.u32 s1, $0x1;
	s5 =	simm.s32 $0x0;
	s0 =	sadd.s32 $0x600, s0;
	[tilespmem:$0x1FDE0] =	vst v0;
	v0 =	vor.u32 $0xC06, v24  }
0x32: {  	v43 =	vor.u32 $0x601, v24;
	v27 =	vor.u32 $0xE01, v24;
	s10 =	sor.u32 $0x400, s6;
	s11 =	sor.u32 $0x800, s6;
	[dreg:$0x4] =	wrdreg s29;
	[tilespmem:$0x1FDF0] =	vst v0;
	v0 =	vor.u32 $0x7, v24  }
0x33: {  	v50 =	vor.u32 $0x402, v24;
	v51 =	vor.u32 $0x602, v24;
	v49 =	vor.u32 $0x802, v24;
	s12 =	sor.u32 $0xC00, s6;
	[dreg:$0x3] =	wrdreg s0;
	s0 =	simm.s32 $0x14C00;
	[tilespmem:$0x1FE00] =	vst v0  }
.LBB2_26:
0x34: {  	s1 =	simm.s32 $0x5  }
0x35: {  	_ =	swait.ge [sflag:s1], $0x400  }
0x36: {  	[sflag:s1] =	ssyncset.done $0x0  }
0x37: {  	[sflag:s1] =	ssyncadd.s32 $0xFFFFFC00  }
0x38: {  	_ =	swait.ge [sflag:s1], $0x400  }
0x39: {  	[sflag:s1] =	ssyncset.done $0x0  }
0x3a: {  	[sflag:s1] =	ssyncadd.s32 $0xFFFFFC00  }
0x3b: {  	_ =	swait.ge [sflag:s1], $0x400  }
0x3c: {  	[sflag:s1] =	ssyncset.done $0x0  }
0x3d: {  	[sflag:s1] =	ssyncadd.s32 $0xFFFFFC00  }
0x3e: {  	_ =	swait.ge [sflag:s1], $0x400  }
0x3f: {  	[sflag:s1] =	ssyncset.done $0x0  }
0x40: {  	[sflag:s1] =	ssyncadd.s32 $0xFFFFFC00  }
0x41: {  	_ =	swait.ge [sflag:s31], $0x400  }
0x42: {  	[sflag:s31] =	ssyncset.done $0x0  }
0x43: {  	[sflag:s31] =	ssyncadd.s32 $0xFFFFFC00  }
0x44: {  	_ =	swait.ge [sflag:s31], $0x400  }
0x45: {  	[sflag:s31] =	ssyncset.done $0x0  }
0x46: {  	[sflag:s31] =	ssyncadd.s32 $0xFFFFFC00  }
0x47: {  	_ =	swait.ge [sflag:s31], $0x400  }
0x48: {  	[sflag:s31] =	ssyncset.done $0x0  }
0x49: {  	[sflag:s31] =	ssyncadd.s32 $0xFFFFFC00  }
0x4a: {  	_ =	swait.ge [sflag:s31], $0x400  }
0x4b: {  	[sflag:s31] =	ssyncset.done $0x0  }
0x4c: {  	[sflag:s31] =	ssyncadd.s32 $0xFFFFFC00  }
0x4d: {  	_ =	swait.ge [sflag:s22], $0x400  }
0x4e: {  	[sflag:s22] =	ssyncset.done $0x0  }
0x4f: {  	[sflag:s22] =	ssyncadd.s32 $0xFFFFFC00  }
0x50: {  	_ =	swait.ge [sflag:s22], $0x400  }
0x51: {  	[sflag:s22] =	ssyncset.done $0x0  }
0x52: {  	[sflag:s22] =	ssyncadd.s32 $0xFFFFFC00  }
0x53: {  	_ =	swait.ge [sflag:s22], $0x400  }
0x54: {  	[sflag:s22] =	ssyncset.done $0x0  }
0x55: {  	[sflag:s22] =	ssyncadd.s32 $0xFFFFFC00  }
0x56: {  	_ =	swait.ge [sflag:s22], $0x400  }
0x57: {  	[sflag:s22] =	ssyncset.done $0x0  }
0x58: {  	[sflag:s22] =	ssyncadd.s32 $0xFFFFFC00  }
0x59: {  	_ =	swait.ge [sflag:s28], $0x400  }
0x5a: {  	[sflag:s28] =	ssyncset.done $0x0  }
0x5b: {  	[sflag:s28] =	ssyncadd.s32 $0xFFFFFC00  }
0x5c: {  	_ =	swait.ge [sflag:s28], $0x400  }
0x5d: {  	[sflag:s28] =	ssyncset.done $0x0  }
0x5e: {  	[sflag:s28] =	ssyncadd.s32 $0xFFFFFC00  }
0x5f: {  	_ =	swait.ge [sflag:s28], $0x400  }
0x60: {  	[sflag:s28] =	ssyncset.done $0x0  }
0x61: {  	[sflag:s28] =	ssyncadd.s32 $0xFFFFFC00  }
0x62: {  	_ =	swait.ge [sflag:s28], $0x400  }
0x63: {  	s5 =	rddreg [dreg:$0x5]  }
0x64: {  	s29 =	rddreg [dreg:$0x4];
	s5 =	sadd.s32 $0x1, s5  }
0x65: {  	p0 =	sne.s32 s5, s29  }
.Ltmp1:
0x66: {  	_ = 	snop;
	(pc) =	sbr.rel @!p0 .LBB2_27-.Ltmp1, $3  }
0x67: {  	_ =	sdelay $0x1  }
0x68: {  	[sflag:s28] =	ssyncset.done $0x0  }
0x69: {  	v14 =	vlaneseq.u32;
	v24 =	vld [tilespmem:$0x1FE10];
	[sflag:s28] =	ssyncadd.s32 $0xFFFFFC00  }
.LBB2_1:
0x6a: {  	v33 =	vmov v1;
	v0 =	vmov s3;
	v1 =	vor.u32 s3, v14;
	s1 =	simm.s32 $0x10;
	s13 =	simm.s32 $0x30  }
0x6b: {  	s14 =	simm.s32 $0x20;
	v1 =	vand.u32 $0x1CF, v1;
	v3 =	vor.u32 s1, v14;
	v4 =	vor.u32 s13, v14  }
0x6c: {  	s29 =	simm.s32 $0x60;
	v5 =	vor.u32 s14, v14;
	v6 =	vmov s13;
	v7 =	vmov s1  }
0x6d: {  	s18 =	simm.s32 $0x70;
	v9 =	vmov s14;
	v0 =	vshrl.u32 v0, $0x9;
	v52 =	vor.u32 s29, v14  }
0x6e: {  	v56 =	vmov s18;
	v13 =	vmov s29;
	v4 =	vand.u32 $0x1FF, v4  }
0x6f: {  	v3 =	vand.u32 $0x1DF, v3;
	v6 =	vshrl.u32 v6, $0x9;
	v5 =	vand.u32 $0x1EF, v5  }
0x70: {  	s14 =	simm.s32 $0x50;
	v1 =	vmul.u32 $0x38, v1;
	v10 =	vand.u32 $0x38, v0;
	v4 =	vmul.u32 $0x38, v4  }
0x71: {  	v0 =	vand.u32 $0x7, v0;
	v11 =	vmov s14;
	v8 =	vand.u32 $0x38, v6  }
0x72: {  	v58 =	vshrl.u32 v13, $0x9;
	v6 =	vand.u32 $0x7, v6;
	v4 =	vadd.s32 v8, v4  }
0x73: {  	v3 =	vmul.u32 $0x38, v3;
	v4 =	vor.u32 v6, v4;
	v6 =	vshrl.u32 v7, $0x9  }
0x74: {  	[dreg:$0x5] =	wrdreg s5;
	v5 =	vmul.u32 $0x38, v5;
	v7 =	vshrl.u32 v9, $0x9;
	v8 =	vand.u32 $0x38, v6  }
0x75: {  	s25 =	simm.s32 $0x9;
	s1 =	rddreg [dreg:$0x3];
	v9 =	vand.u32 $0x38, v7;
	v6 =	vand.u32 $0x7, v6;
	v3 =	vadd.s32 v8, v3  }
0x76: {  	[tilespmem:s3], [sflag:$0x9] =	stream.linear.gather [hbm4b:s1+s3], $0x7000, $0x38;
	v7 =	vand.u32 $0x7, v7;
	v5 =	vadd.s32 v9, v5;
	v3 =	vor.u32 v6, v3;
	[tilespmem:$0x15400] =	vst v63  }
0x77: {  	_ =	swait.ge [sflag:s25], $0x7000;
	v1 =	vadd.s32 v10, v1;
	v8 =	vor.u32 s18, v14;
	v5 =	vor.u32 v7, v5  }
0x78: {  	v57 =	vshrl.u32 v11, $0x9;
	[sflag:s25] =	ssyncset.done $0x0;
	v0 =	vor.u32 v0, v1;
	v8 =	vand.u32 $0x1FF, v8  }
0x79: {  	s13 =	simm.s32 $0x40;
	v13 =	vand.u32 $0x38, v58;
	v10 =	vshrl.u32 v56, $0x9;
	[sflag:s25] =	ssyncadd.s32 $0xFFFF9000;
	v8 =	vmul.u32 $0x38, v8  }
0x7a: {  	v12 =	vand.u32 $0x38, v10;
	v10 =	vand.u32 $0x7, v10;
	v7 =	vor.u32 s13, v14;
	v4 =	vld.idx.msk [tilespmem:v4+s3+$0x0], $0xffff  }
0x7b: {  	v1 =	vand.u32 $0x1CF, v7;
	v7 =	vor.u32 s14, v14;
	v8 =	vadd.s32 v12, v8;
	v3 =	vld.idx.msk [tilespmem:v3+s3+$0x0], $0xffff  }
0x7c: {  	v11 =	vand.u32 $0x38, v57;
	v7 =	vand.u32 $0x1DF, v7;
	v8 =	vor.u32 v10, v8;
	v12 =	vld.idx.msk [tilespmem:v5+s3+$0x0], $0xffff  }
0x7d: {  	v9 =	vand.u32 $0x1EF, v52;
	v6 =	vmov s13;
	v0 =	vld.idx.msk [tilespmem:v0+s3+$0x0], $0xffff;
	v5 =	vmul.u32 $0x38, v7  }
0x7e: {  	s5 =	simm.s32 $0x7020;
	v6 =	vshrl.u32 v6, $0x9;
	v1 =	vmul.u32 $0x38, v1;
	v7 =	vmul.u32 $0x38, v9  }
0x7f: {  	v59 =	vand.u32 $0x7, v58;
	[tilespmem:s5+$0x10] =	vst v4;
	v4 =	vand.u32 $0x38, v6;
	v11 =	vadd.s32 v11, v5  }
0x80: {  	v7 =	vadd.s32 v13, v7;
	v5 =	vadd.s32 v4, v1;
	v1 =	vand.u32 $0x7, v57;
	[tilespmem:s5+$0xFFFFFFF0] =	vst v3  }
0x81: {  	s13 =	simm.s32 $0x4;
	s14 =	simm.s32 $0x80;
	v6 =	vand.u32 $0x7, v6;
	v4 =	vor.u32 v1, v11;
	v1 =	vld.idx.msk [tilespmem:v8+s3+$0x0], $0xffff;
	v3 =	vor.u32 v59, v7;
	[tilespmem:s5+$0x0] =	vst v12  }
.LBB2_2:
0x82: {  	v7 =	vmov s14;
	v8 =	vor.u32 s14, v14;
	s18 =	sadd.s32 $0x10, s14;
	s25 =	sadd.s32 $0x30, s14;
	s13 =	sadd.s32 $0x4, s13;
	v5 =	vor.u32 v6, v5;
	[tilespmem:s5+$0xFFFFFFE0] =	vst v0  }
0x83: {  	s29 =	sadd.s32 $0x20, s14;
	v6 =	vand.u32 $0x1CF, v8;
	v0 =	vor.u32 s18, v14;
	v8 =	vor.u32 s25, v14;
	p0 =	slt.u32 s13, $0x63C  }
0x84: {  	v9 =	vor.u32 s29, v14;
	v10 =	vmov s25;
	v8 =	vand.u32 $0x1FF, v8  }
0x85: {  	v0 =	vand.u32 $0x1DF, v0;
	v10 =	vshrl.u32 v10, $0x9;
	v8 =	vmul.u32 $0x38, v8  }
0x86: {  	s5 =	sadd.s32 $0x40, s5;
	v11 =	vmov s18;
	v9 =	vand.u32 $0x1EF, v9;
	v12 =	vand.u32 $0x38, v10;
	v4 =	vld.idx.msk [tilespmem:v4+s3+$0x0], $0xffff  }
0x87: {  	v13 =	vmov s29;
	v10 =	vand.u32 $0x7, v10;
	v8 =	vadd.s32 v12, v8;
	v12 =	vld.idx.msk [tilespmem:v3+s3+$0x0], $0xffff;
	[tilespmem:s5+$0x10] =	vst v1  }
0x88: {  	v1 =	vmul.u32 $0x38, v0;
	v3 =	vmul.u32 $0x38, v9;
	v8 =	vor.u32 v10, v8;
	v0 =	vld.idx.msk [tilespmem:v5+s3+$0x0], $0xffff  }
.Ltmp2:
0x89: {  	v9 =	vshrl.u32 v13, $0x9;
	v5 =	vmul.u32 $0x38, v6;
	v6 =	vshrl.u32 v11, $0x9;
	(pc) =	sbr.rel @p0 .LBB2_2-.Ltmp2, $4  }
0x8a: {  	v7 =	vshrl.u32 v7, $0x9;
	v11 =	vand.u32 $0x38, v9;
	v10 =	vand.u32 $0x38, v6  }
0x8b: {  	v13 =	vand.u32 $0x38, v7;
	v3 =	vadd.s32 v11, v3;
	v1 =	vadd.s32 v10, v1  }
0x8c: {  	v9 =	vand.u32 $0x7, v9;
	v5 =	vadd.s32 v13, v5;
	v10 =	vand.u32 $0x7, v6;
	[tilespmem:s5+$0xFFFFFFF0] =	vst v4  }
0x8d: {  	s14 =	sadd.s32 $0x40, s14;
	v6 =	vand.u32 $0x7, v7;
	v3 =	vor.u32 v9, v3;
	v4 =	vor.u32 v10, v1;
	v1 =	vld.idx.msk [tilespmem:v8+s3+$0x0], $0xffff;
	[tilespmem:s5+$0x0] =	vst v12  }
0x8e: {  	_ = 	snop  }
0x8f: {  	v5 =	vor.u32 v6, v5;
	_ =	sdelay $0x2  }
0x90: {  	v4 =	vld.idx.msk [tilespmem:v4+s3+$0x0], $0xffff  }
0x91: {  	v3 =	vld.idx.msk [tilespmem:v3+s3+$0x0], $0xffff  }
0x92: {  	v5 =	vld.idx.msk [tilespmem:v5+s3+$0x0], $0xffff  }
0x93: {  	[tilespmem:s5+$0xFFFFFFE0] =	vst v0;
	s14 =	sadd.s32 $0x40, s5  }
0x94: {  	[tilespmem:s14+$0x10] =	vst v1  }
0x95: {  	[tilespmem:s14+$0xFFFFFFF0] =	vst v4  }
0x96: {  	[tilespmem:s14+$0x0] =	vst v3  }
0x97: {  	s1 =	simm.s32 $0x7000;
	[tilespmem:s14+$0xFFFFFFE0] =	vst v5  }
0x98: {  	[tilespmem:s17], [sflag:$0x1] =	stream.indirect.gather [hbm4b:s4+s15], $0x20, s1, s15, $0xb8;
	[tilespmem:$0x15400] =	vst v63  }
0x99: {  	s18 =	simm.s32 $0x7080  }
0x9a: {  	[tilespmem:s19], [sflag:$0x2] =	stream.indirect.gather [hbm4b:s4+s15], $0x20, s18, s15, $0xb8;
	[tilespmem:$0x15400] =	vst v63  }
0x9b: {  	s25 =	simm.s32 $0x7100  }
0x9c: {  	[tilespmem:s21], [sflag:$0x3] =	stream.indirect.gather [hbm4b:s4+s15], $0x20, s25, s15, $0xb8;
	[tilespmem:$0x15400] =	vst v63  }
0x9d: {  	s29 =	simm.s32 $0x7180;
	s5 =	simm.s32 $0x0;
	s18 =	simm.s32 $0x0  }
0x9e: {  	[tilespmem:s23], [sflag:$0x4] =	stream.indirect.gather [hbm4b:s4+s15], $0x20, s29, s15, $0xb8;
	[tilespmem:$0x15400] =	vst v63  }
.LBB2_4:
0x9f: {  	_ =	swait.ge [sflag:s24], $0x1000  }
0xa0: {  	p0 =	seq.s32 s5, $0x0;
	[sflag:s24] =	ssyncset.done $0x0  }
0xa1: {  	s13 =	simm.s32 @!p0 $0x5;
	[sflag:s24] =	ssyncadd.s32 $0xFFFFF000  }
0xa2: {  	_ =	swait.ge @!p0 [sflag:s13], $0x400  }
0xa3: {  	v0 =	vmov s18;
	s25 =	simm.s32 $0x2;
	s29 =	simm.s32 $0x3;
	[sflag:s13] =	ssyncset.done @!p0 $0x0  }
0xa4: {  	s1 =	simm.s32 $0x4;
	v0 =	vshrl.u32 v0, $0x3;
	v1 =	vmov s25;
	v4 =	vmov s29;
	s29 =	simm.s32 $0x5;
	[sflag:s13] =	ssyncadd.s32 @!p0 $0xFFFFFC00  }
0xa5: {  	s14 =	simm.s32 $0x1;
	v5 =	vmov s1;
	s1 =	simm.s32 $0x7;
	v0 =	vshll.u32 v0, v2;
	v6 =	vmov s29;
	_ =	swait.ge @!p0 [sflag:s13], $0x400  }
0xa6: {  	v7 =	vmov s1;
	v3 =	vbroadcast v0, $0x0;
	v0 =	vmov s14;
	[sflag:s13] =	ssyncset.done @!p0 $0x0  }
0xa7: {  	s29 =	simm.s32 $0x6;
	v1 =	vshrl.u32 v1, $0x3;
	v4 =	vshrl.u32 v4, $0x3;
	v0 =	vshrl.u32 v0, $0x3;
	[sflag:s13] =	ssyncadd.s32 @!p0 $0xFFFFFC00  }
0xa8: {  	v5 =	vshrl.u32 v5, $0x3;
	v9 =	vmov s29;
	v0 =	vshll.u32 v0, v2;
	_ =	swait.ge @!p0 [sflag:s13], $0x400  }
0xa9: {  	v7 =	vshrl.u32 v7, $0x3;
	v10 =	vbroadcast v0, $0x0;
	v0 =	vshll.u32 v1, v2;
	v1 =	vld [tilespmem:$0x1FE00]  }
0xaa: {  	v12 =	vshrl.u32 v6, $0x3;
	v7 =	vshll.u32 v7, v2;
	v13 =	vshrl.u32 v9, $0x3  }
0xab: {  	v8 =	vbroadcast v7, $0x0;
	v41 =	vbroadcast v0, $0x0;
	v0 =	vshll.u32 v4, v2  }
0xac: {  	v14 =	vor.u32 v40, v10;
	v7 =	vbroadcast v0, $0x0;
	v0 =	vshll.u32 v5, v2;
	[sflag:s13] =	ssyncset.done @!p0 $0x0  }
0xad: {  	v15 =	vor.u32 v48, v41;
	v6 =	vbroadcast v0, $0x0;
	v0 =	vshll.u32 v12, v2;
	[sflag:s13] =	ssyncadd.s32 @!p0 $0xFFFFFC00  }
0xae: {  	v5 =	vbroadcast v0, $0x0;
	v0 =	vshll.u32 v13, v2;
	_ =	swait.ge @!p0 [sflag:s13], $0x400;
	v1 =	vor.u32 v1, v8  }
0xaf: {  	v4 =	vbroadcast v0, $0x0;
	[sflag:s13] =	ssyncset.done @!p0 $0x0;
	v0 =	vld [tilespmem:$0x1FD90]  }
0xb0: {  	[sflag:s13] =	ssyncadd.s32 @!p0 $0xFFFFFC00  }
0xb1: {  	v14 =	vld.idx.msk [tilespmem:v14+s17+$0x0], $0xffff  }
0xb2: {  	v11 =	vor.u32 v24, v3;
	v15 =	vld.idx.msk [tilespmem:v15+s17+$0x0], $0xffff  }
0xb3: {  	v12 =	vor.u32 v37, v7;
	v9 =	vld.idx.msk [tilespmem:v1+s17+$0x0], $0xffff  }
0xb4: {  	v16 =	vor.u32 v0, v4;
	v0 =	vld [tilespmem:$0x1FD60]  }
0xb5: {  	v13 =	vor.u32 v35, v6;
	s13 =	simm.s32 $0x11600  }
0xb6: {  	v22 =	vor.u32 v23, v5;
	v56 =	vld [tilespmem:$0x1FEB0];
	[tilespmem:s13+$0xFFFFFE80] =	vst v14  }
0xb7: {  	v11 =	vld.idx.msk [tilespmem:v11+s17+$0x0], $0xffff;
	[tilespmem:s13+$0xFFFFFF00] =	vst v15  }
0xb8: {  	v17 =	vor.u32 v34, v8;
	v12 =	vld.idx.msk [tilespmem:v12+s17+$0x0], $0xffff;
	[tilespmem:s13+$0x180] =	vst v9  }
0xb9: {  	v32 =	vmov v21;
	v18 =	vor.u32 v18, v10;
	v21 =	vor.u32 v0, v6;
	v0 =	vld [tilespmem:$0x1FDA0]  }
0xba: {  	v19 =	vor.u32 v19, v41;
	v13 =	vld.idx.msk [tilespmem:v13+s17+$0x0], $0xffff  }
0xbb: {  	v22 =	vld.idx.msk [tilespmem:v22+s17+$0x0], $0xffff  }
0xbc: {  	v16 =	vld.idx.msk [tilespmem:v16+s17+$0x0], $0xffff  }
0xbd: {  	v14 =	vld.idx.msk [tilespmem:v17+s17+$0x0], $0xffff  }
0xbe: {  	v17 =	vld.idx.msk [tilespmem:v18+s17+$0x0], $0xffff;
	[tilespmem:s13+$0xFFFFFF80] =	vst v12;
	v15 =	vor.u32 v0, v4;
	v0 =	vor.u32 $0x407, v24  }
0xbf: {  	v20 =	vor.u32 v56, v7;
	v18 =	vld.idx.msk [tilespmem:v19+s17+$0x0], $0xffff;
	[tilespmem:$0x1FCA0] =	vst v0  }
0xc0: {  	[tilespmem:s13+$0x0] =	vst v13  }
0xc1: {  	[tilespmem:s13+$0x80] =	vst v22  }
0xc2: {  	v9 =	vor.u32 v60, v5;
	[tilespmem:s13+$0x100] =	vst v16  }
0xc3: {  	v19 =	vor.u32 v28, v3;
	v57 =	vld [tilespmem:$0x1FD10];
	[tilespmem:s13+$0x190] =	vst v14  }
0xc4: {  	v20 =	vld.idx.msk [tilespmem:v20+s17+$0x0], $0xffff;
	[tilespmem:s13+$0xFFFFFE00] =	vst v11  }
0xc5: {  	v12 =	vor.u32 v0, v8;
	v0 =	vld [tilespmem:$0x1FD70]  }
0xc6: {  	v13 =	vor.u32 v36, v10;
	v21 =	vld.idx.msk [tilespmem:v21+s17+$0x0], $0xffff  }
0xc7: {  	v9 =	vld.idx.msk [tilespmem:v9+s17+$0x0], $0xffff  }
0xc8: {  	v14 =	vld.idx.msk [tilespmem:v19+s17+$0x0], $0xffff  }
0xc9: {  	[tilespmem:s13+$0xFFFFFE90] =	vst v17;
	v15 =	vld.idx.msk [tilespmem:v15+s17+$0x0], $0xffff  }
0xca: {  	[tilespmem:s13+$0xFFFFFF10] =	vst v18;
	v12 =	vld.idx.msk [tilespmem:v12+s17+$0x0], $0xffff;
	v11 =	vor.u32 v0, v6;
	v0 =	vor.u32 $0x607, v24  }
0xcb: {  	v13 =	vld.idx.msk [tilespmem:v13+s17+$0x0], $0xffff;
	[tilespmem:$0x1FCB0] =	vst v0  }
0xcc: {  	v22 =	vor.u32 v50, v41;
	[tilespmem:s13+$0xFFFFFF90] =	vst v20  }
0xcd: {  	v16 =	vor.u32 v57, v7;
	v18 =	vor.u32 v0, v8;
	v0 =	vld [tilespmem:$0x1FDB0]  }
0xce: {  	v17 =	vor.u32 v61, v5;
	_ =	sdelay $0x2  }
0xcf: {  	v22 =	vld.idx.msk [tilespmem:v22+s17+$0x0], $0xffff;
	[tilespmem:s13+$0x10] =	vst v21  }
0xd0: {  	[tilespmem:s13+$0x90] =	vst v9;
	v16 =	vld.idx.msk [tilespmem:v16+s17+$0x0], $0xffff;
	v19 =	vor.u32 v0, v4  }
0xd1: {  	v20 =	vor.u32 v29, v3;
	[tilespmem:s13+$0x1A0] =	vst v12;
	v17 =	vld.idx.msk [tilespmem:v17+s17+$0x0], $0xffff  }
0xd2: {  	v58 =	vld [tilespmem:$0x1FD20]  }
0xd3: {  	[tilespmem:s13+$0x110] =	vst v15;
	v11 =	vld.idx.msk [tilespmem:v11+s17+$0x0], $0xffff  }
0xd4: {  	[tilespmem:s13+$0xFFFFFE10] =	vst v14;
	v15 =	vld.idx.msk [tilespmem:v18+s17+$0x0], $0xffff  }
0xd5: {  	[tilespmem:s13+$0xFFFFFEA0] =	vst v13;
	v0 =	vor.u32 $0x807, v24;
	v18 =	vld.idx.msk [tilespmem:v19+s17+$0x0], $0xffff  }
0xd6: {  	v19 =	vld.idx.msk [tilespmem:v20+s17+$0x0], $0xffff;
	[tilespmem:$0x1FCC0] =	vst v0  }
0xd7: {  	v21 =	vor.u32 v43, v10;
	[tilespmem:s13+$0xFFFFFF20] =	vst v22  }
0xd8: {  	v9 =	vor.u32 v51, v41;
	[tilespmem:s13+$0xFFFFFFA0] =	vst v16  }
0xd9: {  	v12 =	vor.u32 v58, v7;
	v13 =	vor.u32 v0, v8;
	v0 =	vld [tilespmem:$0x1FDC0]  }
0xda: {  	v14 =	vor.u32 v55, v6;
	_ =	sdelay $0x1  }
0xdb: {  	v20 =	vld.idx.msk [tilespmem:v21+s17+$0x0], $0xffff  }
0xdc: {  	v22 =	vor.u32 v62, v5;
	v9 =	vld.idx.msk [tilespmem:v9+s17+$0x0], $0xffff;
	[tilespmem:s13+$0x20] =	vst v11  }
0xdd: {  	v12 =	vld.idx.msk [tilespmem:v12+s17+$0x0], $0xffff;
	[tilespmem:s13+$0x1B0] =	vst v15;
	v16 =	vor.u32 v0, v4  }
0xde: {  	[tilespmem:s13+$0xA0] =	vst v17;
	v14 =	vld.idx.msk [tilespmem:v14+s17+$0x0], $0xffff  }
0xdf: {  	v46 =	vld [tilespmem:$0x1FD30]  }
0xe0: {  	v21 =	vor.u32 v30, v3;
	v13 =	vld.idx.msk [tilespmem:v13+s17+$0x0], $0xffff;
	[tilespmem:s13+$0x120] =	vst v18  }
0xe1: {  	[tilespmem:s13+$0xFFFFFE20] =	vst v19;
	v22 =	vld.idx.msk [tilespmem:v22+s17+$0x0], $0xffff;
	v0 =	vor.u32 $0xA07, v24  }
0xe2: {  	v11 =	vor.u32 v54, v10;
	v16 =	vld.idx.msk [tilespmem:v16+s17+$0x0], $0xffff;
	[tilespmem:$0x1FCD0] =	vst v0  }
0xe3: {  	v15 =	vor.u32 v49, v41;
	[tilespmem:s13+$0xFFFFFEB0] =	vst v20  }
0xe4: {  	v17 =	vor.u32 v46, v7;
	[tilespmem:s13+$0xFFFFFF30] =	vst v9  }
0xe5: {  	v18 =	vor.u32 v0, v8;
	v19 =	vld.idx.msk [tilespmem:v21+s17+$0x0], $0xffff;
	[tilespmem:s13+$0xFFFFFFB0] =	vst v12  }
0xe6: {  	v20 =	vor.u32 v63, v6;
	v0 =	vld [tilespmem:$0x1FDD0]  }
0xe7: {  	v9 =	vor.u32 v39, v5;
	v11 =	vld.idx.msk [tilespmem:v11+s17+$0x0], $0xffff  }
0xe8: {  	v15 =	vld.idx.msk [tilespmem:v15+s17+$0x0], $0xffff;
	[tilespmem:s13+$0x1C0] =	vst v13  }
0xe9: {  	v17 =	vld.idx.msk [tilespmem:v17+s17+$0x0], $0xffff;
	[tilespmem:s13+$0x30] =	vst v14  }
0xea: {  	[tilespmem:s13+$0xB0] =	vst v22;
	v14 =	vld.idx.msk [tilespmem:v18+s17+$0x0], $0xffff  }
0xeb: {  	[tilespmem:s13+$0x130] =	vst v16;
	v20 =	vld.idx.msk [tilespmem:v20+s17+$0x0], $0xffff;
	v12 =	vor.u32 v0, v4;
	v0 =	vor.u32 $0xC07, v24  }
0xec: {  	v21 =	vor.u32 v31, v3;
	v22 =	vld.idx.msk [tilespmem:v9+s17+$0x0], $0xffff;
	[tilespmem:$0x1FCE0] =	vst v0  }
0xed: {  	v13 =	vor.u32 v45, v10;
	[tilespmem:s13+$0xFFFFFE30] =	vst v19  }
0xee: {  	v52 =	vld [tilespmem:$0x1FD40];
	_ =	sdelay $0x1  }
0xef: {  	v18 =	vor.u32 v44, v41  }
0xf0: {  	v9 =	vor.u32 v0, v8;
	v19 =	vld.idx.msk [tilespmem:v21+s17+$0x0], $0xffff;
	[tilespmem:s13+$0xFFFFFEC0] =	vst v11  }
0xf1: {  	v11 =	vor.u32 v53, v6;
	[tilespmem:s13+$0xFFFFFF40] =	vst v15;
	v21 =	vld.idx.msk [tilespmem:v13+s17+$0x0], $0xffff  }
0xf2: {  	v0 =	vld [tilespmem:$0x1FDE0];
	v16 =	vor.u32 v52, v7  }
0xf3: {  	[tilespmem:s13+$0x1D0] =	vst v14;
	v12 =	vld.idx.msk [tilespmem:v12+s17+$0x0], $0xffff  }
0xf4: {  	v15 =	vld.idx.msk [tilespmem:v18+s17+$0x0], $0xffff;
	[tilespmem:s13+$0xFFFFFFC0] =	vst v17  }
0xf5: {  	[tilespmem:s13+$0x40] =	vst v20;
	v17 =	vld.idx.msk [tilespmem:v9+s17+$0x0], $0xffff  }
0xf6: {  	v53 =	vmov v62;
	[tilespmem:s13+$0xC0] =	vst v22;
	v9 =	vor.u32 $0xE07, v24;
	v62 =	vld.idx.msk [tilespmem:v11+s17+$0x0], $0xffff  }
0xf7: {  	v25 =	vld.idx.msk [tilespmem:v16+s17+$0x0], $0xffff;
	[tilespmem:$0x1FCF0] =	vst v9  }
0xf8: {  	[tilespmem:s13+$0x140] =	vst v12  }
0xf9: {  	[tilespmem:s13+$0xFFFFFE40] =	vst v19  }
0xfa: {  	v13 =	vor.u32 v26, v5;
	v1 =	vld [tilespmem:$0x1FD50];
	[tilespmem:s13+$0xFFFFFED0] =	vst v21  }
0xfb: {  	v11 =	vor.u32 v9, v8;
	v9 =	vld [tilespmem:$0x1FE50]  }
0xfc: {  	v18 =	vor.u32 v0, v4  }
0xfd: {  	v14 =	vor.u32 v32, v3  }
0xfe: {  	v59 =	vmov v23;
	v23 =	vor.u32 v38, v10  }
0xff: {  	v32 =	vmov v24;
	v24 =	vld.idx.msk [tilespmem:v13+s17+$0x0], $0xffff  }
0x100: {  	v20 =	vor.u32 v9, v6;
	v9 =	vld [tilespmem:$0x1FD80]  }
0x101: {  	v0 =	vmov v63;
	v63 =	vld.idx.msk [tilespmem:v18+s17+$0x0], $0xffff  }
0x102: {  	v26 =	vor.u32 v33, v41;
	v13 =	vld.idx.msk [tilespmem:v14+s17+$0x0], $0xffff  }
0x103: {  	v12 =	vld.idx.msk [tilespmem:v23+s17+$0x0], $0xffff;
	v16 =	vor.u32 v1, v7;
	[tilespmem:s13+$0x1E0] =	vst v17  }
0x104: {  	[tilespmem:s13+$0xFFFFFF50] =	vst v15;
	v19 =	vld.idx.msk [tilespmem:v11+s17+$0x0], $0xffff  }
0x105: {  	v47 =	vor.u32 v9, v5;
	v9 =	vld [tilespmem:$0x1FDF0]  }
0x106: {  	v11 =	vld [tilespmem:$0x1FE20];
	[tilespmem:s13+$0xFFFFFFD0] =	vst v25  }
0x107: {  	v14 =	vld.idx.msk [tilespmem:v26+s17+$0x0], $0xffff;
	[tilespmem:s13+$0x50] =	vst v62  }
0x108: {  	s1 =	simm.s32 $0x8;
	[tilespmem:s13+$0xD0] =	vst v24;
	v15 =	vld.idx.msk [tilespmem:v16+s17+$0x0], $0xffff  }
0x109: {  	v8 =	vmov s1;
	s1 =	simm.s32 $0xB;
	[tilespmem:s13+$0x150] =	vst v63;
	v16 =	vld.idx.msk [tilespmem:v20+s17+$0x0], $0xffff  }
0x10a: {  	v38 =	vmovc v49;
	v49 =	vmovc v55;
	v55 =	vmov v37;
	v37 =	vld [tilespmem:$0x1FE30];
	v18 =	vor.u32 v9, v4;
	v9 =	vmov s1  }
0x10b: {  	s29 =	simm.s32 $0xA;
	v20 =	vshrl.u32 v9, $0x3;
	v9 =	vld [tilespmem:$0x1FD00]  }
0x10c: {  	v44 =	vmov v54;
	v22 =	vmov s29;
	v8 =	vshrl.u32 v8, $0x3;
	v54 =	vld [tilespmem:$0x1FE40]  }
0x10d: {  	s25 =	simm.s32 $0x9;
	v10 =	vor.u32 v27, v10;
	s29 =	simm.s32 $0xC;
	v22 =	vshrl.u32 v22, $0x3;
	v8 =	vshll.u32 v8, v2;
	v45 =	vld [tilespmem:$0x1FE60]  }
0x10e: {  	v8 =	vbroadcast v8, $0x0;
	v17 =	vmov s25;
	v26 =	vmov s29;
	s29 =	simm.s32 $0xE;
	v62 =	vld [tilespmem:$0x1FEA0]  }
0x10f: {  	v23 =	vshrl.u32 v17, $0x3;
	v24 =	vmov s29;
	v21 =	vor.u32 v11, v3;
	s1 =	simm.s32 $0xD;
	v17 =	vld.idx.msk [tilespmem:v47+s17+$0x0], $0xffff  }
0x110: {  	v42 =	vmovc v36;
	s14 =	simm.s32 $0x10;
	s25 =	simm.s32 $0xF;
	v63 =	vmovc v35;
	v11 =	vor.u32 v32, v8;
	v25 =	vmov s1;
	v9 =	vor.u32 v9, v41;
	v41 =	vld [tilespmem:$0x1FE90]  }
.LBB2_5:
0x111: {  	_ =	sdelay $0x1  }
0x112: {  	[tilespmem:s13+$0xFFFFFE50] =	vst v13;
	v13 =	vld.idx.msk [tilespmem:v18+s17+$0x0], $0xffff  }
0x113: {  	v7 =	vor.u32 v54, v7;
	[tilespmem:s13+$0x1F0] =	vst v19;
	v21 =	vld.idx.msk [tilespmem:v21+s17+$0x0], $0xffff  }
0x114: {  	v26 =	vshrl.u32 v26, $0x3;
	v6 =	vor.u32 v45, v6;
	[tilespmem:s13+$0xFFFFFEE0] =	vst v12;
	v19 =	vld.idx.msk [tilespmem:v11+s17+$0x0], $0xffff  }
0x115: {  	v47 =	vmovc v27;
	v27 =	vmov s25;
	v12 =	vshll.u32 v23, v2;
	v4 =	vor.u32 v62, v4;
	v23 =	vld.idx.msk [tilespmem:v10+s17+$0x0], $0xffff;
	[tilespmem:s13+$0xFFFFFF60] =	vst v14  }
0x116: {  	v18 =	vshrl.u32 v25, $0x3;
	v5 =	vor.u32 v41, v5;
	v10 =	vbroadcast v12, $0x0;
	[tilespmem:s13+$0xFFFFFFE0] =	vst v15;
	v15 =	vld [tilespmem:$0x1FE00]  }
0x117: {  	v24 =	vshrl.u32 v24, $0x3;
	v3 =	vor.u32 v37, v3;
	v12 =	vshll.u32 v22, v2;
	[tilespmem:s13+$0x60] =	vst v16;
	v14 =	vld.idx.msk [tilespmem:v9+s17+$0x0], $0xffff  }
0x118: {  	v16 =	vor.u32 v40, v10;
	[tilespmem:s13+$0xE0] =	vst v17;
	v9 =	vbroadcast v12, $0x0;
	v12 =	vshll.u32 v20, v2;
	v20 =	vld.idx.msk [tilespmem:v7+s17+$0x0], $0xffff  }
0x119: {  	v25 =	vshrl.u32 v27, $0x3;
	v22 =	vld.idx.msk [tilespmem:v6+s17+$0x0], $0xffff;
	[tilespmem:s13+$0x160] =	vst v13;
	v7 =	vbroadcast v12, $0x0;
	v12 =	vshll.u32 v26, v2  }
0x11a: {  	v11 =	vshll.u32 v25, v2;
	[tilespmem:s13+$0xFFFFFE60] =	vst v21;
	v21 =	vld.idx.msk [tilespmem:v4+s17+$0x0], $0xffff;
	v6 =	vbroadcast v12, $0x0;
	v12 =	vshll.u32 v18, v2  }
0x11b: {  	v17 =	vor.u32 v48, v9;
	v18 =	vld.idx.msk [tilespmem:v5+s17+$0x0], $0xffff;
	v5 =	vbroadcast v12, $0x0;
	v12 =	vshll.u32 v24, v2  }
0x11c: {  	v11 =	vbroadcast v11, $0x0;
	[tilespmem:s13+$0xFFFFFEF0] =	vst v23;
	v4 =	vbroadcast v12, $0x0;
	v12 =	vld.idx.msk [tilespmem:v3+s17+$0x0], $0xffff  }
0x11d: {  	v13 =	vor.u32 v55, v7;
	[tilespmem:s13+$0xFFFFFF70] =	vst v14;
	v14 =	vld.idx.msk [tilespmem:v16+s17+$0x0], $0xffff  }
0x11e: {  	v15 =	vor.u32 v15, v11;
	v16 =	vld [tilespmem:$0x1FD90]  }
0x11f: {  	v24 =	vor.u32 v63, v6;
	[tilespmem:s13+$0x70] =	vst v22;
	v22 =	vld [tilespmem:$0x1FF10]  }
0x120: {  	[tilespmem:s13+$0xFFFFFFF0] =	vst v20;
	v17 =	vld.idx.msk [tilespmem:v17+s17+$0x0], $0xffff  }
0x121: {  	v3 =	vmov v8;
	v8 =	vor.u32 v59, v5;
	[tilespmem:s13+$0xF0] =	vst v18;
	v18 =	vld [tilespmem:$0x1FF00]  }
0x122: {  	v13 =	vld.idx.msk [tilespmem:v13+s17+$0x0], $0xffff  }
0x123: {  	v15 =	vld.idx.msk [tilespmem:v15+s17+$0x0], $0xffff  }
0x124: {  	[tilespmem:s13+$0x170] =	vst v21;
	v21 =	vor.u32 v56, v7;
	v23 =	vld.idx.msk [tilespmem:v24+s17+$0x0], $0xffff  }
0x125: {  	[tilespmem:s13+$0xFFFFFE70] =	vst v12;
	s13 =	sadd.s32 $0x400, s13;
	v12 =	vld [tilespmem:$0x1FD60];
	v16 =	vor.u32 v16, v4  }
0x126: {  	v20 =	vor.u32 v34, v11;
	v8 =	vld.idx.msk [tilespmem:v8+s17+$0x0], $0xffff;
	[tilespmem:s13+$0xFFFFFE80] =	vst v14  }
0x127: {  	v22 =	vor.u32 v22, v10;
	[tilespmem:s13+$0xFFFFFF00] =	vst v17;
	v17 =	vld [tilespmem:$0x1FDA0]  }
0x128: {  	v14 =	vor.u32 v60, v5;
	[tilespmem:s13+$0xFFFFFF80] =	vst v13;
	v13 =	vld [tilespmem:$0x1FCA0]  }
0x129: {  	v18 =	vor.u32 v18, v9;
	v21 =	vld.idx.msk [tilespmem:v21+s17+$0x0], $0xffff  }
0x12a: {  	v12 =	vor.u32 v12, v6;
	[tilespmem:s13+$0x180] =	vst v15;
	v16 =	vld.idx.msk [tilespmem:v16+s17+$0x0], $0xffff  }
0x12b: {  	v15 =	vld.idx.msk [tilespmem:v20+s17+$0x0], $0xffff  }
0x12c: {  	v20 =	vld.idx.msk [tilespmem:v22+s17+$0x0], $0xffff;
	[tilespmem:s13+$0x80] =	vst v8  }
0x12d: {  	v22 =	vor.u32 v28, v3;
	v14 =	vld.idx.msk [tilespmem:v14+s17+$0x0], $0xffff  }
0x12e: {  	[tilespmem:s13+$0x0] =	vst v23;
	v23 =	vor.u32 v42, v10;
	v18 =	vld.idx.msk [tilespmem:v18+s17+$0x0], $0xffff  }
0x12f: {  	[tilespmem:s13+$0xFFFFFE00] =	vst v19;
	v17 =	vor.u32 v17, v4;
	v12 =	vld.idx.msk [tilespmem:v12+s17+$0x0], $0xffff  }
0x130: {  	[tilespmem:s13+$0xFFFFFF90] =	vst v21;
	v21 =	vld [tilespmem:$0x1FDB0]  }
0x131: {  	v13 =	vor.u32 v13, v11;
	[tilespmem:s13+$0x190] =	vst v15;
	v15 =	vld [tilespmem:$0x1FD70]  }
0x132: {  	v8 =	vor.u32 v50, v9;
	v19 =	vld.idx.msk [tilespmem:v22+s17+$0x0], $0xffff;
	[tilespmem:s13+$0xFFFFFE90] =	vst v20  }
0x133: {  	[tilespmem:s13+$0x100] =	vst v16;
	v16 =	vor.u32 v57, v7;
	v22 =	vld.idx.msk [tilespmem:v23+s17+$0x0], $0xffff  }
0x134: {  	v20 =	vor.u32 v61, v5;
	v17 =	vld.idx.msk [tilespmem:v17+s17+$0x0], $0xffff  }
0x135: {  	[tilespmem:s13+$0xFFFFFF10] =	vst v18;
	v18 =	vld [tilespmem:$0x1FCB0]  }
0x136: {  	v13 =	vld.idx.msk [tilespmem:v13+s17+$0x0], $0xffff;
	v21 =	vor.u32 v21, v4  }
0x137: {  	v23 =	vor.u32 v29, v3;
	[tilespmem:s13+$0x90] =	vst v14;
	v8 =	vld.idx.msk [tilespmem:v8+s17+$0x0], $0xffff  }
0x138: {  	[tilespmem:s13+$0x10] =	vst v12;
	v12 =	vor.u32 v43, v10;
	v16 =	vld.idx.msk [tilespmem:v16+s17+$0x0], $0xffff  }
0x139: {  	v14 =	vor.u32 v51, v9;
	v20 =	vld.idx.msk [tilespmem:v20+s17+$0x0], $0xffff;
	[tilespmem:s13+$0xFFFFFEA0] =	vst v22  }
0x13a: {  	v15 =	vor.u32 v15, v6;
	v22 =	vld [tilespmem:$0x1FCC0];
	[tilespmem:s13+$0x110] =	vst v17  }
0x13b: {  	[tilespmem:s13+$0xFFFFFE10] =	vst v19;
	v19 =	vld.idx.msk [tilespmem:v21+s17+$0x0], $0xffff  }
0x13c: {  	v18 =	vor.u32 v18, v11;
	[tilespmem:s13+$0x1A0] =	vst v13;
	v21 =	vld.idx.msk [tilespmem:v23+s17+$0x0], $0xffff  }
0x13d: {  	v13 =	vor.u32 v58, v7;
	[tilespmem:s13+$0xFFFFFF20] =	vst v8;
	v12 =	vld.idx.msk [tilespmem:v12+s17+$0x0], $0xffff  }
0x13e: {  	v8 =	vor.u32 v53, v5;
	v14 =	vld.idx.msk [tilespmem:v14+s17+$0x0], $0xffff  }
0x13f: {  	v15 =	vld.idx.msk [tilespmem:v15+s17+$0x0], $0xffff  }
0x140: {  	[tilespmem:s13+$0xFFFFFFA0] =	vst v16;
	v16 =	vld [tilespmem:$0x1FDC0]  }
0x141: {  	v23 =	vor.u32 v30, v3;
	v17 =	vld.idx.msk [tilespmem:v18+s17+$0x0], $0xffff  }
0x142: {  	[tilespmem:s13+$0xA0] =	vst v20;
	v18 =	vor.u32 v49, v6;
	v13 =	vld.idx.msk [tilespmem:v13+s17+$0x0], $0xffff  }
0x143: {  	v22 =	vor.u32 v22, v11;
	v8 =	vld.idx.msk [tilespmem:v8+s17+$0x0], $0xffff;
	[tilespmem:s13+$0x120] =	vst v19  }
0x144: {  	[tilespmem:s13+$0xFFFFFE20] =	vst v21;
	v19 =	vld [tilespmem:$0x1FCD0]  }
0x145: {  	[tilespmem:s13+$0xFFFFFF30] =	vst v14;
	v14 =	vld [tilespmem:$0x1FED0];
	v16 =	vor.u32 v16, v4  }
0x146: {  	[tilespmem:s13+$0x20] =	vst v15;
	v15 =	vor.u32 v44, v10;
	v21 =	vld.idx.msk [tilespmem:v23+s17+$0x0], $0xffff  }
0x147: {  	v23 =	vor.u32 v31, v3;
	v18 =	vld.idx.msk [tilespmem:v18+s17+$0x0], $0xffff;
	[tilespmem:s13+$0x1B0] =	vst v17  }
0x148: {  	v20 =	vld.idx.msk [tilespmem:v22+s17+$0x0], $0xffff  }
0x149: {  	v17 =	vor.u32 v38, v9;
	[tilespmem:s13+$0xFFFFFFB0] =	vst v13;
	v13 =	vld [tilespmem:$0x1FDD0]  }
0x14a: {  	[tilespmem:s13+$0xFFFFFEB0] =	vst v12;
	v22 =	vor.u32 v46, v7;
	v16 =	vld.idx.msk [tilespmem:v16+s17+$0x0], $0xffff  }
0x14b: {  	v15 =	vld.idx.msk [tilespmem:v15+s17+$0x0], $0xffff;
	[tilespmem:s13+$0xFFFFFE30] =	vst v21  }
0x14c: {  	v12 =	vor.u32 v0, v6;
	v21 =	vld.idx.msk [tilespmem:v23+s17+$0x0], $0xffff  }
0x14d: {  	v19 =	vor.u32 v19, v11;
	v23 =	vld [tilespmem:$0x1FDE0]  }
0x14e: {  	v17 =	vld.idx.msk [tilespmem:v17+s17+$0x0], $0xffff  }
0x14f: {  	v14 =	vor.u32 v14, v5;
	[tilespmem:s13+$0x30] =	vst v18;
	v22 =	vld.idx.msk [tilespmem:v22+s17+$0x0], $0xffff  }
0x150: {  	[tilespmem:s13+$0x1C0] =	vst v20;
	v20 =	vld [tilespmem:$0x1FFE0]  }
0x151: {  	v12 =	vld.idx.msk [tilespmem:v12+s17+$0x0], $0xffff  }
0x152: {  	v18 =	vld.idx.msk [tilespmem:v19+s17+$0x0], $0xffff  }
0x153: {  	[tilespmem:s13+$0xB0] =	vst v8;
	v13 =	vor.u32 v13, v4;
	v19 =	vld [tilespmem:$0x1FFD0]  }
0x154: {  	v8 =	vld.idx.msk [tilespmem:v14+s17+$0x0], $0xffff  }
0x155: {  	v14 =	vld [tilespmem:$0x1FCE0];
	[tilespmem:s13+$0x130] =	vst v16  }
0x156: {  	[tilespmem:s13+$0xFFFFFEC0] =	vst v15;
	v15 =	vld [tilespmem:$0x1FEF0]  }
0x157: {  	[tilespmem:s13+$0xFFFFFF40] =	vst v17;
	v17 =	vld [tilespmem:$0x1FEE0]  }
0x158: {  	v16 =	vor.u32 v52, v7;
	v13 =	vld.idx.msk [tilespmem:v13+s17+$0x0], $0xffff  }
0x159: {  	v20 =	vor.u32 v20, v10;
	[tilespmem:s13+$0xFFFFFFC0] =	vst v22;
	v22 =	vld [tilespmem:$0x1FF60]  }
0x15a: {  	[tilespmem:s13+$0x40] =	vst v12;
	v12 =	vld [tilespmem:$0x1FE50];
	v19 =	vor.u32 v19, v9  }
0x15b: {  	v14 =	vor.u32 v14, v11;
	[tilespmem:s13+$0x1D0] =	vst v18;
	v18 =	vld [tilespmem:$0x1FF70]  }
0x15c: {  	[tilespmem:s13+$0xC0] =	vst v8;
	v8 =	vld [tilespmem:$0x1FCF0]  }
0x15d: {  	v23 =	vor.u32 v23, v4;
	v16 =	vld.idx.msk [tilespmem:v16+s17+$0x0], $0xffff  }
0x15e: {  	v15 =	vor.u32 v15, v6;
	v20 =	vld.idx.msk [tilespmem:v20+s17+$0x0], $0xffff  }
0x15f: {  	v17 =	vor.u32 v17, v5;
	v19 =	vld.idx.msk [tilespmem:v19+s17+$0x0], $0xffff  }
0x160: {  	v18 =	vor.u32 v18, v3;
	v14 =	vld.idx.msk [tilespmem:v14+s17+$0x0], $0xffff  }
0x161: {  	[tilespmem:s13+$0x140] =	vst v13;
	v11 =	vor.u32 v8, v11;
	v8 =	vld [tilespmem:$0x1FF80]  }
0x162: {  	v33 =	vmov v28;
	v22 =	vor.u32 v22, v10;
	v28 =	vld.idx.msk [tilespmem:v23+s17+$0x0], $0xffff  }
0x163: {  	v24 =	vld.idx.msk [tilespmem:v15+s17+$0x0], $0xffff  }
0x164: {  	[tilespmem:s13+$0xFFFFFE40] =	vst v21;
	v17 =	vld.idx.msk [tilespmem:v17+s17+$0x0], $0xffff  }
0x165: {  	v13 =	vld.idx.msk [tilespmem:v18+s17+$0x0], $0xffff  }
0x166: {  	[tilespmem:s13+$0xFFFFFED0] =	vst v20;
	v18 =	vld [tilespmem:$0x1FD80]  }
0x167: {  	v20 =	vor.u32 v12, v6;
	v12 =	vld.idx.msk [tilespmem:v22+s17+$0x0], $0xffff  }
0x168: {  	[tilespmem:s13+$0x1E0] =	vst v14;
	v14 =	vld [tilespmem:$0x1FDF0]  }
0x169: {  	s1 =	sadd.s32 $0x2, s14;
	s25 =	sadd.s32 $0x4, s14;
	v15 =	vor.u32 v8, v9;
	[tilespmem:s13+$0xFFFFFF50] =	vst v19;
	v19 =	vld.idx.msk [tilespmem:v11+s17+$0x0], $0xffff  }
0x16a: {  	s29 =	sadd.s32 $0x1, s14;
	v35 =	vmovc v30;
	v26 =	vmov s25;
	v27 =	vor.u32 v1, v7;
	v30 =	vmov s1;
	v11 =	vld [tilespmem:$0x1FE20]  }
0x16b: {  	p1 =	slt.u32 s14, $0x18;
	v39 =	vmovc v34;
	v34 =	vmovc v29;
	s1 =	sadd.s32 $0x5, s14;
	v8 =	vmov s14;
	v22 =	vmov s29;
	s29 =	sadd.s32 $0x3, s14;
	[tilespmem:s13+$0xD0] =	vst v17;
	v17 =	vld [tilespmem:$0x1FD00];
	v29 =	vor.u32 v18, v5  }
.Ltmp3:
0x16c: {  	v36 =	vmovc v31;
	v25 =	vmov s1;
	v8 =	vshrl.u32 v8, $0x3;
	v31 =	vmov s29;
	[tilespmem:s13+$0x50] =	vst v24;
	(pc) =	sbr.rel @p1 .LBB2_5-.Ltmp3, $4  }
0x16d: {  	v10 =	vor.u32 v47, v10;
	[tilespmem:s13+$0xFFFFFFD0] =	vst v16;
	v23 =	vshrl.u32 v22, $0x3;
	v8 =	vshll.u32 v8, v2;
	v16 =	vld.idx.msk [tilespmem:v20+s17+$0x0], $0xffff  }
0x16e: {  	[tilespmem:s13+$0x150] =	vst v28;
	v28 =	vmovc v33;
	v22 =	vshrl.u32 v30, $0x3;
	v8 =	vbroadcast v8, $0x0;
	v18 =	vor.u32 v14, v4;
	v14 =	vld.idx.msk [tilespmem:v15+s17+$0x0], $0xffff  }
0x16f: {  	s29 =	sadd.s32 $0x6, s14;
	v30 =	vmovc v35;
	v20 =	vshrl.u32 v31, $0x3;
	v31 =	vmovc v36;
	v15 =	vld.idx.msk [tilespmem:v27+s17+$0x0], $0xffff;
	v27 =	vmov v47;
	v21 =	vor.u32 v11, v3  }
0x170: {  	s25 =	sadd.s32 $0x7, s14;
	s14 =	sadd.s32 $0x8, s14;
	v24 =	vmov s29;
	v11 =	vor.u32 v32, v8;
	v9 =	vor.u32 v17, v9;
	v17 =	vld.idx.msk [tilespmem:v29+s17+$0x0], $0xffff;
	v29 =	vmovc v34;
	v34 =	vmovc v39  }
0x171: {  	[tilespmem:s13+$0xFFFFFE50] =	vst v13  }
0x172: {  	[tilespmem:s13+$0x1F0] =	vst v19  }
0x173: {  	[tilespmem:s13+$0xFFFFFEE0] =	vst v12  }
0x174: {  	[tilespmem:s13+$0x60] =	vst v16  }
0x175: {  	v7 =	vor.u32 v54, v7;
	v18 =	vld.idx.msk [tilespmem:v18+s17+$0x0], $0xffff;
	[tilespmem:s13+$0xFFFFFF60] =	vst v14  }
0x176: {  	v6 =	vor.u32 v45, v6;
	v10 =	vld.idx.msk [tilespmem:v10+s17+$0x0], $0xffff;
	[tilespmem:s13+$0xFFFFFFE0] =	vst v15  }
0x177: {  	v36 =	vmov s25;
	v14 =	vld.idx.msk [tilespmem:v21+s17+$0x0], $0xffff;
	[tilespmem:s13+$0xE0] =	vst v17  }
0x178: {  	v35 =	vshll.u32 v22, v2;
	v32 =	vshrl.u32 v36, $0x3;
	v21 =	vor.u32 v41, v5;
	v17 =	vld [tilespmem:$0x1FE00]  }
0x179: {  	v16 =	vor.u32 v37, v3;
	v3 =	vbroadcast v35, $0x0;
	v15 =	vor.u32 v62, v4;
	v9 =	vld.idx.msk [tilespmem:v9+s17+$0x0], $0xffff  }
0x17a: {  	v33 =	vshll.u32 v23, v2;
	v36 =	vshll.u32 v20, v2;
	v12 =	vshll.u32 v32, v2;
	v20 =	vld.idx.msk [tilespmem:v7+s17+$0x0], $0xffff  }
0x17b: {  	v12 =	vbroadcast v12, $0x0;
	v4 =	vbroadcast v33, $0x0;
	v35 =	vor.u32 v48, v3;
	[tilespmem:s13+$0x160] =	vst v18;
	v33 =	vld.idx.msk [tilespmem:v6+s17+$0x0], $0xffff  }
0x17c: {  	[tilespmem:s13+$0xFFFFFEF0] =	vst v10  }
0x17d: {  	v13 =	vshrl.u32 v26, $0x3;
	v5 =	vbroadcast v36, $0x0;
	[tilespmem:s13+$0xFFFFFE60] =	vst v14;
	v21 =	vld.idx.msk [tilespmem:v21+s17+$0x0], $0xffff;
	v17 =	vor.u32 v17, v12  }
0x17e: {  	v25 =	vshrl.u32 v25, $0x3;
	v32 =	vshll.u32 v13, v2;
	v18 =	vor.u32 v40, v4;
	v15 =	vld.idx.msk [tilespmem:v15+s17+$0x0], $0xffff;
	[tilespmem:s13+$0xFFFFFF70] =	vst v9  }
0x17f: {  	v36 =	vshll.u32 v25, v2;
	v55 =	vor.u32 v55, v5;
	v6 =	vbroadcast v32, $0x0;
	v16 =	vld.idx.msk [tilespmem:v16+s17+$0x0], $0xffff;
	[tilespmem:s13+$0xFFFFFFF0] =	vst v20  }
0x180: {  	v7 =	vbroadcast v36, $0x0;
	v14 =	vld.idx.msk [tilespmem:v35+s17+$0x0], $0xffff;
	[tilespmem:s13+$0x70] =	vst v33  }
0x181: {  	v22 =	vor.u32 v63, v6;
	v13 =	vld [tilespmem:$0x1FD90]  }
0x182: {  	v32 =	vor.u32 v59, v7;
	[tilespmem:s13+$0xF0] =	vst v21;
	v17 =	vld.idx.msk [tilespmem:v17+s17+$0x0], $0xffff  }
0x183: {  	v18 =	vld.idx.msk [tilespmem:v18+s17+$0x0], $0xffff;
	[tilespmem:s13+$0x170] =	vst v15  }
0x184: {  	v10 =	vld.idx.msk [tilespmem:v55+s17+$0x0], $0xffff;
	[tilespmem:s13+$0xFFFFFE70] =	vst v16  }
0x185: {  	v19 =	vshrl.u32 v24, $0x3;
	v25 =	vld [tilespmem:$0x1FF10]  }
0x186: {  	s14 =	sadd.s32 $0x400, s13;
	v19 =	vshll.u32 v19, v2;
	v20 =	vor.u32 v34, v12;
	v34 =	vld.idx.msk [tilespmem:v22+s17+$0x0], $0xffff  }
0x187: {  	v9 =	vbroadcast v19, $0x0;
	v19 =	vld.idx.msk [tilespmem:v32+s17+$0x0], $0xffff;
	[tilespmem:s14+$0x180] =	vst v17  }
0x188: {  	v21 =	vld [tilespmem:$0x1FF00];
	[tilespmem:s14+$0xFFFFFE80] =	vst v18  }
0x189: {  	v11 =	vld.idx.msk [tilespmem:v11+s17+$0x0], $0xffff;
	v13 =	vor.u32 v13, v9;
	[tilespmem:s14+$0xFFFFFF00] =	vst v14  }
0x18a: {  	v33 =	vor.u32 v25, v4;
	v14 =	vld [tilespmem:$0x1FD60];
	[tilespmem:s14+$0xFFFFFF80] =	vst v10  }
0x18b: {  	v36 =	vor.u32 v56, v5;
	v20 =	vld.idx.msk [tilespmem:v20+s17+$0x0], $0xffff;
	[tilespmem:s14+$0x0] =	vst v34  }
0x18c: {  	v55 =	vor.u32 v60, v7;
	v16 =	vld [tilespmem:$0x1FCA0];
	[tilespmem:s14+$0x80] =	vst v19  }
0x18d: {  	v19 =	vld [tilespmem:$0x1FDA0];
	v35 =	vor.u32 v21, v3  }
0x18e: {  	v22 =	vmov v56;
	v56 =	vor.u32 v28, v8;
	v13 =	vld.idx.msk [tilespmem:v13+s17+$0x0], $0xffff  }
0x18f: {  	v15 =	vld.idx.msk [tilespmem:v33+s17+$0x0], $0xffff;
	v14 =	vor.u32 v14, v6  }
0x190: {  	v18 =	vld.idx.msk [tilespmem:v36+s17+$0x0], $0xffff;
	[tilespmem:s14+$0x190] =	vst v20;
	v20 =	vor.u32 v42, v4  }
0x191: {  	v10 =	vld.idx.msk [tilespmem:v55+s17+$0x0], $0xffff;
	v16 =	vor.u32 v16, v12  }
0x192: {  	[tilespmem:s14+$0xFFFFFE00] =	vst v11;
	v19 =	vor.u32 v19, v9;
	v17 =	vld.idx.msk [tilespmem:v35+s17+$0x0], $0xffff  }
0x193: {  	[tilespmem:s14+$0x100] =	vst v13;
	v13 =	vld.idx.msk [tilespmem:v56+s17+$0x0], $0xffff  }
0x194: {  	[tilespmem:s14+$0xFFFFFE90] =	vst v15;
	v14 =	vld.idx.msk [tilespmem:v14+s17+$0x0], $0xffff  }
0x195: {  	v23 =	vmov v59;
	v59 =	vmov v60;
	v60 =	vor.u32 v50, v3;
	v20 =	vld.idx.msk [tilespmem:v20+s17+$0x0], $0xffff  }
0x196: {  	v16 =	vld.idx.msk [tilespmem:v16+s17+$0x0], $0xffff  }
0x197: {  	v19 =	vld.idx.msk [tilespmem:v19+s17+$0x0], $0xffff;
	[tilespmem:s14+$0xFFFFFF10] =	vst v17  }
0x198: {  	v32 =	vld [tilespmem:$0x1FD70];
	[tilespmem:s14+$0xFFFFFF90] =	vst v18  }
0x199: {  	v18 =	vld [tilespmem:$0x1FCB0];
	[tilespmem:s14+$0x10] =	vst v14  }
0x19a: {  	v63 =	vor.u32 v57, v5;
	v11 =	vld.idx.msk [tilespmem:v60+s17+$0x0], $0xffff;
	[tilespmem:s14+$0x90] =	vst v10  }
0x19b: {  	v10 =	vld [tilespmem:$0x1FDB0];
	[tilespmem:s14+$0x1A0] =	vst v16  }
0x19c: {  	v35 =	vor.u32 v61, v7;
	[tilespmem:s14+$0x110] =	vst v19  }
0x19d: {  	[tilespmem:s14+$0xFFFFFE10] =	vst v13;
	v34 =	vor.u32 v32, v6  }
0x19e: {  	[tilespmem:s14+$0xFFFFFEA0] =	vst v20;
	v18 =	vor.u32 v18, v12  }
0x19f: {  	v56 =	vor.u32 v29, v8;
	v15 =	vld.idx.msk [tilespmem:v63+s17+$0x0], $0xffff;
	[tilespmem:s14+$0xFFFFFF20] =	vst v11  }
0x1a0: {  	v11 =	vld [tilespmem:$0x1FCC0];
	v10 =	vor.u32 v10, v9  }
0x1a1: {  	v24 =	vmov v57;
	v57 =	vor.u32 v43, v4;
	v14 =	vld.idx.msk [tilespmem:v35+s17+$0x0], $0xffff  }
0x1a2: {  	v36 =	vor.u32 v51, v3;
	v17 =	vld.idx.msk [tilespmem:v34+s17+$0x0], $0xffff  }
0x1a3: {  	v20 =	vor.u32 v58, v5;
	v18 =	vld.idx.msk [tilespmem:v18+s17+$0x0], $0xffff  }
0x1a4: {  	v16 =	vld.idx.msk [tilespmem:v56+s17+$0x0], $0xffff  }
0x1a5: {  	v11 =	vor.u32 v11, v12;
	v10 =	vld.idx.msk [tilespmem:v10+s17+$0x0], $0xffff  }
0x1a6: {  	v19 =	vld.idx.msk [tilespmem:v57+s17+$0x0], $0xffff;
	[tilespmem:s14+$0xFFFFFFA0] =	vst v15  }
0x1a7: {  	v13 =	vld.idx.msk [tilespmem:v36+s17+$0x0], $0xffff;
	[tilespmem:s14+$0x20] =	vst v17  }
0x1a8: {  	v20 =	vld.idx.msk [tilespmem:v20+s17+$0x0], $0xffff;
	[tilespmem:s14+$0x1B0] =	vst v18  }
0x1a9: {  	v18 =	vld [tilespmem:$0x1FDC0];
	[tilespmem:s14+$0xA0] =	vst v14  }
0x1aa: {  	v33 =	vmov v49;
	v49 =	vor.u32 v49, v6;
	[tilespmem:s14+$0x120] =	vst v10;
	v11 =	vld.idx.msk [tilespmem:v11+s17+$0x0], $0xffff  }
0x1ab: {  	[tilespmem:s14+$0xFFFFFE20] =	vst v16  }
0x1ac: {  	[tilespmem:s14+$0xFFFFFEB0] =	vst v19  }
0x1ad: {  	v53 =	vor.u32 v53, v7;
	v19 =	vld [tilespmem:$0x1FCD0];
	[tilespmem:s14+$0xFFFFFF30] =	vst v13  }
0x1ae: {  	[tilespmem:s14+$0xFFFFFFB0] =	vst v20;
	v18 =	vor.u32 v18, v9  }
0x1af: {  	v60 =	vor.u32 v30, v8;
	v15 =	vld.idx.msk [tilespmem:v49+s17+$0x0], $0xffff;
	[tilespmem:s14+$0x1C0] =	vst v11  }
0x1b0: {  	v20 =	vor.u32 v0, v6;
	v0 =	vld [tilespmem:$0x1FED0]  }
0x1b1: {  	v55 =	vmov v61;
	v61 =	vor.u32 v44, v4  }
0x1b2: {  	v34 =	vor.u32 v38, v3;
	v17 =	vld.idx.msk [tilespmem:v53+s17+$0x0], $0xffff  }
0x1b3: {  	v19 =	vor.u32 v19, v12;
	v18 =	vld.idx.msk [tilespmem:v18+s17+$0x0], $0xffff  }
0x1b4: {  	v14 =	vld.idx.msk [tilespmem:v60+s17+$0x0], $0xffff;
	[tilespmem:s14+$0x30] =	vst v15  }
0x1b5: {  	v36 =	vor.u32 v0, v7;
	v0 =	vld [tilespmem:$0x1FDD0]  }
0x1b6: {  	v10 =	vld.idx.msk [tilespmem:v61+s17+$0x0], $0xffff  }
0x1b7: {  	v16 =	vld.idx.msk [tilespmem:v34+s17+$0x0], $0xffff;
	[tilespmem:s14+$0xB0] =	vst v17  }
0x1b8: {  	v19 =	vld.idx.msk [tilespmem:v19+s17+$0x0], $0xffff;
	[tilespmem:s14+$0x130] =	vst v18  }
0x1b9: {  	v35 =	vor.u32 v46, v5;
	v34 =	vld [tilespmem:$0x1FFE0];
	[tilespmem:s14+$0xFFFFFE30] =	vst v14  }
0x1ba: {  	v63 =	vmov v58;
	v58 =	vmov v38;
	v38 =	vor.u32 v0, v9;
	v0 =	vld [tilespmem:$0x1FCE0];
	_ =	sdelay $0x1  }
0x1bb: {  	[tilespmem:s14+$0xFFFFFEC0] =	vst v10  }
0x1bc: {  	v61 =	vld [tilespmem:$0x1FFD0];
	[tilespmem:s14+$0xFFFFFF40] =	vst v16  }
0x1bd: {  	v13 =	vld.idx.msk [tilespmem:v35+s17+$0x0], $0xffff;
	[tilespmem:s14+$0x1D0] =	vst v19  }
0x1be: {  	v53 =	vor.u32 v0, v12;
	v0 =	vld [tilespmem:$0x1FEF0];
	_ =	sdelay $0x3  }
0x1bf: {  	v26 =	vmov v46;
	v46 =	vor.u32 v31, v8;
	v20 =	vld.idx.msk [tilespmem:v20+s17+$0x0], $0xffff;
	[tilespmem:s14+$0xFFFFFFC0] =	vst v13  }
0x1c0: {  	v60 =	vor.u32 v0, v6;
	v0 =	vld [tilespmem:$0x1FEE0];
	_ =	sdelay $0x1  }
0x1c1: {  	v49 =	vor.u32 v34, v4  }
0x1c2: {  	v11 =	vld.idx.msk [tilespmem:v36+s17+$0x0], $0xffff  }
0x1c3: {  	v17 =	vld.idx.msk [tilespmem:v46+s17+$0x0], $0xffff;
	v56 =	vor.u32 v61, v3;
	[tilespmem:s14+$0x40] =	vst v20  }
0x1c4: {  	v35 =	vor.u32 v0, v7;
	v0 =	vld [tilespmem:$0x1FDE0]  }
0x1c5: {  	v15 =	vld.idx.msk [tilespmem:v38+s17+$0x0], $0xffff  }
0x1c6: {  	v18 =	vld.idx.msk [tilespmem:v49+s17+$0x0], $0xffff  }
0x1c7: {  	v14 =	vld.idx.msk [tilespmem:v53+s17+$0x0], $0xffff  }
0x1c8: {  	v10 =	vld.idx.msk [tilespmem:v56+s17+$0x0], $0xffff;
	[tilespmem:s14+$0xC0] =	vst v11  }
0x1c9: {  	v57 =	vor.u32 v52, v5;
	v20 =	vor.u32 v0, v9;
	v0 =	vld [tilespmem:$0x1FF70]  }
0x1ca: {  	v56 =	vld.idx.msk [tilespmem:v60+s17+$0x0], $0xffff;
	[tilespmem:s14+$0x140] =	vst v15  }
0x1cb: {  	v38 =	vld [tilespmem:$0x1FCF0];
	[tilespmem:s14+$0xFFFFFE40] =	vst v17  }
0x1cc: {  	v49 =	vld [tilespmem:$0x1FF60];
	[tilespmem:s14+$0xFFFFFED0] =	vst v18  }
0x1cd: {  	v53 =	vld [tilespmem:$0x1FF80];
	[tilespmem:s14+$0x1E0] =	vst v14  }
0x1ce: {  	v15 =	vld.idx.msk [tilespmem:v57+s17+$0x0], $0xffff;
	[tilespmem:s14+$0xFFFFFF50] =	vst v10;
	v36 =	vor.u32 v0, v8  }
0x1cf: {  	v60 =	vor.u32 v1, v5;
	v1 =	vld [tilespmem:$0x1FE50];
	_ =	sdelay $0x3  }
0x1d0: {  	[tilespmem:s14+$0xFFFFFFD0] =	vst v15;
	v11 =	vld.idx.msk [tilespmem:v36+s17+$0x0], $0xffff  }
0x1d1: {  	v36 =	vor.u32 v1, v6;
	v1 =	vld [tilespmem:$0x1FD80];
	_ =	sdelay $0x2  }
0x1d2: {  	v13 =	vld.idx.msk [tilespmem:v35+s17+$0x0], $0xffff  }
0x1d3: {  	v35 =	vld.idx.msk [tilespmem:v20+s17+$0x0], $0xffff;
	v46 =	vor.u32 v49, v4;
	[tilespmem:s14+$0x50] =	vst v56  }
0x1d4: {  	v12 =	vor.u32 v38, v12;
	v38 =	vor.u32 v1, v7;
	v1 =	vld [tilespmem:$0x1FDF0];
	_ =	sdelay $0x3  }
0x1d5: {  	v16 =	vld.idx.msk [tilespmem:v46+s17+$0x0], $0xffff;
	[tilespmem:s14+$0xD0] =	vst v13  }
0x1d6: {  	v57 =	vor.u32 v53, v3;
	v46 =	vor.u32 v1, v9;
	v1 =	vld [tilespmem:$0x1FE20];
	[tilespmem:s14+$0x150] =	vst v35  }
0x1d7: {  	[tilespmem:s14+$0xFFFFFE50] =	vst v11  }
0x1d8: {  	v11 =	vld [tilespmem:$0x1FD00];
	_ =	sdelay $0x1  }
0x1d9: {  	v4 =	vor.u32 v27, v4;
	v12 =	vld.idx.msk [tilespmem:v12+s17+$0x0], $0xffff  }
0x1da: {  	v18 =	vld.idx.msk [tilespmem:v57+s17+$0x0], $0xffff  }
0x1db: {  	v14 =	vld.idx.msk [tilespmem:v60+s17+$0x0], $0xffff;
	v52 =	vor.u32 v1, v8  }
0x1dc: {  	v10 =	vld.idx.msk [tilespmem:v36+s17+$0x0], $0xffff;
	v3 =	vor.u32 v11, v3  }
0x1dd: {  	v5 =	vor.u32 v54, v5;
	v56 =	vld.idx.msk [tilespmem:v38+s17+$0x0], $0xffff;
	[tilespmem:s14+$0xFFFFFEE0] =	vst v16  }
0x1de: {  	v6 =	vor.u32 v45, v6;
	[tilespmem:s14+$0x1F0] =	vst v12;
	v4 =	vld.idx.msk [tilespmem:v4+s17+$0x0], $0xffff  }
0x1df: {  	v7 =	vor.u32 v41, v7;
	[tilespmem:s14+$0xFFFFFF60] =	vst v18;
	v57 =	vld.idx.msk [tilespmem:v46+s17+$0x0], $0xffff  }
0x1e0: {  	v9 =	vor.u32 v62, v9;
	[tilespmem:s14+$0xFFFFFFE0] =	vst v14;
	v13 =	vld.idx.msk [tilespmem:v52+s17+$0x0], $0xffff  }
0x1e1: {  	v60 =	vor.u32 v37, v8;
	[tilespmem:s14+$0x60] =	vst v10;
	v3 =	vld.idx.msk [tilespmem:v3+s17+$0x0], $0xffff  }
0x1e2: {  	v5 =	vld.idx.msk [tilespmem:v5+s17+$0x0], $0xffff;
	[tilespmem:s14+$0xE0] =	vst v56  }
0x1e3: {  	v6 =	vld.idx.msk [tilespmem:v6+s17+$0x0], $0xffff;
	[tilespmem:s14+$0xFFFFFEF0] =	vst v4  }
0x1e4: {  	v7 =	vld.idx.msk [tilespmem:v7+s17+$0x0], $0xffff;
	[tilespmem:s14+$0x160] =	vst v57  }
0x1e5: {  	v62 =	vld.idx.msk [tilespmem:v9+s17+$0x0], $0xffff;
	[tilespmem:s14+$0xFFFFFE60] =	vst v13  }
0x1e6: {  	[tilespmem:s14+$0xFFFFFF70] =	vst v3;
	v3 =	vld.idx.msk [tilespmem:v60+s17+$0x0], $0xffff  }
0x1e7: {  	[tilespmem:s14+$0xFFFFFFF0] =	vst v5  }
0x1e8: {  	s13 =	sshll.u32 s5, $0x13;
	[tilespmem:s14+$0x70] =	vst v6  }
0x1e9: {  	s1 =	sor.u32 s6, s13;
	[tilespmem:s14+$0xF0] =	vst v7  }
0x1ea: {  	s25 =	sshrl.u32 s1, $0x3;
	[tilespmem:s14+$0x170] =	vst v62  }
0x1eb: {  	s1 =	simm.s32 $0x11400;
	s29 =	sadd.s32 s2, s25;
	[tilespmem:s14+$0xFFFFFE70] =	vst v3  }
0x1ec: {  	[hbm4b:s29+s3] =	stream.linear.scatter [tilespmem:s1], [sflag:$0x5], $0x400, $0x38;
	[tilespmem:$0x15400] =	vst v63  }
0x1ed: {  	p1 =	sne.s32 s5, $0x31;
	s1 =	sadd.s32 s25, s7;
	s29 =	simm.s32 $0x11800  }
0x1ee: {  	[hbm4b:s1+s3] =	stream.linear.scatter [tilespmem:s29], [sflag:$0x5], $0x400, $0x38;
	[tilespmem:$0x15400] =	vst v63  }
.Ltmp4:
0x1ef: {  	_ = 	snop;
	(pc) =	sbr.rel @p1 .LBB2_8-.Ltmp4, $4  }
0x1f0: {  	s1 =	sadd.s32 s25, s8;
	s29 =	simm.s32 $0x11C00  }
0x1f1: {  	[hbm4b:s1+s3] =	stream.linear.scatter [tilespmem:s29], [sflag:$0x5], $0x400, $0x38;
	[tilespmem:$0x15400] =	vst v63  }
0x1f2: {  	v37 =	vmov v42;
	v27 =	vmov v25;
	v41 =	vmov v0;
	s25 =	sadd.s32 s25, s9;
	s29 =	simm.s32 $0x12000  }
0x1f3: {  	v36 =	vmovc v51;
	v0 =	vmovc v32;
	v38 =	vmov v44;
	v62 =	vmov v1;
	v1 =	vmov v50;
	[hbm4b:s25+s3] =	stream.linear.scatter [tilespmem:s29], [sflag:$0x5], $0x400, $0x38;
	[tilespmem:$0x15400] =	vst v63  }
.Ltmp5:
0x1f4: {  	(pc) =	sbr.rel .LBB2_9-.Ltmp5, $4  }
0x1f5: {  	_ = 	snop  }
0x1f6: {  	_ =	swait.ge [sflag:s30], $0x1000  }
0x1f7: {  	[sflag:s30] =	ssyncset.done $0x0  }
0x1f8: {  	v32 =	vld [tilespmem:$0x1FE10];
	[sflag:s30] =	ssyncadd.s32 $0xFFFFF000  }
.LBB2_8:
0x1f9: {  	s14 =	sshll.u32 s5, $0x9  }
0x1fa: {  	s14 =	sand.u32 $0x3FFFFE00, s14  }
.Ltmp6:
0x1fb: {  	s14 =	sadd.s32 $0x7200, s14;
	(pc) =	sbr.rel @p0 .LBB2_10-.Ltmp6, $4  }
0x1fc: {  	[tilespmem:s17], [sflag:$0x1] =	stream.indirect.gather [hbm4b:s4+s15], $0x20, s14, s15, $0xb8;
	[tilespmem:$0x15400] =	vst v63  }
0x1fd: {  	_ =	swait.ge [sflag:s30], $0x1000  }
0x1fe: {  	[sflag:s30] =	ssyncset.done $0x0  }
0x1ff: {  	v32 =	vld [tilespmem:$0x1FE10];
	[sflag:s30] =	ssyncadd.s32 $0xFFFFF000  }
.LBB2_9:
0x200: {  	_ =	swait.ge [sflag:s31], $0x400  }
0x201: {  	[sflag:s31] =	ssyncset.done $0x0  }
0x202: {  	[sflag:s31] =	ssyncadd.s32 $0xFFFFFC00  }
0x203: {  	_ =	swait.ge [sflag:s31], $0x400  }
0x204: {  	[sflag:s31] =	ssyncset.done $0x0  }
0x205: {  	[sflag:s31] =	ssyncadd.s32 $0xFFFFFC00  }
0x206: {  	_ =	swait.ge [sflag:s31], $0x400  }
0x207: {  	[sflag:s31] =	ssyncset.done $0x0  }
0x208: {  	[sflag:s31] =	ssyncadd.s32 $0xFFFFFC00  }
0x209: {  	_ =	swait.ge [sflag:s31], $0x400  }
0x20a: {  	[sflag:s31] =	ssyncset.done $0x0  }
0x20b: {  	[sflag:s31] =	ssyncadd.s32 $0xFFFFFC00  }
.LBB2_10:
0x20c: {  	s14 =	simm.s32 $0x0;
	s1 =	simm.s32 $0x1  }
0x20d: {  	s25 =	simm.s32 $0x2;
	v3 =	vmov s14;
	v4 =	vmov s1;
	s1 =	simm.s32 $0x3  }
0x20e: {  	v5 =	vmov s25;
	s25 =	simm.s32 $0x4;
	v3 =	vshrl.u32 v3, $0x3;
	v6 =	vmov s1  }
0x20f: {  	s1 =	simm.s32 $0x5;
	v7 =	vmov s25;
	s25 =	simm.s32 $0x7;
	v4 =	vshrl.u32 v4, $0x3;
	v5 =	vshrl.u32 v5, $0x3  }
0x210: {  	v3 =	vshll.u32 v3, v2;
	v8 =	vmov s1;
	s1 =	simm.s32 $0x6;
	v9 =	vmov s25  }
0x211: {  	v4 =	vshll.u32 v4, v2;
	v3 =	vbroadcast v3, $0x0;
	v10 =	vmov s1  }
0x212: {  	v14 =	vshrl.u32 v10, $0x3;
	v10 =	vbroadcast v4, $0x0;
	v4 =	vshll.u32 v5, v2;
	v5 =	vld [tilespmem:$0x1FE00]  }
0x213: {  	v6 =	vshrl.u32 v6, $0x3;
	v9 =	vshrl.u32 v9, $0x3  }
0x214: {  	v57 =	vld [tilespmem:$0x1FE70];
	v12 =	vshrl.u32 v7, $0x3;
	v7 =	vshll.u32 v9, v2;
	v11 =	vor.u32 v32, v3  }
0x215: {  	v56 =	vld [tilespmem:$0x1FE80];
	v13 =	vshrl.u32 v8, $0x3;
	v8 =	vbroadcast v7, $0x0;
	v16 =	vor.u32 v40, v10  }
0x216: {  	v9 =	vbroadcast v4, $0x0;
	v4 =	vshll.u32 v6, v2  }
0x217: {  	v18 =	vld [tilespmem:$0x1FD90];
	v7 =	vbroadcast v4, $0x0;
	v4 =	vshll.u32 v12, v2;
	v15 =	vor.u32 v5, v8  }
0x218: {  	v12 =	vor.u32 v48, v9;
	v6 =	vbroadcast v4, $0x0;
	v4 =	vshll.u32 v13, v2  }
0x219: {  	v13 =	vor.u32 v57, v7;
	v50 =	vmovc v5;
	v5 =	vbroadcast v4, $0x0;
	v4 =	vshll.u32 v14, v2;
	v11 =	vld.idx.msk [tilespmem:v11+s19+$0x0], $0xffff  }
0x21a: {  	v14 =	vor.u32 v56, v6;
	v4 =	vbroadcast v4, $0x0;
	v16 =	vld.idx.msk [tilespmem:v16+s19+$0x0], $0xffff  }
0x21b: {  	v51 =	vmov v23;
	v17 =	vor.u32 v23, v5;
	v23 =	vld [tilespmem:$0x1FD60]  }
0x21c: {  	v44 =	vmov v18;
	v18 =	vor.u32 v18, v4;
	v15 =	vld.idx.msk [tilespmem:v15+s19+$0x0], $0xffff  }
0x21d: {  	v19 =	vor.u32 v39, v8;
	v12 =	vld.idx.msk [tilespmem:v12+s19+$0x0], $0xffff  }
0x21e: {  	v20 =	vor.u32 v27, v10;
	v13 =	vld.idx.msk [tilespmem:v13+s19+$0x0], $0xffff  }
0x21f: {  	v14 =	vld.idx.msk [tilespmem:v14+s19+$0x0], $0xffff  }
0x220: {  	s14 =	simm.s32 $0x12600;
	v17 =	vld.idx.msk [tilespmem:v17+s19+$0x0], $0xffff  }
0x221: {  	v21 =	vor.u32 v21, v9;
	v18 =	vld.idx.msk [tilespmem:v18+s19+$0x0], $0xffff;
	[tilespmem:s14+$0x180] =	vst v15  }
0x222: {  	v22 =	vor.u32 v22, v7;
	[tilespmem:s14+$0xFFFFFE80] =	vst v16;
	v16 =	vld.idx.msk [tilespmem:v19+s19+$0x0], $0xffff  }
0x223: {  	[tilespmem:s14+$0xFFFFFF00] =	vst v12;
	v19 =	vld.idx.msk [tilespmem:v20+s19+$0x0], $0xffff  }
0x224: {  	v12 =	vld [tilespmem:$0x1FDA0];
	[tilespmem:s14+$0xFFFFFF80] =	vst v13  }
0x225: {  	v23 =	vor.u32 v23, v6;
	v13 =	vld [tilespmem:$0x1FCA0];
	[tilespmem:s14+$0x0] =	vst v14  }
0x226: {  	v20 =	vld.idx.msk [tilespmem:v21+s19+$0x0], $0xffff;
	v21 =	vor.u32 v28, v3;
	[tilespmem:s14+$0x80] =	vst v17  }
0x227: {  	v22 =	vld.idx.msk [tilespmem:v22+s19+$0x0], $0xffff;
	[tilespmem:s14+$0xFFFFFE00] =	vst v11  }
0x228: {  	[tilespmem:s14+$0x100] =	vst v18  }
0x229: {  	v15 =	vor.u32 v59, v5;
	[tilespmem:s14+$0x190] =	vst v16  }
0x22a: {  	v14 =	vor.u32 v37, v10;
	v23 =	vld.idx.msk [tilespmem:v23+s19+$0x0], $0xffff;
	[tilespmem:s14+$0xFFFFFE90] =	vst v19  }
0x22b: {  	v16 =	vld.idx.msk [tilespmem:v21+s19+$0x0], $0xffff;
	[tilespmem:s14+$0xFFFFFF10] =	vst v20;
	v13 =	vor.u32 v13, v8  }
0x22c: {  	v12 =	vor.u32 v12, v4;
	v20 =	vld [tilespmem:$0x1FCB0];
	[tilespmem:s14+$0xFFFFFF90] =	vst v22  }
0x22d: {  	v17 =	vor.u32 v1, v9;
	v21 =	vld [tilespmem:$0x1FDB0]  }
0x22e: {  	v18 =	vor.u32 v24, v7;
	v15 =	vld.idx.msk [tilespmem:v15+s19+$0x0], $0xffff  }
0x22f: {  	v11 =	vor.u32 v0, v6;
	v14 =	vld.idx.msk [tilespmem:v14+s19+$0x0], $0xffff  }
0x230: {  	v19 =	vor.u32 v55, v5;
	v13 =	vld.idx.msk [tilespmem:v13+s19+$0x0], $0xffff  }
0x231: {  	v12 =	vld.idx.msk [tilespmem:v12+s19+$0x0], $0xffff;
	v20 =	vor.u32 v20, v8  }
0x232: {  	v17 =	vld.idx.msk [tilespmem:v17+s19+$0x0], $0xffff;
	v21 =	vor.u32 v21, v4  }
0x233: {  	v22 =	vor.u32 v29, v3;
	v18 =	vld.idx.msk [tilespmem:v18+s19+$0x0], $0xffff;
	[tilespmem:s14+$0x10] =	vst v23  }
0x234: {  	v11 =	vld.idx.msk [tilespmem:v11+s19+$0x0], $0xffff;
	[tilespmem:s14+$0x90] =	vst v15  }
0x235: {  	v19 =	vld.idx.msk [tilespmem:v19+s19+$0x0], $0xffff;
	[tilespmem:s14+$0x1A0] =	vst v13  }
0x236: {  	[tilespmem:s14+$0x110] =	vst v12;
	v12 =	vld.idx.msk [tilespmem:v20+s19+$0x0], $0xffff  }
0x237: {  	v23 =	vor.u32 v43, v10;
	[tilespmem:s14+$0xFFFFFE10] =	vst v16;
	v20 =	vld.idx.msk [tilespmem:v21+s19+$0x0], $0xffff  }
0x238: {  	v15 =	vor.u32 v36, v9;
	[tilespmem:s14+$0xFFFFFEA0] =	vst v14;
	v21 =	vld.idx.msk [tilespmem:v22+s19+$0x0], $0xffff  }
0x239: {  	v16 =	vor.u32 v33, v6;
	v14 =	vld [tilespmem:$0x1FCC0];
	[tilespmem:s14+$0xFFFFFF20] =	vst v17  }
0x23a: {  	v13 =	vor.u32 v63, v7;
	v42 =	vld [tilespmem:$0x1FF40];
	[tilespmem:s14+$0xFFFFFFA0] =	vst v18  }
0x23b: {  	v18 =	vld [tilespmem:$0x1FDC0];
	[tilespmem:s14+$0x20] =	vst v11  }
0x23c: {  	v22 =	vld.idx.msk [tilespmem:v23+s19+$0x0], $0xffff;
	v23 =	vor.u32 v30, v3;
	[tilespmem:s14+$0xA0] =	vst v19  }
0x23d: {  	v15 =	vld.idx.msk [tilespmem:v15+s19+$0x0], $0xffff;
	[tilespmem:s14+$0x1B0] =	vst v12  }
0x23e: {  	v11 =	vor.u32 v38, v10;
	v16 =	vld.idx.msk [tilespmem:v16+s19+$0x0], $0xffff;
	[tilespmem:s14+$0x120] =	vst v20  }
0x23f: {  	v13 =	vld.idx.msk [tilespmem:v13+s19+$0x0], $0xffff;
	v14 =	vor.u32 v14, v8;
	[tilespmem:s14+$0xFFFFFE20] =	vst v21  }
0x240: {  	v17 =	vor.u32 v42, v5;
	v20 =	vld [tilespmem:$0x1FCD0]  }
0x241: {  	v21 =	vld.idx.msk [tilespmem:v23+s19+$0x0], $0xffff;
	[tilespmem:s14+$0xFFFFFEB0] =	vst v22;
	v18 =	vor.u32 v18, v4  }
0x242: {  	v22 =	vld [tilespmem:$0x1FEC0]  }
0x243: {  	v11 =	vld.idx.msk [tilespmem:v11+s19+$0x0], $0xffff  }
0x244: {  	v12 =	vor.u32 v58, v9;
	v14 =	vld.idx.msk [tilespmem:v14+s19+$0x0], $0xffff  }
0x245: {  	v19 =	vor.u32 v26, v7;
	v17 =	vld.idx.msk [tilespmem:v17+s19+$0x0], $0xffff  }
0x246: {  	[tilespmem:s14+$0xFFFFFF30] =	vst v15;
	v20 =	vor.u32 v20, v8;
	v18 =	vld.idx.msk [tilespmem:v18+s19+$0x0], $0xffff  }
0x247: {  	v15 =	vld [tilespmem:$0x1FED0];
	[tilespmem:s14+$0xFFFFFFB0] =	vst v13  }
0x248: {  	v13 =	vld [tilespmem:$0x1FDD0];
	[tilespmem:s14+$0x30] =	vst v16  }
0x249: {  	v12 =	vld.idx.msk [tilespmem:v12+s19+$0x0], $0xffff;
	[tilespmem:s14+$0x1C0] =	vst v14  }
0x24a: {  	v19 =	vld.idx.msk [tilespmem:v19+s19+$0x0], $0xffff;
	[tilespmem:s14+$0xB0] =	vst v17  }
0x24b: {  	v22 =	vor.u32 v22, v6;
	v16 =	vld.idx.msk [tilespmem:v20+s19+$0x0], $0xffff;
	[tilespmem:s14+$0x130] =	vst v18  }
0x24c: {  	v15 =	vor.u32 v15, v5;
	v17 =	vld [tilespmem:$0x1FCE0];
	[tilespmem:s14+$0xFFFFFE30] =	vst v21  }
0x24d: {  	v23 =	vor.u32 v31, v3;
	v18 =	vld [tilespmem:$0x1FD40];
	[tilespmem:s14+$0xFFFFFEC0] =	vst v11  }
0x24e: {  	v11 =	vld [tilespmem:$0x1FEF0];
	[tilespmem:s14+$0xFFFFFF40] =	vst v12  }
0x24f: {  	v13 =	vor.u32 v13, v4;
	v12 =	vld [tilespmem:$0x1FEE0]  }
0x250: {  	v14 =	vor.u32 v34, v10;
	v22 =	vld.idx.msk [tilespmem:v22+s19+$0x0], $0xffff  }
0x251: {  	v20 =	vor.u32 v61, v9;
	v15 =	vld.idx.msk [tilespmem:v15+s19+$0x0], $0xffff  }
0x252: {  	v21 =	vld.idx.msk [tilespmem:v23+s19+$0x0], $0xffff  }
0x253: {  	v23 =	vld [tilespmem:$0x1FDE0];
	[tilespmem:s14+$0x1D0] =	vst v16;
	v17 =	vor.u32 v17, v8  }
0x254: {  	v13 =	vld.idx.msk [tilespmem:v13+s19+$0x0], $0xffff;
	[tilespmem:s14+$0xFFFFFFC0] =	vst v19;
	v12 =	vor.u32 v12, v5  }
0x255: {  	v14 =	vld.idx.msk [tilespmem:v14+s19+$0x0], $0xffff;
	[tilespmem:s14+$0x40] =	vst v22  }
0x256: {  	v20 =	vld.idx.msk [tilespmem:v20+s19+$0x0], $0xffff;
	[tilespmem:s14+$0xC0] =	vst v15;
	v18 =	vor.u32 v18, v7  }
0x257: {  	v46 =	vmov v0;
	v0 =	vld [tilespmem:$0x1FCF0]  }
0x258: {  	[tilespmem:s14+$0xFFFFFE40] =	vst v21;
	v11 =	vor.u32 v11, v6;
	v17 =	vld.idx.msk [tilespmem:v17+s19+$0x0], $0xffff  }
0x259: {  	[tilespmem:s14+$0x140] =	vst v13;
	v23 =	vor.u32 v23, v4;
	v27 =	vld.idx.msk [tilespmem:v12+s19+$0x0], $0xffff  }
0x25a: {  	v12 =	vld [tilespmem:$0x1FD50]  }
0x25b: {  	v24 =	vld.idx.msk [tilespmem:v18+s19+$0x0], $0xffff;
	[tilespmem:s14+$0xFFFFFED0] =	vst v14  }
0x25c: {  	v14 =	vld [tilespmem:$0x1FD80]  }
0x25d: {  	v22 =	vld.idx.msk [tilespmem:v11+s19+$0x0], $0xffff  }
0x25e: {  	v42 =	vmov v29;
	v29 =	vld.idx.msk [tilespmem:v23+s19+$0x0], $0xffff  }
0x25f: {  	v63 =	vmovc v38;
	v38 =	vmov v28;
	v16 =	vor.u32 v41, v3;
	v28 =	vor.u32 v12, v7;
	v12 =	vld [tilespmem:$0x1FE50];
	[tilespmem:s14+$0x1E0] =	vst v17  }
0x260: {  	[tilespmem:s14+$0xFFFFFF50] =	vst v20  }
0x261: {  	v60 =	vmovc v48;
	v48 =	vmov v37;
	v37 =	vmov v14;
	v45 =	vor.u32 v14, v5;
	v14 =	vld [tilespmem:$0x1FDF0];
	[tilespmem:s14+$0xFFFFFFD0] =	vst v24  }
0x262: {  	s1 =	simm.s32 $0x8;
	[tilespmem:s14+$0x50] =	vst v22  }
0x263: {  	v11 =	vor.u32 v0, v8;
	v8 =	vmov s1;
	s1 =	simm.s32 $0x9;
	[tilespmem:s14+$0xD0] =	vst v27  }
0x264: {  	v13 =	vld.idx.msk [tilespmem:v16+s19+$0x0], $0xffff;
	v17 =	vmov s1;
	[tilespmem:s14+$0x150] =	vst v29  }
0x265: {  	v19 =	vor.u32 v49, v10;
	v23 =	vshrl.u32 v17, $0x3;
	v17 =	vld [tilespmem:$0x1FD00]  }
0x266: {  	v33 =	vld [tilespmem:$0x1FE30]  }
0x267: {  	s29 =	simm.s32 $0xB;
	v15 =	vor.u32 v53, v9;
	s1 =	simm.s32 $0xA;
	v0 =	vld [tilespmem:$0x1FE60]  }
0x268: {  	v59 =	vmov s29;
	v55 =	vmov v43;
	v20 =	vmov s1;
	v43 =	vld [tilespmem:$0x1FEA0]  }
0x269: {  	v22 =	vshrl.u32 v20, $0x3;
	v20 =	vshrl.u32 v59, $0x3;
	v59 =	vld [tilespmem:$0x1FE40]  }
0x26a: {  	v16 =	vor.u32 v12, v6;
	v12 =	vld.idx.msk [tilespmem:v19+s19+$0x0], $0xffff  }
0x26b: {  	v19 =	vld.idx.msk [tilespmem:v11+s19+$0x0], $0xffff  }
0x26c: {  	v8 =	vshrl.u32 v8, $0x3;
	v52 =	vmov v14;
	v18 =	vor.u32 v14, v4;
	v14 =	vld.idx.msk [tilespmem:v15+s19+$0x0], $0xffff  }
0x26d: {  	v8 =	vshll.u32 v8, v2;
	v15 =	vld.idx.msk [tilespmem:v28+s19+$0x0], $0xffff  }
0x26e: {  	s29 =	simm.s32 $0xD;
	v10 =	vor.u32 v47, v10;
	v8 =	vbroadcast v8, $0x0;
	s1 =	simm.s32 $0xC;
	v9 =	vor.u32 v17, v9;
	v17 =	vld.idx.msk [tilespmem:v45+s19+$0x0], $0xffff  }
0x26f: {  	v25 =	vmov s29;
	v26 =	vmov s1;
	s1 =	simm.s32 $0xE;
	v45 =	vld [tilespmem:$0x1FE90]  }
0x270: {  	v54 =	vmovc v30;
	v35 =	vmovc v31;
	s25 =	simm.s32 $0x10;
	s29 =	simm.s32 $0xF;
	v21 =	vor.u32 v62, v3;
	v24 =	vmov s1;
	v11 =	vor.u32 v32, v8;
	v16 =	vld.idx.msk [tilespmem:v16+s19+$0x0], $0xffff  }
.LBB2_11:
0x271: {  	_ = 	snop  }
0x272: {  	[tilespmem:s14+$0xFFFFFEE0] =	vst v12  }
0x273: {  	v7 =	vor.u32 v59, v7;
	v12 =	vshll.u32 v23, v2;
	v23 =	vld.idx.msk [tilespmem:v10+s19+$0x0], $0xffff;
	[tilespmem:s14+$0xFFFFFE50] =	vst v13  }
0x274: {  	v6 =	vor.u32 v0, v6;
	v13 =	vld.idx.msk [tilespmem:v18+s19+$0x0], $0xffff;
	[tilespmem:s14+$0x1F0] =	vst v19  }
0x275: {  	v5 =	vor.u32 v45, v5;
	v10 =	vbroadcast v12, $0x0;
	[tilespmem:s14+$0xFFFFFF60] =	vst v14;
	v21 =	vld.idx.msk [tilespmem:v21+s19+$0x0], $0xffff  }
0x276: {  	v26 =	vshrl.u32 v26, $0x3;
	v4 =	vor.u32 v43, v4;
	v3 =	vor.u32 v33, v3;
	[tilespmem:s14+$0xFFFFFFE0] =	vst v15;
	v19 =	vld.idx.msk [tilespmem:v11+s19+$0x0], $0xffff  }
0x277: {  	v27 =	vmov s29;
	v12 =	vshll.u32 v22, v2;
	[tilespmem:s14+$0x60] =	vst v16;
	v16 =	vor.u32 v40, v10;
	v14 =	vld.idx.msk [tilespmem:v9+s19+$0x0], $0xffff  }
0x278: {  	v18 =	vshrl.u32 v25, $0x3;
	[tilespmem:s14+$0xE0] =	vst v17;
	v9 =	vbroadcast v12, $0x0;
	v12 =	vshll.u32 v20, v2;
	v20 =	vld.idx.msk [tilespmem:v7+s19+$0x0], $0xffff  }
0x279: {  	v25 =	vshrl.u32 v27, $0x3;
	v22 =	vld.idx.msk [tilespmem:v6+s19+$0x0], $0xffff;
	v7 =	vbroadcast v12, $0x0;
	v12 =	vshll.u32 v26, v2;
	[tilespmem:s14+$0xFFFFFEF0] =	vst v23  }
0x27a: {  	v11 =	vshll.u32 v25, v2;
	v6 =	vbroadcast v12, $0x0;
	v12 =	vshll.u32 v18, v2;
	v18 =	vld.idx.msk [tilespmem:v5+s19+$0x0], $0xffff;
	[tilespmem:s14+$0x160] =	vst v13  }
0x27b: {  	v11 =	vbroadcast v11, $0x0;
	v17 =	vor.u32 v60, v9;
	[tilespmem:s14+$0xFFFFFE60] =	vst v21;
	v21 =	vld.idx.msk [tilespmem:v4+s19+$0x0], $0xffff  }
0x27c: {  	[tilespmem:s14+$0xFFFFFF70] =	vst v14;
	v14 =	vld.idx.msk [tilespmem:v16+s19+$0x0], $0xffff  }
0x27d: {  	v24 =	vshrl.u32 v24, $0x3;
	v15 =	vor.u32 v50, v11;
	[tilespmem:s14+$0xFFFFFFF0] =	vst v20;
	v20 =	vld [tilespmem:$0x1FF90]  }
0x27e: {  	v5 =	vbroadcast v12, $0x0;
	v12 =	vshll.u32 v24, v2;
	v13 =	vor.u32 v57, v7;
	[tilespmem:s14+$0x70] =	vst v22;
	v22 =	vld [tilespmem:$0x1FF10]  }
0x27f: {  	v24 =	vor.u32 v56, v6;
	v4 =	vbroadcast v12, $0x0;
	v12 =	vld.idx.msk [tilespmem:v3+s19+$0x0], $0xffff  }
0x280: {  	v17 =	vld.idx.msk [tilespmem:v17+s19+$0x0], $0xffff  }
0x281: {  	v3 =	vmov v8;
	v8 =	vor.u32 v51, v5;
	[tilespmem:s14+$0xF0] =	vst v18;
	v18 =	vld [tilespmem:$0x1FF00]  }
0x282: {  	v15 =	vld.idx.msk [tilespmem:v15+s19+$0x0], $0xffff  }
0x283: {  	v16 =	vor.u32 v44, v4;
	v13 =	vld.idx.msk [tilespmem:v13+s19+$0x0], $0xffff  }
0x284: {  	v23 =	vld.idx.msk [tilespmem:v24+s19+$0x0], $0xffff  }
0x285: {  	[tilespmem:s14+$0x170] =	vst v21;
	v21 =	vld [tilespmem:$0x1FEB0]  }
0x286: {  	v20 =	vor.u32 v20, v11;
	v8 =	vld.idx.msk [tilespmem:v8+s19+$0x0], $0xffff  }
0x287: {  	v22 =	vor.u32 v22, v10;
	[tilespmem:s14+$0xFFFFFE70] =	vst v12;
	s14 =	sadd.s32 $0x400, s14;
	v12 =	vld [tilespmem:$0x1FD60]  }
0x288: {  	v16 =	vld.idx.msk [tilespmem:v16+s19+$0x0], $0xffff;
	[tilespmem:s14+$0xFFFFFE80] =	vst v14  }
0x289: {  	v18 =	vor.u32 v18, v9;
	v14 =	vld [tilespmem:$0x1FF50];
	[tilespmem:s14+$0xFFFFFF00] =	vst v17  }
0x28a: {  	v17 =	vld [tilespmem:$0x1FDA0];
	[tilespmem:s14+$0x180] =	vst v15  }
0x28b: {  	v21 =	vor.u32 v21, v7;
	v15 =	vld.idx.msk [tilespmem:v20+s19+$0x0], $0xffff  }
0x28c: {  	v20 =	vld.idx.msk [tilespmem:v22+s19+$0x0], $0xffff;
	v22 =	vor.u32 v38, v3  }
0x28d: {  	[tilespmem:s14+$0xFFFFFF80] =	vst v13;
	v13 =	vld [tilespmem:$0x1FCA0]  }
0x28e: {  	[tilespmem:s14+$0x0] =	vst v23;
	v12 =	vor.u32 v12, v6;
	v18 =	vld.idx.msk [tilespmem:v18+s19+$0x0], $0xffff  }
0x28f: {  	v23 =	vor.u32 v48, v10;
	[tilespmem:s14+$0x100] =	vst v16;
	v16 =	vld [tilespmem:$0x1FD10]  }
0x290: {  	[tilespmem:s14+$0xFFFFFE00] =	vst v19;
	v14 =	vor.u32 v14, v5;
	v21 =	vld.idx.msk [tilespmem:v21+s19+$0x0], $0xffff  }
0x291: {  	v17 =	vor.u32 v17, v4;
	v19 =	vld.idx.msk [tilespmem:v22+s19+$0x0], $0xffff  }
0x292: {  	[tilespmem:s14+$0xFFFFFE90] =	vst v20;
	v20 =	vld [tilespmem:$0x1FF20]  }
0x293: {  	[tilespmem:s14+$0x80] =	vst v8;
	v8 =	vor.u32 v1, v9;
	v12 =	vld.idx.msk [tilespmem:v12+s19+$0x0], $0xffff  }
0x294: {  	v13 =	vor.u32 v13, v11;
	v22 =	vld.idx.msk [tilespmem:v23+s19+$0x0], $0xffff  }
0x295: {  	v14 =	vld.idx.msk [tilespmem:v14+s19+$0x0], $0xffff  }
0x296: {  	v17 =	vld.idx.msk [tilespmem:v17+s19+$0x0], $0xffff  }
0x297: {  	v16 =	vor.u32 v16, v7;
	[tilespmem:s14+$0xFFFFFF10] =	vst v18;
	v18 =	vld [tilespmem:$0x1FCB0]  }
0x298: {  	[tilespmem:s14+$0x190] =	vst v15;
	v15 =	vor.u32 v46, v6;
	v8 =	vld.idx.msk [tilespmem:v8+s19+$0x0], $0xffff  }
0x299: {  	v13 =	vld.idx.msk [tilespmem:v13+s19+$0x0], $0xffff  }
0x29a: {  	[tilespmem:s14+$0xFFFFFF90] =	vst v21;
	v21 =	vld [tilespmem:$0x1FDB0]  }
0x29b: {  	v20 =	vor.u32 v20, v5;
	[tilespmem:s14+$0xFFFFFEA0] =	vst v22;
	v22 =	vld [tilespmem:$0x1FCC0]  }
0x29c: {  	[tilespmem:s14+$0x10] =	vst v12;
	v12 =	vor.u32 v55, v10;
	v16 =	vld.idx.msk [tilespmem:v16+s19+$0x0], $0xffff  }
0x29d: {  	v18 =	vor.u32 v18, v11;
	v15 =	vld.idx.msk [tilespmem:v15+s19+$0x0], $0xffff;
	[tilespmem:s14+$0x90] =	vst v14  }
0x29e: {  	[tilespmem:s14+$0xFFFFFF20] =	vst v8;
	v8 =	vld [tilespmem:$0x1FF40]  }
0x29f: {  	v14 =	vor.u32 v36, v9;
	[tilespmem:s14+$0x1A0] =	vst v13;
	v13 =	vld [tilespmem:$0x1FD20]  }
0x2a0: {  	v20 =	vld.idx.msk [tilespmem:v20+s19+$0x0], $0xffff  }
0x2a1: {  	v21 =	vor.u32 v21, v4;
	v12 =	vld.idx.msk [tilespmem:v12+s19+$0x0], $0xffff  }
0x2a2: {  	v23 =	vor.u32 v42, v3;
	[tilespmem:s14+$0x110] =	vst v17;
	v17 =	vld.idx.msk [tilespmem:v18+s19+$0x0], $0xffff  }
0x2a3: {  	v18 =	vld [tilespmem:$0x1FF30]  }
0x2a4: {  	v14 =	vld.idx.msk [tilespmem:v14+s19+$0x0], $0xffff;
	[tilespmem:s14+$0x20] =	vst v15;
	v15 =	vor.u32 v63, v10  }
0x2a5: {  	[tilespmem:s14+$0xFFFFFFA0] =	vst v16;
	v16 =	vld [tilespmem:$0x1FDC0]  }
0x2a6: {  	[tilespmem:s14+$0xFFFFFE10] =	vst v19;
	v22 =	vor.u32 v22, v11;
	v19 =	vld.idx.msk [tilespmem:v21+s19+$0x0], $0xffff  }
0x2a7: {  	v21 =	vld.idx.msk [tilespmem:v23+s19+$0x0], $0xffff  }
0x2a8: {  	v8 =	vor.u32 v8, v5;
	[tilespmem:s14+$0xFFFFFEB0] =	vst v12;
	v12 =	vld [tilespmem:$0x1FEC0]  }
0x2a9: {  	v13 =	vor.u32 v13, v7;
	[tilespmem:s14+$0x1B0] =	vst v17;
	v15 =	vld.idx.msk [tilespmem:v15+s19+$0x0], $0xffff  }
0x2aa: {  	[tilespmem:s14+$0xFFFFFF30] =	vst v14;
	v14 =	vld [tilespmem:$0x1FED0]  }
0x2ab: {  	v23 =	vor.u32 v54, v3;
	[tilespmem:s14+$0xA0] =	vst v20;
	v20 =	vld.idx.msk [tilespmem:v22+s19+$0x0], $0xffff  }
0x2ac: {  	v18 =	vor.u32 v18, v6;
	v22 =	vld [tilespmem:$0x1FD30]  }
0x2ad: {  	v16 =	vor.u32 v16, v4;
	v8 =	vld.idx.msk [tilespmem:v8+s19+$0x0], $0xffff  }
0x2ae: {  	v17 =	vor.u32 v58, v9;
	v13 =	vld.idx.msk [tilespmem:v13+s19+$0x0], $0xffff;
	[tilespmem:s14+$0x120] =	vst v19  }
0x2af: {  	[tilespmem:s14+$0xFFFFFE20] =	vst v21;
	v19 =	vld [tilespmem:$0x1FCD0]  }
0x2b0: {  	v21 =	vld.idx.msk [tilespmem:v23+s19+$0x0], $0xffff  }
0x2b1: {  	v18 =	vld.idx.msk [tilespmem:v18+s19+$0x0], $0xffff;
	v14 =	vor.u32 v14, v5  }
0x2b2: {  	v16 =	vld.idx.msk [tilespmem:v16+s19+$0x0], $0xffff  }
0x2b3: {  	v17 =	vld.idx.msk [tilespmem:v17+s19+$0x0], $0xffff;
	[tilespmem:s14+$0xFFFFFEC0] =	vst v15  }
0x2b4: {  	v23 =	vor.u32 v35, v3;
	v15 =	vld [tilespmem:$0x1FEF0];
	[tilespmem:s14+$0xB0] =	vst v8  }
0x2b5: {  	[tilespmem:s14+$0xFFFFFFB0] =	vst v13;
	v13 =	vld [tilespmem:$0x1FDD0]  }
0x2b6: {  	v12 =	vor.u32 v12, v6;
	[tilespmem:s14+$0x1C0] =	vst v20;
	v8 =	vld.idx.msk [tilespmem:v14+s19+$0x0], $0xffff  }
0x2b7: {  	[tilespmem:s14+$0xFFFFFE30] =	vst v21;
	v14 =	vld [tilespmem:$0x1FCE0]  }
0x2b8: {  	v22 =	vor.u32 v22, v7;
	[tilespmem:s14+$0x130] =	vst v16;
	v16 =	vld [tilespmem:$0x1FD40]  }
0x2b9: {  	v20 =	vor.u32 v34, v10;
	[tilespmem:s14+$0x30] =	vst v18;
	v21 =	vld.idx.msk [tilespmem:v23+s19+$0x0], $0xffff  }
0x2ba: {  	v19 =	vor.u32 v19, v11;
	[tilespmem:s14+$0xFFFFFF40] =	vst v17;
	v17 =	vld [tilespmem:$0x1FEE0]  }
0x2bb: {  	v12 =	vld.idx.msk [tilespmem:v12+s19+$0x0], $0xffff  }
0x2bc: {  	v23 =	vld [tilespmem:$0x1FDE0]  }
0x2bd: {  	v22 =	vld.idx.msk [tilespmem:v22+s19+$0x0], $0xffff;
	v13 =	vor.u32 v13, v4  }
0x2be: {  	v15 =	vor.u32 v15, v6;
	v20 =	vld.idx.msk [tilespmem:v20+s19+$0x0], $0xffff  }
0x2bf: {  	v18 =	vld.idx.msk [tilespmem:v19+s19+$0x0], $0xffff;
	v19 =	vor.u32 v61, v9  }
0x2c0: {  	[tilespmem:s14+$0x40] =	vst v12;
	v12 =	vld [tilespmem:$0x1FD50]  }
0x2c1: {  	v14 =	vor.u32 v14, v11;
	[tilespmem:s14+$0xC0] =	vst v8;
	v8 =	vld [tilespmem:$0x1FCF0]  }
0x2c2: {  	v16 =	vor.u32 v16, v7;
	v13 =	vld.idx.msk [tilespmem:v13+s19+$0x0], $0xffff  }
0x2c3: {  	v17 =	vor.u32 v17, v5;
	v24 =	vld.idx.msk [tilespmem:v15+s19+$0x0], $0xffff  }
0x2c4: {  	v23 =	vor.u32 v23, v4;
	[tilespmem:s14+$0xFFFFFFC0] =	vst v22;
	v19 =	vld.idx.msk [tilespmem:v19+s19+$0x0], $0xffff  }
0x2c5: {  	v22 =	vor.u32 v49, v10;
	[tilespmem:s14+$0x1D0] =	vst v18;
	v27 =	vor.u32 v12, v7;
	v12 =	vld [tilespmem:$0x1FE50]  }
0x2c6: {  	v18 =	vor.u32 v41, v3;
	v14 =	vld.idx.msk [tilespmem:v14+s19+$0x0], $0xffff  }
0x2c7: {  	v16 =	vld.idx.msk [tilespmem:v16+s19+$0x0], $0xffff  }
0x2c8: {  	v15 =	vor.u32 v53, v9;
	v17 =	vld.idx.msk [tilespmem:v17+s19+$0x0], $0xffff;
	[tilespmem:s14+$0x140] =	vst v13  }
0x2c9: {  	s29 =	sadd.s32 $0x1, s25;
	[tilespmem:s14+$0xFFFFFED0] =	vst v20;
	v11 =	vor.u32 v8, v11;
	v28 =	vld.idx.msk [tilespmem:v23+s19+$0x0], $0xffff  }
0x2ca: {  	[tilespmem:s14+$0xFFFFFE40] =	vst v21;
	v20 =	vor.u32 v12, v6;
	v12 =	vld.idx.msk [tilespmem:v22+s19+$0x0], $0xffff;
	v22 =	vmov s29;
	s29 =	sadd.s32 $0x2, s25  }
0x2cb: {  	v29 =	vor.u32 v37, v5;
	v8 =	vmov s25;
	v13 =	vld.idx.msk [tilespmem:v18+s19+$0x0], $0xffff;
	v30 =	vmov s29  }
0x2cc: {  	p2 =	slt.u32 s25, $0x18;
	v8 =	vshrl.u32 v8, $0x3;
	[tilespmem:s14+$0xFFFFFF50] =	vst v19;
	v23 =	vshrl.u32 v22, $0x3;
	v22 =	vshrl.u32 v30, $0x3;
	v30 =	vld [tilespmem:$0x1FD00]  }
.Ltmp7:
0x2cd: {  	s1 =	sadd.s32 $0x3, s25;
	v8 =	vshll.u32 v8, v2;
	[tilespmem:s14+$0x1E0] =	vst v14;
	v14 =	vld.idx.msk [tilespmem:v15+s19+$0x0], $0xffff;
	(pc) =	sbr.rel @p2 .LBB2_11-.Ltmp7, $4  }
0x2ce: {  	v31 =	vmov s1;
	s1 =	sadd.s32 $0x4, s25;
	v8 =	vbroadcast v8, $0x0;
	[tilespmem:s14+$0xFFFFFFD0] =	vst v16;
	v19 =	vld.idx.msk [tilespmem:v11+s19+$0x0], $0xffff  }
0x2cf: {  	v26 =	vmov s1;
	s1 =	sadd.s32 $0x6, s25;
	v21 =	vor.u32 v62, v3;
	v10 =	vor.u32 v47, v10;
	[tilespmem:s14+$0xD0] =	vst v17;
	v15 =	vld.idx.msk [tilespmem:v27+s19+$0x0], $0xffff  }
0x2d0: {  	[tilespmem:s14+$0x50] =	vst v24;
	v24 =	vmov s1;
	v18 =	vor.u32 v52, v4;
	v11 =	vor.u32 v32, v8;
	v17 =	vld.idx.msk [tilespmem:v29+s19+$0x0], $0xffff;
	s29 =	sadd.s32 $0x5, s25  }
0x2d1: {  	v25 =	vmov s29;
	s29 =	sadd.s32 $0x7, s25;
	s25 =	sadd.s32 $0x8, s25;
	[tilespmem:s14+$0x150] =	vst v28;
	v16 =	vld.idx.msk [tilespmem:v20+s19+$0x0], $0xffff;
	v20 =	vshrl.u32 v31, $0x3;
	v9 =	vor.u32 v30, v9  }
0x2d2: {  	_ =	sdelay $0x1  }
0x2d3: {  	[tilespmem:s14+$0xFFFFFE50] =	vst v13  }
0x2d4: {  	v32 =	vmov s29;
	v7 =	vor.u32 v59, v7;
	[tilespmem:s14+$0xFFFFFEE0] =	vst v12  }
0x2d5: {  	v18 =	vld.idx.msk [tilespmem:v18+s19+$0x0], $0xffff;
	v6 =	vor.u32 v0, v6;
	[tilespmem:s14+$0xFFFFFF60] =	vst v14;
	v32 =	vshrl.u32 v32, $0x3  }
0x2d6: {  	v13 =	vshrl.u32 v26, $0x3;
	[tilespmem:s14+$0x1F0] =	vst v19;
	v14 =	vld.idx.msk [tilespmem:v21+s19+$0x0], $0xffff;
	v21 =	vor.u32 v45, v5;
	v12 =	vshll.u32 v32, v2  }
0x2d7: {  	v10 =	vld.idx.msk [tilespmem:v10+s19+$0x0], $0xffff;
	[tilespmem:s14+$0xFFFFFFE0] =	vst v15;
	v32 =	vshll.u32 v23, v2;
	v15 =	vor.u32 v43, v4;
	v12 =	vbroadcast v12, $0x0  }
0x2d8: {  	v9 =	vld.idx.msk [tilespmem:v9+s19+$0x0], $0xffff;
	v4 =	vbroadcast v32, $0x0;
	v32 =	vshll.u32 v22, v2;
	[tilespmem:s14+$0x60] =	vst v16;
	v16 =	vor.u32 v33, v3  }
0x2d9: {  	[tilespmem:s14+$0xE0] =	vst v17;
	v3 =	vbroadcast v32, $0x0;
	v32 =	vshll.u32 v20, v2;
	v17 =	vor.u32 v50, v12;
	v20 =	vld.idx.msk [tilespmem:v7+s19+$0x0], $0xffff  }
0x2da: {  	[tilespmem:s14+$0x160] =	vst v18;
	v18 =	vor.u32 v40, v4;
	v50 =	vshll.u32 v13, v2;
	v13 =	vld.idx.msk [tilespmem:v6+s19+$0x0], $0xffff  }
0x2db: {  	v25 =	vshrl.u32 v25, $0x3;
	v5 =	vbroadcast v32, $0x0;
	[tilespmem:s14+$0xFFFFFE60] =	vst v14;
	v32 =	vor.u32 v60, v3;
	v21 =	vld.idx.msk [tilespmem:v21+s19+$0x0], $0xffff  }
0x2dc: {  	v26 =	vmov v40;
	v40 =	vshll.u32 v25, v2;
	v6 =	vbroadcast v50, $0x0;
	[tilespmem:s14+$0xFFFFFEF0] =	vst v10;
	v15 =	vld.idx.msk [tilespmem:v15+s19+$0x0], $0xffff  }
0x2dd: {  	v7 =	vbroadcast v40, $0x0;
	[tilespmem:s14+$0xFFFFFF70] =	vst v9;
	v50 =	vor.u32 v57, v5;
	v16 =	vld.idx.msk [tilespmem:v16+s19+$0x0], $0xffff  }
0x2de: {  	v22 =	vor.u32 v56, v6;
	[tilespmem:s14+$0xFFFFFFF0] =	vst v20;
	v17 =	vld.idx.msk [tilespmem:v17+s19+$0x0], $0xffff  }
0x2df: {  	v56 =	vor.u32 v51, v7;
	v18 =	vld.idx.msk [tilespmem:v18+s19+$0x0], $0xffff;
	[tilespmem:s14+$0x70] =	vst v13  }
0x2e0: {  	v14 =	vld.idx.msk [tilespmem:v32+s19+$0x0], $0xffff;
	[tilespmem:s14+$0xF0] =	vst v21  }
0x2e1: {  	v20 =	vld [tilespmem:$0x1FF90]  }
0x2e2: {  	v19 =	vshrl.u32 v24, $0x3;
	v10 =	vld.idx.msk [tilespmem:v50+s19+$0x0], $0xffff  }
0x2e3: {  	v19 =	vshll.u32 v19, v2;
	[tilespmem:s14+$0x170] =	vst v15;
	v32 =	vld.idx.msk [tilespmem:v22+s19+$0x0], $0xffff  }
0x2e4: {  	s25 =	sadd.s32 $0x400, s14;
	v9 =	vbroadcast v19, $0x0;
	v19 =	vld.idx.msk [tilespmem:v56+s19+$0x0], $0xffff;
	[tilespmem:s14+$0xFFFFFE70] =	vst v16  }
0x2e5: {  	v29 =	vld [tilespmem:$0x1FF10];
	[tilespmem:s25+$0x180] =	vst v17  }
0x2e6: {  	v25 =	vld [tilespmem:$0x1FF00];
	[tilespmem:s25+$0xFFFFFE80] =	vst v18  }
0x2e7: {  	v57 =	vor.u32 v44, v9;
	v18 =	vld [tilespmem:$0x1FEB0];
	[tilespmem:s25+$0xFFFFFF00] =	vst v14  }
0x2e8: {  	v14 =	vld [tilespmem:$0x1FD60];
	[tilespmem:s25+$0xFFFFFF80] =	vst v10  }
0x2e9: {  	v20 =	vor.u32 v20, v12;
	v28 =	vld [tilespmem:$0x1FF50];
	[tilespmem:s25+$0x0] =	vst v32  }
0x2ea: {  	v60 =	vor.u32 v29, v4;
	v32 =	vld [tilespmem:$0x1FCA0]  }
0x2eb: {  	v11 =	vld.idx.msk [tilespmem:v11+s19+$0x0], $0xffff;
	v40 =	vor.u32 v25, v3  }
0x2ec: {  	v13 =	vld.idx.msk [tilespmem:v57+s19+$0x0], $0xffff;
	[tilespmem:s25+$0x80] =	vst v19;
	v18 =	vor.u32 v18, v5  }
0x2ed: {  	v31 =	vld [tilespmem:$0x1FDA0];
	v14 =	vor.u32 v14, v6  }
0x2ee: {  	v20 =	vld.idx.msk [tilespmem:v20+s19+$0x0], $0xffff;
	v44 =	vor.u32 v28, v7  }
0x2ef: {  	v15 =	vld.idx.msk [tilespmem:v60+s19+$0x0], $0xffff;
	v50 =	vor.u32 v32, v12  }
0x2f0: {  	v17 =	vld.idx.msk [tilespmem:v40+s19+$0x0], $0xffff  }
0x2f1: {  	[tilespmem:s25+$0x100] =	vst v13;
	v60 =	vor.u32 v38, v8;
	v18 =	vld.idx.msk [tilespmem:v18+s19+$0x0], $0xffff  }
0x2f2: {  	[tilespmem:s25+$0xFFFFFE00] =	vst v11;
	v51 =	vor.u32 v31, v9;
	v14 =	vld.idx.msk [tilespmem:v14+s19+$0x0], $0xffff  }
0x2f3: {  	[tilespmem:s25+$0x190] =	vst v20;
	v20 =	vor.u32 v48, v4;
	v10 =	vld.idx.msk [tilespmem:v44+s19+$0x0], $0xffff  }
0x2f4: {  	v40 =	vor.u32 v1, v3;
	[tilespmem:s25+$0xFFFFFE90] =	vst v15;
	v16 =	vld.idx.msk [tilespmem:v50+s19+$0x0], $0xffff  }
0x2f5: {  	v56 =	vmov v1;
	v1 =	vld [tilespmem:$0x1FD10]  }
0x2f6: {  	v13 =	vld.idx.msk [tilespmem:v60+s19+$0x0], $0xffff  }
0x2f7: {  	v19 =	vld.idx.msk [tilespmem:v51+s19+$0x0], $0xffff  }
0x2f8: {  	[tilespmem:s25+$0xFFFFFF10] =	vst v17;
	v20 =	vld.idx.msk [tilespmem:v20+s19+$0x0], $0xffff  }
0x2f9: {  	[tilespmem:s25+$0xFFFFFF90] =	vst v18;
	v11 =	vld.idx.msk [tilespmem:v40+s19+$0x0], $0xffff  }
0x2fa: {  	v24 =	vmov v48;
	v50 =	vor.u32 v46, v6;
	v48 =	vor.u32 v1, v5;
	v1 =	vld [tilespmem:$0x1FCB0];
	[tilespmem:s25+$0x10] =	vst v14  }
0x2fb: {  	v46 =	vld [tilespmem:$0x1FF20];
	[tilespmem:s25+$0x90] =	vst v10  }
0x2fc: {  	v21 =	vmov v42;
	v42 =	vor.u32 v42, v8;
	v40 =	vld [tilespmem:$0x1FDB0];
	[tilespmem:s25+$0x1A0] =	vst v16  }
0x2fd: {  	[tilespmem:s25+$0x110] =	vst v19  }
0x2fe: {  	v44 =	vor.u32 v55, v4;
	[tilespmem:s25+$0xFFFFFE10] =	vst v13  }
0x2ff: {  	v17 =	vld.idx.msk [tilespmem:v50+s19+$0x0], $0xffff;
	[tilespmem:s25+$0xFFFFFEA0] =	vst v20;
	v51 =	vor.u32 v1, v12  }
0x300: {  	v1 =	vld [tilespmem:$0x1FD20]  }
0x301: {  	v16 =	vld.idx.msk [tilespmem:v42+s19+$0x0], $0xffff;
	v57 =	vor.u32 v46, v7  }
0x302: {  	v23 =	vmov v55;
	v55 =	vor.u32 v36, v3;
	v15 =	vld.idx.msk [tilespmem:v48+s19+$0x0], $0xffff  }
0x303: {  	v19 =	vld.idx.msk [tilespmem:v44+s19+$0x0], $0xffff  }
0x304: {  	[tilespmem:s25+$0xFFFFFF20] =	vst v11;
	v60 =	vor.u32 v40, v9;
	v18 =	vld.idx.msk [tilespmem:v51+s19+$0x0], $0xffff  }
0x305: {  	v20 =	vor.u32 v1, v5;
	v1 =	vld [tilespmem:$0x1FCC0]  }
0x306: {  	v14 =	vld.idx.msk [tilespmem:v57+s19+$0x0], $0xffff  }
0x307: {  	v13 =	vld.idx.msk [tilespmem:v55+s19+$0x0], $0xffff;
	[tilespmem:s25+$0xFFFFFFA0] =	vst v15  }
0x308: {  	v44 =	vor.u32 v54, v8;
	v50 =	vld [tilespmem:$0x1FF30]  }
0x309: {  	v48 =	vor.u32 v63, v4;
	[tilespmem:s25+$0x20] =	vst v17;
	v10 =	vld.idx.msk [tilespmem:v60+s19+$0x0], $0xffff  }
0x30a: {  	v57 =	vor.u32 v1, v12;
	v1 =	vld [tilespmem:$0x1FF40];
	[tilespmem:s25+$0x1B0] =	vst v18  }
0x30b: {  	v18 =	vld [tilespmem:$0x1FDC0];
	[tilespmem:s25+$0xA0] =	vst v14  }
0x30c: {  	v20 =	vld.idx.msk [tilespmem:v20+s19+$0x0], $0xffff;
	[tilespmem:s25+$0xFFFFFE20] =	vst v16  }
0x30d: {  	v60 =	vor.u32 v50, v6;
	[tilespmem:s25+$0xFFFFFEB0] =	vst v19;
	v14 =	vld.idx.msk [tilespmem:v44+s19+$0x0], $0xffff  }
0x30e: {  	v51 =	vor.u32 v58, v3;
	[tilespmem:s25+$0x120] =	vst v10;
	v10 =	vld.idx.msk [tilespmem:v48+s19+$0x0], $0xffff  }
0x30f: {  	v19 =	vld [tilespmem:$0x1FCD0];
	[tilespmem:s25+$0xFFFFFF30] =	vst v13;
	v42 =	vor.u32 v1, v7  }
0x310: {  	v13 =	vld [tilespmem:$0x1FD30]  }
0x311: {  	v11 =	vld.idx.msk [tilespmem:v57+s19+$0x0], $0xffff;
	v18 =	vor.u32 v18, v9  }
0x312: {  	v15 =	vld.idx.msk [tilespmem:v60+s19+$0x0], $0xffff  }
0x313: {  	v16 =	vld.idx.msk [tilespmem:v51+s19+$0x0], $0xffff  }
0x314: {  	[tilespmem:s25+$0xFFFFFFB0] =	vst v20;
	v19 =	vor.u32 v19, v12;
	v17 =	vld.idx.msk [tilespmem:v42+s19+$0x0], $0xffff  }
0x315: {  	v42 =	vld [tilespmem:$0x1FEC0]  }
0x316: {  	v13 =	vor.u32 v13, v5;
	[tilespmem:s25+$0x1C0] =	vst v11;
	v18 =	vld.idx.msk [tilespmem:v18+s19+$0x0], $0xffff  }
0x317: {  	v44 =	vld [tilespmem:$0x1FED0];
	[tilespmem:s25+$0x30] =	vst v15  }
0x318: {  	v22 =	vmov v35;
	v35 =	vor.u32 v35, v8;
	v51 =	vld [tilespmem:$0x1FDD0]  }
0x319: {  	[tilespmem:s25+$0xFFFFFE30] =	vst v14;
	v19 =	vld.idx.msk [tilespmem:v19+s19+$0x0], $0xffff  }
0x31a: {  	[tilespmem:s25+$0xB0] =	vst v17  }
0x31b: {  	v13 =	vld.idx.msk [tilespmem:v13+s19+$0x0], $0xffff;
	v20 =	vor.u32 v42, v6;
	[tilespmem:s25+$0x130] =	vst v18  }
0x31c: {  	v55 =	vor.u32 v44, v7;
	v14 =	vld [tilespmem:$0x1FCE0];
	[tilespmem:s25+$0xFFFFFEC0] =	vst v10  }
0x31d: {  	v17 =	vld.idx.msk [tilespmem:v35+s19+$0x0], $0xffff;
	v60 =	vor.u32 v51, v9;
	[tilespmem:s25+$0xFFFFFF40] =	vst v16  }
0x31e: {  	v16 =	vld [tilespmem:$0x1FD40];
	[tilespmem:s25+$0x1D0] =	vst v19  }
0x31f: {  	v35 =	vld [tilespmem:$0x1FEF0]  }
0x320: {  	v48 =	vor.u32 v34, v4;
	v20 =	vld.idx.msk [tilespmem:v20+s19+$0x0], $0xffff  }
0x321: {  	v10 =	vor.u32 v61, v3;
	v11 =	vld.idx.msk [tilespmem:v55+s19+$0x0], $0xffff  }
0x322: {  	[tilespmem:s25+$0xFFFFFFC0] =	vst v13;
	v15 =	vld.idx.msk [tilespmem:v60+s19+$0x0], $0xffff  }
0x323: {  	v14 =	vor.u32 v14, v12;
	v60 =	vld [tilespmem:$0x1FEE0]  }
0x324: {  	v16 =	vor.u32 v16, v5  }
0x325: {  	v18 =	vld.idx.msk [tilespmem:v48+s19+$0x0], $0xffff  }
0x326: {  	v10 =	vld.idx.msk [tilespmem:v10+s19+$0x0], $0xffff;
	v19 =	vor.u32 v35, v6;
	[tilespmem:s25+$0x40] =	vst v20  }
0x327: {  	v48 =	vld [tilespmem:$0x1FDE0];
	[tilespmem:s25+$0xC0] =	vst v11;
	v11 =	vor.u32 v41, v8  }
0x328: {  	v55 =	vor.u32 v60, v7;
	v14 =	vld.idx.msk [tilespmem:v14+s19+$0x0], $0xffff  }
0x329: {  	[tilespmem:s25+$0x140] =	vst v15;
	v15 =	vld.idx.msk [tilespmem:v16+s19+$0x0], $0xffff  }
0x32a: {  	v57 =	vmov v58;
	v58 =	vmov v34;
	v34 =	vld [tilespmem:$0x1FCF0];
	[tilespmem:s25+$0xFFFFFE40] =	vst v17  }
0x32b: {  	[tilespmem:s25+$0xFFFFFED0] =	vst v18;
	v18 =	vor.u32 v53, v3;
	v17 =	vld.idx.msk [tilespmem:v19+s19+$0x0], $0xffff  }
0x32c: {  	v20 =	vor.u32 v48, v9;
	v11 =	vld.idx.msk [tilespmem:v11+s19+$0x0], $0xffff  }
0x32d: {  	v16 =	vor.u32 v49, v4;
	v13 =	vld.idx.msk [tilespmem:v55+s19+$0x0], $0xffff;
	[tilespmem:s25+$0x1E0] =	vst v14  }
0x32e: {  	v62 =	vor.u32 v62, v8;
	v55 =	vld [tilespmem:$0x1FD50];
	[tilespmem:s25+$0xFFFFFF50] =	vst v10  }
0x32f: {  	v12 =	vor.u32 v34, v12;
	v34 =	vld [tilespmem:$0x1FE50]  }
0x330: {  	v37 =	vor.u32 v37, v7;
	v18 =	vld.idx.msk [tilespmem:v18+s19+$0x0], $0xffff  }
0x331: {  	v3 =	vor.u32 v30, v3;
	[tilespmem:s25+$0xFFFFFFD0] =	vst v15;
	v19 =	vld.idx.msk [tilespmem:v20+s19+$0x0], $0xffff  }
0x332: {  	v53 =	vor.u32 v52, v9;
	v16 =	vld.idx.msk [tilespmem:v16+s19+$0x0], $0xffff;
	[tilespmem:s25+$0xFFFFFE50] =	vst v11  }
0x333: {  	[tilespmem:s25+$0xD0] =	vst v13;
	v13 =	vld.idx.msk [tilespmem:v62+s19+$0x0], $0xffff;
	v14 =	vor.u32 v55, v5  }
0x334: {  	[tilespmem:s25+$0x50] =	vst v17;
	v12 =	vld.idx.msk [tilespmem:v12+s19+$0x0], $0xffff;
	v10 =	vor.u32 v34, v6  }
0x335: {  	v4 =	vor.u32 v47, v4;
	v37 =	vld.idx.msk [tilespmem:v37+s19+$0x0], $0xffff;
	[tilespmem:s25+$0xFFFFFF60] =	vst v18  }
0x336: {  	v7 =	vor.u32 v45, v7;
	v3 =	vld.idx.msk [tilespmem:v3+s19+$0x0], $0xffff;
	[tilespmem:s25+$0x150] =	vst v19  }
0x337: {  	v5 =	vor.u32 v59, v5;
	[tilespmem:s25+$0xFFFFFEE0] =	vst v16;
	v59 =	vor.u32 v33, v8;
	v53 =	vld.idx.msk [tilespmem:v53+s19+$0x0], $0xffff  }
0x338: {  	v9 =	vor.u32 v43, v9;
	[tilespmem:s25+$0xFFFFFE60] =	vst v13;
	v14 =	vld.idx.msk [tilespmem:v14+s19+$0x0], $0xffff  }
0x339: {  	[tilespmem:s25+$0x1F0] =	vst v12;
	v10 =	vld.idx.msk [tilespmem:v10+s19+$0x0], $0xffff  }
0x33a: {  	v6 =	vor.u32 v0, v6;
	v4 =	vld.idx.msk [tilespmem:v4+s19+$0x0], $0xffff;
	[tilespmem:s25+$0xE0] =	vst v37  }
0x33b: {  	v7 =	vld.idx.msk [tilespmem:v7+s19+$0x0], $0xffff;
	[tilespmem:s25+$0xFFFFFF70] =	vst v3  }
0x33c: {  	v3 =	vld.idx.msk [tilespmem:v59+s19+$0x0], $0xffff;
	[tilespmem:s25+$0x160] =	vst v53  }
0x33d: {  	[tilespmem:s25+$0xFFFFFFE0] =	vst v14;
	v62 =	vld.idx.msk [tilespmem:v9+s19+$0x0], $0xffff  }
0x33e: {  	[tilespmem:s25+$0x60] =	vst v10;
	v5 =	vld.idx.msk [tilespmem:v5+s19+$0x0], $0xffff  }
0x33f: {  	[tilespmem:s25+$0xFFFFFEF0] =	vst v4;
	v6 =	vld.idx.msk [tilespmem:v6+s19+$0x0], $0xffff  }
0x340: {  	[tilespmem:s25+$0xF0] =	vst v7  }
0x341: {  	[tilespmem:s25+$0xFFFFFE70] =	vst v3  }
0x342: {  	s1 =	sor.u32 s10, s13;
	[tilespmem:s25+$0x170] =	vst v62  }
0x343: {  	s1 =	sshrl.u32 s1, $0x3;
	[tilespmem:s25+$0xFFFFFFF0] =	vst v5  }
0x344: {  	s29 =	sadd.s32 s2, s1;
	[tilespmem:s25+$0x70] =	vst v6;
	s25 =	simm.s32 $0x12400  }
0x345: {  	[hbm4b:s29+s3] =	stream.linear.scatter [tilespmem:s25], [sflag:$0x6], $0x400, $0x38;
	[tilespmem:$0x15400] =	vst v63  }
0x346: {  	s25 =	sor.u32 $0x4000, s1  }
0x347: {  	s29 =	simm.s32 $0x12800;
	s14 =	sadd.s32 s2, s25  }
0x348: {  	[hbm4b:s14+s3] =	stream.linear.scatter [tilespmem:s29], [sflag:$0x6], $0x400, $0x38;
	[tilespmem:$0x15400] =	vst v63  }
.Ltmp8:
0x349: {  	s25 =	sor.u32 $0x8000, s1;
	(pc) =	sbr.rel @p1 .LBB2_14-.Ltmp8, $4  }
0x34a: {  	v27 =	vmovc v36;
	v45 =	vmov v23;
	v30 =	vmov v51;
	v43 =	vmov v24;
	v24 =	vld [tilespmem:$0x1FFB0];
	s1 =	sor.u32 $0xC000, s1;
	s14 =	sadd.s32 s2, s25;
	s29 =	simm.s32 $0x12C00  }
0x34b: {  	v33 =	vmovc v38;
	v38 =	vmovc v31;
	v31 =	vmov v52;
	v36 =	vmov v55;
	v0 =	vmov v54;
	v23 =	vld [tilespmem:$0x1FFA0];
	[hbm4b:s14+s3] =	stream.linear.scatter [tilespmem:s29], [sflag:$0x6], $0x400, $0x38  }
0x34c: {  	v54 =	vmovc v22;
	v22 =	vmovc v29;
	v37 =	vmov v60;
	v59 =	vmov v21;
	v21 =	vmov v25;
	v25 =	vld [tilespmem:$0x1FD90];
	s1 =	sadd.s32 s2, s1;
	s29 =	simm.s32 $0x13000  }
0x34d: {  	v53 =	vmovc v46;
	v46 =	vmovc v1;
	v62 =	vmov v34;
	v34 =	vmov v28;
	v28 =	vmov v32;
	v29 =	vld [tilespmem:$0x1FE00];
	[hbm4b:s1+s3] =	stream.linear.scatter [tilespmem:s29], [sflag:$0x6], $0x400, $0x38  }
.Ltmp9:
0x34e: {  	(pc) =	sbr.rel .LBB2_15-.Ltmp9, $4  }
0x34f: {  	_ = 	snop  }
0x350: {  	_ =	swait.ge [sflag:s20], $0x1000  }
0x351: {  	[sflag:s20] =	ssyncset.done $0x0  }
0x352: {  	v32 =	vld [tilespmem:$0x1FE10];
	[sflag:s20] =	ssyncadd.s32 $0xFFFFF000  }
.LBB2_14:
0x353: {  	s1 =	sshll.u32 s5, $0x9  }
0x354: {  	s1 =	sand.u32 $0x3FFFFE00, s1  }
.Ltmp10:
0x355: {  	s1 =	sadd.s32 $0x7280, s1;
	(pc) =	sbr.rel @p0 .LBB2_16-.Ltmp10, $4  }
0x356: {  	[tilespmem:s19], [sflag:$0x2] =	stream.indirect.gather [hbm4b:s4+s15], $0x20, s1, s15, $0xb8;
	[tilespmem:$0x15400] =	vst v63  }
0x357: {  	_ =	swait.ge [sflag:s20], $0x1000  }
0x358: {  	[sflag:s20] =	ssyncset.done $0x0  }
0x359: {  	v32 =	vld [tilespmem:$0x1FE10];
	[sflag:s20] =	ssyncadd.s32 $0xFFFFF000  }
.LBB2_15:
0x35a: {  	_ =	swait.ge [sflag:s22], $0x400  }
0x35b: {  	[sflag:s22] =	ssyncset.done $0x0  }
0x35c: {  	[sflag:s22] =	ssyncadd.s32 $0xFFFFFC00  }
0x35d: {  	_ =	swait.ge [sflag:s22], $0x400  }
0x35e: {  	[sflag:s22] =	ssyncset.done $0x0  }
0x35f: {  	[sflag:s22] =	ssyncadd.s32 $0xFFFFFC00  }
0x360: {  	_ =	swait.ge [sflag:s22], $0x400  }
0x361: {  	[sflag:s22] =	ssyncset.done $0x0  }
0x362: {  	[sflag:s22] =	ssyncadd.s32 $0xFFFFFC00  }
0x363: {  	_ =	swait.ge [sflag:s22], $0x400  }
0x364: {  	[sflag:s22] =	ssyncset.done $0x0  }
0x365: {  	[sflag:s22] =	ssyncadd.s32 $0xFFFFFC00  }
.LBB2_16:
0x366: {  	s1 =	simm.s32 $0x0;
	s25 =	simm.s32 $0x1  }
0x367: {  	s14 =	simm.s32 $0x2;
	v3 =	vmov s1;
	v4 =	vmov s25;
	s25 =	simm.s32 $0x3  }
0x368: {  	v5 =	vmov s14;
	s14 =	simm.s32 $0x4;
	v3 =	vshrl.u32 v3, $0x3;
	v6 =	vmov s25  }
0x369: {  	s25 =	simm.s32 $0x5;
	v7 =	vmov s14;
	s14 =	simm.s32 $0x7;
	v4 =	vshrl.u32 v4, $0x3;
	v5 =	vshrl.u32 v5, $0x3  }
0x36a: {  	v3 =	vshll.u32 v3, v2;
	v8 =	vmov s25;
	v9 =	vmov s14  }
0x36b: {  	s25 =	simm.s32 $0x6;
	v6 =	vshrl.u32 v6, $0x3;
	v12 =	vshrl.u32 v7, $0x3;
	v4 =	vshll.u32 v4, v2  }
0x36c: {  	v3 =	vbroadcast v3, $0x0;
	v10 =	vmov s25;
	v9 =	vshrl.u32 v9, $0x3  }
0x36d: {  	v1 =	vld [tilespmem:$0x1FE70];
	v13 =	vshrl.u32 v8, $0x3;
	v7 =	vshll.u32 v9, v2;
	v14 =	vshrl.u32 v10, $0x3  }
0x36e: {  	v10 =	vbroadcast v4, $0x0;
	v4 =	vshll.u32 v5, v2;
	v11 =	vor.u32 v32, v3  }
0x36f: {  	v8 =	vbroadcast v7, $0x0;
	v9 =	vbroadcast v4, $0x0;
	v4 =	vshll.u32 v6, v2  }
0x370: {  	v16 =	vor.u32 v26, v10;
	v7 =	vbroadcast v4, $0x0  }
0x371: {  	v4 =	vshll.u32 v12, v2;
	v15 =	vor.u32 v29, v8;
	v12 =	vor.u32 v24, v9  }
0x372: {  	v6 =	vbroadcast v4, $0x0;
	v4 =	vshll.u32 v13, v2;
	v13 =	vor.u32 v1, v7;
	v1 =	vld [tilespmem:$0x1FE80]  }
0x373: {  	v20 =	vor.u32 v22, v10;
	v22 =	vld [tilespmem:$0x1FEB0];
	v5 =	vbroadcast v4, $0x0;
	v4 =	vshll.u32 v14, v2  }
0x374: {  	v4 =	vbroadcast v4, $0x0;
	v11 =	vld.idx.msk [tilespmem:v11+s21+$0x0], $0xffff  }
0x375: {  	v17 =	vor.u32 v23, v5;
	v16 =	vld.idx.msk [tilespmem:v16+s21+$0x0], $0xffff  }
0x376: {  	v18 =	vor.u32 v25, v4;
	v15 =	vld.idx.msk [tilespmem:v15+s21+$0x0], $0xffff  }
0x377: {  	v12 =	vld.idx.msk [tilespmem:v12+s21+$0x0], $0xffff;
	v14 =	vor.u32 v1, v6  }
0x378: {  	v19 =	vor.u32 v39, v8;
	v13 =	vld.idx.msk [tilespmem:v13+s21+$0x0], $0xffff  }
0x379: {  	v1 =	vld [tilespmem:$0x1FD60]  }
0x37a: {  	s14 =	simm.s32 $0x13600;
	v21 =	vor.u32 v21, v9;
	v17 =	vld.idx.msk [tilespmem:v17+s21+$0x0], $0xffff  }
0x37b: {  	v22 =	vor.u32 v22, v7;
	v18 =	vld.idx.msk [tilespmem:v18+s21+$0x0], $0xffff;
	[tilespmem:s14+$0xFFFFFE80] =	vst v16  }
0x37c: {  	[tilespmem:s14+$0x180] =	vst v15;
	v15 =	vor.u32 v34, v5;
	v14 =	vld.idx.msk [tilespmem:v14+s21+$0x0], $0xffff  }
0x37d: {  	[tilespmem:s14+$0xFFFFFF00] =	vst v12;
	v12 =	vor.u32 v38, v4;
	v16 =	vld.idx.msk [tilespmem:v19+s21+$0x0], $0xffff  }
0x37e: {  	v19 =	vld.idx.msk [tilespmem:v20+s21+$0x0], $0xffff  }
0x37f: {  	v23 =	vor.u32 v1, v6;
	v20 =	vld.idx.msk [tilespmem:v21+s21+$0x0], $0xffff;
	[tilespmem:s14+$0xFFFFFF80] =	vst v13  }
0x380: {  	v22 =	vld.idx.msk [tilespmem:v22+s21+$0x0], $0xffff;
	[tilespmem:s14+$0x80] =	vst v17  }
0x381: {  	v13 =	vor.u32 v28, v8;
	[tilespmem:s14+$0x100] =	vst v18;
	v15 =	vld.idx.msk [tilespmem:v15+s21+$0x0], $0xffff  }
0x382: {  	v21 =	vor.u32 v33, v3;
	v12 =	vld.idx.msk [tilespmem:v12+s21+$0x0], $0xffff;
	[tilespmem:s14+$0x0] =	vst v14  }
0x383: {  	v18 =	vld [tilespmem:$0x1FD10];
	[tilespmem:s14+$0x190] =	vst v16  }
0x384: {  	v14 =	vor.u32 v43, v10;
	v23 =	vld.idx.msk [tilespmem:v23+s21+$0x0], $0xffff;
	[tilespmem:s14+$0xFFFFFE00] =	vst v11  }
0x385: {  	v1 =	vld [tilespmem:$0x1FD70]  }
0x386: {  	v17 =	vor.u32 v56, v9;
	v13 =	vld.idx.msk [tilespmem:v13+s21+$0x0], $0xffff;
	[tilespmem:s14+$0xFFFFFE90] =	vst v19  }
0x387: {  	v16 =	vld.idx.msk [tilespmem:v21+s21+$0x0], $0xffff;
	[tilespmem:s14+$0xFFFFFF10] =	vst v20  }
0x388: {  	v19 =	vor.u32 v53, v5;
	v20 =	vld [tilespmem:$0x1FCB0];
	[tilespmem:s14+$0xFFFFFF90] =	vst v22  }
0x389: {  	[tilespmem:s14+$0x90] =	vst v15;
	v14 =	vld.idx.msk [tilespmem:v14+s21+$0x0], $0xffff;
	v18 =	vor.u32 v18, v7  }
0x38a: {  	[tilespmem:s14+$0x10] =	vst v23  }
0x38b: {  	v17 =	vld.idx.msk [tilespmem:v17+s21+$0x0], $0xffff;
	v11 =	vor.u32 v1, v6;
	[tilespmem:s14+$0x1A0] =	vst v13  }
0x38c: {  	v15 =	vor.u32 v27, v9;
	v13 =	vld [tilespmem:$0x1FD20];
	[tilespmem:s14+$0x110] =	vst v12  }
0x38d: {  	v19 =	vld.idx.msk [tilespmem:v19+s21+$0x0], $0xffff;
	v20 =	vor.u32 v20, v8;
	[tilespmem:s14+$0xFFFFFE10] =	vst v16  }
0x38e: {  	v21 =	vor.u32 v40, v4;
	[tilespmem:s14+$0xFFFFFEA0] =	vst v14;
	v18 =	vld.idx.msk [tilespmem:v18+s21+$0x0], $0xffff  }
0x38f: {  	v22 =	vor.u32 v59, v3;
	v14 =	vld [tilespmem:$0x1FCC0]  }
0x390: {  	[tilespmem:s14+$0xFFFFFF20] =	vst v17;
	v11 =	vld.idx.msk [tilespmem:v11+s21+$0x0], $0xffff  }
0x391: {  	v23 =	vor.u32 v45, v10;
	v15 =	vld.idx.msk [tilespmem:v15+s21+$0x0], $0xffff  }
0x392: {  	v13 =	vor.u32 v13, v7;
	v12 =	vld.idx.msk [tilespmem:v20+s21+$0x0], $0xffff  }
0x393: {  	v20 =	vld.idx.msk [tilespmem:v21+s21+$0x0], $0xffff  }
0x394: {  	v16 =	vor.u32 v50, v6;
	v21 =	vld.idx.msk [tilespmem:v22+s21+$0x0], $0xffff;
	[tilespmem:s14+$0xFFFFFFA0] =	vst v18  }
0x395: {  	v1 =	vld [tilespmem:$0x1FDC0];
	[tilespmem:s14+$0x20] =	vst v11  }
0x396: {  	v17 =	vor.u32 v46, v5;
	v22 =	vld.idx.msk [tilespmem:v23+s21+$0x0], $0xffff;
	[tilespmem:s14+$0xA0] =	vst v19  }
0x397: {  	v23 =	vor.u32 v0, v3;
	v13 =	vld.idx.msk [tilespmem:v13+s21+$0x0], $0xffff;
	[tilespmem:s14+$0x1B0] =	vst v12  }
0x398: {  	v14 =	vor.u32 v14, v8;
	v19 =	vld [tilespmem:$0x1FD30];
	[tilespmem:s14+$0x120] =	vst v20  }
0x399: {  	v11 =	vor.u32 v63, v10;
	v16 =	vld.idx.msk [tilespmem:v16+s21+$0x0], $0xffff;
	[tilespmem:s14+$0xFFFFFE20] =	vst v21  }
0x39a: {  	v20 =	vld [tilespmem:$0x1FCD0];
	v18 =	vor.u32 v1, v4  }
0x39b: {  	v12 =	vor.u32 v57, v9;
	v17 =	vld.idx.msk [tilespmem:v17+s21+$0x0], $0xffff  }
0x39c: {  	v21 =	vld.idx.msk [tilespmem:v23+s21+$0x0], $0xffff;
	[tilespmem:s14+$0xFFFFFEB0] =	vst v22;
	v22 =	vor.u32 v42, v6  }
0x39d: {  	[tilespmem:s14+$0xFFFFFF30] =	vst v15;
	v15 =	vor.u32 v44, v5;
	v14 =	vld.idx.msk [tilespmem:v14+s21+$0x0], $0xffff  }
0x39e: {  	v11 =	vld.idx.msk [tilespmem:v11+s21+$0x0], $0xffff;
	v19 =	vor.u32 v19, v7  }
0x39f: {  	v20 =	vor.u32 v20, v8;
	v18 =	vld.idx.msk [tilespmem:v18+s21+$0x0], $0xffff  }
0x3a0: {  	v12 =	vld.idx.msk [tilespmem:v12+s21+$0x0], $0xffff;
	[tilespmem:s14+$0x30] =	vst v16  }
0x3a1: {  	[tilespmem:s14+$0xB0] =	vst v17;
	v22 =	vld.idx.msk [tilespmem:v22+s21+$0x0], $0xffff  }
0x3a2: {  	[tilespmem:s14+$0xFFFFFFB0] =	vst v13;
	v15 =	vld.idx.msk [tilespmem:v15+s21+$0x0], $0xffff  }
0x3a3: {  	v13 =	vor.u32 v30, v4;
	[tilespmem:s14+$0x1C0] =	vst v14;
	v19 =	vld.idx.msk [tilespmem:v19+s21+$0x0], $0xffff  }
0x3a4: {  	v23 =	vor.u32 v54, v3;
	v16 =	vld.idx.msk [tilespmem:v20+s21+$0x0], $0xffff;
	[tilespmem:s14+$0x130] =	vst v18  }
0x3a5: {  	v14 =	vor.u32 v58, v10;
	v17 =	vld [tilespmem:$0x1FCE0];
	[tilespmem:s14+$0xFFFFFE30] =	vst v21  }
0x3a6: {  	v20 =	vor.u32 v61, v9;
	v18 =	vld [tilespmem:$0x1FD40];
	[tilespmem:s14+$0xFFFFFEC0] =	vst v11  }
0x3a7: {  	[tilespmem:s14+$0xFFFFFF40] =	vst v12  }
0x3a8: {  	v13 =	vld.idx.msk [tilespmem:v13+s21+$0x0], $0xffff;
	v11 =	vor.u32 v35, v6;
	[tilespmem:s14+$0xFFFFFFC0] =	vst v19  }
0x3a9: {  	v21 =	vld.idx.msk [tilespmem:v23+s21+$0x0], $0xffff;
	[tilespmem:s14+$0x40] =	vst v22  }
0x3aa: {  	v12 =	vor.u32 v37, v5;
	[tilespmem:s14+$0xC0] =	vst v15;
	v14 =	vld.idx.msk [tilespmem:v14+s21+$0x0], $0xffff  }
0x3ab: {  	v23 =	vor.u32 v48, v4;
	v20 =	vld.idx.msk [tilespmem:v20+s21+$0x0], $0xffff;
	[tilespmem:s14+$0x1D0] =	vst v16  }
0x3ac: {  	v26 =	vld [tilespmem:$0x1FF80];
	v17 =	vor.u32 v17, v8  }
0x3ad: {  	v18 =	vor.u32 v18, v7;
	v22 =	vld.idx.msk [tilespmem:v11+s21+$0x0], $0xffff  }
0x3ae: {  	v16 =	vor.u32 v41, v3;
	v11 =	vld [tilespmem:$0x1FCF0]  }
0x3af: {  	v52 =	vmov v42;
	v42 =	vmov v27;
	v19 =	vor.u32 v49, v10;
	v27 =	vld.idx.msk [tilespmem:v12+s21+$0x0], $0xffff;
	[tilespmem:s14+$0x140] =	vst v13  }
0x3b0: {  	v48 =	vmov v63;
	v63 =	vmov v46;
	v46 =	vmov v29;
	v29 =	vld.idx.msk [tilespmem:v23+s21+$0x0], $0xffff  }
0x3b1: {  	v15 =	vor.u32 v26, v9;
	v17 =	vld.idx.msk [tilespmem:v17+s21+$0x0], $0xffff  }
0x3b2: {  	[tilespmem:s14+$0xFFFFFE40] =	vst v21;
	v24 =	vld.idx.msk [tilespmem:v18+s21+$0x0], $0xffff  }
0x3b3: {  	v13 =	vld.idx.msk [tilespmem:v16+s21+$0x0], $0xffff;
	[tilespmem:s14+$0xFFFFFED0] =	vst v14;
	v11 =	vor.u32 v11, v8  }
0x3b4: {  	v55 =	vmovc v34;
	v34 =	vmov v33;
	v33 =	vmov v28;
	v28 =	vor.u32 v36, v7;
	v12 =	vld.idx.msk [tilespmem:v19+s21+$0x0], $0xffff  }
0x3b5: {  	v16 =	vor.u32 v62, v6;
	v23 =	vld [tilespmem:$0x1FD80];
	[tilespmem:s14+$0xFFFFFF50] =	vst v20  }
0x3b6: {  	v14 =	vld.idx.msk [tilespmem:v15+s21+$0x0], $0xffff;
	[tilespmem:s14+$0x1E0] =	vst v17  }
0x3b7: {  	v1 =	vmov v58;
	v58 =	vmov v0;
	v0 =	vld [tilespmem:$0x1FE20];
	[tilespmem:s14+$0xFFFFFFD0] =	vst v24  }
0x3b8: {  	s25 =	simm.s32 $0x8;
	v19 =	vld.idx.msk [tilespmem:v11+s21+$0x0], $0xffff;
	[tilespmem:s14+$0x50] =	vst v22  }
0x3b9: {  	v8 =	vmov s25;
	s25 =	simm.s32 $0x9;
	[tilespmem:s14+$0xD0] =	vst v27;
	v15 =	vld.idx.msk [tilespmem:v28+s21+$0x0], $0xffff  }
0x3ba: {  	v17 =	vmov s25;
	[tilespmem:s14+$0x150] =	vst v29;
	v16 =	vld.idx.msk [tilespmem:v16+s21+$0x0], $0xffff  }
0x3bb: {  	v60 =	vmovc v50;
	v51 =	vmovc v56;
	v50 =	vmov v53;
	v30 =	vor.u32 v23, v5;
	v23 =	vshrl.u32 v17, $0x3;
	v17 =	vld [tilespmem:$0x1FD00]  }
0x3bc: {  	s1 =	simm.s32 $0xA;
	v53 =	vmovc v25;
	v49 =	vmovc v43;
	v62 =	vmov v45;
	v45 =	vmov v57;
	v57 =	vmov v55;
	v55 =	vld [tilespmem:$0x1FE30]  }
0x3bd: {  	v10 =	vor.u32 v47, v10;
	v43 =	vmovc v48;
	v48 =	vmovc v61;
	v20 =	vmov s1;
	s1 =	simm.s32 $0xC;
	v8 =	vshrl.u32 v8, $0x3;
	s25 =	simm.s32 $0xB;
	v56 =	vld [tilespmem:$0x1FE60]  }
0x3be: {  	v26 =	vmov s1;
	v8 =	vshll.u32 v8, v2;
	v36 =	vmov s25;
	s25 =	simm.s32 $0xD;
	v22 =	vmovc v44;
	v44 =	vmovc v41;
	v41 =	vld [tilespmem:$0x1FE90]  }
0x3bf: {  	v61 =	vmovc v35;
	v35 =	vmovc v38;
	v18 =	vor.u32 v31, v4;
	v8 =	vbroadcast v8, $0x0;
	v25 =	vmov s25;
	v38 =	vld [tilespmem:$0x1FE40]  }
0x3c0: {  	s25 =	simm.s32 $0xE;
	v21 =	vor.u32 v0, v3;
	v0 =	vmovc v52;
	v52 =	vmovc v22;
	v22 =	vshrl.u32 v20, $0x3;
	v20 =	vshrl.u32 v36, $0x3;
	v36 =	vld [tilespmem:$0x1FEA0]  }
0x3c1: {  	s29 =	simm.s32 $0xF;
	v11 =	vor.u32 v32, v8;
	v24 =	vmov s25;
	s25 =	simm.s32 $0x10;
	v9 =	vor.u32 v17, v9;
	v17 =	vld.idx.msk [tilespmem:v30+s21+$0x0], $0xffff  }
.LBB2_17:
0x3c2: {  	_ =	sdelay $0x1  }
0x3c3: {  	[tilespmem:s14+$0xFFFFFE50] =	vst v13;
	v7 =	vor.u32 v38, v7;
	v13 =	vld.idx.msk [tilespmem:v18+s21+$0x0], $0xffff  }
0x3c4: {  	[tilespmem:s14+$0x1F0] =	vst v19;
	v21 =	vld.idx.msk [tilespmem:v21+s21+$0x0], $0xffff  }
0x3c5: {  	v6 =	vor.u32 v56, v6;
	[tilespmem:s14+$0xFFFFFEE0] =	vst v12;
	v19 =	vld.idx.msk [tilespmem:v11+s21+$0x0], $0xffff  }
0x3c6: {  	v12 =	vshll.u32 v23, v2;
	v23 =	vld.idx.msk [tilespmem:v10+s21+$0x0], $0xffff;
	[tilespmem:s14+$0xFFFFFF60] =	vst v14  }
0x3c7: {  	v10 =	vbroadcast v12, $0x0;
	v12 =	vshll.u32 v22, v2;
	[tilespmem:s14+$0xFFFFFFE0] =	vst v15;
	v14 =	vld.idx.msk [tilespmem:v9+s21+$0x0], $0xffff  }
0x3c8: {  	v27 =	vmov s29;
	v9 =	vbroadcast v12, $0x0;
	v12 =	vshll.u32 v20, v2;
	v20 =	vld.idx.msk [tilespmem:v7+s21+$0x0], $0xffff  }
0x3c9: {  	v18 =	vshrl.u32 v25, $0x3;
	v4 =	vor.u32 v36, v4;
	v25 =	vshrl.u32 v27, $0x3;
	[tilespmem:s14+$0x60] =	vst v16;
	v7 =	vld [tilespmem:$0x1FFC0]  }
0x3ca: {  	v11 =	vshll.u32 v25, v2;
	v22 =	vld.idx.msk [tilespmem:v6+s21+$0x0], $0xffff  }
0x3cb: {  	v5 =	vor.u32 v41, v5;
	v11 =	vbroadcast v11, $0x0;
	v6 =	vld [tilespmem:$0x1FFB0];
	_ =	sdelay $0x1  }
0x3cc: {  	v15 =	vor.u32 v46, v11;
	[tilespmem:s14+$0x160] =	vst v13  }
0x3cd: {  	v26 =	vshrl.u32 v26, $0x3;
	[tilespmem:s14+$0xFFFFFE60] =	vst v21;
	v21 =	vld.idx.msk [tilespmem:v4+s21+$0x0], $0xffff  }
0x3ce: {  	[tilespmem:s14+$0xE0] =	vst v17;
	v4 =	vld [tilespmem:$0x1FE80];
	v16 =	vor.u32 v7, v10;
	v7 =	vbroadcast v12, $0x0;
	v12 =	vshll.u32 v26, v2  }
0x3cf: {  	v17 =	vor.u32 v6, v9;
	v6 =	vbroadcast v12, $0x0;
	v12 =	vshll.u32 v18, v2;
	v18 =	vld.idx.msk [tilespmem:v5+s21+$0x0], $0xffff  }
0x3d0: {  	v5 =	vld [tilespmem:$0x1FE70]  }
0x3d1: {  	v3 =	vor.u32 v55, v3;
	v15 =	vld.idx.msk [tilespmem:v15+s21+$0x0], $0xffff  }
0x3d2: {  	[tilespmem:s14+$0xFFFFFFF0] =	vst v20;
	v20 =	vld [tilespmem:$0x1FF90]  }
0x3d3: {  	[tilespmem:s14+$0x70] =	vst v22;
	v22 =	vld [tilespmem:$0x1FF10]  }
0x3d4: {  	v24 =	vshrl.u32 v24, $0x3;
	[tilespmem:s14+$0x170] =	vst v21;
	v21 =	vld [tilespmem:$0x1FEB0]  }
0x3d5: {  	v13 =	vor.u32 v5, v7;
	v5 =	vbroadcast v12, $0x0;
	v12 =	vshll.u32 v24, v2;
	[tilespmem:s14+$0xF0] =	vst v18;
	v18 =	vld [tilespmem:$0x1FF00]  }
0x3d6: {  	v24 =	vor.u32 v4, v6;
	v4 =	vbroadcast v12, $0x0;
	v12 =	vld.idx.msk [tilespmem:v3+s21+$0x0], $0xffff  }
0x3d7: {  	[tilespmem:s14+$0xFFFFFEF0] =	vst v23;
	v3 =	vmov v8;
	v8 =	vld [tilespmem:$0x1FFA0]  }
0x3d8: {  	[tilespmem:s14+$0xFFFFFF70] =	vst v14;
	v14 =	vld.idx.msk [tilespmem:v16+s21+$0x0], $0xffff;
	v16 =	vor.u32 v53, v4  }
0x3d9: {  	v17 =	vld.idx.msk [tilespmem:v17+s21+$0x0], $0xffff;
	v20 =	vor.u32 v20, v11  }
0x3da: {  	v22 =	vor.u32 v22, v10;
	v13 =	vld.idx.msk [tilespmem:v13+s21+$0x0], $0xffff  }
0x3db: {  	v18 =	vor.u32 v18, v9;
	v23 =	vld.idx.msk [tilespmem:v24+s21+$0x0], $0xffff  }
0x3dc: {  	v8 =	vor.u32 v8, v5;
	[tilespmem:s14+$0xFFFFFE70] =	vst v12;
	s14 =	sadd.s32 $0x400, s14;
	v12 =	vld [tilespmem:$0x1FD60]  }
0x3dd: {  	v21 =	vor.u32 v21, v7;
	[tilespmem:s14+$0x180] =	vst v15;
	v16 =	vld.idx.msk [tilespmem:v16+s21+$0x0], $0xffff  }
0x3de: {  	[tilespmem:s14+$0xFFFFFE80] =	vst v14;
	v15 =	vld.idx.msk [tilespmem:v20+s21+$0x0], $0xffff  }
0x3df: {  	[tilespmem:s14+$0xFFFFFF00] =	vst v17;
	v20 =	vld.idx.msk [tilespmem:v22+s21+$0x0], $0xffff  }
0x3e0: {  	[tilespmem:s14+$0xFFFFFE00] =	vst v19;
	v22 =	vor.u32 v34, v3;
	v18 =	vld.idx.msk [tilespmem:v18+s21+$0x0], $0xffff  }
0x3e1: {  	v17 =	vor.u32 v35, v4;
	[tilespmem:s14+$0xFFFFFF80] =	vst v13;
	v8 =	vld.idx.msk [tilespmem:v8+s21+$0x0], $0xffff  }
0x3e2: {  	v13 =	vor.u32 v33, v11;
	[tilespmem:s14+$0x0] =	vst v23;
	v21 =	vld.idx.msk [tilespmem:v21+s21+$0x0], $0xffff  }
0x3e3: {  	v23 =	vor.u32 v49, v10;
	[tilespmem:s14+$0x100] =	vst v16;
	v16 =	vld [tilespmem:$0x1FD10]  }
0x3e4: {  	[tilespmem:s14+$0x190] =	vst v15;
	v15 =	vld [tilespmem:$0x1FD70]  }
0x3e5: {  	v12 =	vor.u32 v12, v6;
	v19 =	vld.idx.msk [tilespmem:v22+s21+$0x0], $0xffff  }
0x3e6: {  	v14 =	vor.u32 v57, v5;
	v17 =	vld.idx.msk [tilespmem:v17+s21+$0x0], $0xffff  }
0x3e7: {  	[tilespmem:s14+$0xFFFFFE90] =	vst v20;
	v13 =	vld.idx.msk [tilespmem:v13+s21+$0x0], $0xffff  }
0x3e8: {  	v22 =	vld.idx.msk [tilespmem:v23+s21+$0x0], $0xffff;
	[tilespmem:s14+$0xFFFFFF10] =	vst v18  }
0x3e9: {  	v18 =	vld [tilespmem:$0x1FCB0];
	[tilespmem:s14+$0x80] =	vst v8;
	v8 =	vor.u32 v51, v9  }
0x3ea: {  	v12 =	vld.idx.msk [tilespmem:v12+s21+$0x0], $0xffff;
	[tilespmem:s14+$0xFFFFFF90] =	vst v21;
	v21 =	vor.u32 v40, v4  }
0x3eb: {  	v23 =	vor.u32 v59, v3;
	v14 =	vld.idx.msk [tilespmem:v14+s21+$0x0], $0xffff  }
0x3ec: {  	v16 =	vor.u32 v16, v7;
	[tilespmem:s14+$0x1A0] =	vst v13;
	v13 =	vld [tilespmem:$0x1FD20]  }
0x3ed: {  	v15 =	vor.u32 v15, v6;
	[tilespmem:s14+$0xFFFFFEA0] =	vst v22;
	v22 =	vld [tilespmem:$0x1FCC0]  }
0x3ee: {  	v20 =	vor.u32 v50, v5;
	[tilespmem:s14+$0x110] =	vst v17;
	v8 =	vld.idx.msk [tilespmem:v8+s21+$0x0], $0xffff  }
0x3ef: {  	[tilespmem:s14+$0xFFFFFE10] =	vst v19;
	v18 =	vor.u32 v18, v11;
	v19 =	vld.idx.msk [tilespmem:v21+s21+$0x0], $0xffff  }
0x3f0: {  	[tilespmem:s14+$0x10] =	vst v12;
	v12 =	vor.u32 v62, v10;
	v21 =	vld.idx.msk [tilespmem:v23+s21+$0x0], $0xffff  }
0x3f1: {  	v16 =	vld.idx.msk [tilespmem:v16+s21+$0x0], $0xffff  }
0x3f2: {  	[tilespmem:s14+$0x90] =	vst v14;
	v14 =	vor.u32 v42, v9;
	v15 =	vld.idx.msk [tilespmem:v15+s21+$0x0], $0xffff  }
0x3f3: {  	v23 =	vor.u32 v58, v3;
	v20 =	vld.idx.msk [tilespmem:v20+s21+$0x0], $0xffff  }
0x3f4: {  	v17 =	vld.idx.msk [tilespmem:v18+s21+$0x0], $0xffff  }
0x3f5: {  	v13 =	vor.u32 v13, v7;
	v12 =	vld.idx.msk [tilespmem:v12+s21+$0x0], $0xffff;
	[tilespmem:s14+$0xFFFFFF20] =	vst v8  }
0x3f6: {  	v18 =	vor.u32 v60, v6;
	[tilespmem:s14+$0x120] =	vst v19;
	v19 =	vld [tilespmem:$0x1FCD0]  }
0x3f7: {  	v22 =	vor.u32 v22, v11;
	[tilespmem:s14+$0xFFFFFE20] =	vst v21;
	v14 =	vld.idx.msk [tilespmem:v14+s21+$0x0], $0xffff  }
0x3f8: {  	v21 =	vld.idx.msk [tilespmem:v23+s21+$0x0], $0xffff  }
0x3f9: {  	v8 =	vor.u32 v63, v5;
	[tilespmem:s14+$0xFFFFFFA0] =	vst v16;
	v16 =	vld [tilespmem:$0x1FDC0]  }
0x3fa: {  	[tilespmem:s14+$0x20] =	vst v15;
	v15 =	vor.u32 v43, v10;
	v13 =	vld.idx.msk [tilespmem:v13+s21+$0x0], $0xffff  }
0x3fb: {  	v23 =	vor.u32 v54, v3;
	v18 =	vld.idx.msk [tilespmem:v18+s21+$0x0], $0xffff;
	[tilespmem:s14+$0x1B0] =	vst v17  }
0x3fc: {  	[tilespmem:s14+$0xA0] =	vst v20;
	v20 =	vld.idx.msk [tilespmem:v22+s21+$0x0], $0xffff  }
0x3fd: {  	v17 =	vor.u32 v45, v9;
	v22 =	vld [tilespmem:$0x1FD30]  }
0x3fe: {  	v8 =	vld.idx.msk [tilespmem:v8+s21+$0x0], $0xffff;
	[tilespmem:s14+$0xFFFFFEB0] =	vst v12  }
0x3ff: {  	v12 =	vor.u32 v0, v6;
	[tilespmem:s14+$0xFFFFFE30] =	vst v21;
	v15 =	vld.idx.msk [tilespmem:v15+s21+$0x0], $0xffff  }
0x400: {  	v19 =	vor.u32 v19, v11;
	v21 =	vld.idx.msk [tilespmem:v23+s21+$0x0], $0xffff  }
0x401: {  	[tilespmem:s14+$0xFFFFFF30] =	vst v14;
	v14 =	vor.u32 v52, v5;
	v23 =	vld [tilespmem:$0x1FDE0]  }
0x402: {  	v17 =	vld.idx.msk [tilespmem:v17+s21+$0x0], $0xffff;
	[tilespmem:s14+$0xFFFFFFB0] =	vst v13  }
0x403: {  	v16 =	vor.u32 v16, v4;
	v13 =	vld [tilespmem:$0x1FDD0];
	[tilespmem:s14+$0x30] =	vst v18  }
0x404: {  	v22 =	vor.u32 v22, v7;
	[tilespmem:s14+$0x1C0] =	vst v20;
	v12 =	vld.idx.msk [tilespmem:v12+s21+$0x0], $0xffff  }
0x405: {  	v20 =	vor.u32 v1, v10;
	[tilespmem:s14+$0xB0] =	vst v8;
	v18 =	vld.idx.msk [tilespmem:v19+s21+$0x0], $0xffff  }
0x406: {  	v8 =	vld.idx.msk [tilespmem:v14+s21+$0x0], $0xffff  }
0x407: {  	v19 =	vor.u32 v48, v9;
	v14 =	vld [tilespmem:$0x1FCE0]  }
0x408: {  	v16 =	vld.idx.msk [tilespmem:v16+s21+$0x0], $0xffff  }
0x409: {  	[tilespmem:s14+$0xFFFFFEC0] =	vst v15;
	v22 =	vld.idx.msk [tilespmem:v22+s21+$0x0], $0xffff  }
0x40a: {  	v15 =	vor.u32 v61, v6;
	[tilespmem:s14+$0xFFFFFF40] =	vst v17;
	v20 =	vld.idx.msk [tilespmem:v20+s21+$0x0], $0xffff  }
0x40b: {  	v13 =	vor.u32 v13, v4;
	[tilespmem:s14+$0x40] =	vst v12;
	v12 =	vld [tilespmem:$0x1FD50]  }
0x40c: {  	v17 =	vor.u32 v37, v5;
	v19 =	vld.idx.msk [tilespmem:v19+s21+$0x0], $0xffff  }
0x40d: {  	[tilespmem:s14+$0xC0] =	vst v8;
	v8 =	vld [tilespmem:$0x1FCF0]  }
0x40e: {  	[tilespmem:s14+$0x130] =	vst v16;
	v16 =	vld [tilespmem:$0x1FD40]  }
0x40f: {  	v14 =	vor.u32 v14, v11;
	v24 =	vld.idx.msk [tilespmem:v15+s21+$0x0], $0xffff  }
0x410: {  	v13 =	vld.idx.msk [tilespmem:v13+s21+$0x0], $0xffff  }
0x411: {  	[tilespmem:s14+$0x1D0] =	vst v18;
	v18 =	vor.u32 v44, v3;
	v17 =	vld.idx.msk [tilespmem:v17+s21+$0x0], $0xffff  }
0x412: {  	[tilespmem:s14+$0xFFFFFFC0] =	vst v22;
	v22 =	vld [tilespmem:$0x1FF60]  }
0x413: {  	v23 =	vor.u32 v23, v4;
	v27 =	vor.u32 v12, v7;
	v12 =	vld [tilespmem:$0x1FE50]  }
0x414: {  	v14 =	vld.idx.msk [tilespmem:v14+s21+$0x0], $0xffff  }
0x415: {  	[tilespmem:s14+$0xFFFFFE40] =	vst v21;
	v11 =	vor.u32 v8, v11;
	v8 =	vld [tilespmem:$0x1FF80];
	v16 =	vor.u32 v16, v7  }
0x416: {  	[tilespmem:s14+$0x140] =	vst v13;
	v13 =	vld.idx.msk [tilespmem:v18+s21+$0x0], $0xffff  }
0x417: {  	v18 =	vld [tilespmem:$0x1FD80];
	v22 =	vor.u32 v22, v10  }
0x418: {  	v28 =	vld.idx.msk [tilespmem:v23+s21+$0x0], $0xffff  }
0x419: {  	[tilespmem:s14+$0x1E0] =	vst v14;
	v14 =	vld [tilespmem:$0x1FDF0]  }
0x41a: {  	[tilespmem:s14+$0xFFFFFED0] =	vst v20;
	v16 =	vld.idx.msk [tilespmem:v16+s21+$0x0], $0xffff  }
0x41b: {  	s1 =	sadd.s32 $0x1, s25;
	[tilespmem:s14+$0xFFFFFF50] =	vst v19;
	v15 =	vor.u32 v8, v9;
	v19 =	vld.idx.msk [tilespmem:v11+s21+$0x0], $0xffff  }
0x41c: {  	v20 =	vor.u32 v12, v6;
	v8 =	vmov s25;
	v12 =	vld.idx.msk [tilespmem:v22+s21+$0x0], $0xffff;
	v22 =	vmov s1;
	s1 =	sadd.s32 $0x2, s25  }
0x41d: {  	v8 =	vshrl.u32 v8, $0x3;
	v11 =	vld [tilespmem:$0x1FE20];
	v30 =	vmov s1  }
0x41e: {  	p2 =	slt.u32 s25, $0x18;
	v29 =	vor.u32 v18, v5;
	v23 =	vshrl.u32 v22, $0x3;
	v22 =	vshrl.u32 v30, $0x3;
	v30 =	vld [tilespmem:$0x1FD00]  }
.Ltmp11:
0x41f: {  	s29 =	sadd.s32 $0x3, s25;
	v8 =	vshll.u32 v8, v2;
	(pc) =	sbr.rel @p2 .LBB2_17-.Ltmp11, $4  }
0x420: {  	v31 =	vmov s29;
	s29 =	sadd.s32 $0x5, s25;
	[tilespmem:s14+$0x50] =	vst v24;
	v8 =	vbroadcast v8, $0x0;
	v18 =	vor.u32 v14, v4;
	v14 =	vld.idx.msk [tilespmem:v15+s21+$0x0], $0xffff  }
0x421: {  	v25 =	vmov s29;
	v10 =	vor.u32 v47, v10;
	s1 =	sadd.s32 $0x4, s25;
	[tilespmem:s14+$0xFFFFFFD0] =	vst v16;
	v16 =	vld.idx.msk [tilespmem:v20+s21+$0x0], $0xffff  }
0x422: {  	[tilespmem:s14+$0xD0] =	vst v17;
	v21 =	vor.u32 v11, v3;
	v11 =	vor.u32 v32, v8;
	v26 =	vmov s1;
	s1 =	sadd.s32 $0x6, s25;
	v15 =	vld.idx.msk [tilespmem:v27+s21+$0x0], $0xffff  }
0x423: {  	s29 =	sadd.s32 $0x7, s25;
	[tilespmem:s14+$0x150] =	vst v28;
	v20 =	vshrl.u32 v31, $0x3;
	s25 =	sadd.s32 $0x8, s25;
	v24 =	vmov s1;
	v17 =	vld.idx.msk [tilespmem:v29+s21+$0x0], $0xffff;
	v9 =	vor.u32 v30, v9  }
0x424: {  	_ =	sdelay $0x1  }
0x425: {  	[tilespmem:s14+$0xFFFFFE50] =	vst v13  }
0x426: {  	[tilespmem:s14+$0x1F0] =	vst v19  }
0x427: {  	v7 =	vor.u32 v38, v7;
	[tilespmem:s14+$0xFFFFFEE0] =	vst v12;
	v18 =	vld.idx.msk [tilespmem:v18+s21+$0x0], $0xffff  }
0x428: {  	[tilespmem:s14+$0xFFFFFF60] =	vst v14  }
0x429: {  	v32 =	vmov s29;
	v6 =	vor.u32 v56, v6;
	v14 =	vld.idx.msk [tilespmem:v21+s21+$0x0], $0xffff;
	[tilespmem:s14+$0x60] =	vst v16  }
0x42a: {  	v32 =	vshrl.u32 v32, $0x3;
	v21 =	vor.u32 v41, v5;
	v10 =	vld.idx.msk [tilespmem:v10+s21+$0x0], $0xffff;
	[tilespmem:s14+$0xFFFFFFE0] =	vst v15  }
0x42b: {  	v12 =	vshll.u32 v32, v2;
	v9 =	vld.idx.msk [tilespmem:v9+s21+$0x0], $0xffff;
	[tilespmem:s14+$0xE0] =	vst v17  }
0x42c: {  	v56 =	vshll.u32 v20, v2;
	v16 =	vor.u32 v55, v3;
	v12 =	vbroadcast v12, $0x0;
	v20 =	vld.idx.msk [tilespmem:v7+s21+$0x0], $0xffff;
	[tilespmem:s14+$0x160] =	vst v18  }
0x42d: {  	v31 =	vld [tilespmem:$0x1FFC0]  }
0x42e: {  	v15 =	vor.u32 v36, v4;
	v17 =	vor.u32 v46, v12;
	v46 =	vld.idx.msk [tilespmem:v6+s21+$0x0], $0xffff  }
0x42f: {  	v41 =	vshll.u32 v22, v2;
	v32 =	vshll.u32 v23, v2;
	[tilespmem:s14+$0xFFFFFE60] =	vst v14;
	v21 =	vld.idx.msk [tilespmem:v21+s21+$0x0], $0xffff  }
0x430: {  	v3 =	vbroadcast v41, $0x0;
	v4 =	vbroadcast v32, $0x0;
	v41 =	vld [tilespmem:$0x1FFB0]  }
0x431: {  	[tilespmem:s14+$0xFFFFFEF0] =	vst v10;
	v16 =	vld.idx.msk [tilespmem:v16+s21+$0x0], $0xffff  }
0x432: {  	v10 =	vld [tilespmem:$0x1FE70];
	v18 =	vor.u32 v31, v4  }
0x433: {  	v15 =	vld.idx.msk [tilespmem:v15+s21+$0x0], $0xffff;
	[tilespmem:s14+$0xFFFFFF70] =	vst v9  }
0x434: {  	v13 =	vshrl.u32 v26, $0x3;
	v9 =	vld [tilespmem:$0x1FE80]  }
0x435: {  	v32 =	vshll.u32 v13, v2;
	[tilespmem:s14+$0xFFFFFFF0] =	vst v20;
	v17 =	vld.idx.msk [tilespmem:v17+s21+$0x0], $0xffff  }
0x436: {  	v25 =	vshrl.u32 v25, $0x3;
	v19 =	vshrl.u32 v24, $0x3;
	v6 =	vbroadcast v32, $0x0;
	v32 =	vld [tilespmem:$0x1FFA0];
	[tilespmem:s14+$0x70] =	vst v46  }
0x437: {  	v5 =	vbroadcast v56, $0x0;
	v56 =	vshll.u32 v25, v2;
	[tilespmem:s14+$0xF0] =	vst v21;
	v55 =	vor.u32 v41, v3;
	v18 =	vld.idx.msk [tilespmem:v18+s21+$0x0], $0xffff  }
0x438: {  	v19 =	vshll.u32 v19, v2;
	v7 =	vbroadcast v56, $0x0;
	v20 =	vld [tilespmem:$0x1FF90];
	[tilespmem:s14+$0xFFFFFE70] =	vst v16  }
0x439: {  	s25 =	sadd.s32 $0x400, s14;
	v11 =	vld.idx.msk [tilespmem:v11+s21+$0x0], $0xffff;
	v10 =	vor.u32 v10, v5;
	[tilespmem:s14+$0x170] =	vst v15;
	v22 =	vor.u32 v9, v6;
	v9 =	vbroadcast v19, $0x0  }
0x43a: {  	v29 =	vld [tilespmem:$0x1FF10];
	[tilespmem:s25+$0x180] =	vst v17  }
0x43b: {  	v19 =	vor.u32 v32, v7;
	v46 =	vor.u32 v53, v9;
	v53 =	vld [tilespmem:$0x1FF00]  }
0x43c: {  	v14 =	vld.idx.msk [tilespmem:v55+s21+$0x0], $0xffff;
	[tilespmem:s25+$0xFFFFFE80] =	vst v18  }
0x43d: {  	v21 =	vld [tilespmem:$0x1FEB0]  }
0x43e: {  	v20 =	vor.u32 v20, v12;
	v10 =	vld.idx.msk [tilespmem:v10+s21+$0x0], $0xffff  }
0x43f: {  	v15 =	vor.u32 v29, v4;
	v32 =	vld.idx.msk [tilespmem:v22+s21+$0x0], $0xffff  }
0x440: {  	v56 =	vor.u32 v53, v3;
	v19 =	vld.idx.msk [tilespmem:v19+s21+$0x0], $0xffff  }
0x441: {  	v13 =	vld.idx.msk [tilespmem:v46+s21+$0x0], $0xffff;
	[tilespmem:s25+$0xFFFFFF00] =	vst v14  }
0x442: {  	v14 =	vld [tilespmem:$0x1FD60];
	v18 =	vor.u32 v21, v5  }
0x443: {  	v55 =	vor.u32 v35, v9;
	v20 =	vld.idx.msk [tilespmem:v20+s21+$0x0], $0xffff;
	[tilespmem:s25+$0xFFFFFF80] =	vst v10  }
0x444: {  	v10 =	vor.u32 v57, v7;
	[tilespmem:s25+$0xFFFFFE00] =	vst v11;
	v15 =	vld.idx.msk [tilespmem:v15+s21+$0x0], $0xffff  }
0x445: {  	[tilespmem:s25+$0x0] =	vst v32;
	v17 =	vld.idx.msk [tilespmem:v56+s21+$0x0], $0xffff  }
0x446: {  	[tilespmem:s25+$0x80] =	vst v19  }
0x447: {  	[tilespmem:s25+$0x100] =	vst v13;
	v14 =	vor.u32 v14, v6;
	v18 =	vld.idx.msk [tilespmem:v18+s21+$0x0], $0xffff  }
0x448: {  	[tilespmem:s25+$0x190] =	vst v20;
	v19 =	vld.idx.msk [tilespmem:v55+s21+$0x0], $0xffff  }
0x449: {  	v56 =	vor.u32 v34, v8;
	v10 =	vld.idx.msk [tilespmem:v10+s21+$0x0], $0xffff;
	[tilespmem:s25+$0xFFFFFE90] =	vst v15  }
0x44a: {  	v46 =	vmov v57;
	v57 =	vor.u32 v51, v3;
	v32 =	vld [tilespmem:$0x1FD10];
	[tilespmem:s25+$0xFFFFFF10] =	vst v17  }
0x44b: {  	v16 =	vor.u32 v33, v12;
	v17 =	vld [tilespmem:$0x1FD70]  }
0x44c: {  	v14 =	vld.idx.msk [tilespmem:v14+s21+$0x0], $0xffff;
	[tilespmem:s25+$0xFFFFFF90] =	vst v18  }
0x44d: {  	v33 =	vmov v35;
	v20 =	vor.u32 v49, v4;
	v35 =	vld [tilespmem:$0x1FCB0]  }
0x44e: {  	v13 =	vld.idx.msk [tilespmem:v56+s21+$0x0], $0xffff;
	v56 =	vor.u32 v50, v7  }
0x44f: {  	v11 =	vld.idx.msk [tilespmem:v57+s21+$0x0], $0xffff;
	v57 =	vor.u32 v40, v9  }
0x450: {  	v16 =	vld.idx.msk [tilespmem:v16+s21+$0x0], $0xffff;
	v15 =	vor.u32 v32, v5  }
0x451: {  	v17 =	vor.u32 v17, v6;
	[tilespmem:s25+$0x10] =	vst v14  }
0x452: {  	v20 =	vld.idx.msk [tilespmem:v20+s21+$0x0], $0xffff;
	[tilespmem:s25+$0x90] =	vst v10;
	v55 =	vor.u32 v35, v12  }
0x453: {  	[tilespmem:s25+$0x110] =	vst v19;
	v14 =	vld.idx.msk [tilespmem:v56+s21+$0x0], $0xffff  }
0x454: {  	v10 =	vld.idx.msk [tilespmem:v57+s21+$0x0], $0xffff  }
0x455: {  	v25 =	vmov v59;
	v59 =	vor.u32 v59, v8;
	[tilespmem:s25+$0x1A0] =	vst v16;
	v15 =	vld.idx.msk [tilespmem:v15+s21+$0x0], $0xffff  }
0x456: {  	v23 =	vmov v62;
	v62 =	vor.u32 v62, v4;
	[tilespmem:s25+$0xFFFFFE10] =	vst v13;
	v17 =	vld.idx.msk [tilespmem:v17+s21+$0x0], $0xffff  }
0x457: {  	[tilespmem:s25+$0xFFFFFEA0] =	vst v20;
	v18 =	vld.idx.msk [tilespmem:v55+s21+$0x0], $0xffff  }
0x458: {  	v55 =	vld [tilespmem:$0x1FD20];
	[tilespmem:s25+$0xFFFFFF20] =	vst v11  }
0x459: {  	v24 =	vmov v34;
	v34 =	vmov v50;
	v50 =	vor.u32 v42, v3;
	v28 =	vld [tilespmem:$0x1FCC0]  }
0x45a: {  	v57 =	vor.u32 v60, v6;
	v16 =	vld.idx.msk [tilespmem:v59+s21+$0x0], $0xffff;
	[tilespmem:s25+$0xFFFFFFA0] =	vst v15  }
0x45b: {  	v19 =	vld.idx.msk [tilespmem:v62+s21+$0x0], $0xffff;
	v59 =	vor.u32 v63, v7;
	[tilespmem:s25+$0x20] =	vst v17  }
0x45c: {  	[tilespmem:s25+$0x1B0] =	vst v18  }
0x45d: {  	v20 =	vor.u32 v55, v5;
	v18 =	vld [tilespmem:$0x1FDC0];
	[tilespmem:s25+$0xA0] =	vst v14  }
0x45e: {  	v13 =	vld.idx.msk [tilespmem:v50+s21+$0x0], $0xffff;
	v56 =	vor.u32 v28, v12;
	[tilespmem:s25+$0x120] =	vst v10  }
0x45f: {  	v15 =	vld.idx.msk [tilespmem:v57+s21+$0x0], $0xffff;
	[tilespmem:s25+$0xFFFFFE20] =	vst v16  }
0x460: {  	[tilespmem:s25+$0xFFFFFEB0] =	vst v19;
	v17 =	vld.idx.msk [tilespmem:v59+s21+$0x0], $0xffff  }
0x461: {  	v14 =	vor.u32 v58, v8;
	v59 =	vld [tilespmem:$0x1FCD0]  }
0x462: {  	v20 =	vld.idx.msk [tilespmem:v20+s21+$0x0], $0xffff;
	v18 =	vor.u32 v18, v9  }
0x463: {  	v62 =	vor.u32 v43, v4;
	[tilespmem:s25+$0xFFFFFF30] =	vst v13;
	v11 =	vld.idx.msk [tilespmem:v56+s21+$0x0], $0xffff  }
0x464: {  	v63 =	vor.u32 v45, v3;
	v56 =	vld [tilespmem:$0x1FD30];
	_ =	sdelay $0x1  }
0x465: {  	v14 =	vld.idx.msk [tilespmem:v14+s21+$0x0], $0xffff;
	v43 =	vor.u32 v59, v12  }
0x466: {  	[tilespmem:s25+$0xFFFFFFB0] =	vst v20;
	v20 =	vor.u32 v0, v6;
	v18 =	vld.idx.msk [tilespmem:v18+s21+$0x0], $0xffff  }
0x467: {  	v10 =	vld.idx.msk [tilespmem:v62+s21+$0x0], $0xffff;
	[tilespmem:s25+$0x30] =	vst v15  }
0x468: {  	v16 =	vld.idx.msk [tilespmem:v63+s21+$0x0], $0xffff;
	v50 =	vor.u32 v56, v5;
	[tilespmem:s25+$0x1C0] =	vst v11  }
0x469: {  	v26 =	vld [tilespmem:$0x1FDD0];
	[tilespmem:s25+$0xB0] =	vst v17  }
0x46a: {  	v19 =	vld.idx.msk [tilespmem:v43+s21+$0x0], $0xffff;
	[tilespmem:s25+$0xFFFFFE30] =	vst v14  }
0x46b: {  	v20 =	vld.idx.msk [tilespmem:v20+s21+$0x0], $0xffff;
	[tilespmem:s25+$0x130] =	vst v18  }
0x46c: {  	v57 =	vor.u32 v52, v7;
	v62 =	vld [tilespmem:$0x1FCE0];
	[tilespmem:s25+$0xFFFFFEC0] =	vst v10  }
0x46d: {  	v17 =	vor.u32 v54, v8;
	v13 =	vld.idx.msk [tilespmem:v50+s21+$0x0], $0xffff;
	[tilespmem:s25+$0xFFFFFF40] =	vst v16  }
0x46e: {  	v15 =	vor.u32 v26, v9;
	v50 =	vld [tilespmem:$0x1FD40];
	_ =	sdelay $0x1  }
0x46f: {  	v43 =	vor.u32 v1, v4  }
0x470: {  	v52 =	vor.u32 v48, v3;
	v11 =	vld.idx.msk [tilespmem:v57+s21+$0x0], $0xffff;
	[tilespmem:s25+$0x1D0] =	vst v19  }
0x471: {  	v17 =	vld.idx.msk [tilespmem:v17+s21+$0x0], $0xffff;
	[tilespmem:s25+$0x40] =	vst v20;
	v14 =	vor.u32 v62, v12  }
0x472: {  	[tilespmem:s25+$0xFFFFFFC0] =	vst v13;
	v15 =	vld.idx.msk [tilespmem:v15+s21+$0x0], $0xffff;
	v57 =	vor.u32 v50, v5  }
0x473: {  	v22 =	vmov v0;
	v0 =	vld [tilespmem:$0x1FDE0]  }
0x474: {  	v18 =	vld.idx.msk [tilespmem:v43+s21+$0x0], $0xffff  }
0x475: {  	v63 =	vor.u32 v61, v6;
	v10 =	vld.idx.msk [tilespmem:v52+s21+$0x0], $0xffff  }
0x476: {  	v43 =	vor.u32 v37, v7;
	[tilespmem:s25+$0xC0] =	vst v11;
	v14 =	vld.idx.msk [tilespmem:v14+s21+$0x0], $0xffff  }
0x477: {  	v48 =	vor.u32 v44, v8;
	[tilespmem:s25+$0x140] =	vst v15;
	v52 =	vld.idx.msk [tilespmem:v57+s21+$0x0], $0xffff  }
0x478: {  	v20 =	vor.u32 v0, v9;
	v57 =	vld [tilespmem:$0x1FCF0];
	[tilespmem:s25+$0xFFFFFE40] =	vst v17  }
0x479: {  	v1 =	vld [tilespmem:$0x1FF60]  }
0x47a: {  	v63 =	vld.idx.msk [tilespmem:v63+s21+$0x0], $0xffff  }
0x47b: {  	v13 =	vld.idx.msk [tilespmem:v43+s21+$0x0], $0xffff  }
0x47c: {  	v11 =	vld.idx.msk [tilespmem:v48+s21+$0x0], $0xffff  }
0x47d: {  	[tilespmem:s25+$0xFFFFFED0] =	vst v18;
	v43 =	vld.idx.msk [tilespmem:v20+s21+$0x0], $0xffff;
	v12 =	vor.u32 v57, v12  }
0x47e: {  	v61 =	vor.u32 v1, v4;
	v1 =	vld [tilespmem:$0x1FF80];
	[tilespmem:s25+$0x1E0] =	vst v14  }
0x47f: {  	v14 =	vld [tilespmem:$0x1FD50];
	[tilespmem:s25+$0xFFFFFF50] =	vst v10  }
0x480: {  	v10 =	vld [tilespmem:$0x1FE50];
	[tilespmem:s25+$0xFFFFFFD0] =	vst v52  }
0x481: {  	v15 =	vld [tilespmem:$0x1FD80]  }
0x482: {  	v12 =	vld.idx.msk [tilespmem:v12+s21+$0x0], $0xffff  }
0x483: {  	[tilespmem:s25+$0x50] =	vst v63;
	v37 =	vor.u32 v1, v3;
	v16 =	vld.idx.msk [tilespmem:v61+s21+$0x0], $0xffff  }
0x484: {  	v1 =	vld [tilespmem:$0x1FDF0];
	[tilespmem:s25+$0xD0] =	vst v13  }
0x485: {  	v13 =	vld [tilespmem:$0x1FE20];
	[tilespmem:s25+$0x150] =	vst v43  }
0x486: {  	[tilespmem:s25+$0xFFFFFE50] =	vst v11  }
0x487: {  	v14 =	vor.u32 v14, v5;
	[tilespmem:s25+$0x1F0] =	vst v12  }
0x488: {  	v10 =	vor.u32 v10, v6;
	v18 =	vld.idx.msk [tilespmem:v37+s21+$0x0], $0xffff;
	[tilespmem:s25+$0xFFFFFEE0] =	vst v16  }
0x489: {  	v0 =	vld [tilespmem:$0x1FE60];
	_ =	sdelay $0x2  }
0x48a: {  	v14 =	vld.idx.msk [tilespmem:v14+s21+$0x0], $0xffff  }
0x48b: {  	v10 =	vld.idx.msk [tilespmem:v10+s21+$0x0], $0xffff;
	[tilespmem:s25+$0xFFFFFF60] =	vst v18  }
0x48c: {  	v6 =	vor.u32 v0, v6;
	v0 =	vld [tilespmem:$0x1FE90]  }
0x48d: {  	v15 =	vor.u32 v15, v7  }
0x48e: {  	v44 =	vor.u32 v1, v9  }
0x48f: {  	v13 =	vor.u32 v13, v8;
	[tilespmem:s25+$0xFFFFFFE0] =	vst v14  }
0x490: {  	v4 =	vor.u32 v47, v4;
	[tilespmem:s25+$0x60] =	vst v10  }
0x491: {  	v3 =	vor.u32 v30, v3;
	v7 =	vor.u32 v0, v7;
	v0 =	vld [tilespmem:$0x1FE30]  }
0x492: {  	v5 =	vor.u32 v38, v5;
	v48 =	vld.idx.msk [tilespmem:v15+s21+$0x0], $0xffff  }
0x493: {  	v52 =	vld.idx.msk [tilespmem:v44+s21+$0x0], $0xffff  }
0x494: {  	v9 =	vor.u32 v36, v9;
	v13 =	vld.idx.msk [tilespmem:v13+s21+$0x0], $0xffff  }
0x495: {  	v4 =	vld.idx.msk [tilespmem:v4+s21+$0x0], $0xffff  }
0x496: {  	v3 =	vld.idx.msk [tilespmem:v3+s21+$0x0], $0xffff;
	v61 =	vor.u32 v0, v8  }
0x497: {  	v5 =	vld.idx.msk [tilespmem:v5+s21+$0x0], $0xffff;
	[tilespmem:s25+$0xE0] =	vst v48  }
0x498: {  	[tilespmem:s25+$0x160] =	vst v52;
	v6 =	vld.idx.msk [tilespmem:v6+s21+$0x0], $0xffff  }
0x499: {  	[tilespmem:s25+$0xFFFFFE60] =	vst v13;
	v63 =	vld.idx.msk [tilespmem:v9+s21+$0x0], $0xffff  }
0x49a: {  	[tilespmem:s25+$0xFFFFFEF0] =	vst v4;
	v7 =	vld.idx.msk [tilespmem:v7+s21+$0x0], $0xffff  }
0x49b: {  	[tilespmem:s25+$0xFFFFFF70] =	vst v3;
	v3 =	vld.idx.msk [tilespmem:v61+s21+$0x0], $0xffff  }
0x49c: {  	[tilespmem:s25+$0xFFFFFFF0] =	vst v5  }
0x49d: {  	[tilespmem:s25+$0x70] =	vst v6  }
0x49e: {  	s1 =	sor.u32 s11, s13;
	[tilespmem:s25+$0x170] =	vst v63  }
0x49f: {  	s1 =	sshrl.u32 s1, $0x3;
	[tilespmem:s25+$0xF0] =	vst v7  }
0x4a0: {  	s29 =	sadd.s32 s2, s1;
	[tilespmem:s25+$0xFFFFFE70] =	vst v3;
	s25 =	simm.s32 $0x13400  }
0x4a1: {  	[hbm4b:s29+s3] =	stream.linear.scatter [tilespmem:s25], [sflag:$0x7], $0x400, $0x38;
	[tilespmem:$0x15400] =	vst v63  }
0x4a2: {  	s25 =	sor.u32 $0x4000, s1  }
0x4a3: {  	s29 =	simm.s32 $0x13800;
	s14 =	sadd.s32 s2, s25  }
0x4a4: {  	[hbm4b:s14+s3] =	stream.linear.scatter [tilespmem:s29], [sflag:$0x7], $0x400, $0x38;
	[tilespmem:$0x15400] =	vst v63  }
.Ltmp12:
0x4a5: {  	s25 =	sor.u32 $0x8000, s1;
	(pc) =	sbr.rel @p1 .LBB2_20-.Ltmp12, $4  }
0x4a6: {  	v27 =	vmovc v29;
	v30 =	vmov v26;
	v38 =	vmov v24;
	v24 =	vmov v41;
	s1 =	sor.u32 $0xC000, s1;
	s14 =	sadd.s32 s2, s25;
	s29 =	simm.s32 $0x13C00  }
0x4a7: {  	v37 =	vmovc v58;
	v36 =	vmovc v23;
	v58 =	vmov v35;
	v44 =	vmov v54;
	v52 =	vmov v25;
	v23 =	vld [tilespmem:$0x1FFA0];
	[hbm4b:s14+s3] =	stream.linear.scatter [tilespmem:s29], [sflag:$0x7], $0x400, $0x38  }
0x4a8: {  	v25 =	vmovc v31;
	v48 =	vmovc v60;
	v60 =	vmov v22;
	v31 =	vmov v62;
	v62 =	vmov v56;
	v41 =	vld [tilespmem:$0x1FD90];
	s1 =	sadd.s32 s2, s1;
	s29 =	simm.s32 $0x14000  }
0x4a9: {  	v0 =	vmovc v21;
	v63 =	vmovc v32;
	v32 =	vmov v55;
	v61 =	vmov v28;
	v28 =	vmov v59;
	v29 =	vld [tilespmem:$0x1FE00];
	[hbm4b:s1+s3] =	stream.linear.scatter [tilespmem:s29], [sflag:$0x7], $0x400, $0x38  }
.Ltmp13:
0x4aa: {  	(pc) =	sbr.rel .LBB2_21-.Ltmp13, $4  }
0x4ab: {  	_ = 	snop  }
0x4ac: {  	_ =	swait.ge [sflag:s26], $0x1000  }
0x4ad: {  	[sflag:s26] =	ssyncset.done $0x0  }
0x4ae: {  	v1 =	vld [tilespmem:$0x1FE10];
	[sflag:s26] =	ssyncadd.s32 $0xFFFFF000  }
.LBB2_20:
0x4af: {  	s1 =	sshll.u32 s5, $0x9  }
0x4b0: {  	s1 =	sand.u32 $0x3FFFFE00, s1  }
.Ltmp14:
0x4b1: {  	s1 =	sadd.s32 $0x7300, s1;
	(pc) =	sbr.rel @p0 .LBB2_22-.Ltmp14, $4  }
0x4b2: {  	[tilespmem:s21], [sflag:$0x3] =	stream.indirect.gather [hbm4b:s4+s15], $0x20, s1, s15, $0xb8;
	[tilespmem:$0x15400] =	vst v63  }
0x4b3: {  	_ =	swait.ge [sflag:s26], $0x1000  }
0x4b4: {  	[sflag:s26] =	ssyncset.done $0x0  }
0x4b5: {  	v1 =	vld [tilespmem:$0x1FE10];
	[sflag:s26] =	ssyncadd.s32 $0xFFFFF000  }
.LBB2_21:
0x4b6: {  	_ =	swait.ge [sflag:s28], $0x400  }
0x4b7: {  	[sflag:s28] =	ssyncset.done $0x0  }
0x4b8: {  	[sflag:s28] =	ssyncadd.s32 $0xFFFFFC00  }
0x4b9: {  	_ =	swait.ge [sflag:s28], $0x400  }
0x4ba: {  	[sflag:s28] =	ssyncset.done $0x0  }
0x4bb: {  	[sflag:s28] =	ssyncadd.s32 $0xFFFFFC00  }
0x4bc: {  	_ =	swait.ge [sflag:s28], $0x400  }
0x4bd: {  	[sflag:s28] =	ssyncset.done $0x0  }
0x4be: {  	[sflag:s28] =	ssyncadd.s32 $0xFFFFFC00  }
0x4bf: {  	_ =	swait.ge [sflag:s28], $0x400  }
0x4c0: {  	[sflag:s28] =	ssyncset.done $0x0  }
0x4c1: {  	[sflag:s28] =	ssyncadd.s32 $0xFFFFFC00  }
.LBB2_22:
0x4c2: {  	s1 =	simm.s32 $0x0;
	s25 =	simm.s32 $0x1  }
0x4c3: {  	s14 =	simm.s32 $0x2;
	v3 =	vmov s1;
	v4 =	vmov s25;
	s25 =	simm.s32 $0x3  }
0x4c4: {  	v5 =	vmov s14;
	s14 =	simm.s32 $0x4;
	v3 =	vshrl.u32 v3, $0x3;
	v6 =	vmov s25  }
0x4c5: {  	s25 =	simm.s32 $0x5;
	v7 =	vmov s14;
	s14 =	simm.s32 $0x7;
	v4 =	vshrl.u32 v4, $0x3;
	v5 =	vshrl.u32 v5, $0x3  }
0x4c6: {  	v3 =	vshll.u32 v3, v2;
	v8 =	vmov s25;
	v9 =	vmov s14  }
0x4c7: {  	s25 =	simm.s32 $0x6;
	v6 =	vshrl.u32 v6, $0x3;
	v12 =	vshrl.u32 v7, $0x3;
	v9 =	vshrl.u32 v9, $0x3  }
0x4c8: {  	v4 =	vshll.u32 v4, v2;
	v10 =	vmov s25;
	v7 =	vshll.u32 v9, v2  }
0x4c9: {  	v14 =	vshrl.u32 v10, $0x3;
	v10 =	vbroadcast v4, $0x0;
	v4 =	vshll.u32 v5, v2;
	v5 =	vld [tilespmem:$0x1FE70]  }
0x4ca: {  	v3 =	vbroadcast v3, $0x0;
	v13 =	vshrl.u32 v8, $0x3;
	v8 =	vbroadcast v7, $0x0  }
0x4cb: {  	v9 =	vbroadcast v4, $0x0;
	v4 =	vshll.u32 v6, v2;
	v16 =	vor.u32 v25, v10  }
0x4cc: {  	v7 =	vbroadcast v4, $0x0;
	v4 =	vshll.u32 v12, v2;
	v15 =	vor.u32 v29, v8  }
0x4cd: {  	v12 =	vor.u32 v24, v9;
	v6 =	vbroadcast v4, $0x0;
	v4 =	vshll.u32 v13, v2  }
0x4ce: {  	v13 =	vor.u32 v5, v7;
	v5 =	vbroadcast v4, $0x0;
	v4 =	vshll.u32 v14, v2;
	v14 =	vld [tilespmem:$0x1FE80]  }
0x4cf: {  	v11 =	vor.u32 v1, v3;
	v22 =	vor.u32 v0, v7;
	v0 =	vld [tilespmem:$0x1FD60];
	v4 =	vbroadcast v4, $0x0  }
0x4d0: {  	v17 =	vor.u32 v23, v5;
	v16 =	vld.idx.msk [tilespmem:v16+s23+$0x0], $0xffff  }
0x4d1: {  	v15 =	vld.idx.msk [tilespmem:v15+s23+$0x0], $0xffff;
	v18 =	vor.u32 v41, v4  }
0x4d2: {  	v19 =	vor.u32 v39, v8;
	v12 =	vld.idx.msk [tilespmem:v12+s23+$0x0], $0xffff  }
0x4d3: {  	v14 =	vor.u32 v14, v6;
	v13 =	vld.idx.msk [tilespmem:v13+s23+$0x0], $0xffff  }
0x4d4: {  	s14 =	simm.s32 $0x14600;
	v11 =	vld.idx.msk [tilespmem:v11+s23+$0x0], $0xffff  }
0x4d5: {  	v20 =	vor.u32 v27, v10;
	v17 =	vld.idx.msk [tilespmem:v17+s23+$0x0], $0xffff;
	[tilespmem:s14+$0xFFFFFE80] =	vst v16  }
0x4d6: {  	v21 =	vor.u32 v53, v9;
	v18 =	vld.idx.msk [tilespmem:v18+s23+$0x0], $0xffff;
	[tilespmem:s14+$0x180] =	vst v15  }
0x4d7: {  	[tilespmem:s14+$0xFFFFFF00] =	vst v12;
	v16 =	vld.idx.msk [tilespmem:v19+s23+$0x0], $0xffff  }
0x4d8: {  	v15 =	vor.u32 v46, v5;
	v14 =	vld.idx.msk [tilespmem:v14+s23+$0x0], $0xffff;
	[tilespmem:s14+$0xFFFFFF80] =	vst v13  }
0x4d9: {  	v23 =	vor.u32 v0, v6;
	v0 =	vld [tilespmem:$0x1FCA0];
	[tilespmem:s14+$0xFFFFFE00] =	vst v11  }
0x4da: {  	v12 =	vor.u32 v33, v4;
	v19 =	vld.idx.msk [tilespmem:v20+s23+$0x0], $0xffff;
	[tilespmem:s14+$0x80] =	vst v17  }
0x4db: {  	v20 =	vld.idx.msk [tilespmem:v21+s23+$0x0], $0xffff;
	v21 =	vor.u32 v38, v3;
	[tilespmem:s14+$0x100] =	vst v18  }
0x4dc: {  	v22 =	vld.idx.msk [tilespmem:v22+s23+$0x0], $0xffff;
	v17 =	vor.u32 v51, v9;
	[tilespmem:s14+$0x190] =	vst v16  }
0x4dd: {  	v15 =	vld.idx.msk [tilespmem:v15+s23+$0x0], $0xffff;
	[tilespmem:s14+$0x0] =	vst v14  }
0x4de: {  	v13 =	vor.u32 v0, v8;
	v0 =	vld [tilespmem:$0x1FD70]  }
0x4df: {  	v18 =	vor.u32 v63, v7;
	v12 =	vld.idx.msk [tilespmem:v12+s23+$0x0], $0xffff  }
0x4e0: {  	v16 =	vld.idx.msk [tilespmem:v21+s23+$0x0], $0xffff;
	v14 =	vor.u32 v49, v10;
	[tilespmem:s14+$0xFFFFFF10] =	vst v20  }
0x4e1: {  	[tilespmem:s14+$0xFFFFFE90] =	vst v19;
	v19 =	vor.u32 v34, v5;
	v17 =	vld.idx.msk [tilespmem:v17+s23+$0x0], $0xffff  }
0x4e2: {  	v23 =	vld.idx.msk [tilespmem:v23+s23+$0x0], $0xffff;
	[tilespmem:s14+$0x90] =	vst v15;
	v15 =	vor.u32 v42, v9  }
0x4e3: {  	[tilespmem:s14+$0xFFFFFF90] =	vst v22;
	v11 =	vor.u32 v0, v6;
	v13 =	vld.idx.msk [tilespmem:v13+s23+$0x0], $0xffff  }
0x4e4: {  	v20 =	vor.u32 v58, v8;
	v18 =	vld.idx.msk [tilespmem:v18+s23+$0x0], $0xffff  }
0x4e5: {  	v21 =	vor.u32 v40, v4;
	v14 =	vld.idx.msk [tilespmem:v14+s23+$0x0], $0xffff  }
0x4e6: {  	v22 =	vor.u32 v52, v3;
	v19 =	vld.idx.msk [tilespmem:v19+s23+$0x0], $0xffff;
	[tilespmem:s14+$0xFFFFFF20] =	vst v17  }
0x4e7: {  	[tilespmem:s14+$0x10] =	vst v23;
	v15 =	vld.idx.msk [tilespmem:v15+s23+$0x0], $0xffff  }
0x4e8: {  	v23 =	vor.u32 v36, v10;
	v11 =	vld.idx.msk [tilespmem:v11+s23+$0x0], $0xffff;
	[tilespmem:s14+$0x1A0] =	vst v13  }
0x4e9: {  	[tilespmem:s14+$0x110] =	vst v12;
	v12 =	vld.idx.msk [tilespmem:v20+s23+$0x0], $0xffff  }
0x4ea: {  	[tilespmem:s14+$0xFFFFFE10] =	vst v16;
	v20 =	vld.idx.msk [tilespmem:v21+s23+$0x0], $0xffff  }
0x4eb: {  	[tilespmem:s14+$0xFFFFFEA0] =	vst v14;
	v21 =	vld.idx.msk [tilespmem:v22+s23+$0x0], $0xffff  }
0x4ec: {  	v13 =	vor.u32 v32, v7;
	v35 =	vld [tilespmem:$0x1FF40]  }
0x4ed: {  	v16 =	vor.u32 v48, v6;
	v22 =	vld.idx.msk [tilespmem:v23+s23+$0x0], $0xffff;
	[tilespmem:s14+$0xFFFFFFA0] =	vst v18  }
0x4ee: {  	v14 =	vor.u32 v61, v8;
	v0 =	vld [tilespmem:$0x1FDC0];
	[tilespmem:s14+$0x20] =	vst v11  }
0x4ef: {  	v54 =	vmov v38;
	v38 =	vmov v49;
	v23 =	vor.u32 v37, v3;
	v49 =	vld [tilespmem:$0x1FFF0];
	[tilespmem:s14+$0x1B0] =	vst v12  }
0x4f0: {  	[tilespmem:s14+$0xA0] =	vst v19  }
0x4f1: {  	v13 =	vld.idx.msk [tilespmem:v13+s23+$0x0], $0xffff;
	v17 =	vor.u32 v35, v5;
	[tilespmem:s14+$0x120] =	vst v20  }
0x4f2: {  	v16 =	vld.idx.msk [tilespmem:v16+s23+$0x0], $0xffff;
	v12 =	vor.u32 v45, v9;
	[tilespmem:s14+$0xFFFFFE20] =	vst v21  }
0x4f3: {  	v19 =	vor.u32 v62, v7;
	[tilespmem:s14+$0xFFFFFEB0] =	vst v22;
	v14 =	vld.idx.msk [tilespmem:v14+s23+$0x0], $0xffff  }
0x4f4: {  	[tilespmem:s14+$0xFFFFFF30] =	vst v15;
	v21 =	vld.idx.msk [tilespmem:v23+s23+$0x0], $0xffff  }
0x4f5: {  	v18 =	vor.u32 v0, v4;
	v39 =	vld [tilespmem:$0x1FED0]  }
0x4f6: {  	v20 =	vor.u32 v28, v8;
	v17 =	vld.idx.msk [tilespmem:v17+s23+$0x0], $0xffff  }
0x4f7: {  	[tilespmem:s14+$0xFFFFFFB0] =	vst v13;
	v11 =	vor.u32 v49, v10;
	v12 =	vld.idx.msk [tilespmem:v12+s23+$0x0], $0xffff  }
0x4f8: {  	v19 =	vld.idx.msk [tilespmem:v19+s23+$0x0], $0xffff;
	[tilespmem:s14+$0x1C0] =	vst v14  }
0x4f9: {  	v53 =	vmovc v52;
	v52 =	vmov v37;
	v37 =	vmov v45;
	v22 =	vor.u32 v60, v6;
	v45 =	vld [tilespmem:$0x1FFE0]  }
0x4fa: {  	v23 =	vor.u32 v44, v3;
	v18 =	vld.idx.msk [tilespmem:v18+s23+$0x0], $0xffff  }
0x4fb: {  	v15 =	vor.u32 v39, v5;
	[tilespmem:s14+$0x30] =	vst v16;
	v16 =	vld.idx.msk [tilespmem:v20+s23+$0x0], $0xffff  }
0x4fc: {  	v13 =	vor.u32 v30, v4;
	v11 =	vld.idx.msk [tilespmem:v11+s23+$0x0], $0xffff  }
0x4fd: {  	v56 =	vmov v34;
	v34 =	vld [tilespmem:$0x1FFD0]  }
0x4fe: {  	v22 =	vld.idx.msk [tilespmem:v22+s23+$0x0], $0xffff;
	[tilespmem:s14+$0xFFFFFE30] =	vst v21;
	v14 =	vor.u32 v45, v10  }
0x4ff: {  	v21 =	vld.idx.msk [tilespmem:v23+s23+$0x0], $0xffff;
	[tilespmem:s14+$0xB0] =	vst v17  }
0x500: {  	v15 =	vld.idx.msk [tilespmem:v15+s23+$0x0], $0xffff;
	[tilespmem:s14+$0x130] =	vst v18  }
0x501: {  	v13 =	vld.idx.msk [tilespmem:v13+s23+$0x0], $0xffff;
	[tilespmem:s14+$0xFFFFFEC0] =	vst v11  }
0x502: {  	v46 =	vmovc v44;
	v44 =	vmov v51;
	v51 =	vmov v42;
	v42 =	vmov v60;
	v60 =	vld [tilespmem:$0x1FEF0]  }
0x503: {  	v20 =	vor.u32 v34, v9;
	[tilespmem:s14+$0xFFFFFF40] =	vst v12;
	v14 =	vld.idx.msk [tilespmem:v14+s23+$0x0], $0xffff  }
0x504: {  	v0 =	vld [tilespmem:$0x1FDE0]  }
0x505: {  	v17 =	vor.u32 v31, v8;
	v26 =	vld [tilespmem:$0x1FEE0];
	[tilespmem:s14+$0x1D0] =	vst v16  }
0x506: {  	v18 =	vor.u32 v50, v7;
	v25 =	vld [tilespmem:$0x1FF70];
	[tilespmem:s14+$0xFFFFFFC0] =	vst v19  }
0x507: {  	v43 =	vld [tilespmem:$0x1FF60];
	[tilespmem:s14+$0x40] =	vst v22  }
0x508: {  	v20 =	vld.idx.msk [tilespmem:v20+s23+$0x0], $0xffff;
	[tilespmem:s14+$0xC0] =	vst v15  }
0x509: {  	v50 =	vld [tilespmem:$0x1FF80];
	v23 =	vor.u32 v0, v4  }
0x50a: {  	v17 =	vld.idx.msk [tilespmem:v17+s23+$0x0], $0xffff;
	[tilespmem:s14+$0x140] =	vst v13  }
0x50b: {  	v24 =	vld.idx.msk [tilespmem:v18+s23+$0x0], $0xffff;
	[tilespmem:s14+$0xFFFFFE40] =	vst v21;
	v11 =	vor.u32 v60, v6  }
0x50c: {  	v0 =	vld [tilespmem:$0x1FD50];
	[tilespmem:s14+$0xFFFFFED0] =	vst v14  }
0x50d: {  	v12 =	vor.u32 v26, v5;
	v62 =	vld [tilespmem:$0x1FD80]  }
0x50e: {  	v16 =	vor.u32 v25, v3;
	v15 =	vor.u32 v50, v9;
	v50 =	vmovc v34;
	v34 =	vmov v29;
	v29 =	vld.idx.msk [tilespmem:v23+s23+$0x0], $0xffff  }
0x50f: {  	v19 =	vor.u32 v43, v10;
	v23 =	vld [tilespmem:$0x1FE50];
	[tilespmem:s14+$0x1E0] =	vst v17  }
0x510: {  	v22 =	vld.idx.msk [tilespmem:v11+s23+$0x0], $0xffff;
	[tilespmem:s14+$0xFFFFFF50] =	vst v20  }
0x511: {  	v28 =	vor.u32 v0, v7;
	v0 =	vld [tilespmem:$0x1FDF0]  }
0x512: {  	v11 =	vor.u32 v57, v8;
	v27 =	vld.idx.msk [tilespmem:v12+s23+$0x0], $0xffff  }
0x513: {  	v13 =	vld.idx.msk [tilespmem:v16+s23+$0x0], $0xffff  }
0x514: {  	v12 =	vld.idx.msk [tilespmem:v19+s23+$0x0], $0xffff  }
0x515: {  	s25 =	simm.s32 $0x8;
	v14 =	vld.idx.msk [tilespmem:v15+s23+$0x0], $0xffff  }
0x516: {  	v8 =	vmov s25;
	v18 =	vor.u32 v0, v4;
	v0 =	vld [tilespmem:$0x1FE20];
	[tilespmem:s14+$0xFFFFFFD0] =	vst v24  }
0x517: {  	v8 =	vshrl.u32 v8, $0x3;
	v19 =	vld.idx.msk [tilespmem:v11+s23+$0x0], $0xffff;
	[tilespmem:s14+$0x50] =	vst v22  }
0x518: {  	v59 =	vmov v41;
	s25 =	simm.s32 $0x9;
	v8 =	vshll.u32 v8, v2;
	v41 =	vld [tilespmem:$0x1FF50];
	[tilespmem:s14+$0xD0] =	vst v27  }
0x519: {  	v17 =	vmov s25;
	v8 =	vbroadcast v8, $0x0;
	v15 =	vld.idx.msk [tilespmem:v28+s23+$0x0], $0xffff;
	[tilespmem:s14+$0x150] =	vst v29  }
0x51a: {  	v16 =	vor.u32 v23, v6;
	v23 =	vshrl.u32 v17, $0x3;
	v17 =	vld [tilespmem:$0x1FD00]  }
0x51b: {  	v30 =	vor.u32 v62, v5;
	v62 =	vmovc v46;
	v46 =	vmovc v1;
	v11 =	vor.u32 v1, v8;
	v1 =	vmov v49;
	v49 =	vld [tilespmem:$0x1FE60]  }
0x51c: {  	v55 =	vmov v48;
	v48 =	vmov v33;
	v33 =	vld [tilespmem:$0x1FE90]  }
0x51d: {  	v43 =	vmov v42;
	s25 =	simm.s32 $0xB;
	v42 =	vld [tilespmem:$0x1FEA0]  }
0x51e: {  	s1 =	simm.s32 $0xA;
	v57 =	vmov v36;
	v36 =	vmov v32;
	v31 =	vmov s25;
	s25 =	simm.s32 $0xD;
	v32 =	vld [tilespmem:$0x1FE40]  }
0x51f: {  	v10 =	vor.u32 v47, v10;
	v20 =	vmov s1;
	s1 =	simm.s32 $0xC;
	v25 =	vmov s25;
	s25 =	simm.s32 $0xE;
	v16 =	vld.idx.msk [tilespmem:v16+s23+$0x0], $0xffff  }
0x520: {  	v26 =	vmov s1;
	v24 =	vmov s25;
	v21 =	vor.u32 v0, v3;
	v0 =	vmovc v56;
	v56 =	vld [tilespmem:$0x1FE30]  }
0x521: {  	s29 =	simm.s32 $0xF;
	v57 =	vmovc v57;
	v22 =	vshrl.u32 v20, $0x3;
	v20 =	vshrl.u32 v31, $0x3;
	s25 =	simm.s32 $0x10;
	v9 =	vor.u32 v17, v9;
	v17 =	vld.idx.msk [tilespmem:v30+s23+$0x0], $0xffff  }
.LBB2_23:
0x522: {  	_ =	sdelay $0x1  }
0x523: {  	[tilespmem:s14+$0xFFFFFE50] =	vst v13;
	v7 =	vor.u32 v32, v7;
	v13 =	vld.idx.msk [tilespmem:v18+s23+$0x0], $0xffff  }
0x524: {  	[tilespmem:s14+$0x1F0] =	vst v19;
	v21 =	vld.idx.msk [tilespmem:v21+s23+$0x0], $0xffff  }
0x525: {  	v6 =	vor.u32 v49, v6;
	[tilespmem:s14+$0xFFFFFEE0] =	vst v12;
	v19 =	vld.idx.msk [tilespmem:v11+s23+$0x0], $0xffff  }
0x526: {  	v12 =	vshll.u32 v23, v2;
	v23 =	vld.idx.msk [tilespmem:v10+s23+$0x0], $0xffff;
	[tilespmem:s14+$0xFFFFFF60] =	vst v14  }
0x527: {  	v10 =	vbroadcast v12, $0x0;
	v12 =	vshll.u32 v22, v2;
	[tilespmem:s14+$0xFFFFFFE0] =	vst v15;
	v14 =	vld.idx.msk [tilespmem:v9+s23+$0x0], $0xffff  }
0x528: {  	v27 =	vmov s29;
	v9 =	vbroadcast v12, $0x0;
	v12 =	vshll.u32 v20, v2;
	v20 =	vld.idx.msk [tilespmem:v7+s23+$0x0], $0xffff  }
0x529: {  	v18 =	vshrl.u32 v25, $0x3;
	v4 =	vor.u32 v42, v4;
	v25 =	vshrl.u32 v27, $0x3;
	[tilespmem:s14+$0x60] =	vst v16;
	v7 =	vld [tilespmem:$0x1FFC0]  }
0x52a: {  	v11 =	vshll.u32 v25, v2;
	v22 =	vld.idx.msk [tilespmem:v6+s23+$0x0], $0xffff  }
0x52b: {  	v5 =	vor.u32 v33, v5;
	v11 =	vbroadcast v11, $0x0;
	v6 =	vld [tilespmem:$0x1FFB0];
	_ =	sdelay $0x1  }
0x52c: {  	v15 =	vor.u32 v34, v11;
	[tilespmem:s14+$0x160] =	vst v13  }
0x52d: {  	v26 =	vshrl.u32 v26, $0x3;
	[tilespmem:s14+$0xFFFFFE60] =	vst v21;
	v21 =	vld.idx.msk [tilespmem:v4+s23+$0x0], $0xffff  }
0x52e: {  	[tilespmem:s14+$0xE0] =	vst v17;
	v4 =	vld [tilespmem:$0x1FE80];
	v16 =	vor.u32 v7, v10;
	v7 =	vbroadcast v12, $0x0;
	v12 =	vshll.u32 v26, v2  }
0x52f: {  	v17 =	vor.u32 v6, v9;
	v6 =	vbroadcast v12, $0x0;
	v12 =	vshll.u32 v18, v2;
	v18 =	vld.idx.msk [tilespmem:v5+s23+$0x0], $0xffff  }
0x530: {  	v5 =	vld [tilespmem:$0x1FE70]  }
0x531: {  	[tilespmem:s14+$0xFFFFFEF0] =	vst v23;
	v15 =	vld.idx.msk [tilespmem:v15+s23+$0x0], $0xffff  }
0x532: {  	v3 =	vor.u32 v56, v3;
	[tilespmem:s14+$0xFFFFFFF0] =	vst v20;
	v20 =	vld [tilespmem:$0x1FF90]  }
0x533: {  	[tilespmem:s14+$0x70] =	vst v22;
	v22 =	vld [tilespmem:$0x1FF10]  }
0x534: {  	v24 =	vshrl.u32 v24, $0x3;
	[tilespmem:s14+$0x170] =	vst v21;
	v21 =	vld [tilespmem:$0x1FEB0]  }
0x535: {  	[tilespmem:s14+$0xFFFFFF70] =	vst v14;
	v14 =	vld.idx.msk [tilespmem:v16+s23+$0x0], $0xffff;
	v13 =	vor.u32 v5, v7;
	v5 =	vbroadcast v12, $0x0;
	v12 =	vshll.u32 v24, v2  }
0x536: {  	v24 =	vor.u32 v4, v6;
	[tilespmem:s14+$0xF0] =	vst v18;
	v18 =	vld [tilespmem:$0x1FF00];
	v4 =	vbroadcast v12, $0x0  }
0x537: {  	v12 =	vld.idx.msk [tilespmem:v3+s23+$0x0], $0xffff  }
0x538: {  	v3 =	vmov v8;
	v8 =	vld [tilespmem:$0x1FFA0];
	v16 =	vor.u32 v59, v4  }
0x539: {  	v17 =	vld.idx.msk [tilespmem:v17+s23+$0x0], $0xffff;
	v20 =	vor.u32 v20, v11  }
0x53a: {  	v22 =	vor.u32 v22, v10;
	v13 =	vld.idx.msk [tilespmem:v13+s23+$0x0], $0xffff  }
0x53b: {  	v18 =	vor.u32 v18, v9;
	v23 =	vld.idx.msk [tilespmem:v24+s23+$0x0], $0xffff  }
0x53c: {  	[tilespmem:s14+$0xFFFFFE70] =	vst v12;
	s14 =	sadd.s32 $0x400, s14;
	v12 =	vld [tilespmem:$0x1FD60]  }
0x53d: {  	v8 =	vor.u32 v8, v5;
	[tilespmem:s14+$0x180] =	vst v15;
	v16 =	vld.idx.msk [tilespmem:v16+s23+$0x0], $0xffff  }
0x53e: {  	v21 =	vor.u32 v21, v7;
	[tilespmem:s14+$0xFFFFFE80] =	vst v14;
	v15 =	vld.idx.msk [tilespmem:v20+s23+$0x0], $0xffff  }
0x53f: {  	[tilespmem:s14+$0xFFFFFF00] =	vst v17;
	v20 =	vld.idx.msk [tilespmem:v22+s23+$0x0], $0xffff  }
0x540: {  	v22 =	vor.u32 v54, v3;
	v18 =	vld.idx.msk [tilespmem:v18+s23+$0x0], $0xffff  }
0x541: {  	v17 =	vor.u32 v48, v4;
	[tilespmem:s14+$0xFFFFFF80] =	vst v13;
	v13 =	vld [tilespmem:$0x1FCA0]  }
0x542: {  	[tilespmem:s14+$0x0] =	vst v23;
	v23 =	vor.u32 v38, v10;
	v8 =	vld.idx.msk [tilespmem:v8+s23+$0x0], $0xffff  }
0x543: {  	[tilespmem:s14+$0xFFFFFE00] =	vst v19;
	v12 =	vor.u32 v12, v6;
	v21 =	vld.idx.msk [tilespmem:v21+s23+$0x0], $0xffff  }
0x544: {  	v14 =	vor.u32 v41, v5;
	[tilespmem:s14+$0x190] =	vst v15;
	v15 =	vld [tilespmem:$0x1FD70]  }
0x545: {  	[tilespmem:s14+$0x100] =	vst v16;
	v16 =	vor.u32 v63, v7;
	v19 =	vld.idx.msk [tilespmem:v22+s23+$0x0], $0xffff  }
0x546: {  	[tilespmem:s14+$0xFFFFFE90] =	vst v20;
	v17 =	vld.idx.msk [tilespmem:v17+s23+$0x0], $0xffff;
	v13 =	vor.u32 v13, v11  }
0x547: {  	v22 =	vld.idx.msk [tilespmem:v23+s23+$0x0], $0xffff;
	[tilespmem:s14+$0x80] =	vst v8;
	v8 =	vor.u32 v44, v9  }
0x548: {  	v12 =	vld.idx.msk [tilespmem:v12+s23+$0x0], $0xffff;
	[tilespmem:s14+$0xFFFFFF90] =	vst v21;
	v21 =	vor.u32 v40, v4  }
0x549: {  	v23 =	vor.u32 v53, v3;
	v14 =	vld.idx.msk [tilespmem:v14+s23+$0x0], $0xffff  }
0x54a: {  	v15 =	vor.u32 v15, v6;
	v16 =	vld.idx.msk [tilespmem:v16+s23+$0x0], $0xffff  }
0x54b: {  	v20 =	vor.u32 v0, v5;
	[tilespmem:s14+$0xFFFFFF10] =	vst v18;
	v13 =	vld.idx.msk [tilespmem:v13+s23+$0x0], $0xffff  }
0x54c: {  	[tilespmem:s14+$0x110] =	vst v17;
	v8 =	vld.idx.msk [tilespmem:v8+s23+$0x0], $0xffff  }
0x54d: {  	v18 =	vor.u32 v58, v11;
	[tilespmem:s14+$0xFFFFFE10] =	vst v19;
	v19 =	vld.idx.msk [tilespmem:v21+s23+$0x0], $0xffff  }
0x54e: {  	[tilespmem:s14+$0x10] =	vst v12;
	v12 =	vor.u32 v57, v10;
	v21 =	vld.idx.msk [tilespmem:v23+s23+$0x0], $0xffff  }
0x54f: {  	[tilespmem:s14+$0x90] =	vst v14;
	v15 =	vld.idx.msk [tilespmem:v15+s23+$0x0], $0xffff  }
0x550: {  	v14 =	vor.u32 v51, v9;
	v20 =	vld.idx.msk [tilespmem:v20+s23+$0x0], $0xffff;
	[tilespmem:s14+$0xFFFFFFA0] =	vst v16  }
0x551: {  	v23 =	vor.u32 v52, v3;
	v16 =	vld [tilespmem:$0x1FDC0];
	[tilespmem:s14+$0x1A0] =	vst v13  }
0x552: {  	[tilespmem:s14+$0xFFFFFEA0] =	vst v22;
	v13 =	vor.u32 v36, v7;
	v17 =	vld.idx.msk [tilespmem:v18+s23+$0x0], $0xffff  }
0x553: {  	v18 =	vor.u32 v55, v6;
	v12 =	vld.idx.msk [tilespmem:v12+s23+$0x0], $0xffff;
	[tilespmem:s14+$0xFFFFFF20] =	vst v8  }
0x554: {  	v8 =	vor.u32 v35, v5;
	[tilespmem:s14+$0x120] =	vst v19;
	v19 =	vld [tilespmem:$0x1FCD0]  }
0x555: {  	v22 =	vor.u32 v61, v11;
	[tilespmem:s14+$0xFFFFFE20] =	vst v21;
	v14 =	vld.idx.msk [tilespmem:v14+s23+$0x0], $0xffff  }
0x556: {  	v21 =	vld.idx.msk [tilespmem:v23+s23+$0x0], $0xffff  }
0x557: {  	v16 =	vor.u32 v16, v4;
	[tilespmem:s14+$0x20] =	vst v15;
	v13 =	vld.idx.msk [tilespmem:v13+s23+$0x0], $0xffff  }
0x558: {  	v15 =	vor.u32 v1, v10;
	[tilespmem:s14+$0xA0] =	vst v20;
	v18 =	vld.idx.msk [tilespmem:v18+s23+$0x0], $0xffff  }
0x559: {  	v23 =	vor.u32 v62, v3;
	[tilespmem:s14+$0x1B0] =	vst v17;
	v8 =	vld.idx.msk [tilespmem:v8+s23+$0x0], $0xffff  }
0x55a: {  	v20 =	vld.idx.msk [tilespmem:v22+s23+$0x0], $0xffff  }
0x55b: {  	v22 =	vld [tilespmem:$0x1FD30]  }
0x55c: {  	v17 =	vor.u32 v37, v9;
	[tilespmem:s14+$0xFFFFFEB0] =	vst v12;
	v16 =	vld.idx.msk [tilespmem:v16+s23+$0x0], $0xffff  }
0x55d: {  	v12 =	vor.u32 v43, v6;
	[tilespmem:s14+$0xFFFFFE30] =	vst v21;
	v15 =	vld.idx.msk [tilespmem:v15+s23+$0x0], $0xffff  }
0x55e: {  	[tilespmem:s14+$0xFFFFFF30] =	vst v14;
	v14 =	vor.u32 v39, v5;
	v21 =	vld.idx.msk [tilespmem:v23+s23+$0x0], $0xffff  }
0x55f: {  	v23 =	vld [tilespmem:$0x1FDE0]  }
0x560: {  	v19 =	vor.u32 v19, v11;
	[tilespmem:s14+$0xFFFFFFB0] =	vst v13;
	v13 =	vld [tilespmem:$0x1FDD0]  }
0x561: {  	v17 =	vld.idx.msk [tilespmem:v17+s23+$0x0], $0xffff;
	[tilespmem:s14+$0x30] =	vst v18  }
0x562: {  	[tilespmem:s14+$0xB0] =	vst v8;
	v12 =	vld.idx.msk [tilespmem:v12+s23+$0x0], $0xffff  }
0x563: {  	v22 =	vor.u32 v22, v7;
	v8 =	vld.idx.msk [tilespmem:v14+s23+$0x0], $0xffff  }
0x564: {  	[tilespmem:s14+$0x1C0] =	vst v20;
	v20 =	vor.u32 v45, v10;
	v14 =	vld [tilespmem:$0x1FCE0]  }
0x565: {  	v18 =	vld.idx.msk [tilespmem:v19+s23+$0x0], $0xffff  }
0x566: {  	[tilespmem:s14+$0x130] =	vst v16;
	v16 =	vld [tilespmem:$0x1FD40]  }
0x567: {  	v19 =	vor.u32 v50, v9;
	[tilespmem:s14+$0xFFFFFF40] =	vst v17;
	v17 =	vld [tilespmem:$0x1FEE0]  }
0x568: {  	[tilespmem:s14+$0xFFFFFEC0] =	vst v15;
	v22 =	vld.idx.msk [tilespmem:v22+s23+$0x0], $0xffff  }
0x569: {  	v15 =	vor.u32 v60, v6;
	v20 =	vld.idx.msk [tilespmem:v20+s23+$0x0], $0xffff  }
0x56a: {  	v13 =	vor.u32 v13, v4;
	[tilespmem:s14+$0xC0] =	vst v8;
	v8 =	vld [tilespmem:$0x1FCF0]  }
0x56b: {  	v14 =	vor.u32 v14, v11;
	[tilespmem:s14+$0x40] =	vst v12;
	v12 =	vld [tilespmem:$0x1FD50]  }
0x56c: {  	v19 =	vld.idx.msk [tilespmem:v19+s23+$0x0], $0xffff  }
0x56d: {  	[tilespmem:s14+$0x1D0] =	vst v18;
	v18 =	vld [tilespmem:$0x1FF70]  }
0x56e: {  	v24 =	vld.idx.msk [tilespmem:v15+s23+$0x0], $0xffff  }
0x56f: {  	v16 =	vor.u32 v16, v7;
	v13 =	vld.idx.msk [tilespmem:v13+s23+$0x0], $0xffff  }
0x570: {  	v17 =	vor.u32 v17, v5;
	v14 =	vld.idx.msk [tilespmem:v14+s23+$0x0], $0xffff  }
0x571: {  	v23 =	vor.u32 v23, v4;
	[tilespmem:s14+$0xFFFFFFC0] =	vst v22;
	v22 =	vld [tilespmem:$0x1FF60]  }
0x572: {  	v11 =	vor.u32 v8, v11;
	v8 =	vld [tilespmem:$0x1FF80];
	v18 =	vor.u32 v18, v3  }
0x573: {  	v27 =	vor.u32 v12, v7;
	v12 =	vld [tilespmem:$0x1FE50]  }
0x574: {  	v16 =	vld.idx.msk [tilespmem:v16+s23+$0x0], $0xffff  }
0x575: {  	[tilespmem:s14+$0x140] =	vst v13;
	v17 =	vld.idx.msk [tilespmem:v17+s23+$0x0], $0xffff  }
0x576: {  	[tilespmem:s14+$0xFFFFFE40] =	vst v21;
	v28 =	vld.idx.msk [tilespmem:v23+s23+$0x0], $0xffff;
	v22 =	vor.u32 v22, v10  }
0x577: {  	v13 =	vld.idx.msk [tilespmem:v18+s23+$0x0], $0xffff  }
0x578: {  	[tilespmem:s14+$0xFFFFFED0] =	vst v20;
	v18 =	vld [tilespmem:$0x1FD80]  }
0x579: {  	[tilespmem:s14+$0x1E0] =	vst v14;
	v14 =	vld [tilespmem:$0x1FDF0]  }
0x57a: {  	s1 =	sadd.s32 $0x1, s25;
	[tilespmem:s14+$0xFFFFFF50] =	vst v19;
	v20 =	vor.u32 v12, v6;
	v19 =	vld.idx.msk [tilespmem:v11+s23+$0x0], $0xffff  }
0x57b: {  	v15 =	vor.u32 v8, v9;
	v12 =	vld.idx.msk [tilespmem:v22+s23+$0x0], $0xffff;
	v22 =	vmov s1;
	s1 =	sadd.s32 $0x2, s25  }
0x57c: {  	v8 =	vmov s25;
	v11 =	vld [tilespmem:$0x1FE20];
	v30 =	vmov s1  }
0x57d: {  	p0 =	slt.u32 s25, $0x18;
	s29 =	sadd.s32 $0x3, s25;
	v29 =	vor.u32 v18, v5;
	v23 =	vshrl.u32 v22, $0x3;
	v22 =	vshrl.u32 v30, $0x3;
	v30 =	vld [tilespmem:$0x1FD00]  }
.Ltmp15:
0x57e: {  	v31 =	vmov s29;
	s29 =	sadd.s32 $0x5, s25;
	[tilespmem:s14+$0x50] =	vst v24;
	v8 =	vshrl.u32 v8, $0x3;
	(pc) =	sbr.rel @p0 .LBB2_23-.Ltmp15, $4  }
0x57f: {  	v25 =	vmov s29;
	[tilespmem:s14+$0xFFFFFFD0] =	vst v16;
	v8 =	vshll.u32 v8, v2;
	v16 =	vld.idx.msk [tilespmem:v20+s23+$0x0], $0xffff  }
0x580: {  	v10 =	vor.u32 v47, v10;
	v8 =	vbroadcast v8, $0x0;
	v18 =	vor.u32 v14, v4;
	s1 =	sadd.s32 $0x4, s25;
	v14 =	vld.idx.msk [tilespmem:v15+s23+$0x0], $0xffff  }
0x581: {  	[tilespmem:s14+$0xD0] =	vst v17;
	v20 =	vshrl.u32 v31, $0x3;
	v21 =	vor.u32 v11, v3;
	v15 =	vld.idx.msk [tilespmem:v27+s23+$0x0], $0xffff;
	v26 =	vmov s1;
	s1 =	sadd.s32 $0x6, s25  }
0x582: {  	s29 =	sadd.s32 $0x7, s25;
	[tilespmem:s14+$0x150] =	vst v28;
	v11 =	vor.u32 v46, v8;
	s25 =	sadd.s32 $0x8, s25;
	v24 =	vmov s1;
	v17 =	vld.idx.msk [tilespmem:v29+s23+$0x0], $0xffff;
	v9 =	vor.u32 v30, v9  }
0x583: {  	_ =	sdelay $0x1  }
0x584: {  	[tilespmem:s14+$0xFFFFFE50] =	vst v13  }
0x585: {  	[tilespmem:s14+$0x1F0] =	vst v19  }
0x586: {  	v7 =	vor.u32 v32, v7;
	[tilespmem:s14+$0xFFFFFEE0] =	vst v12;
	v18 =	vld.idx.msk [tilespmem:v18+s23+$0x0], $0xffff  }
0x587: {  	v19 =	vmov s29;
	[tilespmem:s14+$0xFFFFFF60] =	vst v14;
	v14 =	vld.idx.msk [tilespmem:v21+s23+$0x0], $0xffff  }
0x588: {  	v27 =	vmov v47;
	v47 =	vshrl.u32 v19, $0x3;
	[tilespmem:s14+$0x60] =	vst v16  }
0x589: {  	v6 =	vor.u32 v49, v6;
	v10 =	vld.idx.msk [tilespmem:v10+s23+$0x0], $0xffff;
	v12 =	vshll.u32 v47, v2;
	[tilespmem:s14+$0xFFFFFFE0] =	vst v15  }
0x58a: {  	v12 =	vbroadcast v12, $0x0;
	v9 =	vld.idx.msk [tilespmem:v9+s23+$0x0], $0xffff;
	[tilespmem:s14+$0xE0] =	vst v17  }
0x58b: {  	v21 =	vor.u32 v33, v5;
	v47 =	vshll.u32 v20, v2;
	v20 =	vld.idx.msk [tilespmem:v7+s23+$0x0], $0xffff;
	[tilespmem:s14+$0x160] =	vst v18  }
0x58c: {  	v15 =	vor.u32 v42, v4;
	v17 =	vor.u32 v34, v12;
	v34 =	vld [tilespmem:$0x1FFC0];
	[tilespmem:s14+$0xFFFFFE60] =	vst v14  }
0x58d: {  	v5 =	vshll.u32 v23, v2;
	v14 =	vld [tilespmem:$0x1FFB0]  }
0x58e: {  	v16 =	vor.u32 v56, v3;
	v4 =	vbroadcast v5, $0x0;
	v5 =	vbroadcast v47, $0x0;
	v47 =	vld.idx.msk [tilespmem:v6+s23+$0x0], $0xffff;
	[tilespmem:s14+$0xFFFFFEF0] =	vst v10  }
0x58f: {  	v13 =	vshrl.u32 v26, $0x3;
	v46 =	vmov v42;
	v42 =	vshll.u32 v22, v2;
	v10 =	vld [tilespmem:$0x1FE70]  }
0x590: {  	v25 =	vshrl.u32 v25, $0x3;
	v3 =	vbroadcast v42, $0x0;
	v42 =	vshll.u32 v13, v2;
	v21 =	vld.idx.msk [tilespmem:v21+s23+$0x0], $0xffff  }
0x591: {  	v6 =	vbroadcast v42, $0x0;
	v42 =	vshll.u32 v25, v2;
	v15 =	vld.idx.msk [tilespmem:v15+s23+$0x0], $0xffff;
	[tilespmem:s14+$0xFFFFFF70] =	vst v9;
	v18 =	vor.u32 v34, v4  }
0x592: {  	v7 =	vbroadcast v42, $0x0;
	v42 =	vld [tilespmem:$0x1FE80];
	v34 =	vor.u32 v14, v3  }
0x593: {  	v16 =	vld.idx.msk [tilespmem:v16+s23+$0x0], $0xffff;
	[tilespmem:s14+$0xFFFFFFF0] =	vst v20  }
0x594: {  	v19 =	vshrl.u32 v24, $0x3;
	v24 =	vld [tilespmem:$0x1FFA0];
	v10 =	vor.u32 v10, v5  }
0x595: {  	v17 =	vld.idx.msk [tilespmem:v17+s23+$0x0], $0xffff  }
0x596: {  	[tilespmem:s14+$0x70] =	vst v47;
	v18 =	vld.idx.msk [tilespmem:v18+s23+$0x0], $0xffff  }
0x597: {  	v19 =	vshll.u32 v19, v2;
	[tilespmem:s14+$0xF0] =	vst v21;
	v22 =	vor.u32 v42, v6;
	v14 =	vld.idx.msk [tilespmem:v34+s23+$0x0], $0xffff  }
0x598: {  	v9 =	vbroadcast v19, $0x0;
	v34 =	vld [tilespmem:$0x1FF90];
	[tilespmem:s14+$0x170] =	vst v15  }
0x599: {  	s29 =	sadd.s32 $0x400, s14;
	v19 =	vor.u32 v24, v7;
	[tilespmem:s14+$0xFFFFFE70] =	vst v16;
	v10 =	vld.idx.msk [tilespmem:v10+s23+$0x0], $0xffff  }
0x59a: {  	v13 =	vor.u32 v59, v9;
	v59 =	vld [tilespmem:$0x1FF10];
	[tilespmem:s29+$0x180] =	vst v17  }
0x59b: {  	v23 =	vld [tilespmem:$0x1FF00]  }
0x59c: {  	v16 =	vld.idx.msk [tilespmem:v22+s23+$0x0], $0xffff  }
0x59d: {  	v11 =	vld.idx.msk [tilespmem:v11+s23+$0x0], $0xffff  }
0x59e: {  	v19 =	vld.idx.msk [tilespmem:v19+s23+$0x0], $0xffff;
	[tilespmem:s29+$0xFFFFFE80] =	vst v18;
	v20 =	vor.u32 v34, v12  }
0x59f: {  	v22 =	vld [tilespmem:$0x1FEB0];
	[tilespmem:s29+$0xFFFFFF00] =	vst v14;
	v47 =	vor.u32 v59, v4  }
0x5a0: {  	v14 =	vld [tilespmem:$0x1FD60];
	[tilespmem:s29+$0xFFFFFF80] =	vst v10;
	v17 =	vor.u32 v23, v3  }
0x5a1: {  	v13 =	vld.idx.msk [tilespmem:v13+s23+$0x0], $0xffff;
	[tilespmem:s29+$0x0] =	vst v16  }
0x5a2: {  	v16 =	vld [tilespmem:$0x1FCA0]  }
0x5a3: {  	v20 =	vld.idx.msk [tilespmem:v20+s23+$0x0], $0xffff  }
0x5a4: {  	v15 =	vld.idx.msk [tilespmem:v47+s23+$0x0], $0xffff  }
0x5a5: {  	[tilespmem:s29+$0x80] =	vst v19;
	v18 =	vor.u32 v22, v5;
	v17 =	vld.idx.msk [tilespmem:v17+s23+$0x0], $0xffff  }
0x5a6: {  	[tilespmem:s29+$0x100] =	vst v13  }
0x5a7: {  	v10 =	vor.u32 v41, v7;
	[tilespmem:s29+$0xFFFFFE00] =	vst v11  }
0x5a8: {  	v19 =	vor.u32 v48, v9;
	[tilespmem:s29+$0x190] =	vst v20  }
0x5a9: {  	v16 =	vor.u32 v16, v12;
	[tilespmem:s29+$0xFFFFFE90] =	vst v15  }
0x5aa: {  	v14 =	vor.u32 v14, v6;
	v18 =	vld.idx.msk [tilespmem:v18+s23+$0x0], $0xffff;
	[tilespmem:s29+$0xFFFFFF10] =	vst v17  }
0x5ab: {  	v28 =	vmov v54;
	v54 =	vor.u32 v54, v8;
	v17 =	vld [tilespmem:$0x1FD70]  }
0x5ac: {  	v47 =	vor.u32 v44, v3;
	v10 =	vld.idx.msk [tilespmem:v10+s23+$0x0], $0xffff  }
0x5ad: {  	v19 =	vld.idx.msk [tilespmem:v19+s23+$0x0], $0xffff;
	v20 =	vor.u32 v38, v4  }
0x5ae: {  	v48 =	vor.u32 v63, v5;
	v16 =	vld.idx.msk [tilespmem:v16+s23+$0x0], $0xffff  }
0x5af: {  	v14 =	vld.idx.msk [tilespmem:v14+s23+$0x0], $0xffff;
	[tilespmem:s29+$0xFFFFFF90] =	vst v18;
	v18 =	vor.u32 v58, v12  }
0x5b0: {  	v13 =	vld.idx.msk [tilespmem:v54+s23+$0x0], $0xffff;
	v17 =	vor.u32 v17, v6  }
0x5b1: {  	v54 =	vor.u32 v0, v7;
	v11 =	vld.idx.msk [tilespmem:v47+s23+$0x0], $0xffff;
	[tilespmem:s29+$0x90] =	vst v10  }
0x5b2: {  	[tilespmem:s29+$0x110] =	vst v19;
	v58 =	vor.u32 v40, v9;
	v20 =	vld.idx.msk [tilespmem:v20+s23+$0x0], $0xffff  }
0x5b3: {  	v15 =	vld.idx.msk [tilespmem:v48+s23+$0x0], $0xffff;
	[tilespmem:s29+$0x1A0] =	vst v16;
	v16 =	vor.u32 v53, v8  }
0x5b4: {  	v19 =	vor.u32 v57, v4;
	[tilespmem:s29+$0x10] =	vst v14;
	v18 =	vld.idx.msk [tilespmem:v18+s23+$0x0], $0xffff  }
0x5b5: {  	[tilespmem:s29+$0xFFFFFE10] =	vst v13;
	v17 =	vld.idx.msk [tilespmem:v17+s23+$0x0], $0xffff  }
0x5b6: {  	v14 =	vld.idx.msk [tilespmem:v54+s23+$0x0], $0xffff;
	[tilespmem:s29+$0xFFFFFF20] =	vst v11  }
0x5b7: {  	v10 =	vld.idx.msk [tilespmem:v58+s23+$0x0], $0xffff;
	[tilespmem:s29+$0xFFFFFEA0] =	vst v20  }
0x5b8: {  	[tilespmem:s29+$0xFFFFFFA0] =	vst v15;
	v16 =	vld.idx.msk [tilespmem:v16+s23+$0x0], $0xffff  }
0x5b9: {  	v63 =	vor.u32 v51, v3;
	v19 =	vld.idx.msk [tilespmem:v19+s23+$0x0], $0xffff;
	[tilespmem:s29+$0x1B0] =	vst v18  }
0x5ba: {  	[tilespmem:s29+$0x20] =	vst v17  }
0x5bb: {  	v18 =	vld [tilespmem:$0x1FDC0];
	[tilespmem:s29+$0xA0] =	vst v14  }
0x5bc: {  	v20 =	vor.u32 v36, v5;
	[tilespmem:s29+$0x120] =	vst v10  }
0x5bd: {  	v40 =	vor.u32 v61, v12;
	[tilespmem:s29+$0xFFFFFE20] =	vst v16  }
0x5be: {  	v47 =	vor.u32 v55, v6;
	v13 =	vld.idx.msk [tilespmem:v63+s23+$0x0], $0xffff;
	[tilespmem:s29+$0xFFFFFEB0] =	vst v19  }
0x5bf: {  	v54 =	vmov v1;
	v58 =	vor.u32 v1, v4;
	v1 =	vld [tilespmem:$0x1FCD0];
	_ =	sdelay $0x1  }
0x5c0: {  	v20 =	vld.idx.msk [tilespmem:v20+s23+$0x0], $0xffff;
	v17 =	vor.u32 v35, v7  }
0x5c1: {  	v48 =	vmov v57;
	v57 =	vor.u32 v52, v8;
	v11 =	vld.idx.msk [tilespmem:v40+s23+$0x0], $0xffff  }
0x5c2: {  	v15 =	vld.idx.msk [tilespmem:v47+s23+$0x0], $0xffff;
	[tilespmem:s29+$0xFFFFFF30] =	vst v13;
	v18 =	vor.u32 v18, v9  }
0x5c3: {  	v19 =	vor.u32 v1, v12;
	v1 =	vld [tilespmem:$0x1FD30];
	_ =	sdelay $0x1  }
0x5c4: {  	v17 =	vld.idx.msk [tilespmem:v17+s23+$0x0], $0xffff;
	[tilespmem:s29+$0xFFFFFFB0] =	vst v20  }
0x5c5: {  	v14 =	vld.idx.msk [tilespmem:v57+s23+$0x0], $0xffff;
	[tilespmem:s29+$0x1C0] =	vst v11  }
0x5c6: {  	v16 =	vor.u32 v37, v3;
	[tilespmem:s29+$0x30] =	vst v15;
	v18 =	vld.idx.msk [tilespmem:v18+s23+$0x0], $0xffff  }
0x5c7: {  	v36 =	vor.u32 v1, v5;
	v1 =	vld [tilespmem:$0x1FDD0];
	_ =	sdelay $0x1  }
0x5c8: {  	[tilespmem:s29+$0xB0] =	vst v17  }
0x5c9: {  	v10 =	vld.idx.msk [tilespmem:v58+s23+$0x0], $0xffff;
	[tilespmem:s29+$0xFFFFFE30] =	vst v14  }
0x5ca: {  	v16 =	vld.idx.msk [tilespmem:v16+s23+$0x0], $0xffff;
	v20 =	vor.u32 v43, v6;
	[tilespmem:s29+$0x130] =	vst v18  }
0x5cb: {  	v40 =	vor.u32 v1, v9;
	v1 =	vld [tilespmem:$0x1FCE0];
	_ =	sdelay $0x1  }
0x5cc: {  	v29 =	vmov v53;
	v53 =	vmov v37;
	v37 =	vor.u32 v39, v7;
	v19 =	vld.idx.msk [tilespmem:v19+s23+$0x0], $0xffff  }
0x5cd: {  	v17 =	vor.u32 v62, v8;
	v13 =	vld.idx.msk [tilespmem:v36+s23+$0x0], $0xffff;
	[tilespmem:s29+$0xFFFFFEC0] =	vst v10  }
0x5ce: {  	v63 =	vmov v43;
	v43 =	vld.idx.msk [tilespmem:v20+s23+$0x0], $0xffff;
	[tilespmem:s29+$0xFFFFFF40] =	vst v16  }
0x5cf: {  	v20 =	vor.u32 v1, v12;
	v1 =	vld [tilespmem:$0x1FD40]  }
0x5d0: {  	v47 =	vor.u32 v50, v3  }
0x5d1: {  	v11 =	vld.idx.msk [tilespmem:v37+s23+$0x0], $0xffff;
	v18 =	vor.u32 v45, v4;
	[tilespmem:s29+$0x1D0] =	vst v19  }
0x5d2: {  	v17 =	vld.idx.msk [tilespmem:v17+s23+$0x0], $0xffff;
	[tilespmem:s29+$0xFFFFFFC0] =	vst v13  }
0x5d3: {  	v26 =	vld [tilespmem:$0x1FEE0];
	[tilespmem:s29+$0x40] =	vst v43  }
0x5d4: {  	v16 =	vor.u32 v1, v5;
	v1 =	vld [tilespmem:$0x1FDE0]  }
0x5d5: {  	v10 =	vld.idx.msk [tilespmem:v47+s23+$0x0], $0xffff  }
0x5d6: {  	v18 =	vld.idx.msk [tilespmem:v18+s23+$0x0], $0xffff  }
0x5d7: {  	v15 =	vld.idx.msk [tilespmem:v40+s23+$0x0], $0xffff;
	v19 =	vor.u32 v60, v6  }
0x5d8: {  	v58 =	vmov v50;
	v21 =	vld.idx.msk [tilespmem:v20+s23+$0x0], $0xffff;
	[tilespmem:s29+$0xC0] =	vst v11;
	v50 =	vor.u32 v26, v7  }
0x5d9: {  	v57 =	vor.u32 v1, v9;
	v1 =	vld [tilespmem:$0x1FCF0]  }
0x5da: {  	v36 =	vld [tilespmem:$0x1FF70]  }
0x5db: {  	v40 =	vld.idx.msk [tilespmem:v16+s23+$0x0], $0xffff  }
0x5dc: {  	[tilespmem:s29+$0x140] =	vst v15;
	v16 =	vld.idx.msk [tilespmem:v19+s23+$0x0], $0xffff  }
0x5dd: {  	[tilespmem:s29+$0xFFFFFE40] =	vst v17;
	v13 =	vld.idx.msk [tilespmem:v50+s23+$0x0], $0xffff  }
0x5de: {  	v20 =	vor.u32 v1, v12;
	v1 =	vld [tilespmem:$0x1FF60];
	[tilespmem:s29+$0xFFFFFED0] =	vst v18  }
0x5df: {  	v37 =	vld [tilespmem:$0x1FF80];
	[tilespmem:s29+$0x1E0] =	vst v21  }
0x5e0: {  	v18 =	vld [tilespmem:$0x1FD50]  }
0x5e1: {  	v14 =	vld.idx.msk [tilespmem:v57+s23+$0x0], $0xffff;
	[tilespmem:s29+$0xFFFFFF50] =	vst v10  }
0x5e2: {  	v61 =	vor.u32 v36, v8;
	v47 =	vld [tilespmem:$0x1FE50];
	[tilespmem:s29+$0xFFFFFFD0] =	vst v40  }
0x5e3: {  	v12 =	vld [tilespmem:$0x1FD80];
	[tilespmem:s29+$0x50] =	vst v16  }
0x5e4: {  	v43 =	vor.u32 v1, v4;
	v16 =	vld [tilespmem:$0x1FDF0]  }
0x5e5: {  	[tilespmem:s29+$0xD0] =	vst v13;
	v17 =	vor.u32 v37, v3;
	v19 =	vor.u32 v18, v5;
	v18 =	vld.idx.msk [tilespmem:v20+s23+$0x0], $0xffff  }
0x5e6: {  	v20 =	vld [tilespmem:$0x1FE20]  }
0x5e7: {  	v11 =	vld.idx.msk [tilespmem:v61+s23+$0x0], $0xffff;
	v50 =	vor.u32 v47, v6  }
0x5e8: {  	v12 =	vor.u32 v12, v7  }
0x5e9: {  	v15 =	vld.idx.msk [tilespmem:v43+s23+$0x0], $0xffff;
	v16 =	vor.u32 v16, v9  }
0x5ea: {  	v4 =	vor.u32 v27, v4;
	v17 =	vld.idx.msk [tilespmem:v17+s23+$0x0], $0xffff  }
0x5eb: {  	[tilespmem:s29+$0x150] =	vst v14;
	v57 =	vor.u32 v20, v8;
	v19 =	vld.idx.msk [tilespmem:v19+s23+$0x0], $0xffff  }
0x5ec: {  	v3 =	vor.u32 v30, v3;
	[tilespmem:s29+$0xFFFFFE50] =	vst v11;
	v10 =	vld.idx.msk [tilespmem:v50+s23+$0x0], $0xffff  }
0x5ed: {  	v5 =	vor.u32 v32, v5;
	[tilespmem:s29+$0x1F0] =	vst v18;
	v61 =	vld.idx.msk [tilespmem:v12+s23+$0x0], $0xffff  }
0x5ee: {  	v6 =	vor.u32 v49, v6;
	[tilespmem:s29+$0xFFFFFEE0] =	vst v15;
	v40 =	vld.idx.msk [tilespmem:v16+s23+$0x0], $0xffff  }
0x5ef: {  	v7 =	vor.u32 v33, v7;
	[tilespmem:s29+$0xFFFFFF60] =	vst v17;
	v47 =	vld.idx.msk [tilespmem:v4+s23+$0x0], $0xffff  }
0x5f0: {  	v49 =	vor.u32 v46, v9;
	v43 =	vld.idx.msk [tilespmem:v57+s23+$0x0], $0xffff;
	[tilespmem:s29+$0xFFFFFFE0] =	vst v19  }
0x5f1: {  	v50 =	vor.u32 v56, v8;
	v3 =	vld.idx.msk [tilespmem:v3+s23+$0x0], $0xffff;
	[tilespmem:s29+$0x60] =	vst v10  }
0x5f2: {  	v56 =	vld.idx.msk [tilespmem:v5+s23+$0x0], $0xffff;
	[tilespmem:s29+$0xE0] =	vst v61  }
0x5f3: {  	v57 =	vld.idx.msk [tilespmem:v6+s23+$0x0], $0xffff;
	[tilespmem:s29+$0x160] =	vst v40  }
0x5f4: {  	v61 =	vld.idx.msk [tilespmem:v7+s23+$0x0], $0xffff;
	[tilespmem:s29+$0xFFFFFEF0] =	vst v47  }
0x5f5: {  	v4 =	vld.idx.msk [tilespmem:v49+s23+$0x0], $0xffff;
	[tilespmem:s29+$0xFFFFFE60] =	vst v43  }
0x5f6: {  	[tilespmem:s29+$0xFFFFFF70] =	vst v3;
	v3 =	vld.idx.msk [tilespmem:v50+s23+$0x0], $0xffff  }
0x5f7: {  	[tilespmem:s29+$0xFFFFFFF0] =	vst v56  }
0x5f8: {  	[tilespmem:s29+$0x70] =	vst v57  }
0x5f9: {  	s1 =	sor.u32 s12, s13;
	[tilespmem:s29+$0xF0] =	vst v61  }
0x5fa: {  	s1 =	sshrl.u32 s1, $0x3;
	[tilespmem:s29+$0x170] =	vst v4  }
0x5fb: {  	s25 =	sadd.s32 s2, s1;
	s14 =	sor.u32 $0x4000, s1;
	[tilespmem:s29+$0xFFFFFE70] =	vst v3;
	s29 =	simm.s32 $0x14400  }
0x5fc: {  	[hbm4b:s25+s3] =	stream.linear.scatter [tilespmem:s29], [sflag:$0x8], $0x400, $0x38;
	[tilespmem:$0x15400] =	vst v63  }
0x5fd: {  	p0 =	seq.s32 s5, $0x31;
	s13 =	sadd.s32 s2, s14;
	s25 =	simm.s32 $0x14800  }
0x5fe: {  	[hbm4b:s13+s3] =	stream.linear.scatter [tilespmem:s25], [sflag:$0x8], $0x400, $0x38;
	[tilespmem:$0x15400] =	vst v63  }
.Ltmp16:
0x5ff: {  	s29 =	sor.u32 $0x8000, s1;
	(pc) =	sbr.rel @p0 .LBB2_26-.Ltmp16, $4  }
0x600: {  	v31 =	vmov v62;
	v62 =	vmov v35;
	v35 =	vmov v42;
	s1 =	sor.u32 $0xC000, s1;
	s13 =	sadd.s32 s2, s29  }
0x601: {  	v21 =	vmovc v36;
	v36 =	vmovc v38;
	v38 =	vmov v1;
	v30 =	vmov v52;
	v1 =	vmov v37;
	v40 =	vld [tilespmem:$0x1FFC0];
	[hbm4b:s13+s3] =	stream.linear.scatter [tilespmem:s0], [sflag:$0x8], $0x400, $0x38  }
0x602: {  	v18 =	vmovc v59;
	v19 =	vmovc v23;
	v23 =	vmov v24;
	v49 =	vmov v53;
	v43 =	vmov v48;
	v48 =	vld [tilespmem:$0x1FFB0];
	s1 =	sadd.s32 s2, s1  }
0x603: {  	v53 =	vmovc v60;
	v60 =	vmovc v41;
	v50 =	vmov v44;
	v44 =	vmov v58;
	v61 =	vmov v0;
	v37 =	vld [tilespmem:$0x1FE70];
	[hbm4b:s1+s3] =	stream.linear.scatter [tilespmem:s16], [sflag:$0x8], $0x400, $0x38  }
.Ltmp17:
0x604: {  	(pc) =	sbr.rel .LBB2_4-.Ltmp17, $4  }
0x605: {  	s1 =	sshll.u32 s5, $0x9  }
0x606: {  	s1 =	sand.u32 $0x3FFFFE00, s1  }
0x607: {  	s5 =	sadd.s32 $0x1, s5;
	s1 =	sadd.s32 $0x7380, s1  }
0x608: {  	v33 =	vmov v1;
	v24 =	vld [tilespmem:$0x1FE10];
	[tilespmem:s23], [sflag:$0x4] =	stream.indirect.gather [hbm4b:s4+s15], $0x20, s1, s15, $0xb8  }
.LBB2_27:
0x609: {  	_ =	sfence.sel $0x180000  }
0x60a: {  	[bflag:$0x0] =	sbarrier.arrive $0xFFFF  }
0x60b: {  	_ =	strace $0x90000047  }
0x60c: {  	s0 =	stileid.u32;
	[bflag:$0x2] =	sbarrier.arrive $0xFFFF  }
0x60d: {  	p0 =	sne.s32 s0, $0x0;
	s0 =	rddreg [dreg:$0x2]  }
0x60e: {  	s0 =	sadd.s32 @!p0 $0x100000, s0  }
0x60f: {  	[sflag:s0] =	ssyncadd.tile.s32 @!p0 $0x1;
	_ =	shalt  }
.Lfunc_end2:
_tile_overlayer_lowered:
.L_overlay_start_2:
0x610: {  	(tag) =	ssettag $0x2  }
0x611: {  	s0 =	rddreg [dreg:$0x0];
	s2 =	stileid.u32  }
0x612: {  	s1 =	rddreg [dreg:$0x1];
	p0 =	sne.s32 s2, $0x0  }
0x613: {  	s3 =	rddreg [dreg:$0x2];
	[bflag:$0x3] =	sbarrier.arrive $0xFFFF;
	s2 =	simm.s32 @!p0 $0x1C09  }
0x614: {  	[timem:s3], [sflag:s2] =	dma.local @!p0 [hbm:s0], s1  }
0x615: {  	s0 =	simm.s32 @!p0 $0x9  }
0x616: {  	_ =	swait.ge @!p0 [sflag:s0], s1  }
0x617: {  	s1 =	ssub.s32 @!p0 $0x0, s1;
	[sflag:s0] =	ssyncset.done @!p0 $0x0  }
0x618: {  	[sflag:s0] =	ssyncadd.s32 @!p0 s1  }
0x619: {  	[bflag:$0x3] =	sbarrier.arrive $0xFFFF  }
0x61a: {  	_ =	shalt  }

</sc_bundles>
